<compile_context>
chip_gen: v7x
topology: tpu7x:2x2x1
jax: 0.10.2.dev20260603
libtpu: 0.0.44.dev20260713+nightly
codegen_flags: <defaults>
</compile_context>

<pallas_src>
import functools

import jax
import jax.numpy as jnp
from jax import lax
from jax.experimental import pallas as pl
from jax.experimental.pallas import tpu as pltpu
from jax.experimental.pallas import tpu_sc as plsc

N = 10000
E = 320000
DE = 16
H = 128
OUT = 10
G = 128

_EB = 2000


def _edge_mlp_body(ea_ref, w1_ref, b1_ref, w2_ref, b2_ref, out_ref):
    h = jnp.maximum(
        jnp.dot(ea_ref[...], w1_ref[...], preferred_element_type=jnp.float32)
        + b1_ref[...], 0.0)
    out_ref[...] = (
        jnp.dot(h, w2_ref[...], preferred_element_type=jnp.float32)
        + b2_ref[...])


def _edge_mlp(edge_attr, w1, b1, w2, b2):
    grid = (E // _EB,)
    return pl.pallas_call(
        _edge_mlp_body,
        grid=grid,
        in_specs=[
            pl.BlockSpec((_EB, DE), lambda i: (i, 0)),
            pl.BlockSpec((DE, H), lambda i: (0, 0)),
            pl.BlockSpec((1, H), lambda i: (0, 0)),
            pl.BlockSpec((H, H), lambda i: (0, 0)),
            pl.BlockSpec((1, H), lambda i: (0, 0)),
        ],
        out_specs=pl.BlockSpec((_EB, H), lambda i: (i, 0)),
        out_shape=jax.ShapeDtypeStruct((E, H), jnp.float32),
    )(edge_attr, w1, b1.reshape(1, H), w2, b2.reshape(1, H))


_NC = 2
_NS = 16
_NW = _NC * _NS
_EPW = E // _NW
_CH = 80
_NCHUNK = _EPW // _CH
_ZR = 200
_NZCH = N // _ZR
_ZK = (_NZCH + _NS - 1) // _NS

@functools.lru_cache(maxsize=None)
def _build_sc_agg():
  mesh = plsc.VectorSubcoreMesh(core_axis_name="c", subcore_axis_name="s")

  @functools.partial(
    pl.kernel,
    out_type=jax.ShapeDtypeStruct((_NC, N, H), jnp.float32),
    mesh=mesh,
    scratch_types=[
        pltpu.VMEM((_CH,), jnp.int32),
        pltpu.VMEM((_CH,), jnp.int32),
        pltpu.VMEM((_CH,), jnp.int32),
        pltpu.VMEM((_CH, H), jnp.float32),
        pltpu.VMEM((_CH, H), jnp.float32),
        pltpu.VMEM((_ZR, H), jnp.float32),
        pltpu.VMEM_SHARED((N, H), jnp.float32),
        pltpu.SemaphoreType.DMA,
    ],
  )
  def sc_agg(x_hbm, e_hbm, src_hbm, dst_hbm, ord_hbm, out_hbm,
             ordv, srcv, dstv, xrows, erows, zbuf, aggs, sem):
    cid = lax.axis_index("c")
    sid = lax.axis_index("s")
    wid = sid * _NC + cid

    zero16 = jnp.zeros((16,), jnp.float32)

    def _zero_row(r, _):
        for c in range(H // 16):
            zbuf[r, pl.ds(c * 16, 16)] = zero16
        return 0

    lax.fori_loop(0, _ZR, _zero_row, 0)
    for k in range(_ZK):
        idx = sid + _NS * k

        @pl.when(idx < _NZCH)
        def _():
            pltpu.sync_copy(zbuf, aggs.at[pl.ds(idx * _ZR, _ZR)])
    plsc.subcore_barrier()

    def _chunk(i, _):
        base = wid * _EPW + i * _CH
        pltpu.sync_copy(ord_hbm.at[pl.ds(base, _CH)], ordv)
        pltpu.async_copy(src_hbm.at[ordv], srcv, sem).wait()
        pltpu.async_copy(dst_hbm.at[ordv], dstv, sem).wait()
        pltpu.async_copy(e_hbm.at[ordv], erows, sem).wait()
        pltpu.async_copy(x_hbm.at[srcv], xrows, sem).wait()

        def _row(r, _):
            for c in range(H // 16):
                sl = pl.ds(c * 16, 16)
                xrows[r, sl] = jnp.maximum(xrows[r, sl] + erows[r, sl], 0.0)
            return 0

        lax.fori_loop(0, _CH, _row, 0)
        pltpu.sync_copy(xrows, aggs.at[dstv], add=True)
        return 0

    lax.fori_loop(0, _NCHUNK, _chunk, 0)
    plsc.subcore_barrier()
    for k in range(_ZK):
        idx = sid + _NS * k

        @pl.when(idx < _NZCH)
        def _():
            off = idx * _ZR
            pltpu.sync_copy(aggs.at[pl.ds(off, _ZR)],
                            out_hbm.at[cid, pl.ds(off, _ZR)])

  return sc_agg


def _sc_agg_call(x, e, src, dst, order):
    return _build_sc_agg()(x, e, src, dst, order)


_NB = 2000


def _node_mlp_body(x_ref, a0_ref, a1_ref, eps_ref, m1_ref, c1_ref,
                   m2_ref, c2_ref, t_ref, st_ref, acc_ref):
    i = pl.program_id(0)
    h = (1.0 + eps_ref[0, 0]) * x_ref[...] + (a0_ref[...] + a1_ref[...])
    u = jnp.maximum(
        jnp.dot(h, m1_ref[...], preferred_element_type=jnp.float32)
        + c1_ref[...], 0.0)
    t = jnp.maximum(
        jnp.dot(u, m2_ref[...], preferred_element_type=jnp.float32)
        + c2_ref[...], 0.0)
    t_ref[...] = t

    @pl.when(i == 0)
    def _():
        acc_ref[...] = jnp.zeros_like(acc_ref)

    acc_ref[...] += jnp.sum(t, axis=0, keepdims=True)

    @pl.when(i == pl.num_programs(0) - 1)
    def _():
        st_ref[...] = acc_ref[...]


def _node_mlp(x, a0, a1, eps, m1, c1, m2, c2):
    grid = (N // _NB,)
    return pl.pallas_call(
        _node_mlp_body,
        grid=grid,
        in_specs=[
            pl.BlockSpec((_NB, H), lambda i: (i, 0)),
            pl.BlockSpec((_NB, H), lambda i: (i, 0)),
            pl.BlockSpec((_NB, H), lambda i: (i, 0)),
            pl.BlockSpec((1, 1), lambda i: (0, 0)),
            pl.BlockSpec((H, H), lambda i: (0, 0)),
            pl.BlockSpec((1, H), lambda i: (0, 0)),
            pl.BlockSpec((H, H), lambda i: (0, 0)),
            pl.BlockSpec((1, H), lambda i: (0, 0)),
        ],
        out_specs=[
            pl.BlockSpec((_NB, H), lambda i: (i, 0)),
            pl.BlockSpec((1, H), lambda i: (0, 0)),
        ],
        out_shape=[
            jax.ShapeDtypeStruct((N, H), jnp.float32),
            jax.ShapeDtypeStruct((1, H), jnp.float32),
        ],
        scratch_shapes=[pltpu.VMEM((1, H), jnp.float32)],
    )(x, a0, a1, eps.reshape(1, 1), m1, c1.reshape(1, H), m2,
      c2.reshape(1, H))


def _bn_body(t_ref, st_ref, g_ref, b_ref, out_ref, vacc_ref):
    p = pl.program_id(0)
    i = pl.program_id(1)
    mean = st_ref[...] / N

    @pl.when(p == 0)
    def _():
        @pl.when(i == 0)
        def _():
            vacc_ref[...] = jnp.zeros_like(vacc_ref)
        d = t_ref[...] - mean
        vacc_ref[...] += jnp.sum(d * d, axis=0, keepdims=True)

    @pl.when(p == 1)
    def _():
        var = vacc_ref[...] / N
        out_ref[...] = ((t_ref[...] - mean) / jnp.sqrt(var + 1e-5)
                        * g_ref[...] + b_ref[...])


def _bn_apply(t, st, gamma, beta):
    grid = (2, N // _NB)
    return pl.pallas_call(
        _bn_body,
        grid=grid,
        in_specs=[
            pl.BlockSpec((_NB, H), lambda p, i: (i, 0)),
            pl.BlockSpec((1, H), lambda p, i: (0, 0)),
            pl.BlockSpec((1, H), lambda p, i: (0, 0)),
            pl.BlockSpec((1, H), lambda p, i: (0, 0)),
        ],
        out_specs=pl.BlockSpec((_NB, H), lambda p, i: (i, 0)),
        out_shape=jax.ShapeDtypeStruct((N, H), jnp.float32),
        scratch_shapes=[pltpu.VMEM((1, H), jnp.float32)],
    )(t, st, gamma.reshape(1, H), beta.reshape(1, H))


def _pool_body(h0_ref, h1_ref, h2_ref, h3_ref, b_ref, w1_ref, b1_ref,
               w4_ref, b4_ref, out_ref, sum_ref, cnt_ref):
    i = pl.program_id(0)

    @pl.when(i == 0)
    def _():
        sum_ref[...] = jnp.zeros_like(sum_ref)
        cnt_ref[...] = jnp.zeros_like(cnt_ref)

    bids = b_ref[0]
    gids = lax.broadcasted_iota(jnp.int32, (G, _NB), 0)
    oh = (gids == bids).astype(jnp.float32)
    z = jnp.concatenate(
        [h0_ref[...], h1_ref[...], h2_ref[...], h3_ref[...]], axis=1)
    sum_ref[...] += jnp.dot(oh, z, preferred_element_type=jnp.float32,
                            precision=lax.Precision.HIGHEST)
    cnt_ref[...] += jnp.sum(oh, axis=1, keepdims=True)

    @pl.when(i == pl.num_programs(0) - 1)
    def _():
        pooled = sum_ref[...] / jnp.maximum(cnt_ref[...], 1.0)
        o = jnp.maximum(
            jnp.dot(pooled, w1_ref[...], preferred_element_type=jnp.float32)
            + b1_ref[...], 0.0)
        out_ref[...] = (
            jnp.dot(o, w4_ref[...], preferred_element_type=jnp.float32)
            + b4_ref[...])


def _pool_head(hs, batch, w1, b1, w4, b4):
    grid = (N // _NB,)
    batch_r = batch.reshape(N // _NB, 1, _NB)
    return pl.pallas_call(
        _pool_body,
        grid=grid,
        in_specs=[
            pl.BlockSpec((_NB, H), lambda i: (i, 0)),
            pl.BlockSpec((_NB, H), lambda i: (i, 0)),
            pl.BlockSpec((_NB, H), lambda i: (i, 0)),
            pl.BlockSpec((_NB, H), lambda i: (i, 0)),
            pl.BlockSpec((1, 1, _NB), lambda i: (i, 0, 0)),
            pl.BlockSpec((4 * H, H), lambda i: (0, 0)),
            pl.BlockSpec((1, H), lambda i: (0, 0)),
            pl.BlockSpec((H, OUT), lambda i: (0, 0)),
            pl.BlockSpec((1, OUT), lambda i: (0, 0)),
        ],
        out_specs=pl.BlockSpec((G, OUT), lambda i: (0, 0)),
        out_shape=jax.ShapeDtypeStruct((G, OUT), jnp.float32),
        scratch_shapes=[
            pltpu.VMEM((G, 4 * H), jnp.float32),
            pltpu.VMEM((G, 1), jnp.float32),
        ],
    )(hs[0], hs[1], hs[2], hs[3], batch_r, w1, b1.reshape(1, H), w4,
      b4.reshape(1, OUT))


def kernel(x, edge_index, edge_attr, batch, params):
    src = edge_index[0]
    dst = edge_index[1]
    order = jnp.argsort(dst).astype(jnp.int32)
    hs = []
    h = x
    for c in range(4):
        p = params[f"conv{c}"]
        e = _edge_mlp(edge_attr, p["be1"][0], p["be1"][1],
                      p["be2"][0], p["be2"][1])
        aggp = _sc_agg_call(h, e, src, dst, order)
        t, st = _node_mlp(h, aggp[0], aggp[1], p["eps"],
                          p["mlp1"][0], p["mlp1"][1],
                          p["mlp2"][0], p["mlp2"][1])
        bn = params[f"bn{c}"]
        h = _bn_apply(t, st, bn["gamma"], bn["beta"])
        hs.append(h)
    return _pool_head(hs, batch, params["fc1"][0], params["fc1"][1],
                      params["fc4"][0], params["fc4"][1])

# --- scband reference (transcript-rebuilt; emitter-appended) ---
"""Pipeline reference for scband-net-gine-72945724555677 (READ-ONLY COPY).

The authoritative reference and input builder live on the scoring server;
editing this copy changes nothing except your own understanding.
"""

import jax, jax.numpy as jnp
import numpy as np

N = 10000
E = 320000
DF = 128
DE = 16
H = 128
OUT = 10
G = 128


def _init_params():
    rng = np.random.default_rng(0)

    def lin(i, o):
        return (jnp.asarray(rng.normal(0.0, 0.02, (i, o)), jnp.float32),
                jnp.zeros((o,), jnp.float32))

    params = {}
    for c in range(4):
        d1 = DF if c == 0 else H
        params[f"conv{c}"] = {
            "be1": lin(DE, d1),
            "be2": lin(d1, d1),
            "mlp1": lin(d1, d1),
            "mlp2": lin(d1, H),
            "eps": jnp.zeros((1,), jnp.float32),
        }
        params[f"bn{c}"] = {"gamma": jnp.ones((H,), jnp.float32),
                             "beta": jnp.zeros((H,), jnp.float32)}
    params["fc1"] = lin(4 * H, H)
    params["fc4"] = lin(H, OUT)
    return params


def setup_inputs(seed: int = 0) -> dict:
    key = jax.random.key(seed)
    k1, k2, k3, k4 = jax.random.split(key, 4)
    x = jax.random.normal(k1, (N, DF), jnp.float32)
    edge_index = jax.random.randint(k2, (2, E), 0, N, dtype=jnp.int32)
    edge_attr = jax.random.normal(k3, (E, DE), jnp.float32)
    batch = jnp.sort(jax.random.randint(k4, (N,), 0, G, dtype=jnp.int32))
    return {"x": x, "edge_index": edge_index, "edge_attr": edge_attr,
            "batch": batch, "params": _init_params()}


def _linear(x, wb):
    w, b = wb
    return x @ w + b


def _gin_conv(x, edge_index, edge_attr, p):
    # bond_encoder: Linear -> ReLU -> Linear
    e = _linear(jax.nn.relu(_linear(edge_attr, p["be1"])), p["be2"])
    src = edge_index[0]
    dst = edge_index[1]
    # message: relu(x_j + edge_embedding), aggr='add' at dst
    msg = jax.nn.relu(jnp.take(x, src, axis=0) + e)
    agg = jax.ops.segment_sum(msg, dst, num_segments=x.shape[0])
    h = (1.0 + p["eps"]) * x + agg
    return _linear(jax.nn.relu(_linear(h, p["mlp1"])), p["mlp2"])


def _bn(x, p):
    # BatchNorm1d in training mode: batch statistics, biased variance
    m = jnp.mean(x, axis=0)
    v = jnp.var(x, axis=0)
    return (x - m) / jnp.sqrt(v + 1e-5) * p["gamma"] + p["beta"]


def reference(x, edge_index, edge_attr, batch, params):
    hs = []
    h = x
    for c in range(4):
        h = jax.nn.relu(_gin_conv(h, edge_index, edge_attr, params[f"conv{c}"]))
        h = _bn(h, params[f"bn{c}"])
        hs.append(h)
    z = jnp.concatenate(hs, axis=-1)
    # global_mean_pool
    sums = jax.ops.segment_sum(z, batch, num_segments=G)
    counts = jax.ops.segment_sum(jnp.ones((z.shape[0], 1), z.dtype), batch,
                                 num_segments=G)
    pooled = sums / jnp.maximum(counts, 1.0)
    out = jax.nn.relu(_linear(pooled, params["fc1"]))
    return _linear(out, params["fc4"])

if __name__ == "__main__":
    import jax
    _d = setup_inputs()
    print(jax.jit(kernel)(*tuple(_d.values())))

</pallas_src>

<mosaic_0001>
#map = affine_map<(d0, d1) -> (0, 0)>
#map1 = affine_map<(d0, d1) -> (0)>
#map2 = affine_map<(d0, d1) -> (0, 0, 0)>
module attributes {stable_mosaic.version = 14 : i64} {
  func.func @sc_agg(%arg0: i32, %arg1: i32, %arg2: memref<10000x128xf32, #tpu.memory_space<hbm>>, %arg3: memref<320000x128xf32, #tpu.memory_space<hbm>>, %arg4: memref<320000xi32, #tpu.memory_space<hbm>>, %arg5: memref<320000xi32, #tpu.memory_space<hbm>>, %arg6: memref<320000xi32, #tpu.memory_space<hbm>>, %arg7: memref<2x10000x128xf32, #tpu.memory_space<hbm>>, %arg8: memref<80xi32, #tpu.memory_space<vmem>>, %arg9: memref<80xi32, #tpu.memory_space<vmem>>, %arg10: memref<80xi32, #tpu.memory_space<vmem>>, %arg11: memref<80x128xf32, #tpu.memory_space<vmem>>, %arg12: memref<80x128xf32, #tpu.memory_space<vmem>>, %arg13: memref<200x128xf32, #tpu.memory_space<vmem>>, %arg14: memref<10000x128xf32, #tpu.memory_space<vmem_shared>>, %arg15: memref<!tpu.dma_semaphore, #tpu.memory_space<semaphore_mem>>) attributes {dimension_semantics = [#tpu.dimension_semantics<core_parallel>, #tpu.dimension_semantics<subcore_parallel>], iteration_bounds = array<i64: 2, 16>, scalar_prefetch = 0 : i64, scratch_operands = 8 : i64, tpu.core_type = #tpu.core_type<sc_vector_subcore>, window_params = [{transform_indices = #map}, {transform_indices = #map}, {transform_indices = #map1}, {transform_indices = #map1}, {transform_indices = #map1}, {transform_indices = #map2}]} {
    %mul3A = arith.constant 2 : i32
    %mul3A_0 = arith.muli %arg1, %mul3A : i32
    %add3A = arith.addi %mul3A_0, %arg0 : i32
    %broadcast_in_dim3A = arith.constant 0.000000e+00 : f32
    %broadcast_in_dim3A_1 = vector.broadcast %broadcast_in_dim3A : f32 to vector<16xf32>
    %scan3A = arith.constant 0 : i32
    %scan3A_2 = arith.constant 0 : i32
    %scan3A_3 = arith.constant 200 : i32
    %scan3A_4 = arith.addi %scan3A_2, %scan3A_3 : i32
    %scan3A_5 = arith.constant 1 : i32
    %scan3A_6 = scf.for %scan3A_69 = %scan3A_2 to %scan3A_4 step %scan3A_5 iter_args(%scan3A_70 = %scan3A) -> (i32)  : i32 {
      %swap3A = arith.index_cast %scan3A_69 : i32 to index
      %swap3A_71 = arith.constant 0 : index
      %swap3A_72 = tpu.vector_load %arg13[%swap3A, %swap3A_71] {strides = array<i32>} : memref<200x128xf32, #tpu.memory_space<vmem>>, vector<1x16xf32>,
      %swap3A_73 = vector.shape_cast %swap3A_72 : vector<1x16xf32> to vector<16xf32>
      %swap3A_74 = vector.shape_cast %broadcast_in_dim3A_1 : vector<16xf32> to vector<1x16xf32>
      tpu.vector_store %arg13[%swap3A, %swap3A_71], %swap3A_74 {strides = array<i32>} : memref<200x128xf32, #tpu.memory_space<vmem>>, vector<1x16xf32>,
      %swap3A_75 = arith.index_cast %scan3A_69 : i32 to index
      %swap3A_76 = arith.constant 16 : index
      %swap3A_77 = tpu.vector_load %arg13[%swap3A_75, %swap3A_76] {strides = array<i32>} : memref<200x128xf32, #tpu.memory_space<vmem>>, vector<1x16xf32>,
      %swap3A_78 = vector.shape_cast %swap3A_77 : vector<1x16xf32> to vector<16xf32>
      %swap3A_79 = vector.shape_cast %broadcast_in_dim3A_1 : vector<16xf32> to vector<1x16xf32>
      tpu.vector_store %arg13[%swap3A_75, %swap3A_76], %swap3A_79 {strides = array<i32>} : memref<200x128xf32, #tpu.memory_space<vmem>>, vector<1x16xf32>,
      %swap3A_80 = arith.index_cast %scan3A_69 : i32 to index
      %swap3A_81 = arith.constant 32 : index
      %swap3A_82 = tpu.vector_load %arg13[%swap3A_80, %swap3A_81] {strides = array<i32>} : memref<200x128xf32, #tpu.memory_space<vmem>>, vector<1x16xf32>,
      %swap3A_83 = vector.shape_cast %swap3A_82 : vector<1x16xf32> to vector<16xf32>
      %swap3A_84 = vector.shape_cast %broadcast_in_dim3A_1 : vector<16xf32> to vector<1x16xf32>
      tpu.vector_store %arg13[%swap3A_80, %swap3A_81], %swap3A_84 {strides = array<i32>} : memref<200x128xf32, #tpu.memory_space<vmem>>, vector<1x16xf32>,
      %swap3A_85 = arith.index_cast %scan3A_69 : i32 to index
      %swap3A_86 = arith.constant 48 : index
      %swap3A_87 = tpu.vector_load %arg13[%swap3A_85, %swap3A_86] {strides = array<i32>} : memref<200x128xf32, #tpu.memory_space<vmem>>, vector<1x16xf32>,
      %swap3A_88 = vector.shape_cast %swap3A_87 : vector<1x16xf32> to vector<16xf32>
      %swap3A_89 = vector.shape_cast %broadcast_in_dim3A_1 : vector<16xf32> to vector<1x16xf32>
      tpu.vector_store %arg13[%swap3A_85, %swap3A_86], %swap3A_89 {strides = array<i32>} : memref<200x128xf32, #tpu.memory_space<vmem>>, vector<1x16xf32>,
      %swap3A_90 = arith.index_cast %scan3A_69 : i32 to index
      %swap3A_91 = arith.constant 64 : index
      %swap3A_92 = tpu.vector_load %arg13[%swap3A_90, %swap3A_91] {strides = array<i32>} : memref<200x128xf32, #tpu.memory_space<vmem>>, vector<1x16xf32>,
      %swap3A_93 = vector.shape_cast %swap3A_92 : vector<1x16xf32> to vector<16xf32>
      %swap3A_94 = vector.shape_cast %broadcast_in_dim3A_1 : vector<16xf32> to vector<1x16xf32>
      tpu.vector_store %arg13[%swap3A_90, %swap3A_91], %swap3A_94 {strides = array<i32>} : memref<200x128xf32, #tpu.memory_space<vmem>>, vector<1x16xf32>,
      %swap3A_95 = arith.index_cast %scan3A_69 : i32 to index
      %swap3A_96 = arith.constant 80 : index
      %swap3A_97 = tpu.vector_load %arg13[%swap3A_95, %swap3A_96] {strides = array<i32>} : memref<200x128xf32, #tpu.memory_space<vmem>>, vector<1x16xf32>,
      %swap3A_98 = vector.shape_cast %swap3A_97 : vector<1x16xf32> to vector<16xf32>
      %swap3A_99 = vector.shape_cast %broadcast_in_dim3A_1 : vector<16xf32> to vector<1x16xf32>
      tpu.vector_store %arg13[%swap3A_95, %swap3A_96], %swap3A_99 {strides = array<i32>} : memref<200x128xf32, #tpu.memory_space<vmem>>, vector<1x16xf32>,
      %swap3A_100 = arith.index_cast %scan3A_69 : i32 to index
      %swap3A_101 = arith.constant 96 : index
      %swap3A_102 = tpu.vector_load %arg13[%swap3A_100, %swap3A_101] {strides = array<i32>} : memref<200x128xf32, #tpu.memory_space<vmem>>, vector<1x16xf32>,
      %swap3A_103 = vector.shape_cast %swap3A_102 : vector<1x16xf32> to vector<16xf32>
      %swap3A_104 = vector.shape_cast %broadcast_in_dim3A_1 : vector<16xf32> to vector<1x16xf32>
      tpu.vector_store %arg13[%swap3A_100, %swap3A_101], %swap3A_104 {strides = array<i32>} : memref<200x128xf32, #tpu.memory_space<vmem>>, vector<1x16xf32>,
      %swap3A_105 = arith.index_cast %scan3A_69 : i32 to index
      %swap3A_106 = arith.constant 112 : index
      %swap3A_107 = tpu.vector_load %arg13[%swap3A_105, %swap3A_106] {strides = array<i32>} : memref<200x128xf32, #tpu.memory_space<vmem>>, vector<1x16xf32>,
      %swap3A_108 = vector.shape_cast %swap3A_107 : vector<1x16xf32> to vector<16xf32>
      %swap3A_109 = vector.shape_cast %broadcast_in_dim3A_1 : vector<16xf32> to vector<1x16xf32>
      tpu.vector_store %arg13[%swap3A_105, %swap3A_106], %swap3A_109 {strides = array<i32>} : memref<200x128xf32, #tpu.memory_space<vmem>>, vector<1x16xf32>,
      %scan3A_110 = arith.constant 0 : i32
      scf.yield %scan3A_110 : i32
    }
    %scan3A_7 = arith.constant 200 : i32
    %add3A_8 = arith.constant 0 : i32
    %add3A_9 = arith.addi %arg1, %add3A_8 : i32
    %lt3A = arith.constant 50 : i32
    %lt3A_10 = arith.cmpi slt, %add3A_9, %lt3A : i32
    %convert_element_type3A = arith.extui %lt3A_10 : i1 to i32
    %cond3A = arith.constant 0 : i32
    %cond3A_11 = arith.cmpi ne, %convert_element_type3A, %cond3A : i32
    scf.if %cond3A_11 {
      %mul3A_69 = arith.constant 200 : i32
      %mul3A_70 = arith.muli %add3A_9, %mul3A_69 : i32
      "tpu.region"() ({
        %run_scoped3A = tpu.sem_alloc : memref<!tpu.dma_semaphore, #tpu.memory_space<semaphore_mem>>
        %dma_start3A = arith.constant 0 : i32
        %dma_start3A_71 = tpu.memref_slice %arg14[%mul3A_70, %dma_start3A] : memref<10000x128xf32, #tpu.memory_space<vmem_shared>> -> memref<200x128xf32, #tpu.memory_space<vmem_shared>>
        %dma_start3A_72 = arith.constant 0 : i32
        %dma_start3A_73 = tpu.memref_slice %arg14[%mul3A_70, %dma_start3A_72] : memref<10000x128xf32, #tpu.memory_space<vmem_shared>> -> memref<200x128xf32, #tpu.memory_space<vmem_shared>>
        tpu.enqueue_dma source(%arg13 : memref<200x128xf32, #tpu.memory_space<vmem>>) target(%dma_start3A_73 : memref<200x128xf32, #tpu.memory_space<vmem_shared>>) target_semaphore(%run_scoped3A : memref<!tpu.dma_semaphore, #tpu.memory_space<semaphore_mem>>)
        %dma_wait3A = arith.constant 0 : i32
        %dma_wait3A_74 = tpu.memref_slice %arg14[%mul3A_70, %dma_wait3A] : memref<10000x128xf32, #tpu.memory_space<vmem_shared>> -> memref<200x128xf32, #tpu.memory_space<vmem_shared>>
        %dma_wait3A_75 = arith.constant 0 : i32
        %dma_wait3A_76 = tpu.memref_slice %arg14[%mul3A_70, %dma_wait3A_75] : memref<10000x128xf32, #tpu.memory_space<vmem_shared>> -> memref<200x128xf32, #tpu.memory_space<vmem_shared>>
        tpu.wait_dma2 semaphore(%run_scoped3A : memref<!tpu.dma_semaphore, #tpu.memory_space<semaphore_mem>>) src(%arg13 : memref<200x128xf32, #tpu.memory_space<vmem>>) dst(%dma_wait3A_76 : memref<200x128xf32, #tpu.memory_space<vmem_shared>>)
        tpu.yield
      }) : () -> ()
    } else {
    }
    %add3A_12 = arith.constant 16 : i32
    %add3A_13 = arith.addi %arg1, %add3A_12 : i32
    %lt3A_14 = arith.constant 50 : i32
    %lt3A_15 = arith.cmpi slt, %add3A_13, %lt3A_14 : i32
    %convert_element_type3A_16 = arith.extui %lt3A_15 : i1 to i32
    %cond3A_17 = arith.constant 0 : i32
    %cond3A_18 = arith.cmpi ne, %convert_element_type3A_16, %cond3A_17 : i32
    scf.if %cond3A_18 {
      %mul3A_69 = arith.constant 200 : i32
      %mul3A_70 = arith.muli %add3A_13, %mul3A_69 : i32
      "tpu.region"() ({
        %run_scoped3A = tpu.sem_alloc : memref<!tpu.dma_semaphore, #tpu.memory_space<semaphore_mem>>
        %dma_start3A = arith.constant 0 : i32
        %dma_start3A_71 = tpu.memref_slice %arg14[%mul3A_70, %dma_start3A] : memref<10000x128xf32, #tpu.memory_space<vmem_shared>> -> memref<200x128xf32, #tpu.memory_space<vmem_shared>>
        %dma_start3A_72 = arith.constant 0 : i32
        %dma_start3A_73 = tpu.memref_slice %arg14[%mul3A_70, %dma_start3A_72] : memref<10000x128xf32, #tpu.memory_space<vmem_shared>> -> memref<200x128xf32, #tpu.memory_space<vmem_shared>>
        tpu.enqueue_dma source(%arg13 : memref<200x128xf32, #tpu.memory_space<vmem>>) target(%dma_start3A_73 : memref<200x128xf32, #tpu.memory_space<vmem_shared>>) target_semaphore(%run_scoped3A : memref<!tpu.dma_semaphore, #tpu.memory_space<semaphore_mem>>)
        %dma_wait3A = arith.constant 0 : i32
        %dma_wait3A_74 = tpu.memref_slice %arg14[%mul3A_70, %dma_wait3A] : memref<10000x128xf32, #tpu.memory_space<vmem_shared>> -> memref<200x128xf32, #tpu.memory_space<vmem_shared>>
        %dma_wait3A_75 = arith.constant 0 : i32
        %dma_wait3A_76 = tpu.memref_slice %arg14[%mul3A_70, %dma_wait3A_75] : memref<10000x128xf32, #tpu.memory_space<vmem_shared>> -> memref<200x128xf32, #tpu.memory_space<vmem_shared>>
        tpu.wait_dma2 semaphore(%run_scoped3A : memref<!tpu.dma_semaphore, #tpu.memory_space<semaphore_mem>>) src(%arg13 : memref<200x128xf32, #tpu.memory_space<vmem>>) dst(%dma_wait3A_76 : memref<200x128xf32, #tpu.memory_space<vmem_shared>>)
        tpu.yield
      }) : () -> ()
    } else {
    }
    %add3A_19 = arith.constant 32 : i32
    %add3A_20 = arith.addi %arg1, %add3A_19 : i32
    %lt3A_21 = arith.constant 50 : i32
    %lt3A_22 = arith.cmpi slt, %add3A_20, %lt3A_21 : i32
    %convert_element_type3A_23 = arith.extui %lt3A_22 : i1 to i32
    %cond3A_24 = arith.constant 0 : i32
    %cond3A_25 = arith.cmpi ne, %convert_element_type3A_23, %cond3A_24 : i32
    scf.if %cond3A_25 {
      %mul3A_69 = arith.constant 200 : i32
      %mul3A_70 = arith.muli %add3A_20, %mul3A_69 : i32
      "tpu.region"() ({
        %run_scoped3A = tpu.sem_alloc : memref<!tpu.dma_semaphore, #tpu.memory_space<semaphore_mem>>
        %dma_start3A = arith.constant 0 : i32
        %dma_start3A_71 = tpu.memref_slice %arg14[%mul3A_70, %dma_start3A] : memref<10000x128xf32, #tpu.memory_space<vmem_shared>> -> memref<200x128xf32, #tpu.memory_space<vmem_shared>>
        %dma_start3A_72 = arith.constant 0 : i32
        %dma_start3A_73 = tpu.memref_slice %arg14[%mul3A_70, %dma_start3A_72] : memref<10000x128xf32, #tpu.memory_space<vmem_shared>> -> memref<200x128xf32, #tpu.memory_space<vmem_shared>>
        tpu.enqueue_dma source(%arg13 : memref<200x128xf32, #tpu.memory_space<vmem>>) target(%dma_start3A_73 : memref<200x128xf32, #tpu.memory_space<vmem_shared>>) target_semaphore(%run_scoped3A : memref<!tpu.dma_semaphore, #tpu.memory_space<semaphore_mem>>)
        %dma_wait3A = arith.constant 0 : i32
        %dma_wait3A_74 = tpu.memref_slice %arg14[%mul3A_70, %dma_wait3A] : memref<10000x128xf32, #tpu.memory_space<vmem_shared>> -> memref<200x128xf32, #tpu.memory_space<vmem_shared>>
        %dma_wait3A_75 = arith.constant 0 : i32
        %dma_wait3A_76 = tpu.memref_slice %arg14[%mul3A_70, %dma_wait3A_75] : memref<10000x128xf32, #tpu.memory_space<vmem_shared>> -> memref<200x128xf32, #tpu.memory_space<vmem_shared>>
        tpu.wait_dma2 semaphore(%run_scoped3A : memref<!tpu.dma_semaphore, #tpu.memory_space<semaphore_mem>>) src(%arg13 : memref<200x128xf32, #tpu.memory_space<vmem>>) dst(%dma_wait3A_76 : memref<200x128xf32, #tpu.memory_space<vmem_shared>>)
        tpu.yield
      }) : () -> ()
    } else {
    }
    %add3A_26 = arith.constant 48 : i32
    %add3A_27 = arith.addi %arg1, %add3A_26 : i32
    %lt3A_28 = arith.constant 50 : i32
    %lt3A_29 = arith.cmpi slt, %add3A_27, %lt3A_28 : i32
    %convert_element_type3A_30 = arith.extui %lt3A_29 : i1 to i32
    %cond3A_31 = arith.constant 0 : i32
    %cond3A_32 = arith.cmpi ne, %convert_element_type3A_30, %cond3A_31 : i32
    scf.if %cond3A_32 {
      %mul3A_69 = arith.constant 200 : i32
      %mul3A_70 = arith.muli %add3A_27, %mul3A_69 : i32
      "tpu.region"() ({
        %run_scoped3A = tpu.sem_alloc : memref<!tpu.dma_semaphore, #tpu.memory_space<semaphore_mem>>
        %dma_start3A = arith.constant 0 : i32
        %dma_start3A_71 = tpu.memref_slice %arg14[%mul3A_70, %dma_start3A] : memref<10000x128xf32, #tpu.memory_space<vmem_shared>> -> memref<200x128xf32, #tpu.memory_space<vmem_shared>>
        %dma_start3A_72 = arith.constant 0 : i32
        %dma_start3A_73 = tpu.memref_slice %arg14[%mul3A_70, %dma_start3A_72] : memref<10000x128xf32, #tpu.memory_space<vmem_shared>> -> memref<200x128xf32, #tpu.memory_space<vmem_shared>>
        tpu.enqueue_dma source(%arg13 : memref<200x128xf32, #tpu.memory_space<vmem>>) target(%dma_start3A_73 : memref<200x128xf32, #tpu.memory_space<vmem_shared>>) target_semaphore(%run_scoped3A : memref<!tpu.dma_semaphore, #tpu.memory_space<semaphore_mem>>)
        %dma_wait3A = arith.constant 0 : i32
        %dma_wait3A_74 = tpu.memref_slice %arg14[%mul3A_70, %dma_wait3A] : memref<10000x128xf32, #tpu.memory_space<vmem_shared>> -> memref<200x128xf32, #tpu.memory_space<vmem_shared>>
        %dma_wait3A_75 = arith.constant 0 : i32
        %dma_wait3A_76 = tpu.memref_slice %arg14[%mul3A_70, %dma_wait3A_75] : memref<10000x128xf32, #tpu.memory_space<vmem_shared>> -> memref<200x128xf32, #tpu.memory_space<vmem_shared>>
        tpu.wait_dma2 semaphore(%run_scoped3A : memref<!tpu.dma_semaphore, #tpu.memory_space<semaphore_mem>>) src(%arg13 : memref<200x128xf32, #tpu.memory_space<vmem>>) dst(%dma_wait3A_76 : memref<200x128xf32, #tpu.memory_space<vmem_shared>>)
        tpu.yield
      }) : () -> ()
    } else {
    }
    %barrier3A = arith.constant 0 : index
    tpu.barrier barrier_id(%barrier3A)
    %scan3A_33 = arith.constant 0 : i32
    %scan3A_34 = arith.constant 0 : i32
    %scan3A_35 = arith.constant 125 : i32
    %scan3A_36 = arith.addi %scan3A_34, %scan3A_35 : i32
    %scan3A_37 = arith.constant 1 : i32
    %scan3A_38 = scf.for %scan3A_69 = %scan3A_34 to %scan3A_36 step %scan3A_37 iter_args(%scan3A_70 = %scan3A_33) -> (i32)  : i32 {
      %mul3A_71 = arith.constant 10000 : i32
      %mul3A_72 = arith.muli %add3A, %mul3A_71 : i32
      %mul3A_73 = arith.constant 80 : i32
      %mul3A_74 = arith.muli %scan3A_69, %mul3A_73 : i32
      %add3A_75 = arith.addi %mul3A_72, %mul3A_74 : i32
      "tpu.region"() ({
        %run_scoped3A = tpu.sem_alloc : memref<!tpu.dma_semaphore, #tpu.memory_space<semaphore_mem>>
        %dma_start3A_102 = tpu.memref_slice %arg6[%add3A_75] : memref<320000xi32, #tpu.memory_space<hbm>> -> memref<80xi32, #tpu.memory_space<hbm>>
        %dma_start3A_103 = tpu.memref_slice %arg6[%add3A_75] : memref<320000xi32, #tpu.memory_space<hbm>> -> memref<80xi32, #tpu.memory_space<hbm>>
        tpu.enqueue_dma source(%dma_start3A_103 : memref<80xi32, #tpu.memory_space<hbm>>) target(%arg8 : memref<80xi32, #tpu.memory_space<vmem>>) target_semaphore(%run_scoped3A : memref<!tpu.dma_semaphore, #tpu.memory_space<semaphore_mem>>)
        %dma_wait3A_104 = tpu.memref_slice %arg6[%add3A_75] : memref<320000xi32, #tpu.memory_space<hbm>> -> memref<80xi32, #tpu.memory_space<hbm>>
        %dma_wait3A_105 = tpu.memref_slice %arg6[%add3A_75] : memref<320000xi32, #tpu.memory_space<hbm>> -> memref<80xi32, #tpu.memory_space<hbm>>
        tpu.wait_dma2 semaphore(%run_scoped3A : memref<!tpu.dma_semaphore, #tpu.memory_space<semaphore_mem>>) src(%dma_wait3A_105 : memref<80xi32, #tpu.memory_space<hbm>>) dst(%arg8 : memref<80xi32, #tpu.memory_space<vmem>>)
        tpu.yield
      }) : () -> ()
      %dma_start3A = arith.constant 0 : i32
      %dma_start3A_76 = tpu.memref_slice %arg4[%dma_start3A] : memref<320000xi32, #tpu.memory_space<hbm>> -> memref<320000xi32, #tpu.memory_space<hbm>>
      tpu.enqueue_indirect_dma source(%dma_start3A_76 : memref<320000xi32, #tpu.memory_space<hbm>>) target(%arg9 : memref<80xi32, #tpu.memory_space<vmem>>) offsets(%arg8 : memref<80xi32, #tpu.memory_space<vmem>>) semaphore(%arg15 : memref<!tpu.dma_semaphore, #tpu.memory_space<semaphore_mem>>)
      %dma_wait3A = arith.constant 0 : i32
      %dma_wait3A_77 = tpu.memref_slice %arg4[%dma_wait3A] : memref<320000xi32, #tpu.memory_space<hbm>> -> memref<320000xi32, #tpu.memory_space<hbm>>
      tpu.wait_indirect_dma semaphore(%arg15 : memref<!tpu.dma_semaphore, #tpu.memory_space<semaphore_mem>>) src(%dma_wait3A_77 : memref<320000xi32, #tpu.memory_space<hbm>>) dst(%arg9 : memref<80xi32, #tpu.memory_space<vmem>>)
      %dma_start3A_78 = arith.constant 0 : i32
      %dma_start3A_79 = tpu.memref_slice %arg5[%dma_start3A_78] : memref<320000xi32, #tpu.memory_space<hbm>> -> memref<320000xi32, #tpu.memory_space<hbm>>
      tpu.enqueue_indirect_dma source(%dma_start3A_79 : memref<320000xi32, #tpu.memory_space<hbm>>) target(%arg10 : memref<80xi32, #tpu.memory_space<vmem>>) offsets(%arg8 : memref<80xi32, #tpu.memory_space<vmem>>) semaphore(%arg15 : memref<!tpu.dma_semaphore, #tpu.memory_space<semaphore_mem>>)
      %dma_wait3A_80 = arith.constant 0 : i32
      %dma_wait3A_81 = tpu.memref_slice %arg5[%dma_wait3A_80] : memref<320000xi32, #tpu.memory_space<hbm>> -> memref<320000xi32, #tpu.memory_space<hbm>>
      tpu.wait_indirect_dma semaphore(%arg15 : memref<!tpu.dma_semaphore, #tpu.memory_space<semaphore_mem>>) src(%dma_wait3A_81 : memref<320000xi32, #tpu.memory_space<hbm>>) dst(%arg10 : memref<80xi32, #tpu.memory_space<vmem>>)
      %dma_start3A_82 = arith.constant 0 : i32
      %dma_start3A_83 = arith.constant 0 : i32
      %dma_start3A_84 = tpu.memref_slice %arg3[%dma_start3A_82, %dma_start3A_83] : memref<320000x128xf32, #tpu.memory_space<hbm>> -> memref<320000x128xf32, #tpu.memory_space<hbm>>
      tpu.enqueue_indirect_dma source(%dma_start3A_84 : memref<320000x128xf32, #tpu.memory_space<hbm>>) target(%arg12 : memref<80x128xf32, #tpu.memory_space<vmem>>) offsets(%arg8 : memref<80xi32, #tpu.memory_space<vmem>>) semaphore(%arg15 : memref<!tpu.dma_semaphore, #tpu.memory_space<semaphore_mem>>)
      %dma_wait3A_85 = arith.constant 0 : i32
      %dma_wait3A_86 = arith.constant 0 : i32
      %dma_wait3A_87 = tpu.memref_slice %arg3[%dma_wait3A_85, %dma_wait3A_86] : memref<320000x128xf32, #tpu.memory_space<hbm>> -> memref<320000x128xf32, #tpu.memory_space<hbm>>
      tpu.wait_indirect_dma semaphore(%arg15 : memref<!tpu.dma_semaphore, #tpu.memory_space<semaphore_mem>>) src(%dma_wait3A_87 : memref<320000x128xf32, #tpu.memory_space<hbm>>) dst(%arg12 : memref<80x128xf32, #tpu.memory_space<vmem>>)
      %dma_start3A_88 = arith.constant 0 : i32
      %dma_start3A_89 = arith.constant 0 : i32
      %dma_start3A_90 = tpu.memref_slice %arg2[%dma_start3A_88, %dma_start3A_89] : memref<10000x128xf32, #tpu.memory_space<hbm>> -> memref<10000x128xf32, #tpu.memory_space<hbm>>
      tpu.enqueue_indirect_dma source(%dma_start3A_90 : memref<10000x128xf32, #tpu.memory_space<hbm>>) target(%arg11 : memref<80x128xf32, #tpu.memory_space<vmem>>) offsets(%arg9 : memref<80xi32, #tpu.memory_space<vmem>>) semaphore(%arg15 : memref<!tpu.dma_semaphore, #tpu.memory_space<semaphore_mem>>)
      %dma_wait3A_91 = arith.constant 0 : i32
      %dma_wait3A_92 = arith.constant 0 : i32
      %dma_wait3A_93 = tpu.memref_slice %arg2[%dma_wait3A_91, %dma_wait3A_92] : memref<10000x128xf32, #tpu.memory_space<hbm>> -> memref<10000x128xf32, #tpu.memory_space<hbm>>
      tpu.wait_indirect_dma semaphore(%arg15 : memref<!tpu.dma_semaphore, #tpu.memory_space<semaphore_mem>>) src(%dma_wait3A_93 : memref<10000x128xf32, #tpu.memory_space<hbm>>) dst(%arg11 : memref<80x128xf32, #tpu.memory_space<vmem>>)
      %scan3A_94 = arith.constant 0 : i32
      %scan3A_95 = arith.constant 0 : i32
      %scan3A_96 = arith.constant 80 : i32
      %scan3A_97 = arith.addi %scan3A_95, %scan3A_96 : i32
      %scan3A_98 = arith.constant 1 : i32
      %scan3A_99 = scf.for %scan3A_102 = %scan3A_95 to %scan3A_97 step %scan3A_98 iter_args(%scan3A_103 = %scan3A_94) -> (i32)  : i32 {
        %get3A = arith.index_cast %scan3A_102 : i32 to index
        %get3A_104 = arith.constant 0 : index
        %get3A_105 = tpu.vector_load %arg11[%get3A, %get3A_104] {strides = array<i32>} : memref<80x128xf32, #tpu.memory_space<vmem>>, vector<1x16xf32>,
        %get3A_106 = vector.shape_cast %get3A_105 : vector<1x16xf32> to vector<16xf32>
        %get3A_107 = arith.index_cast %scan3A_102 : i32 to index
        %get3A_108 = arith.constant 0 : index
        %get3A_109 = tpu.vector_load %arg12[%get3A_107, %get3A_108] {strides = array<i32>} : memref<80x128xf32, #tpu.memory_space<vmem>>, vector<1x16xf32>,
        %get3A_110 = vector.shape_cast %get3A_109 : vector<1x16xf32> to vector<16xf32>
        %add3A_111 = arith.addf %get3A_106, %get3A_110 : vector<16xf32>
        %max3A = arith.constant 0.000000e+00 : f32
        %max3A_112 = vector.broadcast %max3A : f32 to vector<16xf32>
        %max3A_113 = arith.maximumf %add3A_111, %max3A_112 : vector<16xf32>
        %swap3A = arith.index_cast %scan3A_102 : i32 to index
        %swap3A_114 = arith.constant 0 : index
        %swap3A_115 = tpu.vector_load %arg11[%swap3A, %swap3A_114] {strides = array<i32>} : memref<80x128xf32, #tpu.memory_space<vmem>>, vector<1x16xf32>,
        %swap3A_116 = vector.shape_cast %swap3A_115 : vector<1x16xf32> to vector<16xf32>
        %swap3A_117 = vector.shape_cast %max3A_113 : vector<16xf32> to vector<1x16xf32>
        tpu.vector_store %arg11[%swap3A, %swap3A_114], %swap3A_117 {strides = array<i32>} : memref<80x128xf32, #tpu.memory_space<vmem>>, vector<1x16xf32>,
        %get3A_118 = arith.index_cast %scan3A_102 : i32 to index
        %get3A_119 = arith.constant 16 : index
        %get3A_120 = tpu.vector_load %arg11[%get3A_118, %get3A_119] {strides = array<i32>} : memref<80x128xf32, #tpu.memory_space<vmem>>, vector<1x16xf32>,
        %get3A_121 = vector.shape_cast %get3A_120 : vector<1x16xf32> to vector<16xf32>
        %get3A_122 = arith.index_cast %scan3A_102 : i32 to index
        %get3A_123 = arith.constant 16 : index
        %get3A_124 = tpu.vector_load %arg12[%get3A_122, %get3A_123] {strides = array<i32>} : memref<80x128xf32, #tpu.memory_space<vmem>>, vector<1x16xf32>,
        %get3A_125 = vector.shape_cast %get3A_124 : vector<1x16xf32> to vector<16xf32>
        %add3A_126 = arith.addf %get3A_121, %get3A_125 : vector<16xf32>
        %max3A_127 = arith.constant 0.000000e+00 : f32
        %max3A_128 = vector.broadcast %max3A_127 : f32 to vector<16xf32>
        %max3A_129 = arith.maximumf %add3A_126, %max3A_128 : vector<16xf32>
        %swap3A_130 = arith.index_cast %scan3A_102 : i32 to index
        %swap3A_131 = arith.constant 16 : index
        %swap3A_132 = tpu.vector_load %arg11[%swap3A_130, %swap3A_131] {strides = array<i32>} : memref<80x128xf32, #tpu.memory_space<vmem>>, vector<1x16xf32>,
        %swap3A_133 = vector.shape_cast %swap3A_132 : vector<1x16xf32> to vector<16xf32>
        %swap3A_134 = vector.shape_cast %max3A_129 : vector<16xf32> to vector<1x16xf32>
        tpu.vector_store %arg11[%swap3A_130, %swap3A_131], %swap3A_134 {strides = array<i32>} : memref<80x128xf32, #tpu.memory_space<vmem>>, vector<1x16xf32>,
        %get3A_135 = arith.index_cast %scan3A_102 : i32 to index
        %get3A_136 = arith.constant 32 : index
        %get3A_137 = tpu.vector_load %arg11[%get3A_135, %get3A_136] {strides = array<i32>} : memref<80x128xf32, #tpu.memory_space<vmem>>, vector<1x16xf32>,
        %get3A_138 = vector.shape_cast %get3A_137 : vector<1x16xf32> to vector<16xf32>
        %get3A_139 = arith.index_cast %scan3A_102 : i32 to index
        %get3A_140 = arith.constant 32 : index
        %get3A_141 = tpu.vector_load %arg12[%get3A_139, %get3A_140] {strides = array<i32>} : memref<80x128xf32, #tpu.memory_space<vmem>>, vector<1x16xf32>,
        %get3A_142 = vector.shape_cast %get3A_141 : vector<1x16xf32> to vector<16xf32>
        %add3A_143 = arith.addf %get3A_138, %get3A_142 : vector<16xf32>
        %max3A_144 = arith.constant 0.000000e+00 : f32
        %max3A_145 = vector.broadcast %max3A_144 : f32 to vector<16xf32>
        %max3A_146 = arith.maximumf %add3A_143, %max3A_145 : vector<16xf32>
        %swap3A_147 = arith.index_cast %scan3A_102 : i32 to index
        %swap3A_148 = arith.constant 32 : index
        %swap3A_149 = tpu.vector_load %arg11[%swap3A_147, %swap3A_148] {strides = array<i32>} : memref<80x128xf32, #tpu.memory_space<vmem>>, vector<1x16xf32>,
        %swap3A_150 = vector.shape_cast %swap3A_149 : vector<1x16xf32> to vector<16xf32>
        %swap3A_151 = vector.shape_cast %max3A_146 : vector<16xf32> to vector<1x16xf32>
        tpu.vector_store %arg11[%swap3A_147, %swap3A_148], %swap3A_151 {strides = array<i32>} : memref<80x128xf32, #tpu.memory_space<vmem>>, vector<1x16xf32>,
        %get3A_152 = arith.index_cast %scan3A_102 : i32 to index
        %get3A_153 = arith.constant 48 : index
        %get3A_154 = tpu.vector_load %arg11[%get3A_152, %get3A_153] {strides = array<i32>} : memref<80x128xf32, #tpu.memory_space<vmem>>, vector<1x16xf32>,
        %get3A_155 = vector.shape_cast %get3A_154 : vector<1x16xf32> to vector<16xf32>
        %get3A_156 = arith.index_cast %scan3A_102 : i32 to index
        %get3A_157 = arith.constant 48 : index
        %get3A_158 = tpu.vector_load %arg12[%get3A_156, %get3A_157] {strides = array<i32>} : memref<80x128xf32, #tpu.memory_space<vmem>>, vector<1x16xf32>,
        %get3A_159 = vector.shape_cast %get3A_158 : vector<1x16xf32> to vector<16xf32>
        %add3A_160 = arith.addf %get3A_155, %get3A_159 : vector<16xf32>
        %max3A_161 = arith.constant 0.000000e+00 : f32
        %max3A_162 = vector.broadcast %max3A_161 : f32 to vector<16xf32>
        %max3A_163 = arith.maximumf %add3A_160, %max3A_162 : vector<16xf32>
        %swap3A_164 = arith.index_cast %scan3A_102 : i32 to index
        %swap3A_165 = arith.constant 48 : index
        %swap3A_166 = tpu.vector_load %arg11[%swap3A_164, %swap3A_165] {strides = array<i32>} : memref<80x128xf32, #tpu.memory_space<vmem>>, vector<1x16xf32>,
        %swap3A_167 = vector.shape_cast %swap3A_166 : vector<1x16xf32> to vector<16xf32>
        %swap3A_168 = vector.shape_cast %max3A_163 : vector<16xf32> to vector<1x16xf32>
        tpu.vector_store %arg11[%swap3A_164, %swap3A_165], %swap3A_168 {strides = array<i32>} : memref<80x128xf32, #tpu.memory_space<vmem>>, vector<1x16xf32>,
        %get3A_169 = arith.index_cast %scan3A_102 : i32 to index
        %get3A_170 = arith.constant 64 : index
        %get3A_171 = tpu.vector_load %arg11[%get3A_169, %get3A_170] {strides = array<i32>} : memref<80x128xf32, #tpu.memory_space<vmem>>, vector<1x16xf32>,
        %get3A_172 = vector.shape_cast %get3A_171 : vector<1x16xf32> to vector<16xf32>
        %get3A_173 = arith.index_cast %scan3A_102 : i32 to index
        %get3A_174 = arith.constant 64 : index
        %get3A_175 = tpu.vector_load %arg12[%get3A_173, %get3A_174] {strides = array<i32>} : memref<80x128xf32, #tpu.memory_space<vmem>>, vector<1x16xf32>,
        %get3A_176 = vector.shape_cast %get3A_175 : vector<1x16xf32> to vector<16xf32>
        %add3A_177 = arith.addf %get3A_172, %get3A_176 : vector<16xf32>
        %max3A_178 = arith.constant 0.000000e+00 : f32
        %max3A_179 = vector.broadcast %max3A_178 : f32 to vector<16xf32>
        %max3A_180 = arith.maximumf %add3A_177, %max3A_179 : vector<16xf32>
        %swap3A_181 = arith.index_cast %scan3A_102 : i32 to index
        %swap3A_182 = arith.constant 64 : index
        %swap3A_183 = tpu.vector_load %arg11[%swap3A_181, %swap3A_182] {strides = array<i32>} : memref<80x128xf32, #tpu.memory_space<vmem>>, vector<1x16xf32>,
        %swap3A_184 = vector.shape_cast %swap3A_183 : vector<1x16xf32> to vector<16xf32>
        %swap3A_185 = vector.shape_cast %max3A_180 : vector<16xf32> to vector<1x16xf32>
        tpu.vector_store %arg11[%swap3A_181, %swap3A_182], %swap3A_185 {strides = array<i32>} : memref<80x128xf32, #tpu.memory_space<vmem>>, vector<1x16xf32>,
        %get3A_186 = arith.index_cast %scan3A_102 : i32 to index
        %get3A_187 = arith.constant 80 : index
        %get3A_188 = tpu.vector_load %arg11[%get3A_186, %get3A_187] {strides = array<i32>} : memref<80x128xf32, #tpu.memory_space<vmem>>, vector<1x16xf32>,
        %get3A_189 = vector.shape_cast %get3A_188 : vector<1x16xf32> to vector<16xf32>
        %get3A_190 = arith.index_cast %scan3A_102 : i32 to index
        %get3A_191 = arith.constant 80 : index
        %get3A_192 = tpu.vector_load %arg12[%get3A_190, %get3A_191] {strides = array<i32>} : memref<80x128xf32, #tpu.memory_space<vmem>>, vector<1x16xf32>,
        %get3A_193 = vector.shape_cast %get3A_192 : vector<1x16xf32> to vector<16xf32>
        %add3A_194 = arith.addf %get3A_189, %get3A_193 : vector<16xf32>
        %max3A_195 = arith.constant 0.000000e+00 : f32
        %max3A_196 = vector.broadcast %max3A_195 : f32 to vector<16xf32>
        %max3A_197 = arith.maximumf %add3A_194, %max3A_196 : vector<16xf32>
        %swap3A_198 = arith.index_cast %scan3A_102 : i32 to index
        %swap3A_199 = arith.constant 80 : index
        %swap3A_200 = tpu.vector_load %arg11[%swap3A_198, %swap3A_199] {strides = array<i32>} : memref<80x128xf32, #tpu.memory_space<vmem>>, vector<1x16xf32>,
        %swap3A_201 = vector.shape_cast %swap3A_200 : vector<1x16xf32> to vector<16xf32>
        %swap3A_202 = vector.shape_cast %max3A_197 : vector<16xf32> to vector<1x16xf32>
        tpu.vector_store %arg11[%swap3A_198, %swap3A_199], %swap3A_202 {strides = array<i32>} : memref<80x128xf32, #tpu.memory_space<vmem>>, vector<1x16xf32>,
        %get3A_203 = arith.index_cast %scan3A_102 : i32 to index
        %get3A_204 = arith.constant 96 : index
        %get3A_205 = tpu.vector_load %arg11[%get3A_203, %get3A_204] {strides = array<i32>} : memref<80x128xf32, #tpu.memory_space<vmem>>, vector<1x16xf32>,
        %get3A_206 = vector.shape_cast %get3A_205 : vector<1x16xf32> to vector<16xf32>
        %get3A_207 = arith.index_cast %scan3A_102 : i32 to index
        %get3A_208 = arith.constant 96 : index
        %get3A_209 = tpu.vector_load %arg12[%get3A_207, %get3A_208] {strides = array<i32>} : memref<80x128xf32, #tpu.memory_space<vmem>>, vector<1x16xf32>,
        %get3A_210 = vector.shape_cast %get3A_209 : vector<1x16xf32> to vector<16xf32>
        %add3A_211 = arith.addf %get3A_206, %get3A_210 : vector<16xf32>
        %max3A_212 = arith.constant 0.000000e+00 : f32
        %max3A_213 = vector.broadcast %max3A_212 : f32 to vector<16xf32>
        %max3A_214 = arith.maximumf %add3A_211, %max3A_213 : vector<16xf32>
        %swap3A_215 = arith.index_cast %scan3A_102 : i32 to index
        %swap3A_216 = arith.constant 96 : index
        %swap3A_217 = tpu.vector_load %arg11[%swap3A_215, %swap3A_216] {strides = array<i32>} : memref<80x128xf32, #tpu.memory_space<vmem>>, vector<1x16xf32>,
        %swap3A_218 = vector.shape_cast %swap3A_217 : vector<1x16xf32> to vector<16xf32>
        %swap3A_219 = vector.shape_cast %max3A_214 : vector<16xf32> to vector<1x16xf32>
        tpu.vector_store %arg11[%swap3A_215, %swap3A_216], %swap3A_219 {strides = array<i32>} : memref<80x128xf32, #tpu.memory_space<vmem>>, vector<1x16xf32>,
        %get3A_220 = arith.index_cast %scan3A_102 : i32 to index
        %get3A_221 = arith.constant 112 : index
        %get3A_222 = tpu.vector_load %arg11[%get3A_220, %get3A_221] {strides = array<i32>} : memref<80x128xf32, #tpu.memory_space<vmem>>, vector<1x16xf32>,
        %get3A_223 = vector.shape_cast %get3A_222 : vector<1x16xf32> to vector<16xf32>
        %get3A_224 = arith.index_cast %scan3A_102 : i32 to index
        %get3A_225 = arith.constant 112 : index
        %get3A_226 = tpu.vector_load %arg12[%get3A_224, %get3A_225] {strides = array<i32>} : memref<80x128xf32, #tpu.memory_space<vmem>>, vector<1x16xf32>,
        %get3A_227 = vector.shape_cast %get3A_226 : vector<1x16xf32> to vector<16xf32>
        %add3A_228 = arith.addf %get3A_223, %get3A_227 : vector<16xf32>
        %max3A_229 = arith.constant 0.000000e+00 : f32
        %max3A_230 = vector.broadcast %max3A_229 : f32 to vector<16xf32>
        %max3A_231 = arith.maximumf %add3A_228, %max3A_230 : vector<16xf32>
        %swap3A_232 = arith.index_cast %scan3A_102 : i32 to index
        %swap3A_233 = arith.constant 112 : index
        %swap3A_234 = tpu.vector_load %arg11[%swap3A_232, %swap3A_233] {strides = array<i32>} : memref<80x128xf32, #tpu.memory_space<vmem>>, vector<1x16xf32>,
        %swap3A_235 = vector.shape_cast %swap3A_234 : vector<1x16xf32> to vector<16xf32>
        %swap3A_236 = vector.shape_cast %max3A_231 : vector<16xf32> to vector<1x16xf32>
        tpu.vector_store %arg11[%swap3A_232, %swap3A_233], %swap3A_236 {strides = array<i32>} : memref<80x128xf32, #tpu.memory_space<vmem>>, vector<1x16xf32>,
        %scan3A_237 = arith.constant 0 : i32
        scf.yield %scan3A_237 : i32
      }
      %scan3A_100 = arith.constant 80 : i32
      "tpu.region"() ({
        %run_scoped3A = tpu.sem_alloc : memref<!tpu.dma_semaphore, #tpu.memory_space<semaphore_mem>>
        %dma_start3A_102 = arith.constant 0 : i32
        %dma_start3A_103 = arith.constant 0 : i32
        %dma_start3A_104 = tpu.memref_slice %arg14[%dma_start3A_102, %dma_start3A_103] : memref<10000x128xf32, #tpu.memory_space<vmem_shared>> -> memref<10000x128xf32, #tpu.memory_space<vmem_shared>>
        tpu.enqueue_indirect_dma source(%arg11 : memref<80x128xf32, #tpu.memory_space<vmem>>) target(%dma_start3A_104 : memref<10000x128xf32, #tpu.memory_space<vmem_shared>>) offsets(%arg10 : memref<80xi32, #tpu.memory_space<vmem>>) semaphore(%run_scoped3A : memref<!tpu.dma_semaphore, #tpu.memory_space<semaphore_mem>>) {add = true}
        %dma_wait3A_105 = arith.constant 0 : i32
        %dma_wait3A_106 = arith.constant 0 : i32
        %dma_wait3A_107 = tpu.memref_slice %arg14[%dma_wait3A_105, %dma_wait3A_106] : memref<10000x128xf32, #tpu.memory_space<vmem_shared>> -> memref<10000x128xf32, #tpu.memory_space<vmem_shared>>
        tpu.wait_indirect_dma semaphore(%run_scoped3A : memref<!tpu.dma_semaphore, #tpu.memory_space<semaphore_mem>>) src(%arg11 : memref<80x128xf32, #tpu.memory_space<vmem>>) dst(%dma_wait3A_107 : memref<10000x128xf32, #tpu.memory_space<vmem_shared>>)
        tpu.yield
      }) : () -> ()
      %scan3A_101 = arith.constant 0 : i32
      scf.yield %scan3A_101 : i32
    }
    %scan3A_39 = arith.constant 125 : i32
    %barrier3A_40 = arith.constant 0 : index
    tpu.barrier barrier_id(%barrier3A_40)
    %add3A_41 = arith.constant 0 : i32
    %add3A_42 = arith.addi %arg1, %add3A_41 : i32
    %lt3A_43 = arith.constant 50 : i32
    %lt3A_44 = arith.cmpi slt, %add3A_42, %lt3A_43 : i32
    %convert_element_type3A_45 = arith.extui %lt3A_44 : i1 to i32
    %cond3A_46 = arith.constant 0 : i32
    %cond3A_47 = arith.cmpi ne, %convert_element_type3A_45, %cond3A_46 : i32
    scf.if %cond3A_47 {
      %mul3A_69 = arith.constant 200 : i32
      %mul3A_70 = arith.muli %add3A_42, %mul3A_69 : i32
      "tpu.region"() ({
        %run_scoped3A = tpu.sem_alloc : memref<!tpu.dma_semaphore, #tpu.memory_space<semaphore_mem>>
        %dma_start3A = arith.constant 0 : i32
        %dma_start3A_71 = tpu.memref_slice %arg7[%arg0, %mul3A_70, %dma_start3A] : memref<2x10000x128xf32, #tpu.memory_space<hbm>> -> memref<1x200x128xf32, #tpu.memory_space<hbm>>
        %dma_start3A_72 = tpu.memref_squeeze %dma_start3A_71 : memref<1x200x128xf32, #tpu.memory_space<hbm>> -> memref<200x128xf32, #tpu.memory_space<hbm>>
        %dma_start3A_73 = arith.constant 0 : i32
        %dma_start3A_74 = tpu.memref_slice %arg14[%mul3A_70, %dma_start3A_73] : memref<10000x128xf32, #tpu.memory_space<vmem_shared>> -> memref<200x128xf32, #tpu.memory_space<vmem_shared>>
        tpu.enqueue_dma source(%dma_start3A_74 : memref<200x128xf32, #tpu.memory_space<vmem_shared>>) target(%dma_start3A_72 : memref<200x128xf32, #tpu.memory_space<hbm>>) target_semaphore(%run_scoped3A : memref<!tpu.dma_semaphore, #tpu.memory_space<semaphore_mem>>)
        %dma_wait3A = arith.constant 0 : i32
        %dma_wait3A_75 = tpu.memref_slice %arg7[%arg0, %mul3A_70, %dma_wait3A] : memref<2x10000x128xf32, #tpu.memory_space<hbm>> -> memref<1x200x128xf32, #tpu.memory_space<hbm>>
        %dma_wait3A_76 = tpu.memref_squeeze %dma_wait3A_75 : memref<1x200x128xf32, #tpu.memory_space<hbm>> -> memref<200x128xf32, #tpu.memory_space<hbm>>
        %dma_wait3A_77 = arith.constant 0 : i32
        %dma_wait3A_78 = tpu.memref_slice %arg14[%mul3A_70, %dma_wait3A_77] : memref<10000x128xf32, #tpu.memory_space<vmem_shared>> -> memref<200x128xf32, #tpu.memory_space<vmem_shared>>
        tpu.wait_dma2 semaphore(%run_scoped3A : memref<!tpu.dma_semaphore, #tpu.memory_space<semaphore_mem>>) src(%dma_wait3A_78 : memref<200x128xf32, #tpu.memory_space<vmem_shared>>) dst(%dma_wait3A_76 : memref<200x128xf32, #tpu.memory_space<hbm>>)
        tpu.yield
      }) : () -> ()
    } else {
    }
    %add3A_48 = arith.constant 16 : i32
    %add3A_49 = arith.addi %arg1, %add3A_48 : i32
    %lt3A_50 = arith.constant 50 : i32
    %lt3A_51 = arith.cmpi slt, %add3A_49, %lt3A_50 : i32
    %convert_element_type3A_52 = arith.extui %lt3A_51 : i1 to i32
    %cond3A_53 = arith.constant 0 : i32
    %cond3A_54 = arith.cmpi ne, %convert_element_type3A_52, %cond3A_53 : i32
    scf.if %cond3A_54 {
      %mul3A_69 = arith.constant 200 : i32
      %mul3A_70 = arith.muli %add3A_49, %mul3A_69 : i32
      "tpu.region"() ({
        %run_scoped3A = tpu.sem_alloc : memref<!tpu.dma_semaphore, #tpu.memory_space<semaphore_mem>>
        %dma_start3A = arith.constant 0 : i32
        %dma_start3A_71 = tpu.memref_slice %arg7[%arg0, %mul3A_70, %dma_start3A] : memref<2x10000x128xf32, #tpu.memory_space<hbm>> -> memref<1x200x128xf32, #tpu.memory_space<hbm>>
        %dma_start3A_72 = tpu.memref_squeeze %dma_start3A_71 : memref<1x200x128xf32, #tpu.memory_space<hbm>> -> memref<200x128xf32, #tpu.memory_space<hbm>>
        %dma_start3A_73 = arith.constant 0 : i32
        %dma_start3A_74 = tpu.memref_slice %arg14[%mul3A_70, %dma_start3A_73] : memref<10000x128xf32, #tpu.memory_space<vmem_shared>> -> memref<200x128xf32, #tpu.memory_space<vmem_shared>>
        tpu.enqueue_dma source(%dma_start3A_74 : memref<200x128xf32, #tpu.memory_space<vmem_shared>>) target(%dma_start3A_72 : memref<200x128xf32, #tpu.memory_space<hbm>>) target_semaphore(%run_scoped3A : memref<!tpu.dma_semaphore, #tpu.memory_space<semaphore_mem>>)
        %dma_wait3A = arith.constant 0 : i32
        %dma_wait3A_75 = tpu.memref_slice %arg7[%arg0, %mul3A_70, %dma_wait3A] : memref<2x10000x128xf32, #tpu.memory_space<hbm>> -> memref<1x200x128xf32, #tpu.memory_space<hbm>>
        %dma_wait3A_76 = tpu.memref_squeeze %dma_wait3A_75 : memref<1x200x128xf32, #tpu.memory_space<hbm>> -> memref<200x128xf32, #tpu.memory_space<hbm>>
        %dma_wait3A_77 = arith.constant 0 : i32
        %dma_wait3A_78 = tpu.memref_slice %arg14[%mul3A_70, %dma_wait3A_77] : memref<10000x128xf32, #tpu.memory_space<vmem_shared>> -> memref<200x128xf32, #tpu.memory_space<vmem_shared>>
        tpu.wait_dma2 semaphore(%run_scoped3A : memref<!tpu.dma_semaphore, #tpu.memory_space<semaphore_mem>>) src(%dma_wait3A_78 : memref<200x128xf32, #tpu.memory_space<vmem_shared>>) dst(%dma_wait3A_76 : memref<200x128xf32, #tpu.memory_space<hbm>>)
        tpu.yield
      }) : () -> ()
    } else {
    }
    %add3A_55 = arith.constant 32 : i32
    %add3A_56 = arith.addi %arg1, %add3A_55 : i32
    %lt3A_57 = arith.constant 50 : i32
    %lt3A_58 = arith.cmpi slt, %add3A_56, %lt3A_57 : i32
    %convert_element_type3A_59 = arith.extui %lt3A_58 : i1 to i32
    %cond3A_60 = arith.constant 0 : i32
    %cond3A_61 = arith.cmpi ne, %convert_element_type3A_59, %cond3A_60 : i32
    scf.if %cond3A_61 {
      %mul3A_69 = arith.constant 200 : i32
      %mul3A_70 = arith.muli %add3A_56, %mul3A_69 : i32
      "tpu.region"() ({
        %run_scoped3A = tpu.sem_alloc : memref<!tpu.dma_semaphore, #tpu.memory_space<semaphore_mem>>
        %dma_start3A = arith.constant 0 : i32
        %dma_start3A_71 = tpu.memref_slice %arg7[%arg0, %mul3A_70, %dma_start3A] : memref<2x10000x128xf32, #tpu.memory_space<hbm>> -> memref<1x200x128xf32, #tpu.memory_space<hbm>>
        %dma_start3A_72 = tpu.memref_squeeze %dma_start3A_71 : memref<1x200x128xf32, #tpu.memory_space<hbm>> -> memref<200x128xf32, #tpu.memory_space<hbm>>
        %dma_start3A_73 = arith.constant 0 : i32
        %dma_start3A_74 = tpu.memref_slice %arg14[%mul3A_70, %dma_start3A_73] : memref<10000x128xf32, #tpu.memory_space<vmem_shared>> -> memref<200x128xf32, #tpu.memory_space<vmem_shared>>
        tpu.enqueue_dma source(%dma_start3A_74 : memref<200x128xf32, #tpu.memory_space<vmem_shared>>) target(%dma_start3A_72 : memref<200x128xf32, #tpu.memory_space<hbm>>) target_semaphore(%run_scoped3A : memref<!tpu.dma_semaphore, #tpu.memory_space<semaphore_mem>>)
        %dma_wait3A = arith.constant 0 : i32
        %dma_wait3A_75 = tpu.memref_slice %arg7[%arg0, %mul3A_70, %dma_wait3A] : memref<2x10000x128xf32, #tpu.memory_space<hbm>> -> memref<1x200x128xf32, #tpu.memory_space<hbm>>
        %dma_wait3A_76 = tpu.memref_squeeze %dma_wait3A_75 : memref<1x200x128xf32, #tpu.memory_space<hbm>> -> memref<200x128xf32, #tpu.memory_space<hbm>>
        %dma_wait3A_77 = arith.constant 0 : i32
        %dma_wait3A_78 = tpu.memref_slice %arg14[%mul3A_70, %dma_wait3A_77] : memref<10000x128xf32, #tpu.memory_space<vmem_shared>> -> memref<200x128xf32, #tpu.memory_space<vmem_shared>>
        tpu.wait_dma2 semaphore(%run_scoped3A : memref<!tpu.dma_semaphore, #tpu.memory_space<semaphore_mem>>) src(%dma_wait3A_78 : memref<200x128xf32, #tpu.memory_space<vmem_shared>>) dst(%dma_wait3A_76 : memref<200x128xf32, #tpu.memory_space<hbm>>)
        tpu.yield
      }) : () -> ()
    } else {
    }
    %add3A_62 = arith.constant 48 : i32
    %add3A_63 = arith.addi %arg1, %add3A_62 : i32
    %lt3A_64 = arith.constant 50 : i32
    %lt3A_65 = arith.cmpi slt, %add3A_63, %lt3A_64 : i32
    %convert_element_type3A_66 = arith.extui %lt3A_65 : i1 to i32
    %cond3A_67 = arith.constant 0 : i32
    %cond3A_68 = arith.cmpi ne, %convert_element_type3A_66, %cond3A_67 : i32
    scf.if %cond3A_68 {
      %mul3A_69 = arith.constant 200 : i32
      %mul3A_70 = arith.muli %add3A_63, %mul3A_69 : i32
      "tpu.region"() ({
        %run_scoped3A = tpu.sem_alloc : memref<!tpu.dma_semaphore, #tpu.memory_space<semaphore_mem>>
        %dma_start3A = arith.constant 0 : i32
        %dma_start3A_71 = tpu.memref_slice %arg7[%arg0, %mul3A_70, %dma_start3A] : memref<2x10000x128xf32, #tpu.memory_space<hbm>> -> memref<1x200x128xf32, #tpu.memory_space<hbm>>
        %dma_start3A_72 = tpu.memref_squeeze %dma_start3A_71 : memref<1x200x128xf32, #tpu.memory_space<hbm>> -> memref<200x128xf32, #tpu.memory_space<hbm>>
        %dma_start3A_73 = arith.constant 0 : i32
        %dma_start3A_74 = tpu.memref_slice %arg14[%mul3A_70, %dma_start3A_73] : memref<10000x128xf32, #tpu.memory_space<vmem_shared>> -> memref<200x128xf32, #tpu.memory_space<vmem_shared>>
        tpu.enqueue_dma source(%dma_start3A_74 : memref<200x128xf32, #tpu.memory_space<vmem_shared>>) target(%dma_start3A_72 : memref<200x128xf32, #tpu.memory_space<hbm>>) target_semaphore(%run_scoped3A : memref<!tpu.dma_semaphore, #tpu.memory_space<semaphore_mem>>)
        %dma_wait3A = arith.constant 0 : i32
        %dma_wait3A_75 = tpu.memref_slice %arg7[%arg0, %mul3A_70, %dma_wait3A] : memref<2x10000x128xf32, #tpu.memory_space<hbm>> -> memref<1x200x128xf32, #tpu.memory_space<hbm>>
        %dma_wait3A_76 = tpu.memref_squeeze %dma_wait3A_75 : memref<1x200x128xf32, #tpu.memory_space<hbm>> -> memref<200x128xf32, #tpu.memory_space<hbm>>
        %dma_wait3A_77 = arith.constant 0 : i32
        %dma_wait3A_78 = tpu.memref_slice %arg14[%mul3A_70, %dma_wait3A_77] : memref<10000x128xf32, #tpu.memory_space<vmem_shared>> -> memref<200x128xf32, #tpu.memory_space<vmem_shared>>
        tpu.wait_dma2 semaphore(%run_scoped3A : memref<!tpu.dma_semaphore, #tpu.memory_space<semaphore_mem>>) src(%dma_wait3A_78 : memref<200x128xf32, #tpu.memory_space<vmem_shared>>) dst(%dma_wait3A_76 : memref<200x128xf32, #tpu.memory_space<hbm>>)
        tpu.yield
      }) : () -> ()
    } else {
    }
    return
  }
}

#map = affine_map<(d0, d1) -> (0, 0)>
#map1 = affine_map<(d0, d1) -> (0)>
#map2 = affine_map<(d0, d1) -> (0, 0, 0)>
module attributes {stable_mosaic.version = 14 : i64} {
  func.func @sc_agg(%arg0: i32, %arg1: i32, %arg2: memref<10000x128xf32, #tpu.memory_space<hbm>>, %arg3: memref<320000x128xf32, #tpu.memory_space<hbm>>, %arg4: memref<320000xi32, #tpu.memory_space<hbm>>, %arg5: memref<320000xi32, #tpu.memory_space<hbm>>, %arg6: memref<320000xi32, #tpu.memory_space<hbm>>, %arg7: memref<2x10000x128xf32, #tpu.memory_space<hbm>>, %arg8: memref<80xi32, #tpu.memory_space<vmem>>, %arg9: memref<80xi32, #tpu.memory_space<vmem>>, %arg10: memref<80xi32, #tpu.memory_space<vmem>>, %arg11: memref<80x128xf32, #tpu.memory_space<vmem>>, %arg12: memref<80x128xf32, #tpu.memory_space<vmem>>, %arg13: memref<200x128xf32, #tpu.memory_space<vmem>>, %arg14: memref<10000x128xf32, #tpu.memory_space<vmem_shared>>, %arg15: memref<!tpu.dma_semaphore, #tpu.memory_space<semaphore_mem>>) attributes {dimension_semantics = [#tpu.dimension_semantics<core_parallel>, #tpu.dimension_semantics<subcore_parallel>], iteration_bounds = array<i64: 2, 16>, scalar_prefetch = 0 : i64, scratch_operands = 8 : i64, tpu.core_type = #tpu.core_type<sc_vector_subcore>, window_params = [{transform_indices = #map}, {transform_indices = #map}, {transform_indices = #map1}, {transform_indices = #map1}, {transform_indices = #map1}, {transform_indices = #map2}]} {
    %mul3A = arith.constant 2 : i32
    %mul3A_0 = arith.muli %arg1, %mul3A : i32
    %add3A = arith.addi %mul3A_0, %arg0 : i32
    %broadcast_in_dim3A = arith.constant 0.000000e+00 : f32
    %broadcast_in_dim3A_1 = vector.broadcast %broadcast_in_dim3A : f32 to vector<16xf32>
    %scan3A = arith.constant 0 : i32
    %scan3A_2 = arith.constant 0 : i32
    %scan3A_3 = arith.constant 200 : i32
    %scan3A_4 = arith.addi %scan3A_2, %scan3A_3 : i32
    %scan3A_5 = arith.constant 1 : i32
    %scan3A_6 = scf.for %scan3A_69 = %scan3A_2 to %scan3A_4 step %scan3A_5 iter_args(%scan3A_70 = %scan3A) -> (i32)  : i32 {
      %swap3A = arith.index_cast %scan3A_69 : i32 to index
      %swap3A_71 = arith.constant 0 : index
      %swap3A_72 = tpu.vector_load %arg13[%swap3A, %swap3A_71] {strides = array<i32>} : memref<200x128xf32, #tpu.memory_space<vmem>>, vector<1x16xf32>,
      %swap3A_73 = vector.shape_cast %swap3A_72 : vector<1x16xf32> to vector<16xf32>
      %swap3A_74 = vector.shape_cast %broadcast_in_dim3A_1 : vector<16xf32> to vector<1x16xf32>
      tpu.vector_store %arg13[%swap3A, %swap3A_71], %swap3A_74 {strides = array<i32>} : memref<200x128xf32, #tpu.memory_space<vmem>>, vector<1x16xf32>,
      %swap3A_75 = arith.index_cast %scan3A_69 : i32 to index
      %swap3A_76 = arith.constant 16 : index
      %swap3A_77 = tpu.vector_load %arg13[%swap3A_75, %swap3A_76] {strides = array<i32>} : memref<200x128xf32, #tpu.memory_space<vmem>>, vector<1x16xf32>,
      %swap3A_78 = vector.shape_cast %swap3A_77 : vector<1x16xf32> to vector<16xf32>
      %swap3A_79 = vector.shape_cast %broadcast_in_dim3A_1 : vector<16xf32> to vector<1x16xf32>
      tpu.vector_store %arg13[%swap3A_75, %swap3A_76], %swap3A_79 {strides = array<i32>} : memref<200x128xf32, #tpu.memory_space<vmem>>, vector<1x16xf32>,
      %swap3A_80 = arith.index_cast %scan3A_69 : i32 to index
      %swap3A_81 = arith.constant 32 : index
      %swap3A_82 = tpu.vector_load %arg13[%swap3A_80, %swap3A_81] {strides = array<i32>} : memref<200x128xf32, #tpu.memory_space<vmem>>, vector<1x16xf32>,
      %swap3A_83 = vector.shape_cast %swap3A_82 : vector<1x16xf32> to vector<16xf32>
      %swap3A_84 = vector.shape_cast %broadcast_in_dim3A_1 : vector<16xf32> to vector<1x16xf32>
      tpu.vector_store %arg13[%swap3A_80, %swap3A_81], %swap3A_84 {strides = array<i32>} : memref<200x128xf32, #tpu.memory_space<vmem>>, vector<1x16xf32>,
      %swap3A_85 = arith.index_cast %scan3A_69 : i32 to index
      %swap3A_86 = arith.constant 48 : index
      %swap3A_87 = tpu.vector_load %arg13[%swap3A_85, %swap3A_86] {strides = array<i32>} : memref<200x128xf32, #tpu.memory_space<vmem>>, vector<1x16xf32>,
      %swap3A_88 = vector.shape_cast %swap3A_87 : vector<1x16xf32> to vector<16xf32>
      %swap3A_89 = vector.shape_cast %broadcast_in_dim3A_1 : vector<16xf32> to vector<1x16xf32>
      tpu.vector_store %arg13[%swap3A_85, %swap3A_86], %swap3A_89 {strides = array<i32>} : memref<200x128xf32, #tpu.memory_space<vmem>>, vector<1x16xf32>,
      %swap3A_90 = arith.index_cast %scan3A_69 : i32 to index
      %swap3A_91 = arith.constant 64 : index
      %swap3A_92 = tpu.vector_load %arg13[%swap3A_90, %swap3A_91] {strides = array<i32>} : memref<200x128xf32, #tpu.memory_space<vmem>>, vector<1x16xf32>,
      %swap3A_93 = vector.shape_cast %swap3A_92 : vector<1x16xf32> to vector<16xf32>
      %swap3A_94 = vector.shape_cast %broadcast_in_dim3A_1 : vector<16xf32> to vector<1x16xf32>
      tpu.vector_store %arg13[%swap3A_90, %swap3A_91], %swap3A_94 {strides = array<i32>} : memref<200x128xf32, #tpu.memory_space<vmem>>, vector<1x16xf32>,
      %swap3A_95 = arith.index_cast %scan3A_69 : i32 to index
      %swap3A_96 = arith.constant 80 : index
      %swap3A_97 = tpu.vector_load %arg13[%swap3A_95, %swap3A_96] {strides = array<i32>} : memref<200x128xf32, #tpu.memory_space<vmem>>, vector<1x16xf32>,
      %swap3A_98 = vector.shape_cast %swap3A_97 : vector<1x16xf32> to vector<16xf32>
      %swap3A_99 = vector.shape_cast %broadcast_in_dim3A_1 : vector<16xf32> to vector<1x16xf32>
      tpu.vector_store %arg13[%swap3A_95, %swap3A_96], %swap3A_99 {strides = array<i32>} : memref<200x128xf32, #tpu.memory_space<vmem>>, vector<1x16xf32>,
      %swap3A_100 = arith.index_cast %scan3A_69 : i32 to index
      %swap3A_101 = arith.constant 96 : index
      %swap3A_102 = tpu.vector_load %arg13[%swap3A_100, %swap3A_101] {strides = array<i32>} : memref<200x128xf32, #tpu.memory_space<vmem>>, vector<1x16xf32>,
      %swap3A_103 = vector.shape_cast %swap3A_102 : vector<1x16xf32> to vector<16xf32>
      %swap3A_104 = vector.shape_cast %broadcast_in_dim3A_1 : vector<16xf32> to vector<1x16xf32>
      tpu.vector_store %arg13[%swap3A_100, %swap3A_101], %swap3A_104 {strides = array<i32>} : memref<200x128xf32, #tpu.memory_space<vmem>>, vector<1x16xf32>,
      %swap3A_105 = arith.index_cast %scan3A_69 : i32 to index
      %swap3A_106 = arith.constant 112 : index
      %swap3A_107 = tpu.vector_load %arg13[%swap3A_105, %swap3A_106] {strides = array<i32>} : memref<200x128xf32, #tpu.memory_space<vmem>>, vector<1x16xf32>,
      %swap3A_108 = vector.shape_cast %swap3A_107 : vector<1x16xf32> to vector<16xf32>
      %swap3A_109 = vector.shape_cast %broadcast_in_dim3A_1 : vector<16xf32> to vector<1x16xf32>
      tpu.vector_store %arg13[%swap3A_105, %swap3A_106], %swap3A_109 {strides = array<i32>} : memref<200x128xf32, #tpu.memory_space<vmem>>, vector<1x16xf32>,
      %scan3A_110 = arith.constant 0 : i32
      scf.yield %scan3A_110 : i32
    }
    %scan3A_7 = arith.constant 200 : i32
    %add3A_8 = arith.constant 0 : i32
    %add3A_9 = arith.addi %arg1, %add3A_8 : i32
    %lt3A = arith.constant 50 : i32
    %lt3A_10 = arith.cmpi slt, %add3A_9, %lt3A : i32
    %convert_element_type3A = arith.extui %lt3A_10 : i1 to i32
    %cond3A = arith.constant 0 : i32
    %cond3A_11 = arith.cmpi ne, %convert_element_type3A, %cond3A : i32
    scf.if %cond3A_11 {
      %mul3A_69 = arith.constant 200 : i32
      %mul3A_70 = arith.muli %add3A_9, %mul3A_69 : i32
      "tpu.region"() ({
        %run_scoped3A = tpu.sem_alloc : memref<!tpu.dma_semaphore, #tpu.memory_space<semaphore_mem>>
        %dma_start3A = arith.constant 0 : i32
        %dma_start3A_71 = tpu.memref_slice %arg14[%mul3A_70, %dma_start3A] : memref<10000x128xf32, #tpu.memory_space<vmem_shared>> -> memref<200x128xf32, #tpu.memory_space<vmem_shared>>
        %dma_start3A_72 = arith.constant 0 : i32
        %dma_start3A_73 = tpu.memref_slice %arg14[%mul3A_70, %dma_start3A_72] : memref<10000x128xf32, #tpu.memory_space<vmem_shared>> -> memref<200x128xf32, #tpu.memory_space<vmem_shared>>
        tpu.enqueue_dma source(%arg13 : memref<200x128xf32, #tpu.memory_space<vmem>>) target(%dma_start3A_73 : memref<200x128xf32, #tpu.memory_space<vmem_shared>>) target_semaphore(%run_scoped3A : memref<!tpu.dma_semaphore, #tpu.memory_space<semaphore_mem>>)
        %dma_wait3A = arith.constant 0 : i32
        %dma_wait3A_74 = tpu.memref_slice %arg14[%mul3A_70, %dma_wait3A] : memref<10000x128xf32, #tpu.memory_space<vmem_shared>> -> memref<200x128xf32, #tpu.memory_space<vmem_shared>>
        %dma_wait3A_75 = arith.constant 0 : i32
        %dma_wait3A_76 = tpu.memref_slice %arg14[%mul3A_70, %dma_wait3A_75] : memref<10000x128xf32, #tpu.memory_space<vmem_shared>> -> memref<200x128xf32, #tpu.memory_space<vmem_shared>>
        tpu.wait_dma2 semaphore(%run_scoped3A : memref<!tpu.dma_semaphore, #tpu.memory_space<semaphore_mem>>) src(%arg13 : memref<200x128xf32, #tpu.memory_space<vmem>>) dst(%dma_wait3A_76 : memref<200x128xf32, #tpu.memory_space<vmem_shared>>)
        tpu.yield
      }) : () -> ()
    } else {
    }
    %add3A_12 = arith.constant 16 : i32
    %add3A_13 = arith.addi %arg1, %add3A_12 : i32
    %lt3A_14 = arith.constant 50 : i32
    %lt3A_15 = arith.cmpi slt, %add3A_13, %lt3A_14 : i32
    %convert_element_type3A_16 = arith.extui %lt3A_15 : i1 to i32
    %cond3A_17 = arith.constant 0 : i32
    %cond3A_18 = arith.cmpi ne, %convert_element_type3A_16, %cond3A_17 : i32
    scf.if %cond3A_18 {
      %mul3A_69 = arith.constant 200 : i32
      %mul3A_70 = arith.muli %add3A_13, %mul3A_69 : i32
      "tpu.region"() ({
        %run_scoped3A = tpu.sem_alloc : memref<!tpu.dma_semaphore, #tpu.memory_space<semaphore_mem>>
        %dma_start3A = arith.constant 0 : i32
        %dma_start3A_71 = tpu.memref_slice %arg14[%mul3A_70, %dma_start3A] : memref<10000x128xf32, #tpu.memory_space<vmem_shared>> -> memref<200x128xf32, #tpu.memory_space<vmem_shared>>
        %dma_start3A_72 = arith.constant 0 : i32
        %dma_start3A_73 = tpu.memref_slice %arg14[%mul3A_70, %dma_start3A_72] : memref<10000x128xf32, #tpu.memory_space<vmem_shared>> -> memref<200x128xf32, #tpu.memory_space<vmem_shared>>
        tpu.enqueue_dma source(%arg13 : memref<200x128xf32, #tpu.memory_space<vmem>>) target(%dma_start3A_73 : memref<200x128xf32, #tpu.memory_space<vmem_shared>>) target_semaphore(%run_scoped3A : memref<!tpu.dma_semaphore, #tpu.memory_space<semaphore_mem>>)
        %dma_wait3A = arith.constant 0 : i32
        %dma_wait3A_74 = tpu.memref_slice %arg14[%mul3A_70, %dma_wait3A] : memref<10000x128xf32, #tpu.memory_space<vmem_shared>> -> memref<200x128xf32, #tpu.memory_space<vmem_shared>>
        %dma_wait3A_75 = arith.constant 0 : i32
        %dma_wait3A_76 = tpu.memref_slice %arg14[%mul3A_70, %dma_wait3A_75] : memref<10000x128xf32, #tpu.memory_space<vmem_shared>> -> memref<200x128xf32, #tpu.memory_space<vmem_shared>>
        tpu.wait_dma2 semaphore(%run_scoped3A : memref<!tpu.dma_semaphore, #tpu.memory_space<semaphore_mem>>) src(%arg13 : memref<200x128xf32, #tpu.memory_space<vmem>>) dst(%dma_wait3A_76 : memref<200x128xf32, #tpu.memory_space<vmem_shared>>)
        tpu.yield
      }) : () -> ()
    } else {
    }
    %add3A_19 = arith.constant 32 : i32
    %add3A_20 = arith.addi %arg1, %add3A_19 : i32
    %lt3A_21 = arith.constant 50 : i32
    %lt3A_22 = arith.cmpi slt, %add3A_20, %lt3A_21 : i32
    %convert_element_type3A_23 = arith.extui %lt3A_22 : i1 to i32
    %cond3A_24 = arith.constant 0 : i32
    %cond3A_25 = arith.cmpi ne, %convert_element_type3A_23, %cond3A_24 : i32
    scf.if %cond3A_25 {
      %mul3A_69 = arith.constant 200 : i32
      %mul3A_70 = arith.muli %add3A_20, %mul3A_69 : i32
      "tpu.region"() ({
        %run_scoped3A = tpu.sem_alloc : memref<!tpu.dma_semaphore, #tpu.memory_space<semaphore_mem>>
        %dma_start3A = arith.constant 0 : i32
        %dma_start3A_71 = tpu.memref_slice %arg14[%mul3A_70, %dma_start3A] : memref<10000x128xf32, #tpu.memory_space<vmem_shared>> -> memref<200x128xf32, #tpu.memory_space<vmem_shared>>
        %dma_start3A_72 = arith.constant 0 : i32
        %dma_start3A_73 = tpu.memref_slice %arg14[%mul3A_70, %dma_start3A_72] : memref<10000x128xf32, #tpu.memory_space<vmem_shared>> -> memref<200x128xf32, #tpu.memory_space<vmem_shared>>
        tpu.enqueue_dma source(%arg13 : memref<200x128xf32, #tpu.memory_space<vmem>>) target(%dma_start3A_73 : memref<200x128xf32, #tpu.memory_space<vmem_shared>>) target_semaphore(%run_scoped3A : memref<!tpu.dma_semaphore, #tpu.memory_space<semaphore_mem>>)
        %dma_wait3A = arith.constant 0 : i32
        %dma_wait3A_74 = tpu.memref_slice %arg14[%mul3A_70, %dma_wait3A] : memref<10000x128xf32, #tpu.memory_space<vmem_shared>> -> memref<200x128xf32, #tpu.memory_space<vmem_shared>>
        %dma_wait3A_75 = arith.constant 0 : i32
        %dma_wait3A_76 = tpu.memref_slice %arg14[%mul3A_70, %dma_wait3A_75] : memref<10000x128xf32, #tpu.memory_space<vmem_shared>> -> memref<200x128xf32, #tpu.memory_space<vmem_shared>>
        tpu.wait_dma2 semaphore(%run_scoped3A : memref<!tpu.dma_semaphore, #tpu.memory_space<semaphore_mem>>) src(%arg13 : memref<200x128xf32, #tpu.memory_space<vmem>>) dst(%dma_wait3A_76 : memref<200x128xf32, #tpu.memory_space<vmem_shared>>)
        tpu.yield
      }) : () -> ()
    } else {
    }
    %add3A_26 = arith.constant 48 : i32
    %add3A_27 = arith.addi %arg1, %add3A_26 : i32
    %lt3A_28 = arith.constant 50 : i32
    %lt3A_29 = arith.cmpi slt, %add3A_27, %lt3A_28 : i32
    %convert_element_type3A_30 = arith.extui %lt3A_29 : i1 to i32
    %cond3A_31 = arith.constant 0 : i32
    %cond3A_32 = arith.cmpi ne, %convert_element_type3A_30, %cond3A_31 : i32
    scf.if %cond3A_32 {
      %mul3A_69 = arith.constant 200 : i32
      %mul3A_70 = arith.muli %add3A_27, %mul3A_69 : i32
      "tpu.region"() ({
        %run_scoped3A = tpu.sem_alloc : memref<!tpu.dma_semaphore, #tpu.memory_space<semaphore_mem>>
        %dma_start3A = arith.constant 0 : i32
        %dma_start3A_71 = tpu.memref_slice %arg14[%mul3A_70, %dma_start3A] : memref<10000x128xf32, #tpu.memory_space<vmem_shared>> -> memref<200x128xf32, #tpu.memory_space<vmem_shared>>
        %dma_start3A_72 = arith.constant 0 : i32
        %dma_start3A_73 = tpu.memref_slice %arg14[%mul3A_70, %dma_start3A_72] : memref<10000x128xf32, #tpu.memory_space<vmem_shared>> -> memref<200x128xf32, #tpu.memory_space<vmem_shared>>
        tpu.enqueue_dma source(%arg13 : memref<200x128xf32, #tpu.memory_space<vmem>>) target(%dma_start3A_73 : memref<200x128xf32, #tpu.memory_space<vmem_shared>>) target_semaphore(%run_scoped3A : memref<!tpu.dma_semaphore, #tpu.memory_space<semaphore_mem>>)
        %dma_wait3A = arith.constant 0 : i32
        %dma_wait3A_74 = tpu.memref_slice %arg14[%mul3A_70, %dma_wait3A] : memref<10000x128xf32, #tpu.memory_space<vmem_shared>> -> memref<200x128xf32, #tpu.memory_space<vmem_shared>>
        %dma_wait3A_75 = arith.constant 0 : i32
        %dma_wait3A_76 = tpu.memref_slice %arg14[%mul3A_70, %dma_wait3A_75] : memref<10000x128xf32, #tpu.memory_space<vmem_shared>> -> memref<200x128xf32, #tpu.memory_space<vmem_shared>>
        tpu.wait_dma2 semaphore(%run_scoped3A : memref<!tpu.dma_semaphore, #tpu.memory_space<semaphore_mem>>) src(%arg13 : memref<200x128xf32, #tpu.memory_space<vmem>>) dst(%dma_wait3A_76 : memref<200x128xf32, #tpu.memory_space<vmem_shared>>)
        tpu.yield
      }) : () -> ()
    } else {
    }
    %barrier3A = arith.constant 0 : index
    tpu.barrier barrier_id(%barrier3A)
    %scan3A_33 = arith.constant 0 : i32
    %scan3A_34 = arith.constant 0 : i32
    %scan3A_35 = arith.constant 125 : i32
    %scan3A_36 = arith.addi %scan3A_34, %scan3A_35 : i32
    %scan3A_37 = arith.constant 1 : i32
    %scan3A_38 = scf.for %scan3A_69 = %scan3A_34 to %scan3A_36 step %scan3A_37 iter_args(%scan3A_70 = %scan3A_33) -> (i32)  : i32 {
      %mul3A_71 = arith.constant 10000 : i32
      %mul3A_72 = arith.muli %add3A, %mul3A_71 : i32
      %mul3A_73 = arith.constant 80 : i32
      %mul3A_74 = arith.muli %scan3A_69, %mul3A_73 : i32
      %add3A_75 = arith.addi %mul3A_72, %mul3A_74 : i32
      "tpu.region"() ({
        %run_scoped3A = tpu.sem_alloc : memref<!tpu.dma_semaphore, #tpu.memory_space<semaphore_mem>>
        %dma_start3A_102 = tpu.memref_slice %arg6[%add3A_75] : memref<320000xi32, #tpu.memory_space<hbm>> -> memref<80xi32, #tpu.memory_space<hbm>>
        %dma_start3A_103 = tpu.memref_slice %arg6[%add3A_75] : memref<320000xi32, #tpu.memory_space<hbm>> -> memref<80xi32, #tpu.memory_space<hbm>>
        tpu.enqueue_dma source(%dma_start3A_103 : memref<80xi32, #tpu.memory_space<hbm>>) target(%arg8 : memref<80xi32, #tpu.memory_space<vmem>>) target_semaphore(%run_scoped3A : memref<!tpu.dma_semaphore, #tpu.memory_space<semaphore_mem>>)
        %dma_wait3A_104 = tpu.memref_slice %arg6[%add3A_75] : memref<320000xi32, #tpu.memory_space<hbm>> -> memref<80xi32, #tpu.memory_space<hbm>>
        %dma_wait3A_105 = tpu.memref_slice %arg6[%add3A_75] : memref<320000xi32, #tpu.memory_space<hbm>> -> memref<80xi32, #tpu.memory_space<hbm>>
        tpu.wait_dma2 semaphore(%run_scoped3A : memref<!tpu.dma_semaphore, #tpu.memory_space<semaphore_mem>>) src(%dma_wait3A_105 : memref<80xi32, #tpu.memory_space<hbm>>) dst(%arg8 : memref<80xi32, #tpu.memory_space<vmem>>)
        tpu.yield
      }) : () -> ()
      %dma_start3A = arith.constant 0 : i32
      %dma_start3A_76 = tpu.memref_slice %arg4[%dma_start3A] : memref<320000xi32, #tpu.memory_space<hbm>> -> memref<320000xi32, #tpu.memory_space<hbm>>
      tpu.enqueue_indirect_dma source(%dma_start3A_76 : memref<320000xi32, #tpu.memory_space<hbm>>) target(%arg9 : memref<80xi32, #tpu.memory_space<vmem>>) offsets(%arg8 : memref<80xi32, #tpu.memory_space<vmem>>) semaphore(%arg15 : memref<!tpu.dma_semaphore, #tpu.memory_space<semaphore_mem>>)
      %dma_wait3A = arith.constant 0 : i32
      %dma_wait3A_77 = tpu.memref_slice %arg4[%dma_wait3A] : memref<320000xi32, #tpu.memory_space<hbm>> -> memref<320000xi32, #tpu.memory_space<hbm>>
      tpu.wait_indirect_dma semaphore(%arg15 : memref<!tpu.dma_semaphore, #tpu.memory_space<semaphore_mem>>) src(%dma_wait3A_77 : memref<320000xi32, #tpu.memory_space<hbm>>) dst(%arg9 : memref<80xi32, #tpu.memory_space<vmem>>)
      %dma_start3A_78 = arith.constant 0 : i32
      %dma_start3A_79 = tpu.memref_slice %arg5[%dma_start3A_78] : memref<320000xi32, #tpu.memory_space<hbm>> -> memref<320000xi32, #tpu.memory_space<hbm>>
      tpu.enqueue_indirect_dma source(%dma_start3A_79 : memref<320000xi32, #tpu.memory_space<hbm>>) target(%arg10 : memref<80xi32, #tpu.memory_space<vmem>>) offsets(%arg8 : memref<80xi32, #tpu.memory_space<vmem>>) semaphore(%arg15 : memref<!tpu.dma_semaphore, #tpu.memory_space<semaphore_mem>>)
      %dma_wait3A_80 = arith.constant 0 : i32
      %dma_wait3A_81 = tpu.memref_slice %arg5[%dma_wait3A_80] : memref<320000xi32, #tpu.memory_space<hbm>> -> memref<320000xi32, #tpu.memory_space<hbm>>
      tpu.wait_indirect_dma semaphore(%arg15 : memref<!tpu.dma_semaphore, #tpu.memory_space<semaphore_mem>>) src(%dma_wait3A_81 : memref<320000xi32, #tpu.memory_space<hbm>>) dst(%arg10 : memref<80xi32, #tpu.memory_space<vmem>>)
      %dma_start3A_82 = arith.constant 0 : i32
      %dma_start3A_83 = arith.constant 0 : i32
      %dma_start3A_84 = tpu.memref_slice %arg3[%dma_start3A_82, %dma_start3A_83] : memref<320000x128xf32, #tpu.memory_space<hbm>> -> memref<320000x128xf32, #tpu.memory_space<hbm>>
      tpu.enqueue_indirect_dma source(%dma_start3A_84 : memref<320000x128xf32, #tpu.memory_space<hbm>>) target(%arg12 : memref<80x128xf32, #tpu.memory_space<vmem>>) offsets(%arg8 : memref<80xi32, #tpu.memory_space<vmem>>) semaphore(%arg15 : memref<!tpu.dma_semaphore, #tpu.memory_space<semaphore_mem>>)
      %dma_wait3A_85 = arith.constant 0 : i32
      %dma_wait3A_86 = arith.constant 0 : i32
      %dma_wait3A_87 = tpu.memref_slice %arg3[%dma_wait3A_85, %dma_wait3A_86] : memref<320000x128xf32, #tpu.memory_space<hbm>> -> memref<320000x128xf32, #tpu.memory_space<hbm>>
      tpu.wait_indirect_dma semaphore(%arg15 : memref<!tpu.dma_semaphore, #tpu.memory_space<semaphore_mem>>) src(%dma_wait3A_87 : memref<320000x128xf32, #tpu.memory_space<hbm>>) dst(%arg12 : memref<80x128xf32, #tpu.memory_space<vmem>>)
      %dma_start3A_88 = arith.constant 0 : i32
      %dma_start3A_89 = arith.constant 0 : i32
      %dma_start3A_90 = tpu.memref_slice %arg2[%dma_start3A_88, %dma_start3A_89] : memref<10000x128xf32, #tpu.memory_space<hbm>> -> memref<10000x128xf32, #tpu.memory_space<hbm>>
      tpu.enqueue_indirect_dma source(%dma_start3A_90 : memref<10000x128xf32, #tpu.memory_space<hbm>>) target(%arg11 : memref<80x128xf32, #tpu.memory_space<vmem>>) offsets(%arg9 : memref<80xi32, #tpu.memory_space<vmem>>) semaphore(%arg15 : memref<!tpu.dma_semaphore, #tpu.memory_space<semaphore_mem>>)
      %dma_wait3A_91 = arith.constant 0 : i32
      %dma_wait3A_92 = arith.constant 0 : i32
      %dma_wait3A_93 = tpu.memref_slice %arg2[%dma_wait3A_91, %dma_wait3A_92] : memref<10000x128xf32, #tpu.memory_space<hbm>> -> memref<10000x128xf32, #tpu.memory_space<hbm>>
      tpu.wait_indirect_dma semaphore(%arg15 : memref<!tpu.dma_semaphore, #tpu.memory_space<semaphore_mem>>) src(%dma_wait3A_93 : memref<10000x128xf32, #tpu.memory_space<hbm>>) dst(%arg11 : memref<80x128xf32, #tpu.memory_space<vmem>>)
      %scan3A_94 = arith.constant 0 : i32
      %scan3A_95 = arith.constant 0 : i32
      %scan3A_96 = arith.constant 80 : i32
      %scan3A_97 = arith.addi %scan3A_95, %scan3A_96 : i32
      %scan3A_98 = arith.constant 1 : i32
      %scan3A_99 = scf.for %scan3A_102 = %scan3A_95 to %scan3A_97 step %scan3A_98 iter_args(%scan3A_103 = %scan3A_94) -> (i32)  : i32 {
        %get3A = arith.index_cast %scan3A_102 : i32 to index
        %get3A_104 = arith.constant 0 : index
        %get3A_105 = tpu.vector_load %arg11[%get3A, %get3A_104] {strides = array<i32>} : memref<80x128xf32, #tpu.memory_space<vmem>>, vector<1x16xf32>,
        %get3A_106 = vector.shape_cast %get3A_105 : vector<1x16xf32> to vector<16xf32>
        %get3A_107 = arith.index_cast %scan3A_102 : i32 to index
        %get3A_108 = arith.constant 0 : index
        %get3A_109 = tpu.vector_load %arg12[%get3A_107, %get3A_108] {strides = array<i32>} : memref<80x128xf32, #tpu.memory_space<vmem>>, vector<1x16xf32>,
        %get3A_110 = vector.shape_cast %get3A_109 : vector<1x16xf32> to vector<16xf32>
        %add3A_111 = arith.addf %get3A_106, %get3A_110 : vector<16xf32>
        %max3A = arith.constant 0.000000e+00 : f32
        %max3A_112 = vector.broadcast %max3A : f32 to vector<16xf32>
        %max3A_113 = arith.maximumf %add3A_111, %max3A_112 : vector<16xf32>
        %swap3A = arith.index_cast %scan3A_102 : i32 to index
        %swap3A_114 = arith.constant 0 : index
        %swap3A_115 = tpu.vector_load %arg11[%swap3A, %swap3A_114] {strides = array<i32>} : memref<80x128xf32, #tpu.memory_space<vmem>>, vector<1x16xf32>,
        %swap3A_116 = vector.shape_cast %swap3A_115 : vector<1x16xf32> to vector<16xf32>
        %swap3A_117 = vector.shape_cast %max3A_113 : vector<16xf32> to vector<1x16xf32>
        tpu.vector_store %arg11[%swap3A, %swap3A_114], %swap3A_117 {strides = array<i32>} : memref<80x128xf32, #tpu.memory_space<vmem>>, vector<1x16xf32>,
        %get3A_118 = arith.index_cast %scan3A_102 : i32 to index
        %get3A_119 = arith.constant 16 : index
        %get3A_120 = tpu.vector_load %arg11[%get3A_118, %get3A_119] {strides = array<i32>} : memref<80x128xf32, #tpu.memory_space<vmem>>, vector<1x16xf32>,
        %get3A_121 = vector.shape_cast %get3A_120 : vector<1x16xf32> to vector<16xf32>
        %get3A_122 = arith.index_cast %scan3A_102 : i32 to index
        %get3A_123 = arith.constant 16 : index
        %get3A_124 = tpu.vector_load %arg12[%get3A_122, %get3A_123] {strides = array<i32>} : memref<80x128xf32, #tpu.memory_space<vmem>>, vector<1x16xf32>,
        %get3A_125 = vector.shape_cast %get3A_124 : vector<1x16xf32> to vector<16xf32>
        %add3A_126 = arith.addf %get3A_121, %get3A_125 : vector<16xf32>
        %max3A_127 = arith.constant 0.000000e+00 : f32
        %max3A_128 = vector.broadcast %max3A_127 : f32 to vector<16xf32>
        %max3A_129 = arith.maximumf %add3A_126, %max3A_128 : vector<16xf32>
        %swap3A_130 = arith.index_cast %scan3A_102 : i32 to index
        %swap3A_131 = arith.constant 16 : index
        %swap3A_132 = tpu.vector_load %arg11[%swap3A_130, %swap3A_131] {strides = array<i32>} : memref<80x128xf32, #tpu.memory_space<vmem>>, vector<1x16xf32>,
        %swap3A_133 = vector.shape_cast %swap3A_132 : vector<1x16xf32> to vector<16xf32>
        %swap3A_134 = vector.shape_cast %max3A_129 : vector<16xf32> to vector<1x16xf32>
        tpu.vector_store %arg11[%swap3A_130, %swap3A_131], %swap3A_134 {strides = array<i32>} : memref<80x128xf32, #tpu.memory_space<vmem>>, vector<1x16xf32>,
        %get3A_135 = arith.index_cast %scan3A_102 : i32 to index
        %get3A_136 = arith.constant 32 : index
        %get3A_137 = tpu.vector_load %arg11[%get3A_135, %get3A_136] {strides = array<i32>} : memref<80x128xf32, #tpu.memory_space<vmem>>, vector<1x16xf32>,
        %get3A_138 = vector.shape_cast %get3A_137 : vector<1x16xf32> to vector<16xf32>
        %get3A_139 = arith.index_cast %scan3A_102 : i32 to index
        %get3A_140 = arith.constant 32 : index
        %get3A_141 = tpu.vector_load %arg12[%get3A_139, %get3A_140] {strides = array<i32>} : memref<80x128xf32, #tpu.memory_space<vmem>>, vector<1x16xf32>,
        %get3A_142 = vector.shape_cast %get3A_141 : vector<1x16xf32> to vector<16xf32>
        %add3A_143 = arith.addf %get3A_138, %get3A_142 : vector<16xf32>
        %max3A_144 = arith.constant 0.000000e+00 : f32
        %max3A_145 = vector.broadcast %max3A_144 : f32 to vector<16xf32>
        %max3A_146 = arith.maximumf %add3A_143, %max3A_145 : vector<16xf32>
        %swap3A_147 = arith.index_cast %scan3A_102 : i32 to index
        %swap3A_148 = arith.constant 32 : index
        %swap3A_149 = tpu.vector_load %arg11[%swap3A_147, %swap3A_148] {strides = array<i32>} : memref<80x128xf32, #tpu.memory_space<vmem>>, vector<1x16xf32>,
        %swap3A_150 = vector.shape_cast %swap3A_149 : vector<1x16xf32> to vector<16xf32>
        %swap3A_151 = vector.shape_cast %max3A_146 : vector<16xf32> to vector<1x16xf32>
        tpu.vector_store %arg11[%swap3A_147, %swap3A_148], %swap3A_151 {strides = array<i32>} : memref<80x128xf32, #tpu.memory_space<vmem>>, vector<1x16xf32>,
        %get3A_152 = arith.index_cast %scan3A_102 : i32 to index
        %get3A_153 = arith.constant 48 : index
        %get3A_154 = tpu.vector_load %arg11[%get3A_152, %get3A_153] {strides = array<i32>} : memref<80x128xf32, #tpu.memory_space<vmem>>, vector<1x16xf32>,
        %get3A_155 = vector.shape_cast %get3A_154 : vector<1x16xf32> to vector<16xf32>
        %get3A_156 = arith.index_cast %scan3A_102 : i32 to index
        %get3A_157 = arith.constant 48 : index
        %get3A_158 = tpu.vector_load %arg12[%get3A_156, %get3A_157] {strides = array<i32>} : memref<80x128xf32, #tpu.memory_space<vmem>>, vector<1x16xf32>,
        %get3A_159 = vector.shape_cast %get3A_158 : vector<1x16xf32> to vector<16xf32>
        %add3A_160 = arith.addf %get3A_155, %get3A_159 : vector<16xf32>
        %max3A_161 = arith.constant 0.000000e+00 : f32
        %max3A_162 = vector.broadcast %max3A_161 : f32 to vector<16xf32>
        %max3A_163 = arith.maximumf %add3A_160, %max3A_162 : vector<16xf32>
        %swap3A_164 = arith.index_cast %scan3A_102 : i32 to index
        %swap3A_165 = arith.constant 48 : index
        %swap3A_166 = tpu.vector_load %arg11[%swap3A_164, %swap3A_165] {strides = array<i32>} : memref<80x128xf32, #tpu.memory_space<vmem>>, vector<1x16xf32>,
        %swap3A_167 = vector.shape_cast %swap3A_166 : vector<1x16xf32> to vector<16xf32>
        %swap3A_168 = vector.shape_cast %max3A_163 : vector<16xf32> to vector<1x16xf32>
        tpu.vector_store %arg11[%swap3A_164, %swap3A_165], %swap3A_168 {strides = array<i32>} : memref<80x128xf32, #tpu.memory_space<vmem>>, vector<1x16xf32>,
        %get3A_169 = arith.index_cast %scan3A_102 : i32 to index
        %get3A_170 = arith.constant 64 : index
        %get3A_171 = tpu.vector_load %arg11[%get3A_169, %get3A_170] {strides = array<i32>} : memref<80x128xf32, #tpu.memory_space<vmem>>, vector<1x16xf32>,
        %get3A_172 = vector.shape_cast %get3A_171 : vector<1x16xf32> to vector<16xf32>
        %get3A_173 = arith.index_cast %scan3A_102 : i32 to index
        %get3A_174 = arith.constant 64 : index
        %get3A_175 = tpu.vector_load %arg12[%get3A_173, %get3A_174] {strides = array<i32>} : memref<80x128xf32, #tpu.memory_space<vmem>>, vector<1x16xf32>,
        %get3A_176 = vector.shape_cast %get3A_175 : vector<1x16xf32> to vector<16xf32>
        %add3A_177 = arith.addf %get3A_172, %get3A_176 : vector<16xf32>
        %max3A_178 = arith.constant 0.000000e+00 : f32
        %max3A_179 = vector.broadcast %max3A_178 : f32 to vector<16xf32>
        %max3A_180 = arith.maximumf %add3A_177, %max3A_179 : vector<16xf32>
        %swap3A_181 = arith.index_cast %scan3A_102 : i32 to index
        %swap3A_182 = arith.constant 64 : index
        %swap3A_183 = tpu.vector_load %arg11[%swap3A_181, %swap3A_182] {strides = array<i32>} : memref<80x128xf32, #tpu.memory_space<vmem>>, vector<1x16xf32>,
        %swap3A_184 = vector.shape_cast %swap3A_183 : vector<1x16xf32> to vector<16xf32>
        %swap3A_185 = vector.shape_cast %max3A_180 : vector<16xf32> to vector<1x16xf32>
        tpu.vector_store %arg11[%swap3A_181, %swap3A_182], %swap3A_185 {strides = array<i32>} : memref<80x128xf32, #tpu.memory_space<vmem>>, vector<1x16xf32>,
        %get3A_186 = arith.index_cast %scan3A_102 : i32 to index
        %get3A_187 = arith.constant 80 : index
        %get3A_188 = tpu.vector_load %arg11[%get3A_186, %get3A_187] {strides = array<i32>} : memref<80x128xf32, #tpu.memory_space<vmem>>, vector<1x16xf32>,
        %get3A_189 = vector.shape_cast %get3A_188 : vector<1x16xf32> to vector<16xf32>
        %get3A_190 = arith.index_cast %scan3A_102 : i32 to index
        %get3A_191 = arith.constant 80 : index
        %get3A_192 = tpu.vector_load %arg12[%get3A_190, %get3A_191] {strides = array<i32>} : memref<80x128xf32, #tpu.memory_space<vmem>>, vector<1x16xf32>,
        %get3A_193 = vector.shape_cast %get3A_192 : vector<1x16xf32> to vector<16xf32>
        %add3A_194 = arith.addf %get3A_189, %get3A_193 : vector<16xf32>
        %max3A_195 = arith.constant 0.000000e+00 : f32
        %max3A_196 = vector.broadcast %max3A_195 : f32 to vector<16xf32>
        %max3A_197 = arith.maximumf %add3A_194, %max3A_196 : vector<16xf32>
        %swap3A_198 = arith.index_cast %scan3A_102 : i32 to index
        %swap3A_199 = arith.constant 80 : index
        %swap3A_200 = tpu.vector_load %arg11[%swap3A_198, %swap3A_199] {strides = array<i32>} : memref<80x128xf32, #tpu.memory_space<vmem>>, vector<1x16xf32>,
        %swap3A_201 = vector.shape_cast %swap3A_200 : vector<1x16xf32> to vector<16xf32>
        %swap3A_202 = vector.shape_cast %max3A_197 : vector<16xf32> to vector<1x16xf32>
        tpu.vector_store %arg11[%swap3A_198, %swap3A_199], %swap3A_202 {strides = array<i32>} : memref<80x128xf32, #tpu.memory_space<vmem>>, vector<1x16xf32>,
        %get3A_203 = arith.index_cast %scan3A_102 : i32 to index
        %get3A_204 = arith.constant 96 : index
        %get3A_205 = tpu.vector_load %arg11[%get3A_203, %get3A_204] {strides = array<i32>} : memref<80x128xf32, #tpu.memory_space<vmem>>, vector<1x16xf32>,
        %get3A_206 = vector.shape_cast %get3A_205 : vector<1x16xf32> to vector<16xf32>
        %get3A_207 = arith.index_cast %scan3A_102 : i32 to index
        %get3A_208 = arith.constant 96 : index
        %get3A_209 = tpu.vector_load %arg12[%get3A_207, %get3A_208] {strides = array<i32>} : memref<80x128xf32, #tpu.memory_space<vmem>>, vector<1x16xf32>,
        %get3A_210 = vector.shape_cast %get3A_209 : vector<1x16xf32> to vector<16xf32>
        %add3A_211 = arith.addf %get3A_206, %get3A_210 : vector<16xf32>
        %max3A_212 = arith.constant 0.000000e+00 : f32
        %max3A_213 = vector.broadcast %max3A_212 : f32 to vector<16xf32>
        %max3A_214 = arith.maximumf %add3A_211, %max3A_213 : vector<16xf32>
        %swap3A_215 = arith.index_cast %scan3A_102 : i32 to index
        %swap3A_216 = arith.constant 96 : index
        %swap3A_217 = tpu.vector_load %arg11[%swap3A_215, %swap3A_216] {strides = array<i32>} : memref<80x128xf32, #tpu.memory_space<vmem>>, vector<1x16xf32>,
        %swap3A_218 = vector.shape_cast %swap3A_217 : vector<1x16xf32> to vector<16xf32>
        %swap3A_219 = vector.shape_cast %max3A_214 : vector<16xf32> to vector<1x16xf32>
        tpu.vector_store %arg11[%swap3A_215, %swap3A_216], %swap3A_219 {strides = array<i32>} : memref<80x128xf32, #tpu.memory_space<vmem>>, vector<1x16xf32>,
        %get3A_220 = arith.index_cast %scan3A_102 : i32 to index
        %get3A_221 = arith.constant 112 : index
        %get3A_222 = tpu.vector_load %arg11[%get3A_220, %get3A_221] {strides = array<i32>} : memref<80x128xf32, #tpu.memory_space<vmem>>, vector<1x16xf32>,
        %get3A_223 = vector.shape_cast %get3A_222 : vector<1x16xf32> to vector<16xf32>
        %get3A_224 = arith.index_cast %scan3A_102 : i32 to index
        %get3A_225 = arith.constant 112 : index
        %get3A_226 = tpu.vector_load %arg12[%get3A_224, %get3A_225] {strides = array<i32>} : memref<80x128xf32, #tpu.memory_space<vmem>>, vector<1x16xf32>,
        %get3A_227 = vector.shape_cast %get3A_226 : vector<1x16xf32> to vector<16xf32>
        %add3A_228 = arith.addf %get3A_223, %get3A_227 : vector<16xf32>
        %max3A_229 = arith.constant 0.000000e+00 : f32
        %max3A_230 = vector.broadcast %max3A_229 : f32 to vector<16xf32>
        %max3A_231 = arith.maximumf %add3A_228, %max3A_230 : vector<16xf32>
        %swap3A_232 = arith.index_cast %scan3A_102 : i32 to index
        %swap3A_233 = arith.constant 112 : index
        %swap3A_234 = tpu.vector_load %arg11[%swap3A_232, %swap3A_233] {strides = array<i32>} : memref<80x128xf32, #tpu.memory_space<vmem>>, vector<1x16xf32>,
        %swap3A_235 = vector.shape_cast %swap3A_234 : vector<1x16xf32> to vector<16xf32>
        %swap3A_236 = vector.shape_cast %max3A_231 : vector<16xf32> to vector<1x16xf32>
        tpu.vector_store %arg11[%swap3A_232, %swap3A_233], %swap3A_236 {strides = array<i32>} : memref<80x128xf32, #tpu.memory_space<vmem>>, vector<1x16xf32>,
        %scan3A_237 = arith.constant 0 : i32
        scf.yield %scan3A_237 : i32
      }
      %scan3A_100 = arith.constant 80 : i32
      "tpu.region"() ({
        %run_scoped3A = tpu.sem_alloc : memref<!tpu.dma_semaphore, #tpu.memory_space<semaphore_mem>>
        %dma_start3A_102 = arith.constant 0 : i32
        %dma_start3A_103 = arith.constant 0 : i32
        %dma_start3A_104 = tpu.memref_slice %arg14[%dma_start3A_102, %dma_start3A_103] : memref<10000x128xf32, #tpu.memory_space<vmem_shared>> -> memref<10000x128xf32, #tpu.memory_space<vmem_shared>>
        tpu.enqueue_indirect_dma source(%arg11 : memref<80x128xf32, #tpu.memory_space<vmem>>) target(%dma_start3A_104 : memref<10000x128xf32, #tpu.memory_space<vmem_shared>>) offsets(%arg10 : memref<80xi32, #tpu.memory_space<vmem>>) semaphore(%run_scoped3A : memref<!tpu.dma_semaphore, #tpu.memory_space<semaphore_mem>>) {add = true}
        %dma_wait3A_105 = arith.constant 0 : i32
        %dma_wait3A_106 = arith.constant 0 : i32
        %dma_wait3A_107 = tpu.memref_slice %arg14[%dma_wait3A_105, %dma_wait3A_106] : memref<10000x128xf32, #tpu.memory_space<vmem_shared>> -> memref<10000x128xf32, #tpu.memory_space<vmem_shared>>
        tpu.wait_indirect_dma semaphore(%run_scoped3A : memref<!tpu.dma_semaphore, #tpu.memory_space<semaphore_mem>>) src(%arg11 : memref<80x128xf32, #tpu.memory_space<vmem>>) dst(%dma_wait3A_107 : memref<10000x128xf32, #tpu.memory_space<vmem_shared>>)
        tpu.yield
      }) : () -> ()
      %scan3A_101 = arith.constant 0 : i32
      scf.yield %scan3A_101 : i32
    }
    %scan3A_39 = arith.constant 125 : i32
    %barrier3A_40 = arith.constant 0 : index
    tpu.barrier barrier_id(%barrier3A_40)
    %add3A_41 = arith.constant 0 : i32
    %add3A_42 = arith.addi %arg1, %add3A_41 : i32
    %lt3A_43 = arith.constant 50 : i32
    %lt3A_44 = arith.cmpi slt, %add3A_42, %lt3A_43 : i32
    %convert_element_type3A_45 = arith.extui %lt3A_44 : i1 to i32
    %cond3A_46 = arith.constant 0 : i32
    %cond3A_47 = arith.cmpi ne, %convert_element_type3A_45, %cond3A_46 : i32
    scf.if %cond3A_47 {
      %mul3A_69 = arith.constant 200 : i32
      %mul3A_70 = arith.muli %add3A_42, %mul3A_69 : i32
      "tpu.region"() ({
        %run_scoped3A = tpu.sem_alloc : memref<!tpu.dma_semaphore, #tpu.memory_space<semaphore_mem>>
        %dma_start3A = arith.constant 0 : i32
        %dma_start3A_71 = tpu.memref_slice %arg7[%arg0, %mul3A_70, %dma_start3A] : memref<2x10000x128xf32, #tpu.memory_space<hbm>> -> memref<1x200x128xf32, #tpu.memory_space<hbm>>
        %dma_start3A_72 = tpu.memref_squeeze %dma_start3A_71 : memref<1x200x128xf32, #tpu.memory_space<hbm>> -> memref<200x128xf32, #tpu.memory_space<hbm>>
        %dma_start3A_73 = arith.constant 0 : i32
        %dma_start3A_74 = tpu.memref_slice %arg14[%mul3A_70, %dma_start3A_73] : memref<10000x128xf32, #tpu.memory_space<vmem_shared>> -> memref<200x128xf32, #tpu.memory_space<vmem_shared>>
        tpu.enqueue_dma source(%dma_start3A_74 : memref<200x128xf32, #tpu.memory_space<vmem_shared>>) target(%dma_start3A_72 : memref<200x128xf32, #tpu.memory_space<hbm>>) target_semaphore(%run_scoped3A : memref<!tpu.dma_semaphore, #tpu.memory_space<semaphore_mem>>)
        %dma_wait3A = arith.constant 0 : i32
        %dma_wait3A_75 = tpu.memref_slice %arg7[%arg0, %mul3A_70, %dma_wait3A] : memref<2x10000x128xf32, #tpu.memory_space<hbm>> -> memref<1x200x128xf32, #tpu.memory_space<hbm>>
        %dma_wait3A_76 = tpu.memref_squeeze %dma_wait3A_75 : memref<1x200x128xf32, #tpu.memory_space<hbm>> -> memref<200x128xf32, #tpu.memory_space<hbm>>
        %dma_wait3A_77 = arith.constant 0 : i32
        %dma_wait3A_78 = tpu.memref_slice %arg14[%mul3A_70, %dma_wait3A_77] : memref<10000x128xf32, #tpu.memory_space<vmem_shared>> -> memref<200x128xf32, #tpu.memory_space<vmem_shared>>
        tpu.wait_dma2 semaphore(%run_scoped3A : memref<!tpu.dma_semaphore, #tpu.memory_space<semaphore_mem>>) src(%dma_wait3A_78 : memref<200x128xf32, #tpu.memory_space<vmem_shared>>) dst(%dma_wait3A_76 : memref<200x128xf32, #tpu.memory_space<hbm>>)
        tpu.yield
      }) : () -> ()
    } else {
    }
    %add3A_48 = arith.constant 16 : i32
    %add3A_49 = arith.addi %arg1, %add3A_48 : i32
    %lt3A_50 = arith.constant 50 : i32
    %lt3A_51 = arith.cmpi slt, %add3A_49, %lt3A_50 : i32
    %convert_element_type3A_52 = arith.extui %lt3A_51 : i1 to i32
    %cond3A_53 = arith.constant 0 : i32
    %cond3A_54 = arith.cmpi ne, %convert_element_type3A_52, %cond3A_53 : i32
    scf.if %cond3A_54 {
      %mul3A_69 = arith.constant 200 : i32
      %mul3A_70 = arith.muli %add3A_49, %mul3A_69 : i32
      "tpu.region"() ({
        %run_scoped3A = tpu.sem_alloc : memref<!tpu.dma_semaphore, #tpu.memory_space<semaphore_mem>>
        %dma_start3A = arith.constant 0 : i32
        %dma_start3A_71 = tpu.memref_slice %arg7[%arg0, %mul3A_70, %dma_start3A] : memref<2x10000x128xf32, #tpu.memory_space<hbm>> -> memref<1x200x128xf32, #tpu.memory_space<hbm>>
        %dma_start3A_72 = tpu.memref_squeeze %dma_start3A_71 : memref<1x200x128xf32, #tpu.memory_space<hbm>> -> memref<200x128xf32, #tpu.memory_space<hbm>>
        %dma_start3A_73 = arith.constant 0 : i32
        %dma_start3A_74 = tpu.memref_slice %arg14[%mul3A_70, %dma_start3A_73] : memref<10000x128xf32, #tpu.memory_space<vmem_shared>> -> memref<200x128xf32, #tpu.memory_space<vmem_shared>>
        tpu.enqueue_dma source(%dma_start3A_74 : memref<200x128xf32, #tpu.memory_space<vmem_shared>>) target(%dma_start3A_72 : memref<200x128xf32, #tpu.memory_space<hbm>>) target_semaphore(%run_scoped3A : memref<!tpu.dma_semaphore, #tpu.memory_space<semaphore_mem>>)
        %dma_wait3A = arith.constant 0 : i32
        %dma_wait3A_75 = tpu.memref_slice %arg7[%arg0, %mul3A_70, %dma_wait3A] : memref<2x10000x128xf32, #tpu.memory_space<hbm>> -> memref<1x200x128xf32, #tpu.memory_space<hbm>>
        %dma_wait3A_76 = tpu.memref_squeeze %dma_wait3A_75 : memref<1x200x128xf32, #tpu.memory_space<hbm>> -> memref<200x128xf32, #tpu.memory_space<hbm>>
        %dma_wait3A_77 = arith.constant 0 : i32
        %dma_wait3A_78 = tpu.memref_slice %arg14[%mul3A_70, %dma_wait3A_77] : memref<10000x128xf32, #tpu.memory_space<vmem_shared>> -> memref<200x128xf32, #tpu.memory_space<vmem_shared>>
        tpu.wait_dma2 semaphore(%run_scoped3A : memref<!tpu.dma_semaphore, #tpu.memory_space<semaphore_mem>>) src(%dma_wait3A_78 : memref<200x128xf32, #tpu.memory_space<vmem_shared>>) dst(%dma_wait3A_76 : memref<200x128xf32, #tpu.memory_space<hbm>>)
        tpu.yield
      }) : () -> ()
    } else {
    }
    %add3A_55 = arith.constant 32 : i32
    %add3A_56 = arith.addi %arg1, %add3A_55 : i32
    %lt3A_57 = arith.constant 50 : i32
    %lt3A_58 = arith.cmpi slt, %add3A_56, %lt3A_57 : i32
    %convert_element_type3A_59 = arith.extui %lt3A_58 : i1 to i32
    %cond3A_60 = arith.constant 0 : i32
    %cond3A_61 = arith.cmpi ne, %convert_element_type3A_59, %cond3A_60 : i32
    scf.if %cond3A_61 {
      %mul3A_69 = arith.constant 200 : i32
      %mul3A_70 = arith.muli %add3A_56, %mul3A_69 : i32
      "tpu.region"() ({
        %run_scoped3A = tpu.sem_alloc : memref<!tpu.dma_semaphore, #tpu.memory_space<semaphore_mem>>
        %dma_start3A = arith.constant 0 : i32
        %dma_start3A_71 = tpu.memref_slice %arg7[%arg0, %mul3A_70, %dma_start3A] : memref<2x10000x128xf32, #tpu.memory_space<hbm>> -> memref<1x200x128xf32, #tpu.memory_space<hbm>>
        %dma_start3A_72 = tpu.memref_squeeze %dma_start3A_71 : memref<1x200x128xf32, #tpu.memory_space<hbm>> -> memref<200x128xf32, #tpu.memory_space<hbm>>
        %dma_start3A_73 = arith.constant 0 : i32
        %dma_start3A_74 = tpu.memref_slice %arg14[%mul3A_70, %dma_start3A_73] : memref<10000x128xf32, #tpu.memory_space<vmem_shared>> -> memref<200x128xf32, #tpu.memory_space<vmem_shared>>
        tpu.enqueue_dma source(%dma_start3A_74 : memref<200x128xf32, #tpu.memory_space<vmem_shared>>) target(%dma_start3A_72 : memref<200x128xf32, #tpu.memory_space<hbm>>) target_semaphore(%run_scoped3A : memref<!tpu.dma_semaphore, #tpu.memory_space<semaphore_mem>>)
        %dma_wait3A = arith.constant 0 : i32
        %dma_wait3A_75 = tpu.memref_slice %arg7[%arg0, %mul3A_70, %dma_wait3A] : memref<2x10000x128xf32, #tpu.memory_space<hbm>> -> memref<1x200x128xf32, #tpu.memory_space<hbm>>
        %dma_wait3A_76 = tpu.memref_squeeze %dma_wait3A_75 : memref<1x200x128xf32, #tpu.memory_space<hbm>> -> memref<200x128xf32, #tpu.memory_space<hbm>>
        %dma_wait3A_77 = arith.constant 0 : i32
        %dma_wait3A_78 = tpu.memref_slice %arg14[%mul3A_70, %dma_wait3A_77] : memref<10000x128xf32, #tpu.memory_space<vmem_shared>> -> memref<200x128xf32, #tpu.memory_space<vmem_shared>>
        tpu.wait_dma2 semaphore(%run_scoped3A : memref<!tpu.dma_semaphore, #tpu.memory_space<semaphore_mem>>) src(%dma_wait3A_78 : memref<200x128xf32, #tpu.memory_space<vmem_shared>>) dst(%dma_wait3A_76 : memref<200x128xf32, #tpu.memory_space<hbm>>)
        tpu.yield
      }) : () -> ()
    } else {
    }
    %add3A_62 = arith.constant 48 : i32
    %add3A_63 = arith.addi %arg1, %add3A_62 : i32
    %lt3A_64 = arith.constant 50 : i32
    %lt3A_65 = arith.cmpi slt, %add3A_63, %lt3A_64 : i32
    %convert_element_type3A_66 = arith.extui %lt3A_65 : i1 to i32
    %cond3A_67 = arith.constant 0 : i32
    %cond3A_68 = arith.cmpi ne, %convert_element_type3A_66, %cond3A_67 : i32
    scf.if %cond3A_68 {
      %mul3A_69 = arith.constant 200 : i32
      %mul3A_70 = arith.muli %add3A_63, %mul3A_69 : i32
      "tpu.region"() ({
        %run_scoped3A = tpu.sem_alloc : memref<!tpu.dma_semaphore, #tpu.memory_space<semaphore_mem>>
        %dma_start3A = arith.constant 0 : i32
        %dma_start3A_71 = tpu.memref_slice %arg7[%arg0, %mul3A_70, %dma_start3A] : memref<2x10000x128xf32, #tpu.memory_space<hbm>> -> memref<1x200x128xf32, #tpu.memory_space<hbm>>
        %dma_start3A_72 = tpu.memref_squeeze %dma_start3A_71 : memref<1x200x128xf32, #tpu.memory_space<hbm>> -> memref<200x128xf32, #tpu.memory_space<hbm>>
        %dma_start3A_73 = arith.constant 0 : i32
        %dma_start3A_74 = tpu.memref_slice %arg14[%mul3A_70, %dma_start3A_73] : memref<10000x128xf32, #tpu.memory_space<vmem_shared>> -> memref<200x128xf32, #tpu.memory_space<vmem_shared>>
        tpu.enqueue_dma source(%dma_start3A_74 : memref<200x128xf32, #tpu.memory_space<vmem_shared>>) target(%dma_start3A_72 : memref<200x128xf32, #tpu.memory_space<hbm>>) target_semaphore(%run_scoped3A : memref<!tpu.dma_semaphore, #tpu.memory_space<semaphore_mem>>)
        %dma_wait3A = arith.constant 0 : i32
        %dma_wait3A_75 = tpu.memref_slice %arg7[%arg0, %mul3A_70, %dma_wait3A] : memref<2x10000x128xf32, #tpu.memory_space<hbm>> -> memref<1x200x128xf32, #tpu.memory_space<hbm>>
        %dma_wait3A_76 = tpu.memref_squeeze %dma_wait3A_75 : memref<1x200x128xf32, #tpu.memory_space<hbm>> -> memref<200x128xf32, #tpu.memory_space<hbm>>
        %dma_wait3A_77 = arith.constant 0 : i32
        %dma_wait3A_78 = tpu.memref_slice %arg14[%mul3A_70, %dma_wait3A_77] : memref<10000x128xf32, #tpu.memory_space<vmem_shared>> -> memref<200x128xf32, #tpu.memory_space<vmem_shared>>
        tpu.wait_dma2 semaphore(%run_scoped3A : memref<!tpu.dma_semaphore, #tpu.memory_space<semaphore_mem>>) src(%dma_wait3A_78 : memref<200x128xf32, #tpu.memory_space<vmem_shared>>) dst(%dma_wait3A_76 : memref<200x128xf32, #tpu.memory_space<hbm>>)
        tpu.yield
      }) : () -> ()
    } else {
    }
    return
  }
}

#map = affine_map<(d0, d1) -> (0, 0)>
#map1 = affine_map<(d0, d1) -> (0)>
#map2 = affine_map<(d0, d1) -> (0, 0, 0)>
module attributes {stable_mosaic.version = 14 : i64} {
  func.func @sc_agg(%arg0: i32, %arg1: i32, %arg2: memref<10000x128xf32, #tpu.memory_space<hbm>>, %arg3: memref<320000x128xf32, #tpu.memory_space<hbm>>, %arg4: memref<320000xi32, #tpu.memory_space<hbm>>, %arg5: memref<320000xi32, #tpu.memory_space<hbm>>, %arg6: memref<320000xi32, #tpu.memory_space<hbm>>, %arg7: memref<2x10000x128xf32, #tpu.memory_space<hbm>>, %arg8: memref<80xi32, #tpu.memory_space<vmem>>, %arg9: memref<80xi32, #tpu.memory_space<vmem>>, %arg10: memref<80xi32, #tpu.memory_space<vmem>>, %arg11: memref<80x128xf32, #tpu.memory_space<vmem>>, %arg12: memref<80x128xf32, #tpu.memory_space<vmem>>, %arg13: memref<200x128xf32, #tpu.memory_space<vmem>>, %arg14: memref<10000x128xf32, #tpu.memory_space<vmem_shared>>, %arg15: memref<!tpu.dma_semaphore, #tpu.memory_space<semaphore_mem>>) attributes {dimension_semantics = [#tpu.dimension_semantics<core_parallel>, #tpu.dimension_semantics<subcore_parallel>], iteration_bounds = array<i64: 2, 16>, scalar_prefetch = 0 : i64, scratch_operands = 8 : i64, tpu.core_type = #tpu.core_type<sc_vector_subcore>, window_params = [{transform_indices = #map}, {transform_indices = #map}, {transform_indices = #map1}, {transform_indices = #map1}, {transform_indices = #map1}, {transform_indices = #map2}]} {
    %mul3A = arith.constant 2 : i32
    %mul3A_0 = arith.muli %arg1, %mul3A : i32
    %add3A = arith.addi %mul3A_0, %arg0 : i32
    %broadcast_in_dim3A = arith.constant 0.000000e+00 : f32
    %broadcast_in_dim3A_1 = vector.broadcast %broadcast_in_dim3A : f32 to vector<16xf32>
    %scan3A = arith.constant 0 : i32
    %scan3A_2 = arith.constant 0 : i32
    %scan3A_3 = arith.constant 200 : i32
    %scan3A_4 = arith.addi %scan3A_2, %scan3A_3 : i32
    %scan3A_5 = arith.constant 1 : i32
    %scan3A_6 = scf.for %scan3A_69 = %scan3A_2 to %scan3A_4 step %scan3A_5 iter_args(%scan3A_70 = %scan3A) -> (i32)  : i32 {
      %swap3A = arith.index_cast %scan3A_69 : i32 to index
      %swap3A_71 = arith.constant 0 : index
      %swap3A_72 = tpu.vector_load %arg13[%swap3A, %swap3A_71] {strides = array<i32>} : memref<200x128xf32, #tpu.memory_space<vmem>>, vector<1x16xf32>,
      %swap3A_73 = vector.shape_cast %swap3A_72 : vector<1x16xf32> to vector<16xf32>
      %swap3A_74 = vector.shape_cast %broadcast_in_dim3A_1 : vector<16xf32> to vector<1x16xf32>
      tpu.vector_store %arg13[%swap3A, %swap3A_71], %swap3A_74 {strides = array<i32>} : memref<200x128xf32, #tpu.memory_space<vmem>>, vector<1x16xf32>,
      %swap3A_75 = arith.index_cast %scan3A_69 : i32 to index
      %swap3A_76 = arith.constant 16 : index
      %swap3A_77 = tpu.vector_load %arg13[%swap3A_75, %swap3A_76] {strides = array<i32>} : memref<200x128xf32, #tpu.memory_space<vmem>>, vector<1x16xf32>,
      %swap3A_78 = vector.shape_cast %swap3A_77 : vector<1x16xf32> to vector<16xf32>
      %swap3A_79 = vector.shape_cast %broadcast_in_dim3A_1 : vector<16xf32> to vector<1x16xf32>
      tpu.vector_store %arg13[%swap3A_75, %swap3A_76], %swap3A_79 {strides = array<i32>} : memref<200x128xf32, #tpu.memory_space<vmem>>, vector<1x16xf32>,
      %swap3A_80 = arith.index_cast %scan3A_69 : i32 to index
      %swap3A_81 = arith.constant 32 : index
      %swap3A_82 = tpu.vector_load %arg13[%swap3A_80, %swap3A_81] {strides = array<i32>} : memref<200x128xf32, #tpu.memory_space<vmem>>, vector<1x16xf32>,
      %swap3A_83 = vector.shape_cast %swap3A_82 : vector<1x16xf32> to vector<16xf32>
      %swap3A_84 = vector.shape_cast %broadcast_in_dim3A_1 : vector<16xf32> to vector<1x16xf32>
      tpu.vector_store %arg13[%swap3A_80, %swap3A_81], %swap3A_84 {strides = array<i32>} : memref<200x128xf32, #tpu.memory_space<vmem>>, vector<1x16xf32>,
      %swap3A_85 = arith.index_cast %scan3A_69 : i32 to index
      %swap3A_86 = arith.constant 48 : index
      %swap3A_87 = tpu.vector_load %arg13[%swap3A_85, %swap3A_86] {strides = array<i32>} : memref<200x128xf32, #tpu.memory_space<vmem>>, vector<1x16xf32>,
      %swap3A_88 = vector.shape_cast %swap3A_87 : vector<1x16xf32> to vector<16xf32>
      %swap3A_89 = vector.shape_cast %broadcast_in_dim3A_1 : vector<16xf32> to vector<1x16xf32>
      tpu.vector_store %arg13[%swap3A_85, %swap3A_86], %swap3A_89 {strides = array<i32>} : memref<200x128xf32, #tpu.memory_space<vmem>>, vector<1x16xf32>,
      %swap3A_90 = arith.index_cast %scan3A_69 : i32 to index
      %swap3A_91 = arith.constant 64 : index
      %swap3A_92 = tpu.vector_load %arg13[%swap3A_90, %swap3A_91] {strides = array<i32>} : memref<200x128xf32, #tpu.memory_space<vmem>>, vector<1x16xf32>,
      %swap3A_93 = vector.shape_cast %swap3A_92 : vector<1x16xf32> to vector<16xf32>
      %swap3A_94 = vector.shape_cast %broadcast_in_dim3A_1 : vector<16xf32> to vector<1x16xf32>
      tpu.vector_store %arg13[%swap3A_90, %swap3A_91], %swap3A_94 {strides = array<i32>} : memref<200x128xf32, #tpu.memory_space<vmem>>, vector<1x16xf32>,
      %swap3A_95 = arith.index_cast %scan3A_69 : i32 to index
      %swap3A_96 = arith.constant 80 : index
      %swap3A_97 = tpu.vector_load %arg13[%swap3A_95, %swap3A_96] {strides = array<i32>} : memref<200x128xf32, #tpu.memory_space<vmem>>, vector<1x16xf32>,
      %swap3A_98 = vector.shape_cast %swap3A_97 : vector<1x16xf32> to vector<16xf32>
      %swap3A_99 = vector.shape_cast %broadcast_in_dim3A_1 : vector<16xf32> to vector<1x16xf32>
      tpu.vector_store %arg13[%swap3A_95, %swap3A_96], %swap3A_99 {strides = array<i32>} : memref<200x128xf32, #tpu.memory_space<vmem>>, vector<1x16xf32>,
      %swap3A_100 = arith.index_cast %scan3A_69 : i32 to index
      %swap3A_101 = arith.constant 96 : index
      %swap3A_102 = tpu.vector_load %arg13[%swap3A_100, %swap3A_101] {strides = array<i32>} : memref<200x128xf32, #tpu.memory_space<vmem>>, vector<1x16xf32>,
      %swap3A_103 = vector.shape_cast %swap3A_102 : vector<1x16xf32> to vector<16xf32>
      %swap3A_104 = vector.shape_cast %broadcast_in_dim3A_1 : vector<16xf32> to vector<1x16xf32>
      tpu.vector_store %arg13[%swap3A_100, %swap3A_101], %swap3A_104 {strides = array<i32>} : memref<200x128xf32, #tpu.memory_space<vmem>>, vector<1x16xf32>,
      %swap3A_105 = arith.index_cast %scan3A_69 : i32 to index
      %swap3A_106 = arith.constant 112 : index
      %swap3A_107 = tpu.vector_load %arg13[%swap3A_105, %swap3A_106] {strides = array<i32>} : memref<200x128xf32, #tpu.memory_space<vmem>>, vector<1x16xf32>,
      %swap3A_108 = vector.shape_cast %swap3A_107 : vector<1x16xf32> to vector<16xf32>
      %swap3A_109 = vector.shape_cast %broadcast_in_dim3A_1 : vector<16xf32> to vector<1x16xf32>
      tpu.vector_store %arg13[%swap3A_105, %swap3A_106], %swap3A_109 {strides = array<i32>} : memref<200x128xf32, #tpu.memory_space<vmem>>, vector<1x16xf32>,
      %scan3A_110 = arith.constant 0 : i32
      scf.yield %scan3A_110 : i32
    }
    %scan3A_7 = arith.constant 200 : i32
    %add3A_8 = arith.constant 0 : i32
    %add3A_9 = arith.addi %arg1, %add3A_8 : i32
    %lt3A = arith.constant 50 : i32
    %lt3A_10 = arith.cmpi slt, %add3A_9, %lt3A : i32
    %convert_element_type3A = arith.extui %lt3A_10 : i1 to i32
    %cond3A = arith.constant 0 : i32
    %cond3A_11 = arith.cmpi ne, %convert_element_type3A, %cond3A : i32
    scf.if %cond3A_11 {
      %mul3A_69 = arith.constant 200 : i32
      %mul3A_70 = arith.muli %add3A_9, %mul3A_69 : i32
      "tpu.region"() ({
        %run_scoped3A = tpu.sem_alloc : memref<!tpu.dma_semaphore, #tpu.memory_space<semaphore_mem>>
        %dma_start3A = arith.constant 0 : i32
        %dma_start3A_71 = tpu.memref_slice %arg14[%mul3A_70, %dma_start3A] : memref<10000x128xf32, #tpu.memory_space<vmem_shared>> -> memref<200x128xf32, #tpu.memory_space<vmem_shared>>
        %dma_start3A_72 = arith.constant 0 : i32
        %dma_start3A_73 = tpu.memref_slice %arg14[%mul3A_70, %dma_start3A_72] : memref<10000x128xf32, #tpu.memory_space<vmem_shared>> -> memref<200x128xf32, #tpu.memory_space<vmem_shared>>
        tpu.enqueue_dma source(%arg13 : memref<200x128xf32, #tpu.memory_space<vmem>>) target(%dma_start3A_73 : memref<200x128xf32, #tpu.memory_space<vmem_shared>>) target_semaphore(%run_scoped3A : memref<!tpu.dma_semaphore, #tpu.memory_space<semaphore_mem>>)
        %dma_wait3A = arith.constant 0 : i32
        %dma_wait3A_74 = tpu.memref_slice %arg14[%mul3A_70, %dma_wait3A] : memref<10000x128xf32, #tpu.memory_space<vmem_shared>> -> memref<200x128xf32, #tpu.memory_space<vmem_shared>>
        %dma_wait3A_75 = arith.constant 0 : i32
        %dma_wait3A_76 = tpu.memref_slice %arg14[%mul3A_70, %dma_wait3A_75] : memref<10000x128xf32, #tpu.memory_space<vmem_shared>> -> memref<200x128xf32, #tpu.memory_space<vmem_shared>>
        tpu.wait_dma2 semaphore(%run_scoped3A : memref<!tpu.dma_semaphore, #tpu.memory_space<semaphore_mem>>) src(%arg13 : memref<200x128xf32, #tpu.memory_space<vmem>>) dst(%dma_wait3A_76 : memref<200x128xf32, #tpu.memory_space<vmem_shared>>)
        tpu.yield
      }) : () -> ()
    } else {
    }
    %add3A_12 = arith.constant 16 : i32
    %add3A_13 = arith.addi %arg1, %add3A_12 : i32
    %lt3A_14 = arith.constant 50 : i32
    %lt3A_15 = arith.cmpi slt, %add3A_13, %lt3A_14 : i32
    %convert_element_type3A_16 = arith.extui %lt3A_15 : i1 to i32
    %cond3A_17 = arith.constant 0 : i32
    %cond3A_18 = arith.cmpi ne, %convert_element_type3A_16, %cond3A_17 : i32
    scf.if %cond3A_18 {
      %mul3A_69 = arith.constant 200 : i32
      %mul3A_70 = arith.muli %add3A_13, %mul3A_69 : i32
      "tpu.region"() ({
        %run_scoped3A = tpu.sem_alloc : memref<!tpu.dma_semaphore, #tpu.memory_space<semaphore_mem>>
        %dma_start3A = arith.constant 0 : i32
        %dma_start3A_71 = tpu.memref_slice %arg14[%mul3A_70, %dma_start3A] : memref<10000x128xf32, #tpu.memory_space<vmem_shared>> -> memref<200x128xf32, #tpu.memory_space<vmem_shared>>
        %dma_start3A_72 = arith.constant 0 : i32
        %dma_start3A_73 = tpu.memref_slice %arg14[%mul3A_70, %dma_start3A_72] : memref<10000x128xf32, #tpu.memory_space<vmem_shared>> -> memref<200x128xf32, #tpu.memory_space<vmem_shared>>
        tpu.enqueue_dma source(%arg13 : memref<200x128xf32, #tpu.memory_space<vmem>>) target(%dma_start3A_73 : memref<200x128xf32, #tpu.memory_space<vmem_shared>>) target_semaphore(%run_scoped3A : memref<!tpu.dma_semaphore, #tpu.memory_space<semaphore_mem>>)
        %dma_wait3A = arith.constant 0 : i32
        %dma_wait3A_74 = tpu.memref_slice %arg14[%mul3A_70, %dma_wait3A] : memref<10000x128xf32, #tpu.memory_space<vmem_shared>> -> memref<200x128xf32, #tpu.memory_space<vmem_shared>>
        %dma_wait3A_75 = arith.constant 0 : i32
        %dma_wait3A_76 = tpu.memref_slice %arg14[%mul3A_70, %dma_wait3A_75] : memref<10000x128xf32, #tpu.memory_space<vmem_shared>> -> memref<200x128xf32, #tpu.memory_space<vmem_shared>>
        tpu.wait_dma2 semaphore(%run_scoped3A : memref<!tpu.dma_semaphore, #tpu.memory_space<semaphore_mem>>) src(%arg13 : memref<200x128xf32, #tpu.memory_space<vmem>>) dst(%dma_wait3A_76 : memref<200x128xf32, #tpu.memory_space<vmem_shared>>)
        tpu.yield
      }) : () -> ()
    } else {
    }
    %add3A_19 = arith.constant 32 : i32
    %add3A_20 = arith.addi %arg1, %add3A_19 : i32
    %lt3A_21 = arith.constant 50 : i32
    %lt3A_22 = arith.cmpi slt, %add3A_20, %lt3A_21 : i32
    %convert_element_type3A_23 = arith.extui %lt3A_22 : i1 to i32
    %cond3A_24 = arith.constant 0 : i32
    %cond3A_25 = arith.cmpi ne, %convert_element_type3A_23, %cond3A_24 : i32
    scf.if %cond3A_25 {
      %mul3A_69 = arith.constant 200 : i32
      %mul3A_70 = arith.muli %add3A_20, %mul3A_69 : i32
      "tpu.region"() ({
        %run_scoped3A = tpu.sem_alloc : memref<!tpu.dma_semaphore, #tpu.memory_space<semaphore_mem>>
        %dma_start3A = arith.constant 0 : i32
        %dma_start3A_71 = tpu.memref_slice %arg14[%mul3A_70, %dma_start3A] : memref<10000x128xf32, #tpu.memory_space<vmem_shared>> -> memref<200x128xf32, #tpu.memory_space<vmem_shared>>
        %dma_start3A_72 = arith.constant 0 : i32
        %dma_start3A_73 = tpu.memref_slice %arg14[%mul3A_70, %dma_start3A_72] : memref<10000x128xf32, #tpu.memory_space<vmem_shared>> -> memref<200x128xf32, #tpu.memory_space<vmem_shared>>
        tpu.enqueue_dma source(%arg13 : memref<200x128xf32, #tpu.memory_space<vmem>>) target(%dma_start3A_73 : memref<200x128xf32, #tpu.memory_space<vmem_shared>>) target_semaphore(%run_scoped3A : memref<!tpu.dma_semaphore, #tpu.memory_space<semaphore_mem>>)
        %dma_wait3A = arith.constant 0 : i32
        %dma_wait3A_74 = tpu.memref_slice %arg14[%mul3A_70, %dma_wait3A] : memref<10000x128xf32, #tpu.memory_space<vmem_shared>> -> memref<200x128xf32, #tpu.memory_space<vmem_shared>>
        %dma_wait3A_75 = arith.constant 0 : i32
        %dma_wait3A_76 = tpu.memref_slice %arg14[%mul3A_70, %dma_wait3A_75] : memref<10000x128xf32, #tpu.memory_space<vmem_shared>> -> memref<200x128xf32, #tpu.memory_space<vmem_shared>>
        tpu.wait_dma2 semaphore(%run_scoped3A : memref<!tpu.dma_semaphore, #tpu.memory_space<semaphore_mem>>) src(%arg13 : memref<200x128xf32, #tpu.memory_space<vmem>>) dst(%dma_wait3A_76 : memref<200x128xf32, #tpu.memory_space<vmem_shared>>)
        tpu.yield
      }) : () -> ()
    } else {
    }
    %add3A_26 = arith.constant 48 : i32
    %add3A_27 = arith.addi %arg1, %add3A_26 : i32
    %lt3A_28 = arith.constant 50 : i32
    %lt3A_29 = arith.cmpi slt, %add3A_27, %lt3A_28 : i32
    %convert_element_type3A_30 = arith.extui %lt3A_29 : i1 to i32
    %cond3A_31 = arith.constant 0 : i32
    %cond3A_32 = arith.cmpi ne, %convert_element_type3A_30, %cond3A_31 : i32
    scf.if %cond3A_32 {
      %mul3A_69 = arith.constant 200 : i32
      %mul3A_70 = arith.muli %add3A_27, %mul3A_69 : i32
      "tpu.region"() ({
        %run_scoped3A = tpu.sem_alloc : memref<!tpu.dma_semaphore, #tpu.memory_space<semaphore_mem>>
        %dma_start3A = arith.constant 0 : i32
        %dma_start3A_71 = tpu.memref_slice %arg14[%mul3A_70, %dma_start3A] : memref<10000x128xf32, #tpu.memory_space<vmem_shared>> -> memref<200x128xf32, #tpu.memory_space<vmem_shared>>
        %dma_start3A_72 = arith.constant 0 : i32
        %dma_start3A_73 = tpu.memref_slice %arg14[%mul3A_70, %dma_start3A_72] : memref<10000x128xf32, #tpu.memory_space<vmem_shared>> -> memref<200x128xf32, #tpu.memory_space<vmem_shared>>
        tpu.enqueue_dma source(%arg13 : memref<200x128xf32, #tpu.memory_space<vmem>>) target(%dma_start3A_73 : memref<200x128xf32, #tpu.memory_space<vmem_shared>>) target_semaphore(%run_scoped3A : memref<!tpu.dma_semaphore, #tpu.memory_space<semaphore_mem>>)
        %dma_wait3A = arith.constant 0 : i32
        %dma_wait3A_74 = tpu.memref_slice %arg14[%mul3A_70, %dma_wait3A] : memref<10000x128xf32, #tpu.memory_space<vmem_shared>> -> memref<200x128xf32, #tpu.memory_space<vmem_shared>>
        %dma_wait3A_75 = arith.constant 0 : i32
        %dma_wait3A_76 = tpu.memref_slice %arg14[%mul3A_70, %dma_wait3A_75] : memref<10000x128xf32, #tpu.memory_space<vmem_shared>> -> memref<200x128xf32, #tpu.memory_space<vmem_shared>>
        tpu.wait_dma2 semaphore(%run_scoped3A : memref<!tpu.dma_semaphore, #tpu.memory_space<semaphore_mem>>) src(%arg13 : memref<200x128xf32, #tpu.memory_space<vmem>>) dst(%dma_wait3A_76 : memref<200x128xf32, #tpu.memory_space<vmem_shared>>)
        tpu.yield
      }) : () -> ()
    } else {
    }
    %barrier3A = arith.constant 0 : index
    tpu.barrier barrier_id(%barrier3A)
    %scan3A_33 = arith.constant 0 : i32
    %scan3A_34 = arith.constant 0 : i32
    %scan3A_35 = arith.constant 125 : i32
    %scan3A_36 = arith.addi %scan3A_34, %scan3A_35 : i32
    %scan3A_37 = arith.constant 1 : i32
    %scan3A_38 = scf.for %scan3A_69 = %scan3A_34 to %scan3A_36 step %scan3A_37 iter_args(%scan3A_70 = %scan3A_33) -> (i32)  : i32 {
      %mul3A_71 = arith.constant 10000 : i32
      %mul3A_72 = arith.muli %add3A, %mul3A_71 : i32
      %mul3A_73 = arith.constant 80 : i32
      %mul3A_74 = arith.muli %scan3A_69, %mul3A_73 : i32
      %add3A_75 = arith.addi %mul3A_72, %mul3A_74 : i32
      "tpu.region"() ({
        %run_scoped3A = tpu.sem_alloc : memref<!tpu.dma_semaphore, #tpu.memory_space<semaphore_mem>>
        %dma_start3A_102 = tpu.memref_slice %arg6[%add3A_75] : memref<320000xi32, #tpu.memory_space<hbm>> -> memref<80xi32, #tpu.memory_space<hbm>>
        %dma_start3A_103 = tpu.memref_slice %arg6[%add3A_75] : memref<320000xi32, #tpu.memory_space<hbm>> -> memref<80xi32, #tpu.memory_space<hbm>>
        tpu.enqueue_dma source(%dma_start3A_103 : memref<80xi32, #tpu.memory_space<hbm>>) target(%arg8 : memref<80xi32, #tpu.memory_space<vmem>>) target_semaphore(%run_scoped3A : memref<!tpu.dma_semaphore, #tpu.memory_space<semaphore_mem>>)
        %dma_wait3A_104 = tpu.memref_slice %arg6[%add3A_75] : memref<320000xi32, #tpu.memory_space<hbm>> -> memref<80xi32, #tpu.memory_space<hbm>>
        %dma_wait3A_105 = tpu.memref_slice %arg6[%add3A_75] : memref<320000xi32, #tpu.memory_space<hbm>> -> memref<80xi32, #tpu.memory_space<hbm>>
        tpu.wait_dma2 semaphore(%run_scoped3A : memref<!tpu.dma_semaphore, #tpu.memory_space<semaphore_mem>>) src(%dma_wait3A_105 : memref<80xi32, #tpu.memory_space<hbm>>) dst(%arg8 : memref<80xi32, #tpu.memory_space<vmem>>)
        tpu.yield
      }) : () -> ()
      %dma_start3A = arith.constant 0 : i32
      %dma_start3A_76 = tpu.memref_slice %arg4[%dma_start3A] : memref<320000xi32, #tpu.memory_space<hbm>> -> memref<320000xi32, #tpu.memory_space<hbm>>
      tpu.enqueue_indirect_dma source(%dma_start3A_76 : memref<320000xi32, #tpu.memory_space<hbm>>) target(%arg9 : memref<80xi32, #tpu.memory_space<vmem>>) offsets(%arg8 : memref<80xi32, #tpu.memory_space<vmem>>) semaphore(%arg15 : memref<!tpu.dma_semaphore, #tpu.memory_space<semaphore_mem>>)
      %dma_wait3A = arith.constant 0 : i32
      %dma_wait3A_77 = tpu.memref_slice %arg4[%dma_wait3A] : memref<320000xi32, #tpu.memory_space<hbm>> -> memref<320000xi32, #tpu.memory_space<hbm>>
      tpu.wait_indirect_dma semaphore(%arg15 : memref<!tpu.dma_semaphore, #tpu.memory_space<semaphore_mem>>) src(%dma_wait3A_77 : memref<320000xi32, #tpu.memory_space<hbm>>) dst(%arg9 : memref<80xi32, #tpu.memory_space<vmem>>)
      %dma_start3A_78 = arith.constant 0 : i32
      %dma_start3A_79 = tpu.memref_slice %arg5[%dma_start3A_78] : memref<320000xi32, #tpu.memory_space<hbm>> -> memref<320000xi32, #tpu.memory_space<hbm>>
      tpu.enqueue_indirect_dma source(%dma_start3A_79 : memref<320000xi32, #tpu.memory_space<hbm>>) target(%arg10 : memref<80xi32, #tpu.memory_space<vmem>>) offsets(%arg8 : memref<80xi32, #tpu.memory_space<vmem>>) semaphore(%arg15 : memref<!tpu.dma_semaphore, #tpu.memory_space<semaphore_mem>>)
      %dma_wait3A_80 = arith.constant 0 : i32
      %dma_wait3A_81 = tpu.memref_slice %arg5[%dma_wait3A_80] : memref<320000xi32, #tpu.memory_space<hbm>> -> memref<320000xi32, #tpu.memory_space<hbm>>
      tpu.wait_indirect_dma semaphore(%arg15 : memref<!tpu.dma_semaphore, #tpu.memory_space<semaphore_mem>>) src(%dma_wait3A_81 : memref<320000xi32, #tpu.memory_space<hbm>>) dst(%arg10 : memref<80xi32, #tpu.memory_space<vmem>>)
      %dma_start3A_82 = arith.constant 0 : i32
      %dma_start3A_83 = arith.constant 0 : i32
      %dma_start3A_84 = tpu.memref_slice %arg3[%dma_start3A_82, %dma_start3A_83] : memref<320000x128xf32, #tpu.memory_space<hbm>> -> memref<320000x128xf32, #tpu.memory_space<hbm>>
      tpu.enqueue_indirect_dma source(%dma_start3A_84 : memref<320000x128xf32, #tpu.memory_space<hbm>>) target(%arg12 : memref<80x128xf32, #tpu.memory_space<vmem>>) offsets(%arg8 : memref<80xi32, #tpu.memory_space<vmem>>) semaphore(%arg15 : memref<!tpu.dma_semaphore, #tpu.memory_space<semaphore_mem>>)
      %dma_wait3A_85 = arith.constant 0 : i32
      %dma_wait3A_86 = arith.constant 0 : i32
      %dma_wait3A_87 = tpu.memref_slice %arg3[%dma_wait3A_85, %dma_wait3A_86] : memref<320000x128xf32, #tpu.memory_space<hbm>> -> memref<320000x128xf32, #tpu.memory_space<hbm>>
      tpu.wait_indirect_dma semaphore(%arg15 : memref<!tpu.dma_semaphore, #tpu.memory_space<semaphore_mem>>) src(%dma_wait3A_87 : memref<320000x128xf32, #tpu.memory_space<hbm>>) dst(%arg12 : memref<80x128xf32, #tpu.memory_space<vmem>>)
      %dma_start3A_88 = arith.constant 0 : i32
      %dma_start3A_89 = arith.constant 0 : i32
      %dma_start3A_90 = tpu.memref_slice %arg2[%dma_start3A_88, %dma_start3A_89] : memref<10000x128xf32, #tpu.memory_space<hbm>> -> memref<10000x128xf32, #tpu.memory_space<hbm>>
      tpu.enqueue_indirect_dma source(%dma_start3A_90 : memref<10000x128xf32, #tpu.memory_space<hbm>>) target(%arg11 : memref<80x128xf32, #tpu.memory_space<vmem>>) offsets(%arg9 : memref<80xi32, #tpu.memory_space<vmem>>) semaphore(%arg15 : memref<!tpu.dma_semaphore, #tpu.memory_space<semaphore_mem>>)
      %dma_wait3A_91 = arith.constant 0 : i32
      %dma_wait3A_92 = arith.constant 0 : i32
      %dma_wait3A_93 = tpu.memref_slice %arg2[%dma_wait3A_91, %dma_wait3A_92] : memref<10000x128xf32, #tpu.memory_space<hbm>> -> memref<10000x128xf32, #tpu.memory_space<hbm>>
      tpu.wait_indirect_dma semaphore(%arg15 : memref<!tpu.dma_semaphore, #tpu.memory_space<semaphore_mem>>) src(%dma_wait3A_93 : memref<10000x128xf32, #tpu.memory_space<hbm>>) dst(%arg11 : memref<80x128xf32, #tpu.memory_space<vmem>>)
      %scan3A_94 = arith.constant 0 : i32
      %scan3A_95 = arith.constant 0 : i32
      %scan3A_96 = arith.constant 80 : i32
      %scan3A_97 = arith.addi %scan3A_95, %scan3A_96 : i32
      %scan3A_98 = arith.constant 1 : i32
      %scan3A_99 = scf.for %scan3A_102 = %scan3A_95 to %scan3A_97 step %scan3A_98 iter_args(%scan3A_103 = %scan3A_94) -> (i32)  : i32 {
        %get3A = arith.index_cast %scan3A_102 : i32 to index
        %get3A_104 = arith.constant 0 : index
        %get3A_105 = tpu.vector_load %arg11[%get3A, %get3A_104] {strides = array<i32>} : memref<80x128xf32, #tpu.memory_space<vmem>>, vector<1x16xf32>,
        %get3A_106 = vector.shape_cast %get3A_105 : vector<1x16xf32> to vector<16xf32>
        %get3A_107 = arith.index_cast %scan3A_102 : i32 to index
        %get3A_108 = arith.constant 0 : index
        %get3A_109 = tpu.vector_load %arg12[%get3A_107, %get3A_108] {strides = array<i32>} : memref<80x128xf32, #tpu.memory_space<vmem>>, vector<1x16xf32>,
        %get3A_110 = vector.shape_cast %get3A_109 : vector<1x16xf32> to vector<16xf32>
        %add3A_111 = arith.addf %get3A_106, %get3A_110 : vector<16xf32>
        %max3A = arith.constant 0.000000e+00 : f32
        %max3A_112 = vector.broadcast %max3A : f32 to vector<16xf32>
        %max3A_113 = arith.maximumf %add3A_111, %max3A_112 : vector<16xf32>
        %swap3A = arith.index_cast %scan3A_102 : i32 to index
        %swap3A_114 = arith.constant 0 : index
        %swap3A_115 = tpu.vector_load %arg11[%swap3A, %swap3A_114] {strides = array<i32>} : memref<80x128xf32, #tpu.memory_space<vmem>>, vector<1x16xf32>,
        %swap3A_116 = vector.shape_cast %swap3A_115 : vector<1x16xf32> to vector<16xf32>
        %swap3A_117 = vector.shape_cast %max3A_113 : vector<16xf32> to vector<1x16xf32>
        tpu.vector_store %arg11[%swap3A, %swap3A_114], %swap3A_117 {strides = array<i32>} : memref<80x128xf32, #tpu.memory_space<vmem>>, vector<1x16xf32>,
        %get3A_118 = arith.index_cast %scan3A_102 : i32 to index
        %get3A_119 = arith.constant 16 : index
        %get3A_120 = tpu.vector_load %arg11[%get3A_118, %get3A_119] {strides = array<i32>} : memref<80x128xf32, #tpu.memory_space<vmem>>, vector<1x16xf32>,
        %get3A_121 = vector.shape_cast %get3A_120 : vector<1x16xf32> to vector<16xf32>
        %get3A_122 = arith.index_cast %scan3A_102 : i32 to index
        %get3A_123 = arith.constant 16 : index
        %get3A_124 = tpu.vector_load %arg12[%get3A_122, %get3A_123] {strides = array<i32>} : memref<80x128xf32, #tpu.memory_space<vmem>>, vector<1x16xf32>,
        %get3A_125 = vector.shape_cast %get3A_124 : vector<1x16xf32> to vector<16xf32>
        %add3A_126 = arith.addf %get3A_121, %get3A_125 : vector<16xf32>
        %max3A_127 = arith.constant 0.000000e+00 : f32
        %max3A_128 = vector.broadcast %max3A_127 : f32 to vector<16xf32>
        %max3A_129 = arith.maximumf %add3A_126, %max3A_128 : vector<16xf32>
        %swap3A_130 = arith.index_cast %scan3A_102 : i32 to index
        %swap3A_131 = arith.constant 16 : index
        %swap3A_132 = tpu.vector_load %arg11[%swap3A_130, %swap3A_131] {strides = array<i32>} : memref<80x128xf32, #tpu.memory_space<vmem>>, vector<1x16xf32>,
        %swap3A_133 = vector.shape_cast %swap3A_132 : vector<1x16xf32> to vector<16xf32>
        %swap3A_134 = vector.shape_cast %max3A_129 : vector<16xf32> to vector<1x16xf32>
        tpu.vector_store %arg11[%swap3A_130, %swap3A_131], %swap3A_134 {strides = array<i32>} : memref<80x128xf32, #tpu.memory_space<vmem>>, vector<1x16xf32>,
        %get3A_135 = arith.index_cast %scan3A_102 : i32 to index
        %get3A_136 = arith.constant 32 : index
        %get3A_137 = tpu.vector_load %arg11[%get3A_135, %get3A_136] {strides = array<i32>} : memref<80x128xf32, #tpu.memory_space<vmem>>, vector<1x16xf32>,
        %get3A_138 = vector.shape_cast %get3A_137 : vector<1x16xf32> to vector<16xf32>
        %get3A_139 = arith.index_cast %scan3A_102 : i32 to index
        %get3A_140 = arith.constant 32 : index
        %get3A_141 = tpu.vector_load %arg12[%get3A_139, %get3A_140] {strides = array<i32>} : memref<80x128xf32, #tpu.memory_space<vmem>>, vector<1x16xf32>,
        %get3A_142 = vector.shape_cast %get3A_141 : vector<1x16xf32> to vector<16xf32>
        %add3A_143 = arith.addf %get3A_138, %get3A_142 : vector<16xf32>
        %max3A_144 = arith.constant 0.000000e+00 : f32
        %max3A_145 = vector.broadcast %max3A_144 : f32 to vector<16xf32>
        %max3A_146 = arith.maximumf %add3A_143, %max3A_145 : vector<16xf32>
        %swap3A_147 = arith.index_cast %scan3A_102 : i32 to index
        %swap3A_148 = arith.constant 32 : index
        %swap3A_149 = tpu.vector_load %arg11[%swap3A_147, %swap3A_148] {strides = array<i32>} : memref<80x128xf32, #tpu.memory_space<vmem>>, vector<1x16xf32>,
        %swap3A_150 = vector.shape_cast %swap3A_149 : vector<1x16xf32> to vector<16xf32>
        %swap3A_151 = vector.shape_cast %max3A_146 : vector<16xf32> to vector<1x16xf32>
        tpu.vector_store %arg11[%swap3A_147, %swap3A_148], %swap3A_151 {strides = array<i32>} : memref<80x128xf32, #tpu.memory_space<vmem>>, vector<1x16xf32>,
        %get3A_152 = arith.index_cast %scan3A_102 : i32 to index
        %get3A_153 = arith.constant 48 : index
        %get3A_154 = tpu.vector_load %arg11[%get3A_152, %get3A_153] {strides = array<i32>} : memref<80x128xf32, #tpu.memory_space<vmem>>, vector<1x16xf32>,
        %get3A_155 = vector.shape_cast %get3A_154 : vector<1x16xf32> to vector<16xf32>
        %get3A_156 = arith.index_cast %scan3A_102 : i32 to index
        %get3A_157 = arith.constant 48 : index
        %get3A_158 = tpu.vector_load %arg12[%get3A_156, %get3A_157] {strides = array<i32>} : memref<80x128xf32, #tpu.memory_space<vmem>>, vector<1x16xf32>,
        %get3A_159 = vector.shape_cast %get3A_158 : vector<1x16xf32> to vector<16xf32>
        %add3A_160 = arith.addf %get3A_155, %get3A_159 : vector<16xf32>
        %max3A_161 = arith.constant 0.000000e+00 : f32
        %max3A_162 = vector.broadcast %max3A_161 : f32 to vector<16xf32>
        %max3A_163 = arith.maximumf %add3A_160, %max3A_162 : vector<16xf32>
        %swap3A_164 = arith.index_cast %scan3A_102 : i32 to index
        %swap3A_165 = arith.constant 48 : index
        %swap3A_166 = tpu.vector_load %arg11[%swap3A_164, %swap3A_165] {strides = array<i32>} : memref<80x128xf32, #tpu.memory_space<vmem>>, vector<1x16xf32>,
        %swap3A_167 = vector.shape_cast %swap3A_166 : vector<1x16xf32> to vector<16xf32>
        %swap3A_168 = vector.shape_cast %max3A_163 : vector<16xf32> to vector<1x16xf32>
        tpu.vector_store %arg11[%swap3A_164, %swap3A_165], %swap3A_168 {strides = array<i32>} : memref<80x128xf32, #tpu.memory_space<vmem>>, vector<1x16xf32>,
        %get3A_169 = arith.index_cast %scan3A_102 : i32 to index
        %get3A_170 = arith.constant 64 : index
        %get3A_171 = tpu.vector_load %arg11[%get3A_169, %get3A_170] {strides = array<i32>} : memref<80x128xf32, #tpu.memory_space<vmem>>, vector<1x16xf32>,
        %get3A_172 = vector.shape_cast %get3A_171 : vector<1x16xf32> to vector<16xf32>
        %get3A_173 = arith.index_cast %scan3A_102 : i32 to index
        %get3A_174 = arith.constant 64 : index
        %get3A_175 = tpu.vector_load %arg12[%get3A_173, %get3A_174] {strides = array<i32>} : memref<80x128xf32, #tpu.memory_space<vmem>>, vector<1x16xf32>,
        %get3A_176 = vector.shape_cast %get3A_175 : vector<1x16xf32> to vector<16xf32>
        %add3A_177 = arith.addf %get3A_172, %get3A_176 : vector<16xf32>
        %max3A_178 = arith.constant 0.000000e+00 : f32
        %max3A_179 = vector.broadcast %max3A_178 : f32 to vector<16xf32>
        %max3A_180 = arith.maximumf %add3A_177, %max3A_179 : vector<16xf32>
        %swap3A_181 = arith.index_cast %scan3A_102 : i32 to index
        %swap3A_182 = arith.constant 64 : index
        %swap3A_183 = tpu.vector_load %arg11[%swap3A_181, %swap3A_182] {strides = array<i32>} : memref<80x128xf32, #tpu.memory_space<vmem>>, vector<1x16xf32>,
        %swap3A_184 = vector.shape_cast %swap3A_183 : vector<1x16xf32> to vector<16xf32>
        %swap3A_185 = vector.shape_cast %max3A_180 : vector<16xf32> to vector<1x16xf32>
        tpu.vector_store %arg11[%swap3A_181, %swap3A_182], %swap3A_185 {strides = array<i32>} : memref<80x128xf32, #tpu.memory_space<vmem>>, vector<1x16xf32>,
        %get3A_186 = arith.index_cast %scan3A_102 : i32 to index
        %get3A_187 = arith.constant 80 : index
        %get3A_188 = tpu.vector_load %arg11[%get3A_186, %get3A_187] {strides = array<i32>} : memref<80x128xf32, #tpu.memory_space<vmem>>, vector<1x16xf32>,
        %get3A_189 = vector.shape_cast %get3A_188 : vector<1x16xf32> to vector<16xf32>
        %get3A_190 = arith.index_cast %scan3A_102 : i32 to index
        %get3A_191 = arith.constant 80 : index
        %get3A_192 = tpu.vector_load %arg12[%get3A_190, %get3A_191] {strides = array<i32>} : memref<80x128xf32, #tpu.memory_space<vmem>>, vector<1x16xf32>,
        %get3A_193 = vector.shape_cast %get3A_192 : vector<1x16xf32> to vector<16xf32>
        %add3A_194 = arith.addf %get3A_189, %get3A_193 : vector<16xf32>
        %max3A_195 = arith.constant 0.000000e+00 : f32
        %max3A_196 = vector.broadcast %max3A_195 : f32 to vector<16xf32>
        %max3A_197 = arith.maximumf %add3A_194, %max3A_196 : vector<16xf32>
        %swap3A_198 = arith.index_cast %scan3A_102 : i32 to index
        %swap3A_199 = arith.constant 80 : index
        %swap3A_200 = tpu.vector_load %arg11[%swap3A_198, %swap3A_199] {strides = array<i32>} : memref<80x128xf32, #tpu.memory_space<vmem>>, vector<1x16xf32>,
        %swap3A_201 = vector.shape_cast %swap3A_200 : vector<1x16xf32> to vector<16xf32>
        %swap3A_202 = vector.shape_cast %max3A_197 : vector<16xf32> to vector<1x16xf32>
        tpu.vector_store %arg11[%swap3A_198, %swap3A_199], %swap3A_202 {strides = array<i32>} : memref<80x128xf32, #tpu.memory_space<vmem>>, vector<1x16xf32>,
        %get3A_203 = arith.index_cast %scan3A_102 : i32 to index
        %get3A_204 = arith.constant 96 : index
        %get3A_205 = tpu.vector_load %arg11[%get3A_203, %get3A_204] {strides = array<i32>} : memref<80x128xf32, #tpu.memory_space<vmem>>, vector<1x16xf32>,
        %get3A_206 = vector.shape_cast %get3A_205 : vector<1x16xf32> to vector<16xf32>
        %get3A_207 = arith.index_cast %scan3A_102 : i32 to index
        %get3A_208 = arith.constant 96 : index
        %get3A_209 = tpu.vector_load %arg12[%get3A_207, %get3A_208] {strides = array<i32>} : memref<80x128xf32, #tpu.memory_space<vmem>>, vector<1x16xf32>,
        %get3A_210 = vector.shape_cast %get3A_209 : vector<1x16xf32> to vector<16xf32>
        %add3A_211 = arith.addf %get3A_206, %get3A_210 : vector<16xf32>
        %max3A_212 = arith.constant 0.000000e+00 : f32
        %max3A_213 = vector.broadcast %max3A_212 : f32 to vector<16xf32>
        %max3A_214 = arith.maximumf %add3A_211, %max3A_213 : vector<16xf32>
        %swap3A_215 = arith.index_cast %scan3A_102 : i32 to index
        %swap3A_216 = arith.constant 96 : index
        %swap3A_217 = tpu.vector_load %arg11[%swap3A_215, %swap3A_216] {strides = array<i32>} : memref<80x128xf32, #tpu.memory_space<vmem>>, vector<1x16xf32>,
        %swap3A_218 = vector.shape_cast %swap3A_217 : vector<1x16xf32> to vector<16xf32>
        %swap3A_219 = vector.shape_cast %max3A_214 : vector<16xf32> to vector<1x16xf32>
        tpu.vector_store %arg11[%swap3A_215, %swap3A_216], %swap3A_219 {strides = array<i32>} : memref<80x128xf32, #tpu.memory_space<vmem>>, vector<1x16xf32>,
        %get3A_220 = arith.index_cast %scan3A_102 : i32 to index
        %get3A_221 = arith.constant 112 : index
        %get3A_222 = tpu.vector_load %arg11[%get3A_220, %get3A_221] {strides = array<i32>} : memref<80x128xf32, #tpu.memory_space<vmem>>, vector<1x16xf32>,
        %get3A_223 = vector.shape_cast %get3A_222 : vector<1x16xf32> to vector<16xf32>
        %get3A_224 = arith.index_cast %scan3A_102 : i32 to index
        %get3A_225 = arith.constant 112 : index
        %get3A_226 = tpu.vector_load %arg12[%get3A_224, %get3A_225] {strides = array<i32>} : memref<80x128xf32, #tpu.memory_space<vmem>>, vector<1x16xf32>,
        %get3A_227 = vector.shape_cast %get3A_226 : vector<1x16xf32> to vector<16xf32>
        %add3A_228 = arith.addf %get3A_223, %get3A_227 : vector<16xf32>
        %max3A_229 = arith.constant 0.000000e+00 : f32
        %max3A_230 = vector.broadcast %max3A_229 : f32 to vector<16xf32>
        %max3A_231 = arith.maximumf %add3A_228, %max3A_230 : vector<16xf32>
        %swap3A_232 = arith.index_cast %scan3A_102 : i32 to index
        %swap3A_233 = arith.constant 112 : index
        %swap3A_234 = tpu.vector_load %arg11[%swap3A_232, %swap3A_233] {strides = array<i32>} : memref<80x128xf32, #tpu.memory_space<vmem>>, vector<1x16xf32>,
        %swap3A_235 = vector.shape_cast %swap3A_234 : vector<1x16xf32> to vector<16xf32>
        %swap3A_236 = vector.shape_cast %max3A_231 : vector<16xf32> to vector<1x16xf32>
        tpu.vector_store %arg11[%swap3A_232, %swap3A_233], %swap3A_236 {strides = array<i32>} : memref<80x128xf32, #tpu.memory_space<vmem>>, vector<1x16xf32>,
        %scan3A_237 = arith.constant 0 : i32
        scf.yield %scan3A_237 : i32
      }
      %scan3A_100 = arith.constant 80 : i32
      "tpu.region"() ({
        %run_scoped3A = tpu.sem_alloc : memref<!tpu.dma_semaphore, #tpu.memory_space<semaphore_mem>>
        %dma_start3A_102 = arith.constant 0 : i32
        %dma_start3A_103 = arith.constant 0 : i32
        %dma_start3A_104 = tpu.memref_slice %arg14[%dma_start3A_102, %dma_start3A_103] : memref<10000x128xf32, #tpu.memory_space<vmem_shared>> -> memref<10000x128xf32, #tpu.memory_space<vmem_shared>>
        tpu.enqueue_indirect_dma source(%arg11 : memref<80x128xf32, #tpu.memory_space<vmem>>) target(%dma_start3A_104 : memref<10000x128xf32, #tpu.memory_space<vmem_shared>>) offsets(%arg10 : memref<80xi32, #tpu.memory_space<vmem>>) semaphore(%run_scoped3A : memref<!tpu.dma_semaphore, #tpu.memory_space<semaphore_mem>>) {add = true}
        %dma_wait3A_105 = arith.constant 0 : i32
        %dma_wait3A_106 = arith.constant 0 : i32
        %dma_wait3A_107 = tpu.memref_slice %arg14[%dma_wait3A_105, %dma_wait3A_106] : memref<10000x128xf32, #tpu.memory_space<vmem_shared>> -> memref<10000x128xf32, #tpu.memory_space<vmem_shared>>
        tpu.wait_indirect_dma semaphore(%run_scoped3A : memref<!tpu.dma_semaphore, #tpu.memory_space<semaphore_mem>>) src(%arg11 : memref<80x128xf32, #tpu.memory_space<vmem>>) dst(%dma_wait3A_107 : memref<10000x128xf32, #tpu.memory_space<vmem_shared>>)
        tpu.yield
      }) : () -> ()
      %scan3A_101 = arith.constant 0 : i32
      scf.yield %scan3A_101 : i32
    }
    %scan3A_39 = arith.constant 125 : i32
    %barrier3A_40 = arith.constant 0 : index
    tpu.barrier barrier_id(%barrier3A_40)
    %add3A_41 = arith.constant 0 : i32
    %add3A_42 = arith.addi %arg1, %add3A_41 : i32
    %lt3A_43 = arith.constant 50 : i32
    %lt3A_44 = arith.cmpi slt, %add3A_42, %lt3A_43 : i32
    %convert_element_type3A_45 = arith.extui %lt3A_44 : i1 to i32
    %cond3A_46 = arith.constant 0 : i32
    %cond3A_47 = arith.cmpi ne, %convert_element_type3A_45, %cond3A_46 : i32
    scf.if %cond3A_47 {
      %mul3A_69 = arith.constant 200 : i32
      %mul3A_70 = arith.muli %add3A_42, %mul3A_69 : i32
      "tpu.region"() ({
        %run_scoped3A = tpu.sem_alloc : memref<!tpu.dma_semaphore, #tpu.memory_space<semaphore_mem>>
        %dma_start3A = arith.constant 0 : i32
        %dma_start3A_71 = tpu.memref_slice %arg7[%arg0, %mul3A_70, %dma_start3A] : memref<2x10000x128xf32, #tpu.memory_space<hbm>> -> memref<1x200x128xf32, #tpu.memory_space<hbm>>
        %dma_start3A_72 = tpu.memref_squeeze %dma_start3A_71 : memref<1x200x128xf32, #tpu.memory_space<hbm>> -> memref<200x128xf32, #tpu.memory_space<hbm>>
        %dma_start3A_73 = arith.constant 0 : i32
        %dma_start3A_74 = tpu.memref_slice %arg14[%mul3A_70, %dma_start3A_73] : memref<10000x128xf32, #tpu.memory_space<vmem_shared>> -> memref<200x128xf32, #tpu.memory_space<vmem_shared>>
        tpu.enqueue_dma source(%dma_start3A_74 : memref<200x128xf32, #tpu.memory_space<vmem_shared>>) target(%dma_start3A_72 : memref<200x128xf32, #tpu.memory_space<hbm>>) target_semaphore(%run_scoped3A : memref<!tpu.dma_semaphore, #tpu.memory_space<semaphore_mem>>)
        %dma_wait3A = arith.constant 0 : i32
        %dma_wait3A_75 = tpu.memref_slice %arg7[%arg0, %mul3A_70, %dma_wait3A] : memref<2x10000x128xf32, #tpu.memory_space<hbm>> -> memref<1x200x128xf32, #tpu.memory_space<hbm>>
        %dma_wait3A_76 = tpu.memref_squeeze %dma_wait3A_75 : memref<1x200x128xf32, #tpu.memory_space<hbm>> -> memref<200x128xf32, #tpu.memory_space<hbm>>
        %dma_wait3A_77 = arith.constant 0 : i32
        %dma_wait3A_78 = tpu.memref_slice %arg14[%mul3A_70, %dma_wait3A_77] : memref<10000x128xf32, #tpu.memory_space<vmem_shared>> -> memref<200x128xf32, #tpu.memory_space<vmem_shared>>
        tpu.wait_dma2 semaphore(%run_scoped3A : memref<!tpu.dma_semaphore, #tpu.memory_space<semaphore_mem>>) src(%dma_wait3A_78 : memref<200x128xf32, #tpu.memory_space<vmem_shared>>) dst(%dma_wait3A_76 : memref<200x128xf32, #tpu.memory_space<hbm>>)
        tpu.yield
      }) : () -> ()
    } else {
    }
    %add3A_48 = arith.constant 16 : i32
    %add3A_49 = arith.addi %arg1, %add3A_48 : i32
    %lt3A_50 = arith.constant 50 : i32
    %lt3A_51 = arith.cmpi slt, %add3A_49, %lt3A_50 : i32
    %convert_element_type3A_52 = arith.extui %lt3A_51 : i1 to i32
    %cond3A_53 = arith.constant 0 : i32
    %cond3A_54 = arith.cmpi ne, %convert_element_type3A_52, %cond3A_53 : i32
    scf.if %cond3A_54 {
      %mul3A_69 = arith.constant 200 : i32
      %mul3A_70 = arith.muli %add3A_49, %mul3A_69 : i32
      "tpu.region"() ({
        %run_scoped3A = tpu.sem_alloc : memref<!tpu.dma_semaphore, #tpu.memory_space<semaphore_mem>>
        %dma_start3A = arith.constant 0 : i32
        %dma_start3A_71 = tpu.memref_slice %arg7[%arg0, %mul3A_70, %dma_start3A] : memref<2x10000x128xf32, #tpu.memory_space<hbm>> -> memref<1x200x128xf32, #tpu.memory_space<hbm>>
        %dma_start3A_72 = tpu.memref_squeeze %dma_start3A_71 : memref<1x200x128xf32, #tpu.memory_space<hbm>> -> memref<200x128xf32, #tpu.memory_space<hbm>>
        %dma_start3A_73 = arith.constant 0 : i32
        %dma_start3A_74 = tpu.memref_slice %arg14[%mul3A_70, %dma_start3A_73] : memref<10000x128xf32, #tpu.memory_space<vmem_shared>> -> memref<200x128xf32, #tpu.memory_space<vmem_shared>>
        tpu.enqueue_dma source(%dma_start3A_74 : memref<200x128xf32, #tpu.memory_space<vmem_shared>>) target(%dma_start3A_72 : memref<200x128xf32, #tpu.memory_space<hbm>>) target_semaphore(%run_scoped3A : memref<!tpu.dma_semaphore, #tpu.memory_space<semaphore_mem>>)
        %dma_wait3A = arith.constant 0 : i32
        %dma_wait3A_75 = tpu.memref_slice %arg7[%arg0, %mul3A_70, %dma_wait3A] : memref<2x10000x128xf32, #tpu.memory_space<hbm>> -> memref<1x200x128xf32, #tpu.memory_space<hbm>>
        %dma_wait3A_76 = tpu.memref_squeeze %dma_wait3A_75 : memref<1x200x128xf32, #tpu.memory_space<hbm>> -> memref<200x128xf32, #tpu.memory_space<hbm>>
        %dma_wait3A_77 = arith.constant 0 : i32
        %dma_wait3A_78 = tpu.memref_slice %arg14[%mul3A_70, %dma_wait3A_77] : memref<10000x128xf32, #tpu.memory_space<vmem_shared>> -> memref<200x128xf32, #tpu.memory_space<vmem_shared>>
        tpu.wait_dma2 semaphore(%run_scoped3A : memref<!tpu.dma_semaphore, #tpu.memory_space<semaphore_mem>>) src(%dma_wait3A_78 : memref<200x128xf32, #tpu.memory_space<vmem_shared>>) dst(%dma_wait3A_76 : memref<200x128xf32, #tpu.memory_space<hbm>>)
        tpu.yield
      }) : () -> ()
    } else {
    }
    %add3A_55 = arith.constant 32 : i32
    %add3A_56 = arith.addi %arg1, %add3A_55 : i32
    %lt3A_57 = arith.constant 50 : i32
    %lt3A_58 = arith.cmpi slt, %add3A_56, %lt3A_57 : i32
    %convert_element_type3A_59 = arith.extui %lt3A_58 : i1 to i32
    %cond3A_60 = arith.constant 0 : i32
    %cond3A_61 = arith.cmpi ne, %convert_element_type3A_59, %cond3A_60 : i32
    scf.if %cond3A_61 {
      %mul3A_69 = arith.constant 200 : i32
      %mul3A_70 = arith.muli %add3A_56, %mul3A_69 : i32
      "tpu.region"() ({
        %run_scoped3A = tpu.sem_alloc : memref<!tpu.dma_semaphore, #tpu.memory_space<semaphore_mem>>
        %dma_start3A = arith.constant 0 : i32
        %dma_start3A_71 = tpu.memref_slice %arg7[%arg0, %mul3A_70, %dma_start3A] : memref<2x10000x128xf32, #tpu.memory_space<hbm>> -> memref<1x200x128xf32, #tpu.memory_space<hbm>>
        %dma_start3A_72 = tpu.memref_squeeze %dma_start3A_71 : memref<1x200x128xf32, #tpu.memory_space<hbm>> -> memref<200x128xf32, #tpu.memory_space<hbm>>
        %dma_start3A_73 = arith.constant 0 : i32
        %dma_start3A_74 = tpu.memref_slice %arg14[%mul3A_70, %dma_start3A_73] : memref<10000x128xf32, #tpu.memory_space<vmem_shared>> -> memref<200x128xf32, #tpu.memory_space<vmem_shared>>
        tpu.enqueue_dma source(%dma_start3A_74 : memref<200x128xf32, #tpu.memory_space<vmem_shared>>) target(%dma_start3A_72 : memref<200x128xf32, #tpu.memory_space<hbm>>) target_semaphore(%run_scoped3A : memref<!tpu.dma_semaphore, #tpu.memory_space<semaphore_mem>>)
        %dma_wait3A = arith.constant 0 : i32
        %dma_wait3A_75 = tpu.memref_slice %arg7[%arg0, %mul3A_70, %dma_wait3A] : memref<2x10000x128xf32, #tpu.memory_space<hbm>> -> memref<1x200x128xf32, #tpu.memory_space<hbm>>
        %dma_wait3A_76 = tpu.memref_squeeze %dma_wait3A_75 : memref<1x200x128xf32, #tpu.memory_space<hbm>> -> memref<200x128xf32, #tpu.memory_space<hbm>>
        %dma_wait3A_77 = arith.constant 0 : i32
        %dma_wait3A_78 = tpu.memref_slice %arg14[%mul3A_70, %dma_wait3A_77] : memref<10000x128xf32, #tpu.memory_space<vmem_shared>> -> memref<200x128xf32, #tpu.memory_space<vmem_shared>>
        tpu.wait_dma2 semaphore(%run_scoped3A : memref<!tpu.dma_semaphore, #tpu.memory_space<semaphore_mem>>) src(%dma_wait3A_78 : memref<200x128xf32, #tpu.memory_space<vmem_shared>>) dst(%dma_wait3A_76 : memref<200x128xf32, #tpu.memory_space<hbm>>)
        tpu.yield
      }) : () -> ()
    } else {
    }
    %add3A_62 = arith.constant 48 : i32
    %add3A_63 = arith.addi %arg1, %add3A_62 : i32
    %lt3A_64 = arith.constant 50 : i32
    %lt3A_65 = arith.cmpi slt, %add3A_63, %lt3A_64 : i32
    %convert_element_type3A_66 = arith.extui %lt3A_65 : i1 to i32
    %cond3A_67 = arith.constant 0 : i32
    %cond3A_68 = arith.cmpi ne, %convert_element_type3A_66, %cond3A_67 : i32
    scf.if %cond3A_68 {
      %mul3A_69 = arith.constant 200 : i32
      %mul3A_70 = arith.muli %add3A_63, %mul3A_69 : i32
      "tpu.region"() ({
        %run_scoped3A = tpu.sem_alloc : memref<!tpu.dma_semaphore, #tpu.memory_space<semaphore_mem>>
        %dma_start3A = arith.constant 0 : i32
        %dma_start3A_71 = tpu.memref_slice %arg7[%arg0, %mul3A_70, %dma_start3A] : memref<2x10000x128xf32, #tpu.memory_space<hbm>> -> memref<1x200x128xf32, #tpu.memory_space<hbm>>
        %dma_start3A_72 = tpu.memref_squeeze %dma_start3A_71 : memref<1x200x128xf32, #tpu.memory_space<hbm>> -> memref<200x128xf32, #tpu.memory_space<hbm>>
        %dma_start3A_73 = arith.constant 0 : i32
        %dma_start3A_74 = tpu.memref_slice %arg14[%mul3A_70, %dma_start3A_73] : memref<10000x128xf32, #tpu.memory_space<vmem_shared>> -> memref<200x128xf32, #tpu.memory_space<vmem_shared>>
        tpu.enqueue_dma source(%dma_start3A_74 : memref<200x128xf32, #tpu.memory_space<vmem_shared>>) target(%dma_start3A_72 : memref<200x128xf32, #tpu.memory_space<hbm>>) target_semaphore(%run_scoped3A : memref<!tpu.dma_semaphore, #tpu.memory_space<semaphore_mem>>)
        %dma_wait3A = arith.constant 0 : i32
        %dma_wait3A_75 = tpu.memref_slice %arg7[%arg0, %mul3A_70, %dma_wait3A] : memref<2x10000x128xf32, #tpu.memory_space<hbm>> -> memref<1x200x128xf32, #tpu.memory_space<hbm>>
        %dma_wait3A_76 = tpu.memref_squeeze %dma_wait3A_75 : memref<1x200x128xf32, #tpu.memory_space<hbm>> -> memref<200x128xf32, #tpu.memory_space<hbm>>
        %dma_wait3A_77 = arith.constant 0 : i32
        %dma_wait3A_78 = tpu.memref_slice %arg14[%mul3A_70, %dma_wait3A_77] : memref<10000x128xf32, #tpu.memory_space<vmem_shared>> -> memref<200x128xf32, #tpu.memory_space<vmem_shared>>
        tpu.wait_dma2 semaphore(%run_scoped3A : memref<!tpu.dma_semaphore, #tpu.memory_space<semaphore_mem>>) src(%dma_wait3A_78 : memref<200x128xf32, #tpu.memory_space<vmem_shared>>) dst(%dma_wait3A_76 : memref<200x128xf32, #tpu.memory_space<hbm>>)
        tpu.yield
      }) : () -> ()
    } else {
    }
    return
  }
}

#map = affine_map<(d0, d1) -> (0, 0)>
#map1 = affine_map<(d0, d1) -> (0)>
#map2 = affine_map<(d0, d1) -> (0, 0, 0)>
module attributes {stable_mosaic.version = 14 : i64} {
  func.func @sc_agg(%arg0: i32, %arg1: i32, %arg2: memref<10000x128xf32, #tpu.memory_space<hbm>>, %arg3: memref<320000x128xf32, #tpu.memory_space<hbm>>, %arg4: memref<320000xi32, #tpu.memory_space<hbm>>, %arg5: memref<320000xi32, #tpu.memory_space<hbm>>, %arg6: memref<320000xi32, #tpu.memory_space<hbm>>, %arg7: memref<2x10000x128xf32, #tpu.memory_space<hbm>>, %arg8: memref<80xi32, #tpu.memory_space<vmem>>, %arg9: memref<80xi32, #tpu.memory_space<vmem>>, %arg10: memref<80xi32, #tpu.memory_space<vmem>>, %arg11: memref<80x128xf32, #tpu.memory_space<vmem>>, %arg12: memref<80x128xf32, #tpu.memory_space<vmem>>, %arg13: memref<200x128xf32, #tpu.memory_space<vmem>>, %arg14: memref<10000x128xf32, #tpu.memory_space<vmem_shared>>, %arg15: memref<!tpu.dma_semaphore, #tpu.memory_space<semaphore_mem>>) attributes {dimension_semantics = [#tpu.dimension_semantics<core_parallel>, #tpu.dimension_semantics<subcore_parallel>], iteration_bounds = array<i64: 2, 16>, scalar_prefetch = 0 : i64, scratch_operands = 8 : i64, tpu.core_type = #tpu.core_type<sc_vector_subcore>, window_params = [{transform_indices = #map}, {transform_indices = #map}, {transform_indices = #map1}, {transform_indices = #map1}, {transform_indices = #map1}, {transform_indices = #map2}]} {
    %mul3A = arith.constant 2 : i32
    %mul3A_0 = arith.muli %arg1, %mul3A : i32
    %add3A = arith.addi %mul3A_0, %arg0 : i32
    %broadcast_in_dim3A = arith.constant 0.000000e+00 : f32
    %broadcast_in_dim3A_1 = vector.broadcast %broadcast_in_dim3A : f32 to vector<16xf32>
    %scan3A = arith.constant 0 : i32
    %scan3A_2 = arith.constant 0 : i32
    %scan3A_3 = arith.constant 200 : i32
    %scan3A_4 = arith.addi %scan3A_2, %scan3A_3 : i32
    %scan3A_5 = arith.constant 1 : i32
    %scan3A_6 = scf.for %scan3A_69 = %scan3A_2 to %scan3A_4 step %scan3A_5 iter_args(%scan3A_70 = %scan3A) -> (i32)  : i32 {
      %swap3A = arith.index_cast %scan3A_69 : i32 to index
      %swap3A_71 = arith.constant 0 : index
      %swap3A_72 = tpu.vector_load %arg13[%swap3A, %swap3A_71] {strides = array<i32>} : memref<200x128xf32, #tpu.memory_space<vmem>>, vector<1x16xf32>,
      %swap3A_73 = vector.shape_cast %swap3A_72 : vector<1x16xf32> to vector<16xf32>
      %swap3A_74 = vector.shape_cast %broadcast_in_dim3A_1 : vector<16xf32> to vector<1x16xf32>
      tpu.vector_store %arg13[%swap3A, %swap3A_71], %swap3A_74 {strides = array<i32>} : memref<200x128xf32, #tpu.memory_space<vmem>>, vector<1x16xf32>,
      %swap3A_75 = arith.index_cast %scan3A_69 : i32 to index
      %swap3A_76 = arith.constant 16 : index
      %swap3A_77 = tpu.vector_load %arg13[%swap3A_75, %swap3A_76] {strides = array<i32>} : memref<200x128xf32, #tpu.memory_space<vmem>>, vector<1x16xf32>,
      %swap3A_78 = vector.shape_cast %swap3A_77 : vector<1x16xf32> to vector<16xf32>
      %swap3A_79 = vector.shape_cast %broadcast_in_dim3A_1 : vector<16xf32> to vector<1x16xf32>
      tpu.vector_store %arg13[%swap3A_75, %swap3A_76], %swap3A_79 {strides = array<i32>} : memref<200x128xf32, #tpu.memory_space<vmem>>, vector<1x16xf32>,
      %swap3A_80 = arith.index_cast %scan3A_69 : i32 to index
      %swap3A_81 = arith.constant 32 : index
      %swap3A_82 = tpu.vector_load %arg13[%swap3A_80, %swap3A_81] {strides = array<i32>} : memref<200x128xf32, #tpu.memory_space<vmem>>, vector<1x16xf32>,
      %swap3A_83 = vector.shape_cast %swap3A_82 : vector<1x16xf32> to vector<16xf32>
      %swap3A_84 = vector.shape_cast %broadcast_in_dim3A_1 : vector<16xf32> to vector<1x16xf32>
      tpu.vector_store %arg13[%swap3A_80, %swap3A_81], %swap3A_84 {strides = array<i32>} : memref<200x128xf32, #tpu.memory_space<vmem>>, vector<1x16xf32>,
      %swap3A_85 = arith.index_cast %scan3A_69 : i32 to index
      %swap3A_86 = arith.constant 48 : index
      %swap3A_87 = tpu.vector_load %arg13[%swap3A_85, %swap3A_86] {strides = array<i32>} : memref<200x128xf32, #tpu.memory_space<vmem>>, vector<1x16xf32>,
      %swap3A_88 = vector.shape_cast %swap3A_87 : vector<1x16xf32> to vector<16xf32>
      %swap3A_89 = vector.shape_cast %broadcast_in_dim3A_1 : vector<16xf32> to vector<1x16xf32>
      tpu.vector_store %arg13[%swap3A_85, %swap3A_86], %swap3A_89 {strides = array<i32>} : memref<200x128xf32, #tpu.memory_space<vmem>>, vector<1x16xf32>,
      %swap3A_90 = arith.index_cast %scan3A_69 : i32 to index
      %swap3A_91 = arith.constant 64 : index
      %swap3A_92 = tpu.vector_load %arg13[%swap3A_90, %swap3A_91] {strides = array<i32>} : memref<200x128xf32, #tpu.memory_space<vmem>>, vector<1x16xf32>,
      %swap3A_93 = vector.shape_cast %swap3A_92 : vector<1x16xf32> to vector<16xf32>
      %swap3A_94 = vector.shape_cast %broadcast_in_dim3A_1 : vector<16xf32> to vector<1x16xf32>
      tpu.vector_store %arg13[%swap3A_90, %swap3A_91], %swap3A_94 {strides = array<i32>} : memref<200x128xf32, #tpu.memory_space<vmem>>, vector<1x16xf32>,
      %swap3A_95 = arith.index_cast %scan3A_69 : i32 to index
      %swap3A_96 = arith.constant 80 : index
      %swap3A_97 = tpu.vector_load %arg13[%swap3A_95, %swap3A_96] {strides = array<i32>} : memref<200x128xf32, #tpu.memory_space<vmem>>, vector<1x16xf32>,
      %swap3A_98 = vector.shape_cast %swap3A_97 : vector<1x16xf32> to vector<16xf32>
      %swap3A_99 = vector.shape_cast %broadcast_in_dim3A_1 : vector<16xf32> to vector<1x16xf32>
      tpu.vector_store %arg13[%swap3A_95, %swap3A_96], %swap3A_99 {strides = array<i32>} : memref<200x128xf32, #tpu.memory_space<vmem>>, vector<1x16xf32>,
      %swap3A_100 = arith.index_cast %scan3A_69 : i32 to index
      %swap3A_101 = arith.constant 96 : index
      %swap3A_102 = tpu.vector_load %arg13[%swap3A_100, %swap3A_101] {strides = array<i32>} : memref<200x128xf32, #tpu.memory_space<vmem>>, vector<1x16xf32>,
      %swap3A_103 = vector.shape_cast %swap3A_102 : vector<1x16xf32> to vector<16xf32>
      %swap3A_104 = vector.shape_cast %broadcast_in_dim3A_1 : vector<16xf32> to vector<1x16xf32>
      tpu.vector_store %arg13[%swap3A_100, %swap3A_101], %swap3A_104 {strides = array<i32>} : memref<200x128xf32, #tpu.memory_space<vmem>>, vector<1x16xf32>,
      %swap3A_105 = arith.index_cast %scan3A_69 : i32 to index
      %swap3A_106 = arith.constant 112 : index
      %swap3A_107 = tpu.vector_load %arg13[%swap3A_105, %swap3A_106] {strides = array<i32>} : memref<200x128xf32, #tpu.memory_space<vmem>>, vector<1x16xf32>,
      %swap3A_108 = vector.shape_cast %swap3A_107 : vector<1x16xf32> to vector<16xf32>
      %swap3A_109 = vector.shape_cast %broadcast_in_dim3A_1 : vector<16xf32> to vector<1x16xf32>
      tpu.vector_store %arg13[%swap3A_105, %swap3A_106], %swap3A_109 {strides = array<i32>} : memref<200x128xf32, #tpu.memory_space<vmem>>, vector<1x16xf32>,
      %scan3A_110 = arith.constant 0 : i32
      scf.yield %scan3A_110 : i32
    }
    %scan3A_7 = arith.constant 200 : i32
    %add3A_8 = arith.constant 0 : i32
    %add3A_9 = arith.addi %arg1, %add3A_8 : i32
    %lt3A = arith.constant 50 : i32
    %lt3A_10 = arith.cmpi slt, %add3A_9, %lt3A : i32
    %convert_element_type3A = arith.extui %lt3A_10 : i1 to i32
    %cond3A = arith.constant 0 : i32
    %cond3A_11 = arith.cmpi ne, %convert_element_type3A, %cond3A : i32
    scf.if %cond3A_11 {
      %mul3A_69 = arith.constant 200 : i32
      %mul3A_70 = arith.muli %add3A_9, %mul3A_69 : i32
      "tpu.region"() ({
        %run_scoped3A = tpu.sem_alloc : memref<!tpu.dma_semaphore, #tpu.memory_space<semaphore_mem>>
        %dma_start3A = arith.constant 0 : i32
        %dma_start3A_71 = tpu.memref_slice %arg14[%mul3A_70, %dma_start3A] : memref<10000x128xf32, #tpu.memory_space<vmem_shared>> -> memref<200x128xf32, #tpu.memory_space<vmem_shared>>
        %dma_start3A_72 = arith.constant 0 : i32
        %dma_start3A_73 = tpu.memref_slice %arg14[%mul3A_70, %dma_start3A_72] : memref<10000x128xf32, #tpu.memory_space<vmem_shared>> -> memref<200x128xf32, #tpu.memory_space<vmem_shared>>
        tpu.enqueue_dma source(%arg13 : memref<200x128xf32, #tpu.memory_space<vmem>>) target(%dma_start3A_73 : memref<200x128xf32, #tpu.memory_space<vmem_shared>>) target_semaphore(%run_scoped3A : memref<!tpu.dma_semaphore, #tpu.memory_space<semaphore_mem>>)
        %dma_wait3A = arith.constant 0 : i32
        %dma_wait3A_74 = tpu.memref_slice %arg14[%mul3A_70, %dma_wait3A] : memref<10000x128xf32, #tpu.memory_space<vmem_shared>> -> memref<200x128xf32, #tpu.memory_space<vmem_shared>>
        %dma_wait3A_75 = arith.constant 0 : i32
        %dma_wait3A_76 = tpu.memref_slice %arg14[%mul3A_70, %dma_wait3A_75] : memref<10000x128xf32, #tpu.memory_space<vmem_shared>> -> memref<200x128xf32, #tpu.memory_space<vmem_shared>>
        tpu.wait_dma2 semaphore(%run_scoped3A : memref<!tpu.dma_semaphore, #tpu.memory_space<semaphore_mem>>) src(%arg13 : memref<200x128xf32, #tpu.memory_space<vmem>>) dst(%dma_wait3A_76 : memref<200x128xf32, #tpu.memory_space<vmem_shared>>)
        tpu.yield
      }) : () -> ()
    } else {
    }
    %add3A_12 = arith.constant 16 : i32
    %add3A_13 = arith.addi %arg1, %add3A_12 : i32
    %lt3A_14 = arith.constant 50 : i32
    %lt3A_15 = arith.cmpi slt, %add3A_13, %lt3A_14 : i32
    %convert_element_type3A_16 = arith.extui %lt3A_15 : i1 to i32
    %cond3A_17 = arith.constant 0 : i32
    %cond3A_18 = arith.cmpi ne, %convert_element_type3A_16, %cond3A_17 : i32
    scf.if %cond3A_18 {
      %mul3A_69 = arith.constant 200 : i32
      %mul3A_70 = arith.muli %add3A_13, %mul3A_69 : i32
      "tpu.region"() ({
        %run_scoped3A = tpu.sem_alloc : memref<!tpu.dma_semaphore, #tpu.memory_space<semaphore_mem>>
        %dma_start3A = arith.constant 0 : i32
        %dma_start3A_71 = tpu.memref_slice %arg14[%mul3A_70, %dma_start3A] : memref<10000x128xf32, #tpu.memory_space<vmem_shared>> -> memref<200x128xf32, #tpu.memory_space<vmem_shared>>
        %dma_start3A_72 = arith.constant 0 : i32
        %dma_start3A_73 = tpu.memref_slice %arg14[%mul3A_70, %dma_start3A_72] : memref<10000x128xf32, #tpu.memory_space<vmem_shared>> -> memref<200x128xf32, #tpu.memory_space<vmem_shared>>
        tpu.enqueue_dma source(%arg13 : memref<200x128xf32, #tpu.memory_space<vmem>>) target(%dma_start3A_73 : memref<200x128xf32, #tpu.memory_space<vmem_shared>>) target_semaphore(%run_scoped3A : memref<!tpu.dma_semaphore, #tpu.memory_space<semaphore_mem>>)
        %dma_wait3A = arith.constant 0 : i32
        %dma_wait3A_74 = tpu.memref_slice %arg14[%mul3A_70, %dma_wait3A] : memref<10000x128xf32, #tpu.memory_space<vmem_shared>> -> memref<200x128xf32, #tpu.memory_space<vmem_shared>>
        %dma_wait3A_75 = arith.constant 0 : i32
        %dma_wait3A_76 = tpu.memref_slice %arg14[%mul3A_70, %dma_wait3A_75] : memref<10000x128xf32, #tpu.memory_space<vmem_shared>> -> memref<200x128xf32, #tpu.memory_space<vmem_shared>>
        tpu.wait_dma2 semaphore(%run_scoped3A : memref<!tpu.dma_semaphore, #tpu.memory_space<semaphore_mem>>) src(%arg13 : memref<200x128xf32, #tpu.memory_space<vmem>>) dst(%dma_wait3A_76 : memref<200x128xf32, #tpu.memory_space<vmem_shared>>)
        tpu.yield
      }) : () -> ()
    } else {
    }
    %add3A_19 = arith.constant 32 : i32
    %add3A_20 = arith.addi %arg1, %add3A_19 : i32
    %lt3A_21 = arith.constant 50 : i32
    %lt3A_22 = arith.cmpi slt, %add3A_20, %lt3A_21 : i32
    %convert_element_type3A_23 = arith.extui %lt3A_22 : i1 to i32
    %cond3A_24 = arith.constant 0 : i32
    %cond3A_25 = arith.cmpi ne, %convert_element_type3A_23, %cond3A_24 : i32
    scf.if %cond3A_25 {
      %mul3A_69 = arith.constant 200 : i32
      %mul3A_70 = arith.muli %add3A_20, %mul3A_69 : i32
      "tpu.region"() ({
        %run_scoped3A = tpu.sem_alloc : memref<!tpu.dma_semaphore, #tpu.memory_space<semaphore_mem>>
        %dma_start3A = arith.constant 0 : i32
        %dma_start3A_71 = tpu.memref_slice %arg14[%mul3A_70, %dma_start3A] : memref<10000x128xf32, #tpu.memory_space<vmem_shared>> -> memref<200x128xf32, #tpu.memory_space<vmem_shared>>
        %dma_start3A_72 = arith.constant 0 : i32
        %dma_start3A_73 = tpu.memref_slice %arg14[%mul3A_70, %dma_start3A_72] : memref<10000x128xf32, #tpu.memory_space<vmem_shared>> -> memref<200x128xf32, #tpu.memory_space<vmem_shared>>
        tpu.enqueue_dma source(%arg13 : memref<200x128xf32, #tpu.memory_space<vmem>>) target(%dma_start3A_73 : memref<200x128xf32, #tpu.memory_space<vmem_shared>>) target_semaphore(%run_scoped3A : memref<!tpu.dma_semaphore, #tpu.memory_space<semaphore_mem>>)
        %dma_wait3A = arith.constant 0 : i32
        %dma_wait3A_74 = tpu.memref_slice %arg14[%mul3A_70, %dma_wait3A] : memref<10000x128xf32, #tpu.memory_space<vmem_shared>> -> memref<200x128xf32, #tpu.memory_space<vmem_shared>>
        %dma_wait3A_75 = arith.constant 0 : i32
        %dma_wait3A_76 = tpu.memref_slice %arg14[%mul3A_70, %dma_wait3A_75] : memref<10000x128xf32, #tpu.memory_space<vmem_shared>> -> memref<200x128xf32, #tpu.memory_space<vmem_shared>>
        tpu.wait_dma2 semaphore(%run_scoped3A : memref<!tpu.dma_semaphore, #tpu.memory_space<semaphore_mem>>) src(%arg13 : memref<200x128xf32, #tpu.memory_space<vmem>>) dst(%dma_wait3A_76 : memref<200x128xf32, #tpu.memory_space<vmem_shared>>)
        tpu.yield
      }) : () -> ()
    } else {
    }
    %add3A_26 = arith.constant 48 : i32
    %add3A_27 = arith.addi %arg1, %add3A_26 : i32
    %lt3A_28 = arith.constant 50 : i32
    %lt3A_29 = arith.cmpi slt, %add3A_27, %lt3A_28 : i32
    %convert_element_type3A_30 = arith.extui %lt3A_29 : i1 to i32
    %cond3A_31 = arith.constant 0 : i32
    %cond3A_32 = arith.cmpi ne, %convert_element_type3A_30, %cond3A_31 : i32
    scf.if %cond3A_32 {
      %mul3A_69 = arith.constant 200 : i32
      %mul3A_70 = arith.muli %add3A_27, %mul3A_69 : i32
      "tpu.region"() ({
        %run_scoped3A = tpu.sem_alloc : memref<!tpu.dma_semaphore, #tpu.memory_space<semaphore_mem>>
        %dma_start3A = arith.constant 0 : i32
        %dma_start3A_71 = tpu.memref_slice %arg14[%mul3A_70, %dma_start3A] : memref<10000x128xf32, #tpu.memory_space<vmem_shared>> -> memref<200x128xf32, #tpu.memory_space<vmem_shared>>
        %dma_start3A_72 = arith.constant 0 : i32
        %dma_start3A_73 = tpu.memref_slice %arg14[%mul3A_70, %dma_start3A_72] : memref<10000x128xf32, #tpu.memory_space<vmem_shared>> -> memref<200x128xf32, #tpu.memory_space<vmem_shared>>
        tpu.enqueue_dma source(%arg13 : memref<200x128xf32, #tpu.memory_space<vmem>>) target(%dma_start3A_73 : memref<200x128xf32, #tpu.memory_space<vmem_shared>>) target_semaphore(%run_scoped3A : memref<!tpu.dma_semaphore, #tpu.memory_space<semaphore_mem>>)
        %dma_wait3A = arith.constant 0 : i32
        %dma_wait3A_74 = tpu.memref_slice %arg14[%mul3A_70, %dma_wait3A] : memref<10000x128xf32, #tpu.memory_space<vmem_shared>> -> memref<200x128xf32, #tpu.memory_space<vmem_shared>>
        %dma_wait3A_75 = arith.constant 0 : i32
        %dma_wait3A_76 = tpu.memref_slice %arg14[%mul3A_70, %dma_wait3A_75] : memref<10000x128xf32, #tpu.memory_space<vmem_shared>> -> memref<200x128xf32, #tpu.memory_space<vmem_shared>>
        tpu.wait_dma2 semaphore(%run_scoped3A : memref<!tpu.dma_semaphore, #tpu.memory_space<semaphore_mem>>) src(%arg13 : memref<200x128xf32, #tpu.memory_space<vmem>>) dst(%dma_wait3A_76 : memref<200x128xf32, #tpu.memory_space<vmem_shared>>)
        tpu.yield
      }) : () -> ()
    } else {
    }
    %barrier3A = arith.constant 0 : index
    tpu.barrier barrier_id(%barrier3A)
    %scan3A_33 = arith.constant 0 : i32
    %scan3A_34 = arith.constant 0 : i32
    %scan3A_35 = arith.constant 125 : i32
    %scan3A_36 = arith.addi %scan3A_34, %scan3A_35 : i32
    %scan3A_37 = arith.constant 1 : i32
    %scan3A_38 = scf.for %scan3A_69 = %scan3A_34 to %scan3A_36 step %scan3A_37 iter_args(%scan3A_70 = %scan3A_33) -> (i32)  : i32 {
      %mul3A_71 = arith.constant 10000 : i32
      %mul3A_72 = arith.muli %add3A, %mul3A_71 : i32
      %mul3A_73 = arith.constant 80 : i32
      %mul3A_74 = arith.muli %scan3A_69, %mul3A_73 : i32
      %add3A_75 = arith.addi %mul3A_72, %mul3A_74 : i32
      "tpu.region"() ({
        %run_scoped3A = tpu.sem_alloc : memref<!tpu.dma_semaphore, #tpu.memory_space<semaphore_mem>>
        %dma_start3A_102 = tpu.memref_slice %arg6[%add3A_75] : memref<320000xi32, #tpu.memory_space<hbm>> -> memref<80xi32, #tpu.memory_space<hbm>>
        %dma_start3A_103 = tpu.memref_slice %arg6[%add3A_75] : memref<320000xi32, #tpu.memory_space<hbm>> -> memref<80xi32, #tpu.memory_space<hbm>>
        tpu.enqueue_dma source(%dma_start3A_103 : memref<80xi32, #tpu.memory_space<hbm>>) target(%arg8 : memref<80xi32, #tpu.memory_space<vmem>>) target_semaphore(%run_scoped3A : memref<!tpu.dma_semaphore, #tpu.memory_space<semaphore_mem>>)
        %dma_wait3A_104 = tpu.memref_slice %arg6[%add3A_75] : memref<320000xi32, #tpu.memory_space<hbm>> -> memref<80xi32, #tpu.memory_space<hbm>>
        %dma_wait3A_105 = tpu.memref_slice %arg6[%add3A_75] : memref<320000xi32, #tpu.memory_space<hbm>> -> memref<80xi32, #tpu.memory_space<hbm>>
        tpu.wait_dma2 semaphore(%run_scoped3A : memref<!tpu.dma_semaphore, #tpu.memory_space<semaphore_mem>>) src(%dma_wait3A_105 : memref<80xi32, #tpu.memory_space<hbm>>) dst(%arg8 : memref<80xi32, #tpu.memory_space<vmem>>)
        tpu.yield
      }) : () -> ()
      %dma_start3A = arith.constant 0 : i32
      %dma_start3A_76 = tpu.memref_slice %arg4[%dma_start3A] : memref<320000xi32, #tpu.memory_space<hbm>> -> memref<320000xi32, #tpu.memory_space<hbm>>
      tpu.enqueue_indirect_dma source(%dma_start3A_76 : memref<320000xi32, #tpu.memory_space<hbm>>) target(%arg9 : memref<80xi32, #tpu.memory_space<vmem>>) offsets(%arg8 : memref<80xi32, #tpu.memory_space<vmem>>) semaphore(%arg15 : memref<!tpu.dma_semaphore, #tpu.memory_space<semaphore_mem>>)
      %dma_wait3A = arith.constant 0 : i32
      %dma_wait3A_77 = tpu.memref_slice %arg4[%dma_wait3A] : memref<320000xi32, #tpu.memory_space<hbm>> -> memref<320000xi32, #tpu.memory_space<hbm>>
      tpu.wait_indirect_dma semaphore(%arg15 : memref<!tpu.dma_semaphore, #tpu.memory_space<semaphore_mem>>) src(%dma_wait3A_77 : memref<320000xi32, #tpu.memory_space<hbm>>) dst(%arg9 : memref<80xi32, #tpu.memory_space<vmem>>)
      %dma_start3A_78 = arith.constant 0 : i32
      %dma_start3A_79 = tpu.memref_slice %arg5[%dma_start3A_78] : memref<320000xi32, #tpu.memory_space<hbm>> -> memref<320000xi32, #tpu.memory_space<hbm>>
      tpu.enqueue_indirect_dma source(%dma_start3A_79 : memref<320000xi32, #tpu.memory_space<hbm>>) target(%arg10 : memref<80xi32, #tpu.memory_space<vmem>>) offsets(%arg8 : memref<80xi32, #tpu.memory_space<vmem>>) semaphore(%arg15 : memref<!tpu.dma_semaphore, #tpu.memory_space<semaphore_mem>>)
      %dma_wait3A_80 = arith.constant 0 : i32
      %dma_wait3A_81 = tpu.memref_slice %arg5[%dma_wait3A_80] : memref<320000xi32, #tpu.memory_space<hbm>> -> memref<320000xi32, #tpu.memory_space<hbm>>
      tpu.wait_indirect_dma semaphore(%arg15 : memref<!tpu.dma_semaphore, #tpu.memory_space<semaphore_mem>>) src(%dma_wait3A_81 : memref<320000xi32, #tpu.memory_space<hbm>>) dst(%arg10 : memref<80xi32, #tpu.memory_space<vmem>>)
      %dma_start3A_82 = arith.constant 0 : i32
      %dma_start3A_83 = arith.constant 0 : i32
      %dma_start3A_84 = tpu.memref_slice %arg3[%dma_start3A_82, %dma_start3A_83] : memref<320000x128xf32, #tpu.memory_space<hbm>> -> memref<320000x128xf32, #tpu.memory_space<hbm>>
      tpu.enqueue_indirect_dma source(%dma_start3A_84 : memref<320000x128xf32, #tpu.memory_space<hbm>>) target(%arg12 : memref<80x128xf32, #tpu.memory_space<vmem>>) offsets(%arg8 : memref<80xi32, #tpu.memory_space<vmem>>) semaphore(%arg15 : memref<!tpu.dma_semaphore, #tpu.memory_space<semaphore_mem>>)
      %dma_wait3A_85 = arith.constant 0 : i32
      %dma_wait3A_86 = arith.constant 0 : i32
      %dma_wait3A_87 = tpu.memref_slice %arg3[%dma_wait3A_85, %dma_wait3A_86] : memref<320000x128xf32, #tpu.memory_space<hbm>> -> memref<320000x128xf32, #tpu.memory_space<hbm>>
      tpu.wait_indirect_dma semaphore(%arg15 : memref<!tpu.dma_semaphore, #tpu.memory_space<semaphore_mem>>) src(%dma_wait3A_87 : memref<320000x128xf32, #tpu.memory_space<hbm>>) dst(%arg12 : memref<80x128xf32, #tpu.memory_space<vmem>>)
      %dma_start3A_88 = arith.constant 0 : i32
      %dma_start3A_89 = arith.constant 0 : i32
      %dma_start3A_90 = tpu.memref_slice %arg2[%dma_start3A_88, %dma_start3A_89] : memref<10000x128xf32, #tpu.memory_space<hbm>> -> memref<10000x128xf32, #tpu.memory_space<hbm>>
      tpu.enqueue_indirect_dma source(%dma_start3A_90 : memref<10000x128xf32, #tpu.memory_space<hbm>>) target(%arg11 : memref<80x128xf32, #tpu.memory_space<vmem>>) offsets(%arg9 : memref<80xi32, #tpu.memory_space<vmem>>) semaphore(%arg15 : memref<!tpu.dma_semaphore, #tpu.memory_space<semaphore_mem>>)
      %dma_wait3A_91 = arith.constant 0 : i32
      %dma_wait3A_92 = arith.constant 0 : i32
      %dma_wait3A_93 = tpu.memref_slice %arg2[%dma_wait3A_91, %dma_wait3A_92] : memref<10000x128xf32, #tpu.memory_space<hbm>> -> memref<10000x128xf32, #tpu.memory_space<hbm>>
      tpu.wait_indirect_dma semaphore(%arg15 : memref<!tpu.dma_semaphore, #tpu.memory_space<semaphore_mem>>) src(%dma_wait3A_93 : memref<10000x128xf32, #tpu.memory_space<hbm>>) dst(%arg11 : memref<80x128xf32, #tpu.memory_space<vmem>>)
      %scan3A_94 = arith.constant 0 : i32
      %scan3A_95 = arith.constant 0 : i32
      %scan3A_96 = arith.constant 80 : i32
      %scan3A_97 = arith.addi %scan3A_95, %scan3A_96 : i32
      %scan3A_98 = arith.constant 1 : i32
      %scan3A_99 = scf.for %scan3A_102 = %scan3A_95 to %scan3A_97 step %scan3A_98 iter_args(%scan3A_103 = %scan3A_94) -> (i32)  : i32 {
        %get3A = arith.index_cast %scan3A_102 : i32 to index
        %get3A_104 = arith.constant 0 : index
        %get3A_105 = tpu.vector_load %arg11[%get3A, %get3A_104] {strides = array<i32>} : memref<80x128xf32, #tpu.memory_space<vmem>>, vector<1x16xf32>,
        %get3A_106 = vector.shape_cast %get3A_105 : vector<1x16xf32> to vector<16xf32>
        %get3A_107 = arith.index_cast %scan3A_102 : i32 to index
        %get3A_108 = arith.constant 0 : index
        %get3A_109 = tpu.vector_load %arg12[%get3A_107, %get3A_108] {strides = array<i32>} : memref<80x128xf32, #tpu.memory_space<vmem>>, vector<1x16xf32>,
        %get3A_110 = vector.shape_cast %get3A_109 : vector<1x16xf32> to vector<16xf32>
        %add3A_111 = arith.addf %get3A_106, %get3A_110 : vector<16xf32>
        %max3A = arith.constant 0.000000e+00 : f32
        %max3A_112 = vector.broadcast %max3A : f32 to vector<16xf32>
        %max3A_113 = arith.maximumf %add3A_111, %max3A_112 : vector<16xf32>
        %swap3A = arith.index_cast %scan3A_102 : i32 to index
        %swap3A_114 = arith.constant 0 : index
        %swap3A_115 = tpu.vector_load %arg11[%swap3A, %swap3A_114] {strides = array<i32>} : memref<80x128xf32, #tpu.memory_space<vmem>>, vector<1x16xf32>,
        %swap3A_116 = vector.shape_cast %swap3A_115 : vector<1x16xf32> to vector<16xf32>
        %swap3A_117 = vector.shape_cast %max3A_113 : vector<16xf32> to vector<1x16xf32>
        tpu.vector_store %arg11[%swap3A, %swap3A_114], %swap3A_117 {strides = array<i32>} : memref<80x128xf32, #tpu.memory_space<vmem>>, vector<1x16xf32>,
        %get3A_118 = arith.index_cast %scan3A_102 : i32 to index
        %get3A_119 = arith.constant 16 : index
        %get3A_120 = tpu.vector_load %arg11[%get3A_118, %get3A_119] {strides = array<i32>} : memref<80x128xf32, #tpu.memory_space<vmem>>, vector<1x16xf32>,
        %get3A_121 = vector.shape_cast %get3A_120 : vector<1x16xf32> to vector<16xf32>
        %get3A_122 = arith.index_cast %scan3A_102 : i32 to index
        %get3A_123 = arith.constant 16 : index
        %get3A_124 = tpu.vector_load %arg12[%get3A_122, %get3A_123] {strides = array<i32>} : memref<80x128xf32, #tpu.memory_space<vmem>>, vector<1x16xf32>,
        %get3A_125 = vector.shape_cast %get3A_124 : vector<1x16xf32> to vector<16xf32>
        %add3A_126 = arith.addf %get3A_121, %get3A_125 : vector<16xf32>
        %max3A_127 = arith.constant 0.000000e+00 : f32
        %max3A_128 = vector.broadcast %max3A_127 : f32 to vector<16xf32>
        %max3A_129 = arith.maximumf %add3A_126, %max3A_128 : vector<16xf32>
        %swap3A_130 = arith.index_cast %scan3A_102 : i32 to index
        %swap3A_131 = arith.constant 16 : index
        %swap3A_132 = tpu.vector_load %arg11[%swap3A_130, %swap3A_131] {strides = array<i32>} : memref<80x128xf32, #tpu.memory_space<vmem>>, vector<1x16xf32>,
        %swap3A_133 = vector.shape_cast %swap3A_132 : vector<1x16xf32> to vector<16xf32>
        %swap3A_134 = vector.shape_cast %max3A_129 : vector<16xf32> to vector<1x16xf32>
        tpu.vector_store %arg11[%swap3A_130, %swap3A_131], %swap3A_134 {strides = array<i32>} : memref<80x128xf32, #tpu.memory_space<vmem>>, vector<1x16xf32>,
        %get3A_135 = arith.index_cast %scan3A_102 : i32 to index
        %get3A_136 = arith.constant 32 : index
        %get3A_137 = tpu.vector_load %arg11[%get3A_135, %get3A_136] {strides = array<i32>} : memref<80x128xf32, #tpu.memory_space<vmem>>, vector<1x16xf32>,
        %get3A_138 = vector.shape_cast %get3A_137 : vector<1x16xf32> to vector<16xf32>
        %get3A_139 = arith.index_cast %scan3A_102 : i32 to index
        %get3A_140 = arith.constant 32 : index
        %get3A_141 = tpu.vector_load %arg12[%get3A_139, %get3A_140] {strides = array<i32>} : memref<80x128xf32, #tpu.memory_space<vmem>>, vector<1x16xf32>,
        %get3A_142 = vector.shape_cast %get3A_141 : vector<1x16xf32> to vector<16xf32>
        %add3A_143 = arith.addf %get3A_138, %get3A_142 : vector<16xf32>
        %max3A_144 = arith.constant 0.000000e+00 : f32
        %max3A_145 = vector.broadcast %max3A_144 : f32 to vector<16xf32>
        %max3A_146 = arith.maximumf %add3A_143, %max3A_145 : vector<16xf32>
        %swap3A_147 = arith.index_cast %scan3A_102 : i32 to index
        %swap3A_148 = arith.constant 32 : index
        %swap3A_149 = tpu.vector_load %arg11[%swap3A_147, %swap3A_148] {strides = array<i32>} : memref<80x128xf32, #tpu.memory_space<vmem>>, vector<1x16xf32>,
        %swap3A_150 = vector.shape_cast %swap3A_149 : vector<1x16xf32> to vector<16xf32>
        %swap3A_151 = vector.shape_cast %max3A_146 : vector<16xf32> to vector<1x16xf32>
        tpu.vector_store %arg11[%swap3A_147, %swap3A_148], %swap3A_151 {strides = array<i32>} : memref<80x128xf32, #tpu.memory_space<vmem>>, vector<1x16xf32>,
        %get3A_152 = arith.index_cast %scan3A_102 : i32 to index
        %get3A_153 = arith.constant 48 : index
        %get3A_154 = tpu.vector_load %arg11[%get3A_152, %get3A_153] {strides = array<i32>} : memref<80x128xf32, #tpu.memory_space<vmem>>, vector<1x16xf32>,
        %get3A_155 = vector.shape_cast %get3A_154 : vector<1x16xf32> to vector<16xf32>
        %get3A_156 = arith.index_cast %scan3A_102 : i32 to index
        %get3A_157 = arith.constant 48 : index
        %get3A_158 = tpu.vector_load %arg12[%get3A_156, %get3A_157] {strides = array<i32>} : memref<80x128xf32, #tpu.memory_space<vmem>>, vector<1x16xf32>,
        %get3A_159 = vector.shape_cast %get3A_158 : vector<1x16xf32> to vector<16xf32>
        %add3A_160 = arith.addf %get3A_155, %get3A_159 : vector<16xf32>
        %max3A_161 = arith.constant 0.000000e+00 : f32
        %max3A_162 = vector.broadcast %max3A_161 : f32 to vector<16xf32>
        %max3A_163 = arith.maximumf %add3A_160, %max3A_162 : vector<16xf32>
        %swap3A_164 = arith.index_cast %scan3A_102 : i32 to index
        %swap3A_165 = arith.constant 48 : index
        %swap3A_166 = tpu.vector_load %arg11[%swap3A_164, %swap3A_165] {strides = array<i32>} : memref<80x128xf32, #tpu.memory_space<vmem>>, vector<1x16xf32>,
        %swap3A_167 = vector.shape_cast %swap3A_166 : vector<1x16xf32> to vector<16xf32>
        %swap3A_168 = vector.shape_cast %max3A_163 : vector<16xf32> to vector<1x16xf32>
        tpu.vector_store %arg11[%swap3A_164, %swap3A_165], %swap3A_168 {strides = array<i32>} : memref<80x128xf32, #tpu.memory_space<vmem>>, vector<1x16xf32>,
        %get3A_169 = arith.index_cast %scan3A_102 : i32 to index
        %get3A_170 = arith.constant 64 : index
        %get3A_171 = tpu.vector_load %arg11[%get3A_169, %get3A_170] {strides = array<i32>} : memref<80x128xf32, #tpu.memory_space<vmem>>, vector<1x16xf32>,
        %get3A_172 = vector.shape_cast %get3A_171 : vector<1x16xf32> to vector<16xf32>
        %get3A_173 = arith.index_cast %scan3A_102 : i32 to index
        %get3A_174 = arith.constant 64 : index
        %get3A_175 = tpu.vector_load %arg12[%get3A_173, %get3A_174] {strides = array<i32>} : memref<80x128xf32, #tpu.memory_space<vmem>>, vector<1x16xf32>,
        %get3A_176 = vector.shape_cast %get3A_175 : vector<1x16xf32> to vector<16xf32>
        %add3A_177 = arith.addf %get3A_172, %get3A_176 : vector<16xf32>
        %max3A_178 = arith.constant 0.000000e+00 : f32
        %max3A_179 = vector.broadcast %max3A_178 : f32 to vector<16xf32>
        %max3A_180 = arith.maximumf %add3A_177, %max3A_179 : vector<16xf32>
        %swap3A_181 = arith.index_cast %scan3A_102 : i32 to index
        %swap3A_182 = arith.constant 64 : index
        %swap3A_183 = tpu.vector_load %arg11[%swap3A_181, %swap3A_182] {strides = array<i32>} : memref<80x128xf32, #tpu.memory_space<vmem>>, vector<1x16xf32>,
        %swap3A_184 = vector.shape_cast %swap3A_183 : vector<1x16xf32> to vector<16xf32>
        %swap3A_185 = vector.shape_cast %max3A_180 : vector<16xf32> to vector<1x16xf32>
        tpu.vector_store %arg11[%swap3A_181, %swap3A_182], %swap3A_185 {strides = array<i32>} : memref<80x128xf32, #tpu.memory_space<vmem>>, vector<1x16xf32>,
        %get3A_186 = arith.index_cast %scan3A_102 : i32 to index
        %get3A_187 = arith.constant 80 : index
        %get3A_188 = tpu.vector_load %arg11[%get3A_186, %get3A_187] {strides = array<i32>} : memref<80x128xf32, #tpu.memory_space<vmem>>, vector<1x16xf32>,
        %get3A_189 = vector.shape_cast %get3A_188 : vector<1x16xf32> to vector<16xf32>
        %get3A_190 = arith.index_cast %scan3A_102 : i32 to index
        %get3A_191 = arith.constant 80 : index
        %get3A_192 = tpu.vector_load %arg12[%get3A_190, %get3A_191] {strides = array<i32>} : memref<80x128xf32, #tpu.memory_space<vmem>>, vector<1x16xf32>,
        %get3A_193 = vector.shape_cast %get3A_192 : vector<1x16xf32> to vector<16xf32>
        %add3A_194 = arith.addf %get3A_189, %get3A_193 : vector<16xf32>
        %max3A_195 = arith.constant 0.000000e+00 : f32
        %max3A_196 = vector.broadcast %max3A_195 : f32 to vector<16xf32>
        %max3A_197 = arith.maximumf %add3A_194, %max3A_196 : vector<16xf32>
        %swap3A_198 = arith.index_cast %scan3A_102 : i32 to index
        %swap3A_199 = arith.constant 80 : index
        %swap3A_200 = tpu.vector_load %arg11[%swap3A_198, %swap3A_199] {strides = array<i32>} : memref<80x128xf32, #tpu.memory_space<vmem>>, vector<1x16xf32>,
        %swap3A_201 = vector.shape_cast %swap3A_200 : vector<1x16xf32> to vector<16xf32>
        %swap3A_202 = vector.shape_cast %max3A_197 : vector<16xf32> to vector<1x16xf32>
        tpu.vector_store %arg11[%swap3A_198, %swap3A_199], %swap3A_202 {strides = array<i32>} : memref<80x128xf32, #tpu.memory_space<vmem>>, vector<1x16xf32>,
        %get3A_203 = arith.index_cast %scan3A_102 : i32 to index
        %get3A_204 = arith.constant 96 : index
        %get3A_205 = tpu.vector_load %arg11[%get3A_203, %get3A_204] {strides = array<i32>} : memref<80x128xf32, #tpu.memory_space<vmem>>, vector<1x16xf32>,
        %get3A_206 = vector.shape_cast %get3A_205 : vector<1x16xf32> to vector<16xf32>
        %get3A_207 = arith.index_cast %scan3A_102 : i32 to index
        %get3A_208 = arith.constant 96 : index
        %get3A_209 = tpu.vector_load %arg12[%get3A_207, %get3A_208] {strides = array<i32>} : memref<80x128xf32, #tpu.memory_space<vmem>>, vector<1x16xf32>,
        %get3A_210 = vector.shape_cast %get3A_209 : vector<1x16xf32> to vector<16xf32>
        %add3A_211 = arith.addf %get3A_206, %get3A_210 : vector<16xf32>
        %max3A_212 = arith.constant 0.000000e+00 : f32
        %max3A_213 = vector.broadcast %max3A_212 : f32 to vector<16xf32>
        %max3A_214 = arith.maximumf %add3A_211, %max3A_213 : vector<16xf32>
        %swap3A_215 = arith.index_cast %scan3A_102 : i32 to index
        %swap3A_216 = arith.constant 96 : index
        %swap3A_217 = tpu.vector_load %arg11[%swap3A_215, %swap3A_216] {strides = array<i32>} : memref<80x128xf32, #tpu.memory_space<vmem>>, vector<1x16xf32>,
        %swap3A_218 = vector.shape_cast %swap3A_217 : vector<1x16xf32> to vector<16xf32>
        %swap3A_219 = vector.shape_cast %max3A_214 : vector<16xf32> to vector<1x16xf32>
        tpu.vector_store %arg11[%swap3A_215, %swap3A_216], %swap3A_219 {strides = array<i32>} : memref<80x128xf32, #tpu.memory_space<vmem>>, vector<1x16xf32>,
        %get3A_220 = arith.index_cast %scan3A_102 : i32 to index
        %get3A_221 = arith.constant 112 : index
        %get3A_222 = tpu.vector_load %arg11[%get3A_220, %get3A_221] {strides = array<i32>} : memref<80x128xf32, #tpu.memory_space<vmem>>, vector<1x16xf32>,
        %get3A_223 = vector.shape_cast %get3A_222 : vector<1x16xf32> to vector<16xf32>
        %get3A_224 = arith.index_cast %scan3A_102 : i32 to index
        %get3A_225 = arith.constant 112 : index
        %get3A_226 = tpu.vector_load %arg12[%get3A_224, %get3A_225] {strides = array<i32>} : memref<80x128xf32, #tpu.memory_space<vmem>>, vector<1x16xf32>,
        %get3A_227 = vector.shape_cast %get3A_226 : vector<1x16xf32> to vector<16xf32>
        %add3A_228 = arith.addf %get3A_223, %get3A_227 : vector<16xf32>
        %max3A_229 = arith.constant 0.000000e+00 : f32
        %max3A_230 = vector.broadcast %max3A_229 : f32 to vector<16xf32>
        %max3A_231 = arith.maximumf %add3A_228, %max3A_230 : vector<16xf32>
        %swap3A_232 = arith.index_cast %scan3A_102 : i32 to index
        %swap3A_233 = arith.constant 112 : index
        %swap3A_234 = tpu.vector_load %arg11[%swap3A_232, %swap3A_233] {strides = array<i32>} : memref<80x128xf32, #tpu.memory_space<vmem>>, vector<1x16xf32>,
        %swap3A_235 = vector.shape_cast %swap3A_234 : vector<1x16xf32> to vector<16xf32>
        %swap3A_236 = vector.shape_cast %max3A_231 : vector<16xf32> to vector<1x16xf32>
        tpu.vector_store %arg11[%swap3A_232, %swap3A_233], %swap3A_236 {strides = array<i32>} : memref<80x128xf32, #tpu.memory_space<vmem>>, vector<1x16xf32>,
        %scan3A_237 = arith.constant 0 : i32
        scf.yield %scan3A_237 : i32
      }
      %scan3A_100 = arith.constant 80 : i32
      "tpu.region"() ({
        %run_scoped3A = tpu.sem_alloc : memref<!tpu.dma_semaphore, #tpu.memory_space<semaphore_mem>>
        %dma_start3A_102 = arith.constant 0 : i32
        %dma_start3A_103 = arith.constant 0 : i32
        %dma_start3A_104 = tpu.memref_slice %arg14[%dma_start3A_102, %dma_start3A_103] : memref<10000x128xf32, #tpu.memory_space<vmem_shared>> -> memref<10000x128xf32, #tpu.memory_space<vmem_shared>>
        tpu.enqueue_indirect_dma source(%arg11 : memref<80x128xf32, #tpu.memory_space<vmem>>) target(%dma_start3A_104 : memref<10000x128xf32, #tpu.memory_space<vmem_shared>>) offsets(%arg10 : memref<80xi32, #tpu.memory_space<vmem>>) semaphore(%run_scoped3A : memref<!tpu.dma_semaphore, #tpu.memory_space<semaphore_mem>>) {add = true}
        %dma_wait3A_105 = arith.constant 0 : i32
        %dma_wait3A_106 = arith.constant 0 : i32
        %dma_wait3A_107 = tpu.memref_slice %arg14[%dma_wait3A_105, %dma_wait3A_106] : memref<10000x128xf32, #tpu.memory_space<vmem_shared>> -> memref<10000x128xf32, #tpu.memory_space<vmem_shared>>
        tpu.wait_indirect_dma semaphore(%run_scoped3A : memref<!tpu.dma_semaphore, #tpu.memory_space<semaphore_mem>>) src(%arg11 : memref<80x128xf32, #tpu.memory_space<vmem>>) dst(%dma_wait3A_107 : memref<10000x128xf32, #tpu.memory_space<vmem_shared>>)
        tpu.yield
      }) : () -> ()
      %scan3A_101 = arith.constant 0 : i32
      scf.yield %scan3A_101 : i32
    }
    %scan3A_39 = arith.constant 125 : i32
    %barrier3A_40 = arith.constant 0 : index
    tpu.barrier barrier_id(%barrier3A_40)
    %add3A_41 = arith.constant 0 : i32
    %add3A_42 = arith.addi %arg1, %add3A_41 : i32
    %lt3A_43 = arith.constant 50 : i32
    %lt3A_44 = arith.cmpi slt, %add3A_42, %lt3A_43 : i32
    %convert_element_type3A_45 = arith.extui %lt3A_44 : i1 to i32
    %cond3A_46 = arith.constant 0 : i32
    %cond3A_47 = arith.cmpi ne, %convert_element_type3A_45, %cond3A_46 : i32
    scf.if %cond3A_47 {
      %mul3A_69 = arith.constant 200 : i32
      %mul3A_70 = arith.muli %add3A_42, %mul3A_69 : i32
      "tpu.region"() ({
        %run_scoped3A = tpu.sem_alloc : memref<!tpu.dma_semaphore, #tpu.memory_space<semaphore_mem>>
        %dma_start3A = arith.constant 0 : i32
        %dma_start3A_71 = tpu.memref_slice %arg7[%arg0, %mul3A_70, %dma_start3A] : memref<2x10000x128xf32, #tpu.memory_space<hbm>> -> memref<1x200x128xf32, #tpu.memory_space<hbm>>
        %dma_start3A_72 = tpu.memref_squeeze %dma_start3A_71 : memref<1x200x128xf32, #tpu.memory_space<hbm>> -> memref<200x128xf32, #tpu.memory_space<hbm>>
        %dma_start3A_73 = arith.constant 0 : i32
        %dma_start3A_74 = tpu.memref_slice %arg14[%mul3A_70, %dma_start3A_73] : memref<10000x128xf32, #tpu.memory_space<vmem_shared>> -> memref<200x128xf32, #tpu.memory_space<vmem_shared>>
        tpu.enqueue_dma source(%dma_start3A_74 : memref<200x128xf32, #tpu.memory_space<vmem_shared>>) target(%dma_start3A_72 : memref<200x128xf32, #tpu.memory_space<hbm>>) target_semaphore(%run_scoped3A : memref<!tpu.dma_semaphore, #tpu.memory_space<semaphore_mem>>)
        %dma_wait3A = arith.constant 0 : i32
        %dma_wait3A_75 = tpu.memref_slice %arg7[%arg0, %mul3A_70, %dma_wait3A] : memref<2x10000x128xf32, #tpu.memory_space<hbm>> -> memref<1x200x128xf32, #tpu.memory_space<hbm>>
        %dma_wait3A_76 = tpu.memref_squeeze %dma_wait3A_75 : memref<1x200x128xf32, #tpu.memory_space<hbm>> -> memref<200x128xf32, #tpu.memory_space<hbm>>
        %dma_wait3A_77 = arith.constant 0 : i32
        %dma_wait3A_78 = tpu.memref_slice %arg14[%mul3A_70, %dma_wait3A_77] : memref<10000x128xf32, #tpu.memory_space<vmem_shared>> -> memref<200x128xf32, #tpu.memory_space<vmem_shared>>
        tpu.wait_dma2 semaphore(%run_scoped3A : memref<!tpu.dma_semaphore, #tpu.memory_space<semaphore_mem>>) src(%dma_wait3A_78 : memref<200x128xf32, #tpu.memory_space<vmem_shared>>) dst(%dma_wait3A_76 : memref<200x128xf32, #tpu.memory_space<hbm>>)
        tpu.yield
      }) : () -> ()
    } else {
    }
    %add3A_48 = arith.constant 16 : i32
    %add3A_49 = arith.addi %arg1, %add3A_48 : i32
    %lt3A_50 = arith.constant 50 : i32
    %lt3A_51 = arith.cmpi slt, %add3A_49, %lt3A_50 : i32
    %convert_element_type3A_52 = arith.extui %lt3A_51 : i1 to i32
    %cond3A_53 = arith.constant 0 : i32
    %cond3A_54 = arith.cmpi ne, %convert_element_type3A_52, %cond3A_53 : i32
    scf.if %cond3A_54 {
      %mul3A_69 = arith.constant 200 : i32
      %mul3A_70 = arith.muli %add3A_49, %mul3A_69 : i32
      "tpu.region"() ({
        %run_scoped3A = tpu.sem_alloc : memref<!tpu.dma_semaphore, #tpu.memory_space<semaphore_mem>>
        %dma_start3A = arith.constant 0 : i32
        %dma_start3A_71 = tpu.memref_slice %arg7[%arg0, %mul3A_70, %dma_start3A] : memref<2x10000x128xf32, #tpu.memory_space<hbm>> -> memref<1x200x128xf32, #tpu.memory_space<hbm>>
        %dma_start3A_72 = tpu.memref_squeeze %dma_start3A_71 : memref<1x200x128xf32, #tpu.memory_space<hbm>> -> memref<200x128xf32, #tpu.memory_space<hbm>>
        %dma_start3A_73 = arith.constant 0 : i32
        %dma_start3A_74 = tpu.memref_slice %arg14[%mul3A_70, %dma_start3A_73] : memref<10000x128xf32, #tpu.memory_space<vmem_shared>> -> memref<200x128xf32, #tpu.memory_space<vmem_shared>>
        tpu.enqueue_dma source(%dma_start3A_74 : memref<200x128xf32, #tpu.memory_space<vmem_shared>>) target(%dma_start3A_72 : memref<200x128xf32, #tpu.memory_space<hbm>>) target_semaphore(%run_scoped3A : memref<!tpu.dma_semaphore, #tpu.memory_space<semaphore_mem>>)
        %dma_wait3A = arith.constant 0 : i32
        %dma_wait3A_75 = tpu.memref_slice %arg7[%arg0, %mul3A_70, %dma_wait3A] : memref<2x10000x128xf32, #tpu.memory_space<hbm>> -> memref<1x200x128xf32, #tpu.memory_space<hbm>>
        %dma_wait3A_76 = tpu.memref_squeeze %dma_wait3A_75 : memref<1x200x128xf32, #tpu.memory_space<hbm>> -> memref<200x128xf32, #tpu.memory_space<hbm>>
        %dma_wait3A_77 = arith.constant 0 : i32
        %dma_wait3A_78 = tpu.memref_slice %arg14[%mul3A_70, %dma_wait3A_77] : memref<10000x128xf32, #tpu.memory_space<vmem_shared>> -> memref<200x128xf32, #tpu.memory_space<vmem_shared>>
        tpu.wait_dma2 semaphore(%run_scoped3A : memref<!tpu.dma_semaphore, #tpu.memory_space<semaphore_mem>>) src(%dma_wait3A_78 : memref<200x128xf32, #tpu.memory_space<vmem_shared>>) dst(%dma_wait3A_76 : memref<200x128xf32, #tpu.memory_space<hbm>>)
        tpu.yield
      }) : () -> ()
    } else {
    }
    %add3A_55 = arith.constant 32 : i32
    %add3A_56 = arith.addi %arg1, %add3A_55 : i32
    %lt3A_57 = arith.constant 50 : i32
    %lt3A_58 = arith.cmpi slt, %add3A_56, %lt3A_57 : i32
    %convert_element_type3A_59 = arith.extui %lt3A_58 : i1 to i32
    %cond3A_60 = arith.constant 0 : i32
    %cond3A_61 = arith.cmpi ne, %convert_element_type3A_59, %cond3A_60 : i32
    scf.if %cond3A_61 {
      %mul3A_69 = arith.constant 200 : i32
      %mul3A_70 = arith.muli %add3A_56, %mul3A_69 : i32
      "tpu.region"() ({
        %run_scoped3A = tpu.sem_alloc : memref<!tpu.dma_semaphore, #tpu.memory_space<semaphore_mem>>
        %dma_start3A = arith.constant 0 : i32
        %dma_start3A_71 = tpu.memref_slice %arg7[%arg0, %mul3A_70, %dma_start3A] : memref<2x10000x128xf32, #tpu.memory_space<hbm>> -> memref<1x200x128xf32, #tpu.memory_space<hbm>>
        %dma_start3A_72 = tpu.memref_squeeze %dma_start3A_71 : memref<1x200x128xf32, #tpu.memory_space<hbm>> -> memref<200x128xf32, #tpu.memory_space<hbm>>
        %dma_start3A_73 = arith.constant 0 : i32
        %dma_start3A_74 = tpu.memref_slice %arg14[%mul3A_70, %dma_start3A_73] : memref<10000x128xf32, #tpu.memory_space<vmem_shared>> -> memref<200x128xf32, #tpu.memory_space<vmem_shared>>
        tpu.enqueue_dma source(%dma_start3A_74 : memref<200x128xf32, #tpu.memory_space<vmem_shared>>) target(%dma_start3A_72 : memref<200x128xf32, #tpu.memory_space<hbm>>) target_semaphore(%run_scoped3A : memref<!tpu.dma_semaphore, #tpu.memory_space<semaphore_mem>>)
        %dma_wait3A = arith.constant 0 : i32
        %dma_wait3A_75 = tpu.memref_slice %arg7[%arg0, %mul3A_70, %dma_wait3A] : memref<2x10000x128xf32, #tpu.memory_space<hbm>> -> memref<1x200x128xf32, #tpu.memory_space<hbm>>
        %dma_wait3A_76 = tpu.memref_squeeze %dma_wait3A_75 : memref<1x200x128xf32, #tpu.memory_space<hbm>> -> memref<200x128xf32, #tpu.memory_space<hbm>>
        %dma_wait3A_77 = arith.constant 0 : i32
        %dma_wait3A_78 = tpu.memref_slice %arg14[%mul3A_70, %dma_wait3A_77] : memref<10000x128xf32, #tpu.memory_space<vmem_shared>> -> memref<200x128xf32, #tpu.memory_space<vmem_shared>>
        tpu.wait_dma2 semaphore(%run_scoped3A : memref<!tpu.dma_semaphore, #tpu.memory_space<semaphore_mem>>) src(%dma_wait3A_78 : memref<200x128xf32, #tpu.memory_space<vmem_shared>>) dst(%dma_wait3A_76 : memref<200x128xf32, #tpu.memory_space<hbm>>)
        tpu.yield
      }) : () -> ()
    } else {
    }
    %add3A_62 = arith.constant 48 : i32
    %add3A_63 = arith.addi %arg1, %add3A_62 : i32
    %lt3A_64 = arith.constant 50 : i32
    %lt3A_65 = arith.cmpi slt, %add3A_63, %lt3A_64 : i32
    %convert_element_type3A_66 = arith.extui %lt3A_65 : i1 to i32
    %cond3A_67 = arith.constant 0 : i32
    %cond3A_68 = arith.cmpi ne, %convert_element_type3A_66, %cond3A_67 : i32
    scf.if %cond3A_68 {
      %mul3A_69 = arith.constant 200 : i32
      %mul3A_70 = arith.muli %add3A_63, %mul3A_69 : i32
      "tpu.region"() ({
        %run_scoped3A = tpu.sem_alloc : memref<!tpu.dma_semaphore, #tpu.memory_space<semaphore_mem>>
        %dma_start3A = arith.constant 0 : i32
        %dma_start3A_71 = tpu.memref_slice %arg7[%arg0, %mul3A_70, %dma_start3A] : memref<2x10000x128xf32, #tpu.memory_space<hbm>> -> memref<1x200x128xf32, #tpu.memory_space<hbm>>
        %dma_start3A_72 = tpu.memref_squeeze %dma_start3A_71 : memref<1x200x128xf32, #tpu.memory_space<hbm>> -> memref<200x128xf32, #tpu.memory_space<hbm>>
        %dma_start3A_73 = arith.constant 0 : i32
        %dma_start3A_74 = tpu.memref_slice %arg14[%mul3A_70, %dma_start3A_73] : memref<10000x128xf32, #tpu.memory_space<vmem_shared>> -> memref<200x128xf32, #tpu.memory_space<vmem_shared>>
        tpu.enqueue_dma source(%dma_start3A_74 : memref<200x128xf32, #tpu.memory_space<vmem_shared>>) target(%dma_start3A_72 : memref<200x128xf32, #tpu.memory_space<hbm>>) target_semaphore(%run_scoped3A : memref<!tpu.dma_semaphore, #tpu.memory_space<semaphore_mem>>)
        %dma_wait3A = arith.constant 0 : i32
        %dma_wait3A_75 = tpu.memref_slice %arg7[%arg0, %mul3A_70, %dma_wait3A] : memref<2x10000x128xf32, #tpu.memory_space<hbm>> -> memref<1x200x128xf32, #tpu.memory_space<hbm>>
        %dma_wait3A_76 = tpu.memref_squeeze %dma_wait3A_75 : memref<1x200x128xf32, #tpu.memory_space<hbm>> -> memref<200x128xf32, #tpu.memory_space<hbm>>
        %dma_wait3A_77 = arith.constant 0 : i32
        %dma_wait3A_78 = tpu.memref_slice %arg14[%mul3A_70, %dma_wait3A_77] : memref<10000x128xf32, #tpu.memory_space<vmem_shared>> -> memref<200x128xf32, #tpu.memory_space<vmem_shared>>
        tpu.wait_dma2 semaphore(%run_scoped3A : memref<!tpu.dma_semaphore, #tpu.memory_space<semaphore_mem>>) src(%dma_wait3A_78 : memref<200x128xf32, #tpu.memory_space<vmem_shared>>) dst(%dma_wait3A_76 : memref<200x128xf32, #tpu.memory_space<hbm>>)
        tpu.yield
      }) : () -> ()
    } else {
    }
    return
  }
}

module attributes {stable_mosaic.version = 14 : i64} {
  func.func @_edge_mlp_body(%arg0: i32, %arg1: memref<2000x16xf32, #tpu.memory_space<vmem>>, %arg2: memref<16x128xf32, #tpu.memory_space<vmem>>, %arg3: memref<1x128xf32, #tpu.memory_space<vmem>>, %arg4: memref<128x128xf32, #tpu.memory_space<vmem>>, %arg5: memref<1x128xf32, #tpu.memory_space<vmem>>, %arg6: memref<2000x128xf32, #tpu.memory_space<vmem>>) attributes {dimension_semantics = [#tpu.dimension_semantics<arbitrary>], iteration_bounds = array<i64: 160>, scalar_prefetch = 0 : i64, scratch_operands = 0 : i64, tpu.core_type = #tpu.core_type<tc>, window_params = [{transform_indices = @transform_0, window_bounds = array<i64: 2000, 16>}, {pipeline_mode = #tpu.pipeline_mode<synchronous>, transform_indices = @transform_1, window_bounds = array<i64: 16, 128>}, {pipeline_mode = #tpu.pipeline_mode<synchronous>, transform_indices = @transform_2, window_bounds = array<i64: 1, 128>}, {pipeline_mode = #tpu.pipeline_mode<synchronous>, transform_indices = @transform_3, window_bounds = array<i64: 128, 128>}, {pipeline_mode = #tpu.pipeline_mode<synchronous>, transform_indices = @transform_4, window_bounds = array<i64: 1, 128>}, {transform_indices = @transform_5, window_bounds = array<i64: 2000, 128>}]} {
    %get3A = arith.constant 0 : index
    %get3A_0 = arith.constant 0 : index
    %get3A_1 = vector.load %arg1[%get3A, %get3A_0] : memref<2000x16xf32, #tpu.memory_space<vmem>>, vector<2000x16xf32>
    %get3A_2 = arith.constant 0 : index
    %get3A_3 = arith.constant 0 : index
    %get3A_4 = vector.load %arg2[%get3A_2, %get3A_3] : memref<16x128xf32, #tpu.memory_space<vmem>>, vector<16x128xf32>
    %dot_general3A = arith.constant dense<0.000000e+00> : vector<2000x128xf32>
    %dot_general3A_5 = tpu.matmul %get3A_1, %get3A_4, %dot_general3A {dimension_numbers = #tpu.dot_dimension_numbers<[1], [0], [0], [1], [0, 0, 1, 1], [], []>, transpose_lhs_hint = false} : vector<2000x16xf32>, vector<16x128xf32>, vector<2000x128xf32> -> vector<2000x128xf32>
    %get3A_6 = arith.constant 0 : index
    %get3A_7 = arith.constant 0 : index
    %get3A_8 = vector.load %arg3[%get3A_6, %get3A_7] : memref<1x128xf32, #tpu.memory_space<vmem>>, vector<1x128xf32>
    %add3A = vector.broadcast %get3A_8 : vector<1x128xf32> to vector<2000x128xf32>
    %add3A_9 = arith.addf %dot_general3A_5, %add3A : vector<2000x128xf32>
    %max3A = arith.constant 0.000000e+00 : f32
    %max3A_10 = vector.broadcast %max3A : f32 to vector<2000x128xf32>
    %max3A_11 = arith.maximumf %add3A_9, %max3A_10 : vector<2000x128xf32>
    %get3A_12 = arith.constant 0 : index
    %get3A_13 = arith.constant 0 : index
    %get3A_14 = vector.load %arg4[%get3A_12, %get3A_13] : memref<128x128xf32, #tpu.memory_space<vmem>>, vector<128x128xf32>
    %dot_general3A_15 = arith.constant dense<0.000000e+00> : vector<2000x128xf32>
    %dot_general3A_16 = tpu.matmul %max3A_11, %get3A_14, %dot_general3A_15 {dimension_numbers = #tpu.dot_dimension_numbers<[1], [0], [0], [1], [0, 0, 1, 1], [], []>, transpose_lhs_hint = false} : vector<2000x128xf32>, vector<128x128xf32>, vector<2000x128xf32> -> vector<2000x128xf32>
    %get3A_17 = arith.constant 0 : index
    %get3A_18 = arith.constant 0 : index
    %get3A_19 = vector.load %arg5[%get3A_17, %get3A_18] : memref<1x128xf32, #tpu.memory_space<vmem>>, vector<1x128xf32>
    %add3A_20 = vector.broadcast %get3A_19 : vector<1x128xf32> to vector<2000x128xf32>
    %add3A_21 = arith.addf %dot_general3A_16, %add3A_20 : vector<2000x128xf32>
    %swap3A = arith.constant 0 : index
    %swap3A_22 = arith.constant 0 : index
    %swap3A_23 = vector.load %arg6[%swap3A, %swap3A_22] : memref<2000x128xf32, #tpu.memory_space<vmem>>, vector<2000x128xf32>
    tpu.vector_store %arg6[%swap3A, %swap3A_22], %add3A_21 {strides = array<i32>} : memref<2000x128xf32, #tpu.memory_space<vmem>>, vector<2000x128xf32>,
    return
  }
  func.func @transform_0(%arg0: i32) -> (i32, i32) {
    %c0_i32 = arith.constant 0 : i32
    %c0_i32_0 = arith.constant 0 : i32
    return %arg0, %c0_i32 : i32, i32
  }
  func.func @transform_1(%arg0: i32) -> (i32, i32) {
    %c0_i32 = arith.constant 0 : i32
    %c0_i32_0 = arith.constant 0 : i32
    %c0_i32_1 = arith.constant 0 : i32
    return %c0_i32, %c0_i32_0 : i32, i32
  }
  func.func @transform_2(%arg0: i32) -> (i32, i32) {
    %c0_i32 = arith.constant 0 : i32
    %c0_i32_0 = arith.constant 0 : i32
    %c0_i32_1 = arith.constant 0 : i32
    return %c0_i32, %c0_i32_0 : i32, i32
  }
  func.func @transform_3(%arg0: i32) -> (i32, i32) {
    %c0_i32 = arith.constant 0 : i32
    %c0_i32_0 = arith.constant 0 : i32
    %c0_i32_1 = arith.constant 0 : i32
    return %c0_i32, %c0_i32_0 : i32, i32
  }
  func.func @transform_4(%arg0: i32) -> (i32, i32) {
    %c0_i32 = arith.constant 0 : i32
    %c0_i32_0 = arith.constant 0 : i32
    %c0_i32_1 = arith.constant 0 : i32
    return %c0_i32, %c0_i32_0 : i32, i32
  }
  func.func @transform_5(%arg0: i32) -> (i32, i32) {
    %c0_i32 = arith.constant 0 : i32
    %c0_i32_0 = arith.constant 0 : i32
    return %arg0, %c0_i32 : i32, i32
  }
}

module attributes {stable_mosaic.version = 14 : i64} {
  func.func @_node_mlp_body(%arg0: i32, %arg1: memref<2000x128xf32, #tpu.memory_space<vmem>>, %arg2: memref<2000x128xf32, #tpu.memory_space<vmem>>, %arg3: memref<2000x128xf32, #tpu.memory_space<vmem>>, %arg4: memref<1x1xf32, #tpu.memory_space<vmem>>, %arg5: memref<128x128xf32, #tpu.memory_space<vmem>>, %arg6: memref<1x128xf32, #tpu.memory_space<vmem>>, %arg7: memref<128x128xf32, #tpu.memory_space<vmem>>, %arg8: memref<1x128xf32, #tpu.memory_space<vmem>>, %arg9: memref<2000x128xf32, #tpu.memory_space<vmem>>, %arg10: memref<1x128xf32, #tpu.memory_space<vmem>>, %arg11: memref<1x128xf32, #tpu.memory_space<vmem>>) attributes {dimension_semantics = [#tpu.dimension_semantics<arbitrary>], iteration_bounds = array<i64: 5>, scalar_prefetch = 0 : i64, scratch_operands = 1 : i64, tpu.core_type = #tpu.core_type<tc>, window_params = [{transform_indices = @transform_0, window_bounds = array<i64: 2000, 128>}, {transform_indices = @transform_1, window_bounds = array<i64: 2000, 128>}, {transform_indices = @transform_2, window_bounds = array<i64: 2000, 128>}, {pipeline_mode = #tpu.pipeline_mode<synchronous>, transform_indices = @transform_3, window_bounds = array<i64: 1, 1>}, {pipeline_mode = #tpu.pipeline_mode<synchronous>, transform_indices = @transform_4, window_bounds = array<i64: 128, 128>}, {pipeline_mode = #tpu.pipeline_mode<synchronous>, transform_indices = @transform_5, window_bounds = array<i64: 1, 128>}, {pipeline_mode = #tpu.pipeline_mode<synchronous>, transform_indices = @transform_6, window_bounds = array<i64: 128, 128>}, {pipeline_mode = #tpu.pipeline_mode<synchronous>, transform_indices = @transform_7, window_bounds = array<i64: 1, 128>}, {transform_indices = @transform_8, window_bounds = array<i64: 2000, 128>}, {pipeline_mode = #tpu.pipeline_mode<synchronous>, transform_indices = @transform_9, window_bounds = array<i64: 1, 128>}]} {
    %get3A = arith.constant 0 : index
    %get3A_0 = arith.constant 0 : index
    %get3A_1 = vector.load %arg4[%get3A, %get3A_0] : memref<1x1xf32, #tpu.memory_space<vmem>>, vector<1x1xf32>
    %get3A_2 = vector.extract %get3A_1[0, 0] : f32 from vector<1x1xf32>
    %add3A = arith.constant 1.000000e+00 : f32
    %add3A_3 = arith.addf %add3A, %get3A_2 : f32
    %get3A_4 = arith.constant 0 : index
    %get3A_5 = arith.constant 0 : index
    %get3A_6 = vector.load %arg1[%get3A_4, %get3A_5] : memref<2000x128xf32, #tpu.memory_space<vmem>>, vector<2000x128xf32>
    %mul3A = vector.broadcast %add3A_3 : f32 to vector<2000x128xf32>
    %mul3A_7 = arith.mulf %mul3A, %get3A_6 : vector<2000x128xf32>
    %get3A_8 = arith.constant 0 : index
    %get3A_9 = arith.constant 0 : index
    %get3A_10 = vector.load %arg2[%get3A_8, %get3A_9] : memref<2000x128xf32, #tpu.memory_space<vmem>>, vector<2000x128xf32>
    %get3A_11 = arith.constant 0 : index
    %get3A_12 = arith.constant 0 : index
    %get3A_13 = vector.load %arg3[%get3A_11, %get3A_12] : memref<2000x128xf32, #tpu.memory_space<vmem>>, vector<2000x128xf32>
    %add3A_14 = arith.addf %get3A_10, %get3A_13 : vector<2000x128xf32>
    %add3A_15 = arith.addf %mul3A_7, %add3A_14 : vector<2000x128xf32>
    %get3A_16 = arith.constant 0 : index
    %get3A_17 = arith.constant 0 : index
    %get3A_18 = vector.load %arg5[%get3A_16, %get3A_17] : memref<128x128xf32, #tpu.memory_space<vmem>>, vector<128x128xf32>
    %dot_general3A = arith.constant dense<0.000000e+00> : vector<2000x128xf32>
    %dot_general3A_19 = tpu.matmul %add3A_15, %get3A_18, %dot_general3A {dimension_numbers = #tpu.dot_dimension_numbers<[1], [0], [0], [1], [0, 0, 1, 1], [], []>, transpose_lhs_hint = false} : vector<2000x128xf32>, vector<128x128xf32>, vector<2000x128xf32> -> vector<2000x128xf32>
    %get3A_20 = arith.constant 0 : index
    %get3A_21 = arith.constant 0 : index
    %get3A_22 = vector.load %arg6[%get3A_20, %get3A_21] : memref<1x128xf32, #tpu.memory_space<vmem>>, vector<1x128xf32>
    %add3A_23 = vector.broadcast %get3A_22 : vector<1x128xf32> to vector<2000x128xf32>
    %add3A_24 = arith.addf %dot_general3A_19, %add3A_23 : vector<2000x128xf32>
    %max3A = arith.constant 0.000000e+00 : f32
    %max3A_25 = vector.broadcast %max3A : f32 to vector<2000x128xf32>
    %max3A_26 = arith.maximumf %add3A_24, %max3A_25 : vector<2000x128xf32>
    %get3A_27 = arith.constant 0 : index
    %get3A_28 = arith.constant 0 : index
    %get3A_29 = vector.load %arg7[%get3A_27, %get3A_28] : memref<128x128xf32, #tpu.memory_space<vmem>>, vector<128x128xf32>
    %dot_general3A_30 = arith.constant dense<0.000000e+00> : vector<2000x128xf32>
    %dot_general3A_31 = tpu.matmul %max3A_26, %get3A_29, %dot_general3A_30 {dimension_numbers = #tpu.dot_dimension_numbers<[1], [0], [0], [1], [0, 0, 1, 1], [], []>, transpose_lhs_hint = false} : vector<2000x128xf32>, vector<128x128xf32>, vector<2000x128xf32> -> vector<2000x128xf32>
    %get3A_32 = arith.constant 0 : index
    %get3A_33 = arith.constant 0 : index
    %get3A_34 = vector.load %arg8[%get3A_32, %get3A_33] : memref<1x128xf32, #tpu.memory_space<vmem>>, vector<1x128xf32>
    %add3A_35 = vector.broadcast %get3A_34 : vector<1x128xf32> to vector<2000x128xf32>
    %add3A_36 = arith.addf %dot_general3A_31, %add3A_35 : vector<2000x128xf32>
    %max3A_37 = arith.constant 0.000000e+00 : f32
    %max3A_38 = vector.broadcast %max3A_37 : f32 to vector<2000x128xf32>
    %max3A_39 = arith.maximumf %add3A_36, %max3A_38 : vector<2000x128xf32>
    %swap3A = arith.constant 0 : index
    %swap3A_40 = arith.constant 0 : index
    %swap3A_41 = vector.load %arg9[%swap3A, %swap3A_40] : memref<2000x128xf32, #tpu.memory_space<vmem>>, vector<2000x128xf32>
    tpu.vector_store %arg9[%swap3A, %swap3A_40], %max3A_39 {strides = array<i32>} : memref<2000x128xf32, #tpu.memory_space<vmem>>, vector<2000x128xf32>,
    %eq3A = arith.constant 0 : i32
    %eq3A_42 = arith.cmpi eq, %arg0, %eq3A : i32
    %convert_element_type3A = arith.extui %eq3A_42 : i1 to i32
    %cond3A = arith.constant 0 : i32
    %cond3A_43 = arith.cmpi ne, %convert_element_type3A, %cond3A : i32
    scf.if %cond3A_43 {
      %broadcast_in_dim3A_57 = arith.constant 0.000000e+00 : f32
      %broadcast_in_dim3A_58 = vector.broadcast %broadcast_in_dim3A_57 : f32 to vector<1x128xf32>
      %swap3A_59 = arith.constant 0 : index
      %swap3A_60 = arith.constant 0 : index
      %swap3A_61 = vector.load %arg11[%swap3A_59, %swap3A_60] : memref<1x128xf32, #tpu.memory_space<vmem>>, vector<1x128xf32>
      tpu.vector_store %arg11[%swap3A_59, %swap3A_60], %broadcast_in_dim3A_58 {strides = array<i32>} : memref<1x128xf32, #tpu.memory_space<vmem>>, vector<1x128xf32>,
    } else {
    }
    %get3A_44 = arith.constant 0 : index
    %get3A_45 = arith.constant 0 : index
    %get3A_46 = vector.load %arg11[%get3A_44, %get3A_45] : memref<1x128xf32, #tpu.memory_space<vmem>>, vector<1x128xf32>
    %reduce_sum3A = arith.constant dense<0.000000e+00> : vector<128xf32>
    %reduce_sum3A_47 = vector.multi_reduction <add>, %max3A_39, %reduce_sum3A [0] : vector<2000x128xf32> to vector<128xf32>
    %broadcast_in_dim3A = vector.shape_cast %reduce_sum3A_47 : vector<128xf32> to vector<1x128xf32>
    %add3A_48 = arith.addf %get3A_46, %broadcast_in_dim3A : vector<1x128xf32>
    %swap3A_49 = arith.constant 0 : index
    %swap3A_50 = arith.constant 0 : index
    %swap3A_51 = vector.load %arg11[%swap3A_49, %swap3A_50] : memref<1x128xf32, #tpu.memory_space<vmem>>, vector<1x128xf32>
    tpu.vector_store %arg11[%swap3A_49, %swap3A_50], %add3A_48 {strides = array<i32>} : memref<1x128xf32, #tpu.memory_space<vmem>>, vector<1x128xf32>,
    %eq3A_52 = arith.constant 4 : i32
    %eq3A_53 = arith.cmpi eq, %arg0, %eq3A_52 : i32
    %convert_element_type3A_54 = arith.extui %eq3A_53 : i1 to i32
    %cond3A_55 = arith.constant 0 : i32
    %cond3A_56 = arith.cmpi ne, %convert_element_type3A_54, %cond3A_55 : i32
    scf.if %cond3A_56 {
      %get3A_57 = arith.constant 0 : index
      %get3A_58 = arith.constant 0 : index
      %get3A_59 = vector.load %arg11[%get3A_57, %get3A_58] : memref<1x128xf32, #tpu.memory_space<vmem>>, vector<1x128xf32>
      %swap3A_60 = arith.constant 0 : index
      %swap3A_61 = arith.constant 0 : index
      %swap3A_62 = vector.load %arg10[%swap3A_60, %swap3A_61] : memref<1x128xf32, #tpu.memory_space<vmem>>, vector<1x128xf32>
      tpu.vector_store %arg10[%swap3A_60, %swap3A_61], %get3A_59 {strides = array<i32>} : memref<1x128xf32, #tpu.memory_space<vmem>>, vector<1x128xf32>,
    } else {
    }
    return
  }
  func.func @transform_0(%arg0: i32) -> (i32, i32) {
    %c0_i32 = arith.constant 0 : i32
    %c0_i32_0 = arith.constant 0 : i32
    return %arg0, %c0_i32 : i32, i32
  }
  func.func @transform_1(%arg0: i32) -> (i32, i32) {
    %c0_i32 = arith.constant 0 : i32
    %c0_i32_0 = arith.constant 0 : i32
    return %arg0, %c0_i32 : i32, i32
  }
  func.func @transform_2(%arg0: i32) -> (i32, i32) {
    %c0_i32 = arith.constant 0 : i32
    %c0_i32_0 = arith.constant 0 : i32
    return %arg0, %c0_i32 : i32, i32
  }
  func.func @transform_3(%arg0: i32) -> (i32, i32) {
    %c0_i32 = arith.constant 0 : i32
    %c0_i32_0 = arith.constant 0 : i32
    %c0_i32_1 = arith.constant 0 : i32
    return %c0_i32, %c0_i32_0 : i32, i32
  }
  func.func @transform_4(%arg0: i32) -> (i32, i32) {
    %c0_i32 = arith.constant 0 : i32
    %c0_i32_0 = arith.constant 0 : i32
    %c0_i32_1 = arith.constant 0 : i32
    return %c0_i32, %c0_i32_0 : i32, i32
  }
  func.func @transform_5(%arg0: i32) -> (i32, i32) {
    %c0_i32 = arith.constant 0 : i32
    %c0_i32_0 = arith.constant 0 : i32
    %c0_i32_1 = arith.constant 0 : i32
    return %c0_i32, %c0_i32_0 : i32, i32
  }
  func.func @transform_6(%arg0: i32) -> (i32, i32) {
    %c0_i32 = arith.constant 0 : i32
    %c0_i32_0 = arith.constant 0 : i32
    %c0_i32_1 = arith.constant 0 : i32
    return %c0_i32, %c0_i32_0 : i32, i32
  }
  func.func @transform_7(%arg0: i32) -> (i32, i32) {
    %c0_i32 = arith.constant 0 : i32
    %c0_i32_0 = arith.constant 0 : i32
    %c0_i32_1 = arith.constant 0 : i32
    return %c0_i32, %c0_i32_0 : i32, i32
  }
  func.func @transform_8(%arg0: i32) -> (i32, i32) {
    %c0_i32 = arith.constant 0 : i32
    %c0_i32_0 = arith.constant 0 : i32
    return %arg0, %c0_i32 : i32, i32
  }
  func.func @transform_9(%arg0: i32) -> (i32, i32) {
    %c0_i32 = arith.constant 0 : i32
    %c0_i32_0 = arith.constant 0 : i32
    %c0_i32_1 = arith.constant 0 : i32
    return %c0_i32, %c0_i32_0 : i32, i32
  }
}

module attributes {stable_mosaic.version = 14 : i64} {
  func.func @_bn_body(%arg0: i32, %arg1: i32, %arg2: memref<2000x128xf32, #tpu.memory_space<vmem>>, %arg3: memref<1x128xf32, #tpu.memory_space<vmem>>, %arg4: memref<1x128xf32, #tpu.memory_space<vmem>>, %arg5: memref<1x128xf32, #tpu.memory_space<vmem>>, %arg6: memref<2000x128xf32, #tpu.memory_space<vmem>>, %arg7: memref<1x128xf32, #tpu.memory_space<vmem>>) attributes {dimension_semantics = [#tpu.dimension_semantics<arbitrary>, #tpu.dimension_semantics<arbitrary>], iteration_bounds = array<i64: 2, 5>, scalar_prefetch = 0 : i64, scratch_operands = 1 : i64, tpu.core_type = #tpu.core_type<tc>, window_params = [{transform_indices = @transform_0, window_bounds = array<i64: 2000, 128>}, {pipeline_mode = #tpu.pipeline_mode<synchronous>, transform_indices = @transform_1, window_bounds = array<i64: 1, 128>}, {pipeline_mode = #tpu.pipeline_mode<synchronous>, transform_indices = @transform_2, window_bounds = array<i64: 1, 128>}, {pipeline_mode = #tpu.pipeline_mode<synchronous>, transform_indices = @transform_3, window_bounds = array<i64: 1, 128>}, {transform_indices = @transform_4, window_bounds = array<i64: 2000, 128>}]} {
    %get3A = arith.constant 0 : index
    %get3A_0 = arith.constant 0 : index
    %get3A_1 = vector.load %arg3[%get3A, %get3A_0] : memref<1x128xf32, #tpu.memory_space<vmem>>, vector<1x128xf32>
    %div3A = arith.constant 1.000000e+04 : f32
    %div3A_2 = vector.broadcast %div3A : f32 to vector<1x128xf32>
    %div3A_3 = arith.divf %get3A_1, %div3A_2 : vector<1x128xf32>
    %eq3A = arith.constant 0 : i32
    %eq3A_4 = arith.cmpi eq, %arg0, %eq3A : i32
    %convert_element_type3A = arith.extui %eq3A_4 : i1 to i32
    %cond3A = arith.constant 0 : i32
    %cond3A_5 = arith.cmpi ne, %convert_element_type3A, %cond3A : i32
    scf.if %cond3A_5 {
      %eq3A_11 = arith.constant 0 : i32
      %eq3A_12 = arith.cmpi eq, %arg1, %eq3A_11 : i32
      %convert_element_type3A_13 = arith.extui %eq3A_12 : i1 to i32
      %cond3A_14 = arith.constant 0 : i32
      %cond3A_15 = arith.cmpi ne, %convert_element_type3A_13, %cond3A_14 : i32
      scf.if %cond3A_15 {
        %broadcast_in_dim3A_26 = arith.constant 0.000000e+00 : f32
        %broadcast_in_dim3A_27 = vector.broadcast %broadcast_in_dim3A_26 : f32 to vector<1x128xf32>
        %swap3A_28 = arith.constant 0 : index
        %swap3A_29 = arith.constant 0 : index
        %swap3A_30 = vector.load %arg7[%swap3A_28, %swap3A_29] : memref<1x128xf32, #tpu.memory_space<vmem>>, vector<1x128xf32>
        tpu.vector_store %arg7[%swap3A_28, %swap3A_29], %broadcast_in_dim3A_27 {strides = array<i32>} : memref<1x128xf32, #tpu.memory_space<vmem>>, vector<1x128xf32>,
      } else {
      }
      %get3A_16 = arith.constant 0 : index
      %get3A_17 = arith.constant 0 : index
      %get3A_18 = vector.load %arg2[%get3A_16, %get3A_17] : memref<2000x128xf32, #tpu.memory_space<vmem>>, vector<2000x128xf32>
      %sub3A = vector.broadcast %div3A_3 : vector<1x128xf32> to vector<2000x128xf32>
      %sub3A_19 = arith.subf %get3A_18, %sub3A : vector<2000x128xf32>
      %get3A_20 = arith.constant 0 : index
      %get3A_21 = arith.constant 0 : index
      %get3A_22 = vector.load %arg7[%get3A_20, %get3A_21] : memref<1x128xf32, #tpu.memory_space<vmem>>, vector<1x128xf32>
      %mul3A = arith.mulf %sub3A_19, %sub3A_19 : vector<2000x128xf32>
      %reduce_sum3A = arith.constant dense<0.000000e+00> : vector<128xf32>
      %reduce_sum3A_23 = vector.multi_reduction <add>, %mul3A, %reduce_sum3A [0] : vector<2000x128xf32> to vector<128xf32>
      %broadcast_in_dim3A = vector.shape_cast %reduce_sum3A_23 : vector<128xf32> to vector<1x128xf32>
      %add3A = arith.addf %get3A_22, %broadcast_in_dim3A : vector<1x128xf32>
      %swap3A = arith.constant 0 : index
      %swap3A_24 = arith.constant 0 : index
      %swap3A_25 = vector.load %arg7[%swap3A, %swap3A_24] : memref<1x128xf32, #tpu.memory_space<vmem>>, vector<1x128xf32>
      tpu.vector_store %arg7[%swap3A, %swap3A_24], %add3A {strides = array<i32>} : memref<1x128xf32, #tpu.memory_space<vmem>>, vector<1x128xf32>,
    } else {
    }
    %eq3A_6 = arith.constant 1 : i32
    %eq3A_7 = arith.cmpi eq, %arg0, %eq3A_6 : i32
    %convert_element_type3A_8 = arith.extui %eq3A_7 : i1 to i32
    %cond3A_9 = arith.constant 0 : i32
    %cond3A_10 = arith.cmpi ne, %convert_element_type3A_8, %cond3A_9 : i32
    scf.if %cond3A_10 {
      %get3A_11 = arith.constant 0 : index
      %get3A_12 = arith.constant 0 : index
      %get3A_13 = vector.load %arg7[%get3A_11, %get3A_12] : memref<1x128xf32, #tpu.memory_space<vmem>>, vector<1x128xf32>
      %div3A_14 = arith.constant 1.000000e+04 : f32
      %div3A_15 = vector.broadcast %div3A_14 : f32 to vector<1x128xf32>
      %div3A_16 = arith.divf %get3A_13, %div3A_15 : vector<1x128xf32>
      %get3A_17 = arith.constant 0 : index
      %get3A_18 = arith.constant 0 : index
      %get3A_19 = vector.load %arg2[%get3A_17, %get3A_18] : memref<2000x128xf32, #tpu.memory_space<vmem>>, vector<2000x128xf32>
      %sub3A = vector.broadcast %div3A_3 : vector<1x128xf32> to vector<2000x128xf32>
      %sub3A_20 = arith.subf %get3A_19, %sub3A : vector<2000x128xf32>
      %add3A = arith.constant 9.99999974E-6 : f32
      %add3A_21 = vector.broadcast %add3A : f32 to vector<1x128xf32>
      %add3A_22 = arith.addf %div3A_16, %add3A_21 : vector<1x128xf32>
      %sqrt3A = math.sqrt %add3A_22 : vector<1x128xf32>
      %div3A_23 = vector.broadcast %sqrt3A : vector<1x128xf32> to vector<2000x128xf32>
      %div3A_24 = arith.divf %sub3A_20, %div3A_23 : vector<2000x128xf32>
      %get3A_25 = arith.constant 0 : index
      %get3A_26 = arith.constant 0 : index
      %get3A_27 = vector.load %arg4[%get3A_25, %get3A_26] : memref<1x128xf32, #tpu.memory_space<vmem>>, vector<1x128xf32>
      %mul3A = vector.broadcast %get3A_27 : vector<1x128xf32> to vector<2000x128xf32>
      %mul3A_28 = arith.mulf %div3A_24, %mul3A : vector<2000x128xf32>
      %get3A_29 = arith.constant 0 : index
      %get3A_30 = arith.constant 0 : index
      %get3A_31 = vector.load %arg5[%get3A_29, %get3A_30] : memref<1x128xf32, #tpu.memory_space<vmem>>, vector<1x128xf32>
      %add3A_32 = vector.broadcast %get3A_31 : vector<1x128xf32> to vector<2000x128xf32>
      %add3A_33 = arith.addf %mul3A_28, %add3A_32 : vector<2000x128xf32>
      %swap3A = arith.constant 0 : index
      %swap3A_34 = arith.constant 0 : index
      %swap3A_35 = vector.load %arg6[%swap3A, %swap3A_34] : memref<2000x128xf32, #tpu.memory_space<vmem>>, vector<2000x128xf32>
      tpu.vector_store %arg6[%swap3A, %swap3A_34], %add3A_33 {strides = array<i32>} : memref<2000x128xf32, #tpu.memory_space<vmem>>, vector<2000x128xf32>,
    } else {
    }
    return
  }
  func.func @transform_0(%arg0: i32, %arg1: i32) -> (i32, i32) {
    %c0_i32 = arith.constant 0 : i32
    %c0_i32_0 = arith.constant 0 : i32
    return %arg1, %c0_i32 : i32, i32
  }
  func.func @transform_1(%arg0: i32, %arg1: i32) -> (i32, i32) {
    %c0_i32 = arith.constant 0 : i32
    %c0_i32_0 = arith.constant 0 : i32
    %c0_i32_1 = arith.constant 0 : i32
    return %c0_i32, %c0_i32_0 : i32, i32
  }
  func.func @transform_2(%arg0: i32, %arg1: i32) -> (i32, i32) {
    %c0_i32 = arith.constant 0 : i32
    %c0_i32_0 = arith.constant 0 : i32
    %c0_i32_1 = arith.constant 0 : i32
    return %c0_i32, %c0_i32_0 : i32, i32
  }
  func.func @transform_3(%arg0: i32, %arg1: i32) -> (i32, i32) {
    %c0_i32 = arith.constant 0 : i32
    %c0_i32_0 = arith.constant 0 : i32
    %c0_i32_1 = arith.constant 0 : i32
    return %c0_i32, %c0_i32_0 : i32, i32
  }
  func.func @transform_4(%arg0: i32, %arg1: i32) -> (i32, i32) {
    %c0_i32 = arith.constant 0 : i32
    %c0_i32_0 = arith.constant 0 : i32
    return %arg1, %c0_i32 : i32, i32
  }
}

module attributes {stable_mosaic.version = 14 : i64} {
  func.func @_pool_body(%arg0: i32, %arg1: memref<2000x128xf32, #tpu.memory_space<vmem>>, %arg2: memref<2000x128xf32, #tpu.memory_space<vmem>>, %arg3: memref<2000x128xf32, #tpu.memory_space<vmem>>, %arg4: memref<2000x128xf32, #tpu.memory_space<vmem>>, %arg5: memref<1x1x2000xi32, #tpu.memory_space<vmem>>, %arg6: memref<512x128xf32, #tpu.memory_space<vmem>>, %arg7: memref<1x128xf32, #tpu.memory_space<vmem>>, %arg8: memref<128x10xf32, #tpu.memory_space<vmem>>, %arg9: memref<1x10xf32, #tpu.memory_space<vmem>>, %arg10: memref<128x10xf32, #tpu.memory_space<vmem>>, %arg11: memref<128x512xf32, #tpu.memory_space<vmem>>, %arg12: memref<128x1xf32, #tpu.memory_space<vmem>>) attributes {dimension_semantics = [#tpu.dimension_semantics<arbitrary>], iteration_bounds = array<i64: 5>, scalar_prefetch = 0 : i64, scratch_operands = 2 : i64, tpu.core_type = #tpu.core_type<tc>, window_params = [{transform_indices = @transform_0, window_bounds = array<i64: 2000, 128>}, {transform_indices = @transform_1, window_bounds = array<i64: 2000, 128>}, {transform_indices = @transform_2, window_bounds = array<i64: 2000, 128>}, {transform_indices = @transform_3, window_bounds = array<i64: 2000, 128>}, {transform_indices = @transform_4, window_bounds = array<i64: 1, 1, 2000>}, {pipeline_mode = #tpu.pipeline_mode<synchronous>, transform_indices = @transform_5, window_bounds = array<i64: 512, 128>}, {pipeline_mode = #tpu.pipeline_mode<synchronous>, transform_indices = @transform_6, window_bounds = array<i64: 1, 128>}, {pipeline_mode = #tpu.pipeline_mode<synchronous>, transform_indices = @transform_7, window_bounds = array<i64: 128, 10>}, {pipeline_mode = #tpu.pipeline_mode<synchronous>, transform_indices = @transform_8, window_bounds = array<i64: 1, 10>}, {pipeline_mode = #tpu.pipeline_mode<synchronous>, transform_indices = @transform_9, window_bounds = array<i64: 128, 10>}]} {
    %eq3A = arith.constant 0 : i32
    %eq3A_0 = arith.cmpi eq, %arg0, %eq3A : i32
    %convert_element_type3A = arith.extui %eq3A_0 : i1 to i32
    %cond3A = arith.constant 0 : i32
    %cond3A_1 = arith.cmpi ne, %convert_element_type3A, %cond3A : i32
    scf.if %cond3A_1 {
      %broadcast_in_dim3A_41 = arith.constant 0.000000e+00 : f32
      %broadcast_in_dim3A_42 = vector.broadcast %broadcast_in_dim3A_41 : f32 to vector<128x512xf32>
      %swap3A_43 = arith.constant 0 : index
      %swap3A_44 = arith.constant 0 : index
      %swap3A_45 = vector.load %arg11[%swap3A_43, %swap3A_44] : memref<128x512xf32, #tpu.memory_space<vmem>>, vector<128x512xf32>
      tpu.vector_store %arg11[%swap3A_43, %swap3A_44], %broadcast_in_dim3A_42 {strides = array<i32>} : memref<128x512xf32, #tpu.memory_space<vmem>>, vector<128x512xf32>,
      %broadcast_in_dim3A_46 = arith.constant 0.000000e+00 : f32
      %broadcast_in_dim3A_47 = vector.broadcast %broadcast_in_dim3A_46 : f32 to vector<128x1xf32>
      %swap3A_48 = arith.constant 0 : index
      %swap3A_49 = arith.constant 0 : index
      %swap3A_50 = vector.load %arg12[%swap3A_48, %swap3A_49] : memref<128x1xf32, #tpu.memory_space<vmem>>, vector<128x1xf32>
      tpu.vector_store %arg12[%swap3A_48, %swap3A_49], %broadcast_in_dim3A_47 {strides = array<i32>} : memref<128x1xf32, #tpu.memory_space<vmem>>, vector<128x1xf32>,
    } else {
    }
    %get3A = arith.constant 0 : index
    %get3A_2 = arith.constant 0 : index
    %get3A_3 = arith.constant 0 : index
    %get3A_4 = vector.load %arg5[%get3A, %get3A_2, %get3A_3] : memref<1x1x2000xi32, #tpu.memory_space<vmem>>, vector<1x1x2000xi32>
    %get3A_5 = vector.shape_cast %get3A_4 : vector<1x1x2000xi32> to vector<1x2000xi32>
    %iota3A = tpu.iota {dimensions = array<i32: 0>} : vector<128x2000xi32>
    %eq3A_6 = vector.broadcast %get3A_5 : vector<1x2000xi32> to vector<128x2000xi32>
    %eq3A_7 = arith.cmpi eq, %iota3A, %eq3A_6 : vector<128x2000xi32>
    %convert_element_type3A_8 = arith.extui %eq3A_7 : vector<128x2000xi1> to vector<128x2000xi32>
    %convert_element_type3A_9 = arith.sitofp %convert_element_type3A_8 : vector<128x2000xi32> to vector<128x2000xf32>
    %get3A_10 = arith.constant 0 : index
    %get3A_11 = arith.constant 0 : index
    %get3A_12 = vector.load %arg1[%get3A_10, %get3A_11] : memref<2000x128xf32, #tpu.memory_space<vmem>>, vector<2000x128xf32>
    %get3A_13 = arith.constant 0 : index
    %get3A_14 = arith.constant 0 : index
    %get3A_15 = vector.load %arg2[%get3A_13, %get3A_14] : memref<2000x128xf32, #tpu.memory_space<vmem>>, vector<2000x128xf32>
    %get3A_16 = arith.constant 0 : index
    %get3A_17 = arith.constant 0 : index
    %get3A_18 = vector.load %arg3[%get3A_16, %get3A_17] : memref<2000x128xf32, #tpu.memory_space<vmem>>, vector<2000x128xf32>
    %get3A_19 = arith.constant 0 : index
    %get3A_20 = arith.constant 0 : index
    %get3A_21 = vector.load %arg4[%get3A_19, %get3A_20] : memref<2000x128xf32, #tpu.memory_space<vmem>>, vector<2000x128xf32>
    %concatenate3A = tpu.concatenate %get3A_12, %get3A_15, %get3A_18, %get3A_21 in 1 : vector<2000x128xf32>, vector<2000x128xf32>, vector<2000x128xf32>, vector<2000x128xf32> -> vector<2000x512xf32>
    %get3A_22 = arith.constant 0 : index
    %get3A_23 = arith.constant 0 : index
    %get3A_24 = vector.load %arg11[%get3A_22, %get3A_23] : memref<128x512xf32, #tpu.memory_space<vmem>>, vector<128x512xf32>
    %dot_general3A = arith.constant dense<0.000000e+00> : vector<128x512xf32>
    %dot_general3A_25 = tpu.matmul %convert_element_type3A_9, %concatenate3A, %dot_general3A {dimension_numbers = #tpu.dot_dimension_numbers<[1], [0], [0], [1], [0, 0, 1, 1], [], []>, precision = #tpu.contract_precision<fp32>, transpose_lhs_hint = false} : vector<128x2000xf32>, vector<2000x512xf32>, vector<128x512xf32> -> vector<128x512xf32>
    %add3A = arith.addf %get3A_24, %dot_general3A_25 : vector<128x512xf32>
    %swap3A = arith.constant 0 : index
    %swap3A_26 = arith.constant 0 : index
    %swap3A_27 = vector.load %arg11[%swap3A, %swap3A_26] : memref<128x512xf32, #tpu.memory_space<vmem>>, vector<128x512xf32>
    tpu.vector_store %arg11[%swap3A, %swap3A_26], %add3A {strides = array<i32>} : memref<128x512xf32, #tpu.memory_space<vmem>>, vector<128x512xf32>,
    %get3A_28 = arith.constant 0 : index
    %get3A_29 = arith.constant 0 : index
    %get3A_30 = vector.load %arg12[%get3A_28, %get3A_29] : memref<128x1xf32, #tpu.memory_space<vmem>>, vector<128x1xf32>
    %reduce_sum3A = arith.constant dense<0.000000e+00> : vector<128xf32>
    %reduce_sum3A_31 = vector.multi_reduction <add>, %convert_element_type3A_9, %reduce_sum3A [1] : vector<128x2000xf32> to vector<128xf32>
    %broadcast_in_dim3A = vector.shape_cast %reduce_sum3A_31 : vector<128xf32> to vector<128x1xf32>
    %add3A_32 = arith.addf %get3A_30, %broadcast_in_dim3A : vector<128x1xf32>
    %swap3A_33 = arith.constant 0 : index
    %swap3A_34 = arith.constant 0 : index
    %swap3A_35 = vector.load %arg12[%swap3A_33, %swap3A_34] : memref<128x1xf32, #tpu.memory_space<vmem>>, vector<128x1xf32>
    tpu.vector_store %arg12[%swap3A_33, %swap3A_34], %add3A_32 {strides = array<i32>} : memref<128x1xf32, #tpu.memory_space<vmem>>, vector<128x1xf32>,
    %eq3A_36 = arith.constant 4 : i32
    %eq3A_37 = arith.cmpi eq, %arg0, %eq3A_36 : i32
    %convert_element_type3A_38 = arith.extui %eq3A_37 : i1 to i32
    %cond3A_39 = arith.constant 0 : i32
    %cond3A_40 = arith.cmpi ne, %convert_element_type3A_38, %cond3A_39 : i32
    scf.if %cond3A_40 {
      %get3A_41 = arith.constant 0 : index
      %get3A_42 = arith.constant 0 : index
      %get3A_43 = vector.load %arg11[%get3A_41, %get3A_42] : memref<128x512xf32, #tpu.memory_space<vmem>>, vector<128x512xf32>
      %get3A_44 = arith.constant 0 : index
      %get3A_45 = arith.constant 0 : index
      %get3A_46 = vector.load %arg12[%get3A_44, %get3A_45] : memref<128x1xf32, #tpu.memory_space<vmem>>, vector<128x1xf32>
      %max3A = arith.constant 1.000000e+00 : f32
      %max3A_47 = vector.broadcast %max3A : f32 to vector<128x1xf32>
      %max3A_48 = arith.maximumf %get3A_46, %max3A_47 : vector<128x1xf32>
      %div3A = vector.broadcast %max3A_48 : vector<128x1xf32> to vector<128x512xf32>
      %div3A_49 = arith.divf %get3A_43, %div3A : vector<128x512xf32>
      %get3A_50 = arith.constant 0 : index
      %get3A_51 = arith.constant 0 : index
      %get3A_52 = vector.load %arg6[%get3A_50, %get3A_51] : memref<512x128xf32, #tpu.memory_space<vmem>>, vector<512x128xf32>
      %dot_general3A_53 = arith.constant dense<0.000000e+00> : vector<128x128xf32>
      %dot_general3A_54 = tpu.matmul %div3A_49, %get3A_52, %dot_general3A_53 {dimension_numbers = #tpu.dot_dimension_numbers<[1], [0], [0], [1], [0, 0, 1, 1], [], []>, transpose_lhs_hint = false} : vector<128x512xf32>, vector<512x128xf32>, vector<128x128xf32> -> vector<128x128xf32>
      %get3A_55 = arith.constant 0 : index
      %get3A_56 = arith.constant 0 : index
      %get3A_57 = vector.load %arg7[%get3A_55, %get3A_56] : memref<1x128xf32, #tpu.memory_space<vmem>>, vector<1x128xf32>
      %add3A_58 = vector.broadcast %get3A_57 : vector<1x128xf32> to vector<128x128xf32>
      %add3A_59 = arith.addf %dot_general3A_54, %add3A_58 : vector<128x128xf32>
      %max3A_60 = arith.constant 0.000000e+00 : f32
      %max3A_61 = vector.broadcast %max3A_60 : f32 to vector<128x128xf32>
      %max3A_62 = arith.maximumf %add3A_59, %max3A_61 : vector<128x128xf32>
      %get3A_63 = arith.constant 0 : index
      %get3A_64 = arith.constant 0 : index
      %get3A_65 = vector.load %arg8[%get3A_63, %get3A_64] : memref<128x10xf32, #tpu.memory_space<vmem>>, vector<128x10xf32>
      %dot_general3A_66 = arith.constant dense<0.000000e+00> : vector<128x10xf32>
      %dot_general3A_67 = tpu.matmul %max3A_62, %get3A_65, %dot_general3A_66 {dimension_numbers = #tpu.dot_dimension_numbers<[1], [0], [0], [1], [0, 0, 1, 1], [], []>, transpose_lhs_hint = false} : vector<128x128xf32>, vector<128x10xf32>, vector<128x10xf32> -> vector<128x10xf32>
      %get3A_68 = arith.constant 0 : index
      %get3A_69 = arith.constant 0 : index
      %get3A_70 = vector.load %arg9[%get3A_68, %get3A_69] : memref<1x10xf32, #tpu.memory_space<vmem>>, vector<1x10xf32>
      %add3A_71 = vector.broadcast %get3A_70 : vector<1x10xf32> to vector<128x10xf32>
      %add3A_72 = arith.addf %dot_general3A_67, %add3A_71 : vector<128x10xf32>
      %swap3A_73 = arith.constant 0 : index
      %swap3A_74 = arith.constant 0 : index
      %swap3A_75 = vector.load %arg10[%swap3A_73, %swap3A_74] : memref<128x10xf32, #tpu.memory_space<vmem>>, vector<128x10xf32>
      tpu.vector_store %arg10[%swap3A_73, %swap3A_74], %add3A_72 {strides = array<i32>} : memref<128x10xf32, #tpu.memory_space<vmem>>, vector<128x10xf32>,
    } else {
    }
    return
  }
  func.func @transform_0(%arg0: i32) -> (i32, i32) {
    %c0_i32 = arith.constant 0 : i32
    %c0_i32_0 = arith.constant 0 : i32
    return %arg0, %c0_i32 : i32, i32
  }
  func.func @transform_1(%arg0: i32) -> (i32, i32) {
    %c0_i32 = arith.constant 0 : i32
    %c0_i32_0 = arith.constant 0 : i32
    return %arg0, %c0_i32 : i32, i32
  }
  func.func @transform_2(%arg0: i32) -> (i32, i32) {
    %c0_i32 = arith.constant 0 : i32
    %c0_i32_0 = arith.constant 0 : i32
    return %arg0, %c0_i32 : i32, i32
  }
  func.func @transform_3(%arg0: i32) -> (i32, i32) {
    %c0_i32 = arith.constant 0 : i32
    %c0_i32_0 = arith.constant 0 : i32
    return %arg0, %c0_i32 : i32, i32
  }
  func.func @transform_4(%arg0: i32) -> (i32, i32, i32) {
    %c0_i32 = arith.constant 0 : i32
    %c0_i32_0 = arith.constant 0 : i32
    %c0_i32_1 = arith.constant 0 : i32
    return %arg0, %c0_i32, %c0_i32_0 : i32, i32, i32
  }
  func.func @transform_5(%arg0: i32) -> (i32, i32) {
    %c0_i32 = arith.constant 0 : i32
    %c0_i32_0 = arith.constant 0 : i32
    %c0_i32_1 = arith.constant 0 : i32
    return %c0_i32, %c0_i32_0 : i32, i32
  }
  func.func @transform_6(%arg0: i32) -> (i32, i32) {
    %c0_i32 = arith.constant 0 : i32
    %c0_i32_0 = arith.constant 0 : i32
    %c0_i32_1 = arith.constant 0 : i32
    return %c0_i32, %c0_i32_0 : i32, i32
  }
  func.func @transform_7(%arg0: i32) -> (i32, i32) {
    %c0_i32 = arith.constant 0 : i32
    %c0_i32_0 = arith.constant 0 : i32
    %c0_i32_1 = arith.constant 0 : i32
    return %c0_i32, %c0_i32_0 : i32, i32
  }
  func.func @transform_8(%arg0: i32) -> (i32, i32) {
    %c0_i32 = arith.constant 0 : i32
    %c0_i32_0 = arith.constant 0 : i32
    %c0_i32_1 = arith.constant 0 : i32
    return %c0_i32, %c0_i32_0 : i32, i32
  }
  func.func @transform_9(%arg0: i32) -> (i32, i32) {
    %c0_i32 = arith.constant 0 : i32
    %c0_i32_0 = arith.constant 0 : i32
    %c0_i32_1 = arith.constant 0 : i32
    return %c0_i32, %c0_i32_0 : i32, i32
  }
}

</mosaic_0001>

<sc_bundles>
// kernel: kernel.19.cloned.1.call-start
scs
__scs_entry_jumppad:
0x0: {  	(pc) =	sbr.rel $0x88, $3  }
0x1: {  	(tag) =	ssettag $0x0;
	lr =	simm.s32 $0x1  }
0x2: {  	[smem:$0x3F6D] =	sst lr;
	_ =	strace $0xD0000000  }
0x3: {  	_ = 	snop  }
0x4: {  	_ = 	snop  }
0x5: {  	_ = 	snop  }
0x6: {  	_ = 	snop  }
0x7: {  	_ = 	snop  }
__scs_overlays_trampoline_lowered:
0x8: {  	[smem:$0x3F7C] =	sst s0  }
0x9: {  	[smem:$0x3F7D] =	sst s1  }
0xa: {  	[smem:$0x3F7E] =	sst s2  }
0xb: {  	[smem:$0x3F7F] =	sst s3  }
0xc: {  	[smem:$0x3F80] =	sst s4  }
0xd: {  	[smem:$0x3F81] =	sst s5  }
0xe: {  	[smem:$0x3F82] =	sst s6  }
0xf: {  	[smem:$0x3F83] =	sst s7  }
0x10: {  	[smem:$0x3F84] =	sst s8  }
0x11: {  	[smem:$0x3F85] =	sst s9;
	s0 =	simm.s32 @!p0 $0x0  }
0x12: {  	s1 =	sld [smem:$0x3F6B];
	s0 =	simm.s32 @p0 $0x1  }
0x13: {  	[smem:$0x3F86] =	sst s0;
	s0 =	simm.s32 @!p1 $0x0  }
0x14: {  	s2 =	sld [smem:$0x3F6A];
	s0 =	simm.s32 @p1 $0x1  }
0x15: {  	[smem:$0x3F87] =	sst s0;
	s0 =	simm.s32 @!p2 $0x0  }
0x16: {  	s3 =	sld [smem:$0x3FDB];
	s0 =	simm.s32 @p2 $0x1  }
0x17: {  	s4 =	simm.s32 $0x1BF5;
	[smem:$0x3F89] =	sst s0  }
0x18: {  	s0 =	sld [smem:$0x3F6C];
	_ =	swait.ge [sflag:s4], $0x0  }
0x19: {  	s7 =	sld [smem:$0x3F6D]  }
0x1a: {  	s8 =	sadd.s32 $0xFFFFE003, lr  }
0x1b: {  	s9 =	sadd.s32 $0xFFFFFEF7, lr;
	s5 =	simm.s32 $0xFFFFFFFF;
	p2 =	slt.u32 s8, $0xFFFFF086  }
0x1c: {  	p1 =	slt.u32 s9, $0xF7A;
	s5 =	simm.s32 @!p2 $0x0  }
0x1d: {  	s5 =	simm.s32 @p1 $0x1;
	p0 =	seq.s32 s7, s2  }
0x1e: {  	s7 =	smul.u32 @!p0 $0xF7A, s2;
	p2 =	seq.s32 @!p0 s5, $0x0  }
0x1f: {  	s9 =	smul.u32 $0xF7A, s1;
	s8 =	simm.s32 @!p0 $0x1BF5;
	p2 =	por !p2, p0  }
0x20: {  	[sflag:s8] =	ssyncset.s32 @!p0 $0xFFFFF086;
	s6 =	sadd.s32 @!p0 s3, s7;
	s7 =	simm.s32 @!p0 $0x108  }
0x21: {  	s3 =	sadd.s32 s3, s9;
	s6 =	sadd.s32 @!p0 $0x88, s6;
	s7 =	simm.s32 @p2 $0x1082  }
0x22: {  	[simem:s7], [sflag:s8] =	dma.local @!p0 [hbm:s6], $0xF7A  }
0x23: {  	s9 =	sor.u32 $0xD0000000, s2;
	s6 =	simm.s32 $0x108;
	_ =	swait.ge @!p0 [sflag:s8], $0x0  }
0x24: {  	s3 =	sadd.s32 $0x88, s3;
	s6 =	simm.s32 @!p1 $0x1082;
	[sflag:s4] =	ssyncset.s32 $0xFFFFF086  }
0x25: {  	[simem:s6], [sflag:s4] =	dma.local [hbm:s3], $0xF7A  }
0x26: {  	[smem:$0x3F6D] =	sst s1;
	(tag) =	ssettag s2;
	_ =	strace s9  }
0x27: {  	s1 =	sld [smem:$0x3F7D]  }
0x28: {  	s2 =	sld [smem:$0x3F7E]  }
0x29: {  	s4 =	sld [smem:$0x3F80]  }
0x2a: {  	p0 =	seq.s32 s5, $0x0;
	s5 =	sld [smem:$0x3F81]  }
0x2b: {  	s6 =	sld [smem:$0x3F82]  }
0x2c: {  	s7 =	sld [smem:$0x3F83]  }
0x2d: {  	s3 =	simm.s32 $0x108;
	s8 =	sld [smem:$0x3F84]  }
0x2e: {  	s3 =	simm.s32 @!p0 $0x1082;
	s9 =	sld [smem:$0x3F85]  }
0x2f: {  	lr =	sadd.s32 s0, s3;
	s0 =	sld [smem:$0x3F7C]  }
0x30: {  	s3 =	sld [smem:$0x3F7F]  }
0x31: {  	[smem:$0x3F88] =	sst s10  }
0x32: {  	s10 =	sld [smem:$0x3F86];
	_ =	sdelay $0x3  }
0x33: {  	p0 =	seq.s32 s10, $0x1;
	s10 =	sld [smem:$0x3F88];
	_ =	sdelay $0x3  }
0x34: {  	[smem:$0x3F88] =	sst s10  }
0x35: {  	s10 =	sld [smem:$0x3F87];
	_ =	sdelay $0x3  }
0x36: {  	p1 =	seq.s32 s10, $0x1;
	s10 =	sld [smem:$0x3F88];
	_ =	sdelay $0x3  }
0x37: {  	[smem:$0x3F88] =	sst s10  }
0x38: {  	s10 =	sld [smem:$0x3F89]  }
0x39: {  	_ = 	snop;
	(pc) =	sbr.ind lr, $3  }
0x3a: {  	_ = 	snop  }
0x3b: {  	_ = 	snop  }
0x3c: {  	p2 =	seq.s32 s10, $0x1;
	s10 =	sld [smem:$0x3F88]  }
0x3d: {  	_ =	shalt  }
0x3e: {  	_ =	shalt  }
0x3f: {  	_ =	shalt  }
0x40: {  	_ =	shalt  }
0x41: {  	_ =	shalt  }
0x42: {  	_ =	shalt  }
0x43: {  	_ =	shalt  }
0x44: {  	_ =	shalt  }
0x45: {  	_ =	shalt  }
0x46: {  	_ =	shalt  }
0x47: {  	_ =	shalt  }
0x48: {  	_ =	shalt  }
0x49: {  	_ =	shalt  }
0x4a: {  	_ =	shalt  }
0x4b: {  	_ =	shalt  }
0x4c: {  	_ =	shalt  }
0x4d: {  	_ =	shalt  }
0x4e: {  	_ =	shalt  }
0x4f: {  	_ =	shalt  }
0x50: {  	_ =	shalt  }
0x51: {  	_ =	shalt  }
0x52: {  	_ =	shalt  }
0x53: {  	_ =	shalt  }
0x54: {  	_ =	shalt  }
0x55: {  	_ =	shalt  }
0x56: {  	_ =	shalt  }
0x57: {  	_ =	shalt  }
0x58: {  	_ =	shalt  }
0x59: {  	_ =	shalt  }
0x5a: {  	_ =	shalt  }
0x5b: {  	_ =	shalt  }
0x5c: {  	_ =	shalt  }
0x5d: {  	_ =	shalt  }
0x5e: {  	_ =	shalt  }
0x5f: {  	_ =	shalt  }
0x60: {  	_ =	shalt  }
0x61: {  	_ =	shalt  }
0x62: {  	_ =	shalt  }
0x63: {  	_ =	shalt  }
0x64: {  	_ =	shalt  }
0x65: {  	_ =	shalt  }
0x66: {  	_ =	shalt  }
0x67: {  	_ =	shalt  }
0x68: {  	_ =	shalt  }
0x69: {  	_ =	shalt  }
0x6a: {  	_ =	shalt  }
0x6b: {  	_ =	shalt  }
0x6c: {  	_ =	shalt  }
0x6d: {  	_ =	shalt  }
0x6e: {  	_ =	shalt  }
0x6f: {  	_ =	shalt  }
0x70: {  	_ =	shalt  }
0x71: {  	_ =	shalt  }
0x72: {  	_ =	shalt  }
0x73: {  	_ =	shalt  }
0x74: {  	_ =	shalt  }
0x75: {  	_ =	shalt  }
0x76: {  	_ =	shalt  }
0x77: {  	_ =	shalt  }
0x78: {  	_ =	shalt  }
0x79: {  	_ =	shalt  }
0x7a: {  	_ =	shalt  }
0x7b: {  	_ =	shalt  }
0x7c: {  	_ =	shalt  }
0x7d: {  	_ =	shalt  }
0x7e: {  	_ =	shalt  }
0x7f: {  	_ =	shalt  }
0x80: {  	_ =	shalt  }
0x81: {  	_ =	shalt  }
0x82: {  	_ =	shalt  }
0x83: {  	_ =	shalt  }
0x84: {  	_ =	shalt  }
0x85: {  	_ =	shalt  }
0x86: {  	_ =	shalt  }
0x87: {  	_ =	shalt  }
.Lfunc_end0:
.L_simem_size_0:
called_computation_lowered:
.L_overlay_start_0:
0x88: {  	s2 =	sld [smem:$0x3FD9]  }
0x89: {  	s3 =	sld [smem:$0x3FFE];
	_ =	sdelay $0x1  }
0x8a: {  	s1 =	srdreg.scid  }
0x8b: {  	s0 =	sand.u32 $0x1, s1  }
0x8c: {  	s17 =	sshll.u32 s0, $0xA;
	s2 =	sadd.s32 s3, s2  }
0x8d: {  	s2 =	sadd.s32 s2, s17  }
0x8e: {  	[smem:$0x3F94] =	sst s2  }
0x8f: {  	_ = 	snop  }
0x90: {  	s2 =	sld [smem:$0x3FC9];
	(tm) =	ssettm $0x1  }
0x91: {  	s18 =	sld [smem:$0x3FFB];
	_ =	sdelay $0x3  }
0x92: {  	_ =	strace s18  }
0x93: {  	s3 =	sld [smem:$0x3FFC];
	_ =	sdelay $0x3  }
0x94: {  	_ =	strace s3  }
0x95: {  	s3 =	sld [smem:$0x3FFD];
	_ =	sdelay $0x3  }
0x96: {  	_ =	strace s3  }
0x97: {  	_ =	strace $0x8FFFFFFF  }
0x98: {  	s19 =	sld [smem:$0x3FDB];
	_ =	sdelay $0x1  }
0x99: {  	s4 =	simm.s32 $_scs_section_size  }
0x9a: {  	s5 =	simm.s32 $_size__tile_overlayer_lowered;
	s6 =	simm.s32 $_tile_overlayer_lowered  }
0x9b: {  	s22 =	simm.s32 $0x1BFF;
	s21 =	sshll.u32 s6, $0x1;
	s3 =	sadd.s32 s4, s19  }
0x9c: {  	s7 =	simm.s32 $0x0;
	s20 =	sshll.u32 s5, $0x1;
	s5 =	sadd.s32 s21, s3  }
0x9d: {  	[timem:s7], [sflag:s22] =	dma.local [hbm:s5], s20  }
0x9e: {  	_ =	swait.ge [sflag:s22], s20  }
0x9f: {  	s4 =	ssub.s32 $0x0, s20;
	[sflag:s22] =	ssyncset.done $0x0  }
0xa0: {  	[sflag:s22] =	ssyncadd.s32 s4;
	_ =	sdelay $0x1  }
0xa1: {  	s23 =	simm.s32 $0x1B8B  }
0xa2: {  	_ =	swait.ge [sflag:s23], $0x1  }
0xa3: {  	[sflag:s23] =	ssyncset.done $0x0  }
0xa4: {  	s25 =	simm.s32 $0x1B8E;
	s24 =	sld [smem:$0x3FFE];
	[sflag:s23] =	ssyncadd.s32 $0xFFFFFFFF  }
0xa5: {  	s26 =	simm.s32 $execute0_lowered;
	[smem:$0x3FD2] =	sst s25  }
0xa6: {  	s5 =	sshll.u32 s26, $0x1;
	_ =	strace $0x80000046;
	[dreg:$0x1] =	wrdreg $0xFFFFFFFF  }
0xa7: {  	s28 =	simm.s32 $_size_execute0_lowered;
	s3 =	sadd.s32 s3, s5;
	[dreg:$0x0] =	wrdreg $0x0  }
0xa8: {  	s5 =	sshll.u32 s28, $0x1;
	[dreg:$0x2] =	wrdreg s3  }
0xa9: {  	[dreg:$0x3] =	wrdreg s5  }
0xaa: {  	[dreg:$0x4] =	wrdreg $0xC0  }
0xab: {  	_ =	task [dreg:s7], $0x5FFFF  }
0xac: {  	[dreg:$0x1] =	wrdreg $0xFFFFFFFF  }
0xad: {  	[dreg:$0x0] =	wrdreg $0x60  }
0xae: {  	[dreg:$0x2] =	wrdreg s2  }
0xaf: {  	[dreg:$0x3] =	wrdreg s24  }
0xb0: {  	[dreg:$0x4] =	wrdreg $0xB5800  }
0xb1: {  	[dreg:$0x5] =	wrdreg $0x9  }
0xb2: {  	_ =	task.clear_ibuf [dreg:s7], $0x6FFFF;
	_ =	strace $0x90000046  }
0xb3: {  	s29 =	simm.s32 $0x9;
	_ =	strace $0x80000048  }
0xb4: {  	_ =	swait.ge [sflag:s29], $0x1  }
0xb5: {  	[sflag:s29] =	ssyncadd.s32 $0xFFFFFFFF  }
0xb6: {  	_ =	strace $0x90000048  }
0xb7: {  	_ =	sfence  }
0xb8: {  	s30 =	sld [smem:$0x0];
	_ =	sdelay $0x2  }
0xb9: {  	s31 =	sshll.u32 s1, $0xD;
	s1 =	sshrl.u32 s1, $0x2  }
0xba: {  	s3 =	sand.u32 $0x4000, s31;
	s1 =	sadd.s32 s1, s30  }
0xbb: {  	s0 =	sor.u32 s3, s0;
	s1 =	sshll.u32 s1, $0x11  }
0xbc: {  	s0 =	sor.u32 s1, s0  }
0xbd: {  	s0 =	sadd.s32 $0x8F2B, s0  }
0xbe: {  	[sflag:s0] =	ssyncadd.remote.s32 $0x1  }
0xbf: {  	_ =	sfence.sel $0xFFFF  }
0xc0: {  	[dreg:$0x0] =	wrdreg $0xFFFFFFFF;
	(pc) =	sbr.abs _section_cstart, $3  }
0xc1: {  	[dreg:$0x1] =	wrdreg $0xFFFFFFFF  }
0xc2: {  	_ =	task.clear_ibuf [dreg:s7], $0x2FFFF;
	_ =	strace $0x9FFFFFFF  }
0xc3: {  	(tm) =	ssettm $0x7FFFFFFF  }
tec
execute0_lowered:
.L_overlay_start_1:
0x0: {  	(tag) =	ssettag $0x1  }
0x1: {  	s1 =	rddreg [dreg:$0x0]  }
0x2: {  	s6 =	rddreg [dreg:$0x1]  }
0x3: {  	s4 =	sadd.s32 $0x512200, s6;
	s5 =	sadd.s32 $0x8A00, s6;
	s7 =	sadd.s32 $0x12800, s6  }
0x4: {  	s8 =	sadd.s32 $0x508400, s6;
	s17 =	sadd.s32 $0x9F4200, s6;
	s6 =	stileid.u32  }
0x5: {  	s2 =	rddreg [dreg:$0x2];
	s3 =	simm.s32 $0x0;
	s11 =	smul.u32 $0x19000, s6  }
0x6: {  	s9 =	srdreg.scid;
	s12 =	sor.u32 $0x10, s6;
	s24 =	smul.u32 $0x6400, s6  }
0x7: {  	[smem:$0x7FF] =	sst s3;
	s15 =	sor.u32 $0x20, s6;
	s14 =	smul.u32 $0x19000, s12  }
0x8: {  	s10 =	sand.u32 $0x1, s9;
	s16 =	sor.u32 $0x30, s6;
	s0 =	smul.u32 $0x19000, s15  }
0x9: {  	_ =	strace $0x80000047;
	s21 =	sshll.u32 s6, $0x1;
	s19 =	smul.u32 $0x19000, s16  }
0xa: {  	s9 =	ssub.s32 $0x2, s10;
	s20 =	sor.u32 s10, s21;
	s21 =	smul.u32 $0x138800, s10  }
0xb: {  	p0 =	sgt.u32 s6, $0x1;
	s13 =	sshrl.u32 s9, $0x1;
	s15 =	smul.u32 $0x6400, s15  }
0xc: {  	s16 =	smul.u32 $0x6400, s16;
	s18 =	ssub.s32 s9, s13;
	s11 =	sshrl.u32 s11, $0x2  }
0xd: {  	s9 =	sadd.s32 s11, s2;
	s22 =	sshrl.u32 s14, $0x2;
	s23 =	sshrl.u32 s0, $0x2  }
0xe: {  	s25 =	sshrl.u32 s19, $0x2;
	s13 =	sadd.s32 s24, s21;
	s29 =	sadd.s32 s21, s15  }
0xf: {  	s16 =	sadd.s32 s21, s16;
	s18 =	smax.u32 s18, $0x1;
	s24 =	simm.s32 $0x100  }
0x10: {  	s10 =	sadd.s32 s22, s2;
	s11 =	sadd.s32 s23, s2;
	s22 =	smul.u32 $0x6400, s12  }
0x11: {  	s12 =	sadd.s32 s25, s2;
	s26 =	sshrl.u32 s13, $0x3;
	s13 =	smul.u32 $0x2710, s20  }
0x12: {  	s30 =	sshrl.u32 s29, $0x3;
	s31 =	sshrl.u32 s16, $0x3;
	s20 =	simm.s32 $0x2  }
0x13: {  	s23 =	simm.s32 $0x1;
	s25 =	simm.s32 $0x2980;
	s14 =	sadd.s32 s17, s26  }
0x14: {  	s16 =	sadd.s32 s17, s30;
	s26 =	simm.s32 $0x180;
	s28 =	sadd.s32 s21, s22  }
0x15: {  	s21 =	simm.s32 $0x50;
	s22 =	simm.s32 $0x80;
	s19 =	sshrl.u32 s28, $0x3  }
0x16: {  	v0 =	vimm.f32 $0.0e+00;
	s15 =	sadd.s32 s17, s19;
	s17 =	sadd.s32 s17, s31;
	s19 =	simm.s32 $0x5180  }
.LBB2_1:
0x17: {  	s28 =	simm.s32 $0x0;
	s29 =	simm.s32 $0x200  }
.LBB2_2:
0x18: {  	p1 =	sne.s32 s29, $0x18E00;
	[tilespmem:s28+$0x51F0] =	vst v0  }
0x19: {  	[tilespmem:s28+$0x5180] =	vst v0  }
0x1a: {  	[tilespmem:s28+$0x5190] =	vst v0  }
.Ltmp0:
0x1b: {  	[tilespmem:s28+$0x51A0] =	vst v0;
	(pc) =	sbr.rel @p1 .LBB2_2-.Ltmp0, $4  }
0x1c: {  	[tilespmem:s28+$0x51B0] =	vst v0  }
0x1d: {  	[tilespmem:s28+$0x51C0] =	vst v0  }
0x1e: {  	[tilespmem:s28+$0x51D0] =	vst v0  }
0x1f: {  	[tilespmem:s28+$0x51E0] =	vst v0;
	s28 =	sshra.s32 s29, $0x2;
	s29 =	sadd.s32 $0x200, s29  }
0x20: {  	[tilespmem:s28+$0x51F0] =	vst v0  }
0x21: {  	[tilespmem:s28+$0x5180] =	vst v0  }
0x22: {  	[tilespmem:s28+$0x5190] =	vst v0  }
0x23: {  	[tilespmem:s28+$0x51A0] =	vst v0  }
0x24: {  	[tilespmem:s28+$0x51B0] =	vst v0  }
0x25: {  	[tilespmem:s28+$0x51C0] =	vst v0  }
0x26: {  	[tilespmem:s28+$0x51D0] =	vst v0  }
0x27: {  	[tilespmem:s28+$0x51E0] =	vst v0  }
0x28: {  	[spmem:s9] =	stream.linear.scatter [tilespmem:s19], [sflag:$0x2], $0x6400, $0x38;
	[tilespmem:$0x1EE00] =	vst v63  }
0x29: {  	_ =	swait.ge [sflag:s20], $0x6400  }
0x2a: {  	[sflag:s20] =	ssyncset.done $0x0  }
0x2b: {  	[sflag:s20] =	ssyncadd.s32 $0xFFFF9C00  }
0x2c: {  	[spmem:s10] =	stream.linear.scatter [tilespmem:s19], [sflag:$0x2], $0x6400, $0x38;
	[tilespmem:$0x1EE00] =	vst v63  }
0x2d: {  	_ =	swait.ge [sflag:s20], $0x6400  }
0x2e: {  	[sflag:s20] =	ssyncset.done $0x0  }
0x2f: {  	[sflag:s20] =	ssyncadd.s32 $0xFFFF9C00  }
0x30: {  	[spmem:s11] =	stream.linear.scatter [tilespmem:s19], [sflag:$0x2], $0x6400, $0x38;
	[tilespmem:$0x1EE00] =	vst v63  }
0x31: {  	_ =	swait.ge [sflag:s20], $0x6400  }
0x32: {  	[sflag:s20] =	ssyncset.done $0x0  }
0x33: {  	s28 =	simm.s32 @!p0 $0x5180;
	[sflag:s20] =	ssyncadd.s32 $0xFFFF9C00  }
0x34: {  	[spmem:s12] =	stream.linear.scatter @!p0 [tilespmem:s28], [sflag:$0x2], $0x6400, $0x38;
	[tilespmem:$0x1EE00] =	vst v63  }
0x35: {  	s28 =	simm.s32 @!p0 $0x2  }
0x36: {  	_ =	swait.ge @!p0 [sflag:s28], $0x6400  }
0x37: {  	[sflag:s28] =	ssyncset.done @!p0 $0x0  }
0x38: {  	[sflag:s28] =	ssyncadd.s32 @!p0 $0xFFFF9C00  }
0x39: {  	s29 =	simm.s32 $0x0;
	s28 =	simm.s32 $0x0;
	[bflag:$0x0] =	sbarrier.arrive $0xFFFF  }
.LBB2_4:
0x3a: {  	s30 =	smul.u32 $0x50, s29;
	_ =	sdelay $0x1  }
0x3b: {  	s30 =	sadd.s32 s13, s30  }
0x3c: {  	s30 =	sshrl.u32 s30, $0x3  }
0x3d: {  	s30 =	sadd.s32 s8, s30  }
0x3e: {  	[tilespmem:s28], [sflag:$0x2] =	stream.linear.gather [hbm4b:s30+s28], $0x50, $0x38;
	[tilespmem:$0x1EE00] =	vst v63  }
0x3f: {  	_ =	swait.ge [sflag:s20], $0x50  }
0x40: {  	[sflag:s20] =	ssyncset.done $0x0  }
0x41: {  	[sflag:s20] =	ssyncadd.s32 $0xFFFFFFB0  }
0x42: {  	[tilespmem:s22], [sflag:$0x1] =	stream.indirect.gather [hbm4b:s5+s21], $0x1, s28, s21, $0xb8;
	[tilespmem:$0x1EE00] =	vst v63  }
0x43: {  	_ =	swait.ge [sflag:s23], $0x50  }
0x44: {  	[sflag:s23] =	ssyncset.done $0x0  }
0x45: {  	[sflag:s23] =	ssyncadd.s32 $0xFFFFFFB0  }
0x46: {  	[tilespmem:s24], [sflag:$0x1] =	stream.indirect.gather [hbm4b:s7+s21], $0x1, s28, s21, $0xb8;
	[tilespmem:$0x1EE00] =	vst v63  }
0x47: {  	_ =	swait.ge [sflag:s23], $0x50  }
0x48: {  	[sflag:s23] =	ssyncset.done $0x0  }
0x49: {  	[sflag:s23] =	ssyncadd.s32 $0xFFFFFFB0  }
0x4a: {  	[tilespmem:s25], [sflag:$0x1] =	stream.indirect.gather [hbm4b:s4+s21], $0x80, s28, s21, $0xb8;
	[tilespmem:$0x1EE00] =	vst v63  }
0x4b: {  	_ =	swait.ge [sflag:s23], $0x2800  }
0x4c: {  	[sflag:s23] =	ssyncset.done $0x0  }
0x4d: {  	[sflag:s23] =	ssyncadd.s32 $0xFFFFD800  }
0x4e: {  	[tilespmem:s26], [sflag:$0x1] =	stream.indirect.gather [hbm4b:s1+s21], $0x80, s22, s21, $0xb8;
	[tilespmem:$0x1EE00] =	vst v63  }
0x4f: {  	_ =	swait.ge [sflag:s23], $0x2800  }
0x50: {  	[sflag:s23] =	ssyncset.done $0x0  }
0x51: {  	s30 =	simm.s32 $0x0;
	[sflag:s23] =	ssyncadd.s32 $0xFFFFD800  }
0x52: {  	v7 =	vld [tilespmem:s30+$0x2980]  }
0x53: {  	v12 =	vld [tilespmem:s30+$0x2990]  }
0x54: {  	v6 =	vld [tilespmem:s30+$0x29A0]  }
0x55: {  	v5 =	vld [tilespmem:s30+$0x29B0]  }
0x56: {  	v4 =	vld [tilespmem:s30+$0x29C0]  }
0x57: {  	v3 =	vld [tilespmem:s30+$0x29D0]  }
0x58: {  	v2 =	vld [tilespmem:s30+$0x29E0]  }
0x59: {  	v1 =	vld [tilespmem:s30+$0x29F0]  }
0x5a: {  	v13 =	vld [tilespmem:s30+$0x180]  }
0x5b: {  	v14 =	vld [tilespmem:s30+$0x190]  }
0x5c: {  	v11 =	vld [tilespmem:s30+$0x1A0]  }
0x5d: {  	v10 =	vld [tilespmem:s30+$0x1B0]  }
0x5e: {  	v9 =	vld [tilespmem:s30+$0x1C0]  }
0x5f: {  	v8 =	vld [tilespmem:s30+$0x1D0];
	v13 =	vadd.f32 v7, v13  }
0x60: {  	s31 =	simm.s32 $0x200;
	v12 =	vadd.f32 v12, v14;
	v7 =	vld [tilespmem:s30+$0x1E0]  }
.LBB2_5:
0x61: {  	s0 =	sshra.s32 s31, $0x2;
	p1 =	sne.s32 s31, $0x9E00;
	v13 =	vmax.f32 v13, $0.0e+00;
	v6 =	vadd.f32 v6, v11;
	v11 =	vld [tilespmem:s30+$0x1F0]  }
0x62: {  	v14 =	vld [tilespmem:s0+$0x2980];
	[tilespmem:s30+$0x180] =	vst v13;
	v12 =	vmax.f32 v12, $0.0e+00;
	v5 =	vadd.f32 v5, v10  }
0x63: {  	v15 =	vld [tilespmem:s0+$0x2990];
	[tilespmem:s30+$0x190] =	vst v12;
	v10 =	vmax.f32 v6, $0.0e+00;
	v4 =	vadd.f32 v4, v9  }
0x64: {  	v6 =	vld [tilespmem:s0+$0x29A0];
	[tilespmem:s30+$0x1A0] =	vst v10;
	v9 =	vmax.f32 v5, $0.0e+00;
	v3 =	vadd.f32 v3, v8  }
0x65: {  	v5 =	vld [tilespmem:s0+$0x29B0];
	[tilespmem:s30+$0x1B0] =	vst v9;
	v8 =	vmax.f32 v4, $0.0e+00;
	v2 =	vadd.f32 v2, v7  }
0x66: {  	v4 =	vld [tilespmem:s0+$0x29C0];
	[tilespmem:s30+$0x1C0] =	vst v8;
	v7 =	vmax.f32 v3, $0.0e+00;
	v1 =	vadd.f32 v1, v11  }
0x67: {  	v3 =	vld [tilespmem:s0+$0x29D0];
	[tilespmem:s30+$0x1D0] =	vst v7;
	v7 =	vmax.f32 v2, $0.0e+00  }
0x68: {  	v2 =	vld [tilespmem:s0+$0x29E0];
	[tilespmem:s30+$0x1E0] =	vst v7;
	v7 =	vmax.f32 v1, $0.0e+00  }
0x69: {  	v1 =	vld [tilespmem:s0+$0x29F0];
	[tilespmem:s30+$0x1F0] =	vst v7;
	s30 =	smov.u32 s0  }
0x6a: {  	v7 =	vld [tilespmem:s30+$0x180]  }
0x6b: {  	v12 =	vld [tilespmem:s30+$0x190]  }
.Ltmp1:
0x6c: {  	v11 =	vld [tilespmem:s30+$0x1A0];
	(pc) =	sbr.rel @p1 .LBB2_5-.Ltmp1, $4  }
0x6d: {  	v10 =	vld [tilespmem:s30+$0x1B0]  }
0x6e: {  	v9 =	vld [tilespmem:s30+$0x1C0]  }
0x6f: {  	v13 =	vadd.f32 v14, v7;
	v8 =	vld [tilespmem:s30+$0x1D0]  }
0x70: {  	s31 =	sadd.s32 $0x200, s31;
	v12 =	vadd.f32 v15, v12;
	v7 =	vld [tilespmem:s30+$0x1E0]  }
0x71: {  	v13 =	vmax.f32 v13, $0.0e+00;
	v6 =	vadd.f32 v6, v11;
	v63 =	vld [tilespmem:s30+$0x1F0]  }
0x72: {  	[tilespmem:s30+$0x180] =	vst v13;
	v12 =	vmax.f32 v12, $0.0e+00;
	v5 =	vadd.f32 v5, v10  }
0x73: {  	[tilespmem:s30+$0x190] =	vst v12;
	v6 =	vmax.f32 v6, $0.0e+00;
	v4 =	vadd.f32 v4, v9  }
0x74: {  	[tilespmem:s30+$0x1A0] =	vst v6;
	v5 =	vmax.f32 v5, $0.0e+00;
	v3 =	vadd.f32 v3, v8  }
0x75: {  	[tilespmem:s30+$0x1B0] =	vst v5;
	v4 =	vmax.f32 v4, $0.0e+00;
	v2 =	vadd.f32 v2, v7  }
0x76: {  	[tilespmem:s30+$0x1C0] =	vst v4;
	v3 =	vmax.f32 v3, $0.0e+00;
	v1 =	vadd.f32 v1, v63  }
0x77: {  	s29 =	sadd.s32 $0x1, s29;
	[tilespmem:s30+$0x1D0] =	vst v3;
	v2 =	vmax.f32 v2, $0.0e+00  }
0x78: {  	p1 =	sne.s32 s29, $0x7D;
	[tilespmem:s30+$0x1E0] =	vst v2;
	v1 =	vmax.f32 v1, $0.0e+00  }
.Ltmp2:
0x79: {  	[tilespmem:s30+$0x1F0] =	vst v1;
	(pc) =	sbr.rel @p1 .LBB2_4-.Ltmp2, $4  }
0x7a: {  	[spmem:s2] =	stream.indirect.scatter.add.f32 [tilespmem:s26], [sflag:$0x2], $0x80, s24, s21, $0xb8;
	[tilespmem:$0x1EE00] =	vst v63  }
0x7b: {  	_ =	swait.ge [sflag:s20], $0x2800  }
0x7c: {  	[sflag:s20] =	ssyncset.done $0x0  }
0x7d: {  	[sflag:s20] =	ssyncadd.s32 $0xFFFFD800  }
0x7e: {  	s0 =	sshll.u32 s6, $0x6  }
0x7f: {  	[bflag:$0x0] =	sbarrier.arrive $0xFFFF;
	s28 =	sshrl.u32 s9, $0x3;
	s0 =	sor.u32 $0x1C02, s0  }
0x80: {  	[hbm:s14], [sflag:s0] =	dma.local [spmem:s28], $0xC80  }
0x81: {  	_ =	swait.ge [sflag:s20], $0xC80  }
0x82: {  	[sflag:s20] =	ssyncset.done $0x0  }
0x83: {  	s30 =	sshrl.u32 s10, $0x3;
	[sflag:s20] =	ssyncadd.s32 $0xFFFFF380  }
0x84: {  	[hbm:s15], [sflag:s0] =	dma.local [spmem:s30], $0xC80  }
0x85: {  	_ =	swait.ge [sflag:s20], $0xC80  }
0x86: {  	[sflag:s20] =	ssyncset.done $0x0  }
0x87: {  	s31 =	sshrl.u32 s11, $0x3;
	[sflag:s20] =	ssyncadd.s32 $0xFFFFF380  }
0x88: {  	[hbm:s16], [sflag:s0] =	dma.local [spmem:s31], $0xC80  }
0x89: {  	_ =	swait.ge [sflag:s20], $0xC80  }
0x8a: {  	s3 =	sadd.s32 $0x1, s3;
	[sflag:s20] =	ssyncset.done $0x0  }
0x8b: {  	p1 =	sne.s32 s3, s18;
	s28 =	sshrl.u32 @!p0 s12, $0x3;
	[sflag:s20] =	ssyncadd.s32 $0xFFFFF380  }
0x8c: {  	[hbm:s17], [sflag:s0] =	dma.local @!p0 [spmem:s28], $0xC80  }
.Ltmp3:
0x8d: {  	_ = 	snop;
	(pc) =	sbr.rel @p1 .LBB2_1-.Ltmp3, $4  }
0x8e: {  	s0 =	simm.s32 @!p0 $0x2  }
0x8f: {  	_ =	swait.ge @!p0 [sflag:s0], $0xC80  }
0x90: {  	[sflag:s0] =	ssyncset.done @!p0 $0x0  }
0x91: {  	[sflag:s0] =	ssyncadd.s32 @!p0 $0xFFFFF380  }
0x92: {  	_ =	sfence.sel $0x180000  }
0x93: {  	[bflag:$0x0] =	sbarrier.arrive $0xFFFF  }
0x94: {  	_ =	strace $0x90000047  }
0x95: {  	[bflag:$0x2] =	sbarrier.arrive $0xFFFF  }
0x96: {  	p0 =	sne.s32 s6, $0x0;
	s0 =	rddreg [dreg:$0x3]  }
0x97: {  	s0 =	sadd.s32 @!p0 $0x100000, s0  }
0x98: {  	[sflag:s0] =	ssyncadd.tile.s32 @!p0 $0x1;
	_ =	shalt  }
.Lfunc_end2:
_tile_overlayer_lowered:
.L_overlay_start_2:
0x99: {  	(tag) =	ssettag $0x2  }
0x9a: {  	s0 =	rddreg [dreg:$0x0];
	s2 =	stileid.u32  }
0x9b: {  	s1 =	rddreg [dreg:$0x1];
	p0 =	sne.s32 s2, $0x0  }
0x9c: {  	s3 =	rddreg [dreg:$0x2];
	[bflag:$0x3] =	sbarrier.arrive $0xFFFF;
	s2 =	simm.s32 @!p0 $0x1C02  }
0x9d: {  	[timem:s3], [sflag:s2] =	dma.local @!p0 [hbm:s0], s1  }
0x9e: {  	s0 =	simm.s32 @!p0 $0x2  }
0x9f: {  	_ =	swait.ge @!p0 [sflag:s0], s1  }
0xa0: {  	s1 =	ssub.s32 @!p0 $0x0, s1;
	[sflag:s0] =	ssyncset.done @!p0 $0x0  }
0xa1: {  	[sflag:s0] =	ssyncadd.s32 @!p0 s1  }
0xa2: {  	[bflag:$0x3] =	sbarrier.arrive $0xFFFF  }
0xa3: {  	_ =	shalt  }

// kernel: kernel.22.cloned.1.call-start
scs
__scs_entry_jumppad:
0x0: {  	(pc) =	sbr.rel $0x88, $3  }
0x1: {  	(tag) =	ssettag $0x0;
	lr =	simm.s32 $0x1  }
0x2: {  	[smem:$0x3F6D] =	sst lr;
	_ =	strace $0xD0000000  }
0x3: {  	_ = 	snop  }
0x4: {  	_ = 	snop  }
0x5: {  	_ = 	snop  }
0x6: {  	_ = 	snop  }
0x7: {  	_ = 	snop  }
__scs_overlays_trampoline_lowered:
0x8: {  	[smem:$0x3F7C] =	sst s0  }
0x9: {  	[smem:$0x3F7D] =	sst s1  }
0xa: {  	[smem:$0x3F7E] =	sst s2  }
0xb: {  	[smem:$0x3F7F] =	sst s3  }
0xc: {  	[smem:$0x3F80] =	sst s4  }
0xd: {  	[smem:$0x3F81] =	sst s5  }
0xe: {  	[smem:$0x3F82] =	sst s6  }
0xf: {  	[smem:$0x3F83] =	sst s7  }
0x10: {  	[smem:$0x3F84] =	sst s8  }
0x11: {  	[smem:$0x3F85] =	sst s9;
	s0 =	simm.s32 @!p0 $0x0  }
0x12: {  	s1 =	sld [smem:$0x3F6B];
	s0 =	simm.s32 @p0 $0x1  }
0x13: {  	[smem:$0x3F86] =	sst s0;
	s0 =	simm.s32 @!p1 $0x0  }
0x14: {  	s2 =	sld [smem:$0x3F6A];
	s0 =	simm.s32 @p1 $0x1  }
0x15: {  	[smem:$0x3F87] =	sst s0;
	s0 =	simm.s32 @!p2 $0x0  }
0x16: {  	s3 =	sld [smem:$0x3FDB];
	s0 =	simm.s32 @p2 $0x1  }
0x17: {  	s4 =	simm.s32 $0x1BF5;
	[smem:$0x3F89] =	sst s0  }
0x18: {  	s0 =	sld [smem:$0x3F6C];
	_ =	swait.ge [sflag:s4], $0x0  }
0x19: {  	s7 =	sld [smem:$0x3F6D]  }
0x1a: {  	s8 =	sadd.s32 $0xFFFFE003, lr  }
0x1b: {  	s9 =	sadd.s32 $0xFFFFFEF7, lr;
	s5 =	simm.s32 $0xFFFFFFFF;
	p2 =	slt.u32 s8, $0xFFFFF086  }
0x1c: {  	p1 =	slt.u32 s9, $0xF7A;
	s5 =	simm.s32 @!p2 $0x0  }
0x1d: {  	s5 =	simm.s32 @p1 $0x1;
	p0 =	seq.s32 s7, s2  }
0x1e: {  	s7 =	smul.u32 @!p0 $0xF7A, s2;
	p2 =	seq.s32 @!p0 s5, $0x0  }
0x1f: {  	s9 =	smul.u32 $0xF7A, s1;
	s8 =	simm.s32 @!p0 $0x1BF5;
	p2 =	por !p2, p0  }
0x20: {  	[sflag:s8] =	ssyncset.s32 @!p0 $0xFFFFF086;
	s6 =	sadd.s32 @!p0 s3, s7;
	s7 =	simm.s32 @!p0 $0x108  }
0x21: {  	s3 =	sadd.s32 s3, s9;
	s6 =	sadd.s32 @!p0 $0x88, s6;
	s7 =	simm.s32 @p2 $0x1082  }
0x22: {  	[simem:s7], [sflag:s8] =	dma.local @!p0 [hbm:s6], $0xF7A  }
0x23: {  	s9 =	sor.u32 $0xD0000000, s2;
	s6 =	simm.s32 $0x108;
	_ =	swait.ge @!p0 [sflag:s8], $0x0  }
0x24: {  	s3 =	sadd.s32 $0x88, s3;
	s6 =	simm.s32 @!p1 $0x1082;
	[sflag:s4] =	ssyncset.s32 $0xFFFFF086  }
0x25: {  	[simem:s6], [sflag:s4] =	dma.local [hbm:s3], $0xF7A  }
0x26: {  	[smem:$0x3F6D] =	sst s1;
	(tag) =	ssettag s2;
	_ =	strace s9  }
0x27: {  	s1 =	sld [smem:$0x3F7D]  }
0x28: {  	s2 =	sld [smem:$0x3F7E]  }
0x29: {  	s4 =	sld [smem:$0x3F80]  }
0x2a: {  	p0 =	seq.s32 s5, $0x0;
	s5 =	sld [smem:$0x3F81]  }
0x2b: {  	s6 =	sld [smem:$0x3F82]  }
0x2c: {  	s7 =	sld [smem:$0x3F83]  }
0x2d: {  	s3 =	simm.s32 $0x108;
	s8 =	sld [smem:$0x3F84]  }
0x2e: {  	s3 =	simm.s32 @!p0 $0x1082;
	s9 =	sld [smem:$0x3F85]  }
0x2f: {  	lr =	sadd.s32 s0, s3;
	s0 =	sld [smem:$0x3F7C]  }
0x30: {  	s3 =	sld [smem:$0x3F7F]  }
0x31: {  	[smem:$0x3F88] =	sst s10  }
0x32: {  	s10 =	sld [smem:$0x3F86];
	_ =	sdelay $0x3  }
0x33: {  	p0 =	seq.s32 s10, $0x1;
	s10 =	sld [smem:$0x3F88];
	_ =	sdelay $0x3  }
0x34: {  	[smem:$0x3F88] =	sst s10  }
0x35: {  	s10 =	sld [smem:$0x3F87];
	_ =	sdelay $0x3  }
0x36: {  	p1 =	seq.s32 s10, $0x1;
	s10 =	sld [smem:$0x3F88];
	_ =	sdelay $0x3  }
0x37: {  	[smem:$0x3F88] =	sst s10  }
0x38: {  	s10 =	sld [smem:$0x3F89]  }
0x39: {  	_ = 	snop;
	(pc) =	sbr.ind lr, $3  }
0x3a: {  	_ = 	snop  }
0x3b: {  	_ = 	snop  }
0x3c: {  	p2 =	seq.s32 s10, $0x1;
	s10 =	sld [smem:$0x3F88]  }
0x3d: {  	_ =	shalt  }
0x3e: {  	_ =	shalt  }
0x3f: {  	_ =	shalt  }
0x40: {  	_ =	shalt  }
0x41: {  	_ =	shalt  }
0x42: {  	_ =	shalt  }
0x43: {  	_ =	shalt  }
0x44: {  	_ =	shalt  }
0x45: {  	_ =	shalt  }
0x46: {  	_ =	shalt  }
0x47: {  	_ =	shalt  }
0x48: {  	_ =	shalt  }
0x49: {  	_ =	shalt  }
0x4a: {  	_ =	shalt  }
0x4b: {  	_ =	shalt  }
0x4c: {  	_ =	shalt  }
0x4d: {  	_ =	shalt  }
0x4e: {  	_ =	shalt  }
0x4f: {  	_ =	shalt  }
0x50: {  	_ =	shalt  }
0x51: {  	_ =	shalt  }
0x52: {  	_ =	shalt  }
0x53: {  	_ =	shalt  }
0x54: {  	_ =	shalt  }
0x55: {  	_ =	shalt  }
0x56: {  	_ =	shalt  }
0x57: {  	_ =	shalt  }
0x58: {  	_ =	shalt  }
0x59: {  	_ =	shalt  }
0x5a: {  	_ =	shalt  }
0x5b: {  	_ =	shalt  }
0x5c: {  	_ =	shalt  }
0x5d: {  	_ =	shalt  }
0x5e: {  	_ =	shalt  }
0x5f: {  	_ =	shalt  }
0x60: {  	_ =	shalt  }
0x61: {  	_ =	shalt  }
0x62: {  	_ =	shalt  }
0x63: {  	_ =	shalt  }
0x64: {  	_ =	shalt  }
0x65: {  	_ =	shalt  }
0x66: {  	_ =	shalt  }
0x67: {  	_ =	shalt  }
0x68: {  	_ =	shalt  }
0x69: {  	_ =	shalt  }
0x6a: {  	_ =	shalt  }
0x6b: {  	_ =	shalt  }
0x6c: {  	_ =	shalt  }
0x6d: {  	_ =	shalt  }
0x6e: {  	_ =	shalt  }
0x6f: {  	_ =	shalt  }
0x70: {  	_ =	shalt  }
0x71: {  	_ =	shalt  }
0x72: {  	_ =	shalt  }
0x73: {  	_ =	shalt  }
0x74: {  	_ =	shalt  }
0x75: {  	_ =	shalt  }
0x76: {  	_ =	shalt  }
0x77: {  	_ =	shalt  }
0x78: {  	_ =	shalt  }
0x79: {  	_ =	shalt  }
0x7a: {  	_ =	shalt  }
0x7b: {  	_ =	shalt  }
0x7c: {  	_ =	shalt  }
0x7d: {  	_ =	shalt  }
0x7e: {  	_ =	shalt  }
0x7f: {  	_ =	shalt  }
0x80: {  	_ =	shalt  }
0x81: {  	_ =	shalt  }
0x82: {  	_ =	shalt  }
0x83: {  	_ =	shalt  }
0x84: {  	_ =	shalt  }
0x85: {  	_ =	shalt  }
0x86: {  	_ =	shalt  }
0x87: {  	_ =	shalt  }
.Lfunc_end0:
.L_simem_size_0:
called_computation.1_lowered:
.L_overlay_start_0:
0x88: {  	s2 =	sld [smem:$0x3FD9]  }
0x89: {  	s3 =	sld [smem:$0x3FFE];
	_ =	sdelay $0x1  }
0x8a: {  	s1 =	srdreg.scid  }
0x8b: {  	s0 =	sand.u32 $0x1, s1  }
0x8c: {  	s16 =	sshll.u32 s0, $0xA;
	s2 =	sadd.s32 s3, s2  }
0x8d: {  	s2 =	sadd.s32 s2, s16  }
0x8e: {  	[smem:$0x3F94] =	sst s2  }
0x8f: {  	_ = 	snop  }
0x90: {  	(tm) =	ssettm $0x1  }
0x91: {  	s17 =	sld [smem:$0x3FFB];
	_ =	sdelay $0x3  }
0x92: {  	_ =	strace s17  }
0x93: {  	s2 =	sld [smem:$0x3FFC];
	_ =	sdelay $0x3  }
0x94: {  	_ =	strace s2  }
0x95: {  	s2 =	sld [smem:$0x3FFD];
	_ =	sdelay $0x3  }
0x96: {  	_ =	strace s2  }
0x97: {  	_ =	strace $0x8FFFFFFF  }
0x98: {  	s18 =	sld [smem:$0x3FDB];
	_ =	sdelay $0x1  }
0x99: {  	s19 =	simm.s32 $_scs_section_size  }
0x9a: {  	s4 =	simm.s32 $_size__tile_overlayer_lowered;
	s5 =	simm.s32 $_tile_overlayer_lowered  }
0x9b: {  	s22 =	simm.s32 $0x1BFF;
	s21 =	sshll.u32 s5, $0x1;
	s2 =	sadd.s32 s19, s18  }
0x9c: {  	s6 =	simm.s32 $0x0;
	s20 =	sshll.u32 s4, $0x1;
	s4 =	sadd.s32 s21, s2  }
0x9d: {  	[timem:s6], [sflag:s22] =	dma.local [hbm:s4], s20  }
0x9e: {  	_ =	swait.ge [sflag:s22], s20  }
0x9f: {  	s3 =	ssub.s32 $0x0, s20;
	[sflag:s22] =	ssyncset.done $0x0  }
0xa0: {  	[sflag:s22] =	ssyncadd.s32 s3;
	_ =	sdelay $0x1  }
0xa1: {  	s23 =	simm.s32 $0x1B8B  }
0xa2: {  	_ =	swait.ge [sflag:s23], $0x1  }
0xa3: {  	[sflag:s23] =	ssyncset.done $0x0  }
0xa4: {  	s25 =	simm.s32 $0x1B8E;
	s24 =	sld [smem:$0x3FFE];
	[sflag:s23] =	ssyncadd.s32 $0xFFFFFFFF  }
0xa5: {  	s26 =	simm.s32 $execute0_lowered;
	[smem:$0x3FD2] =	sst s25  }
0xa6: {  	s4 =	sshll.u32 s26, $0x1;
	_ =	strace $0x80000049;
	[dreg:$0x1] =	wrdreg $0xFFFFFFFF  }
0xa7: {  	s28 =	simm.s32 $_size_execute0_lowered;
	s2 =	sadd.s32 s2, s4;
	[dreg:$0x0] =	wrdreg $0x0  }
0xa8: {  	s4 =	sshll.u32 s28, $0x1;
	[dreg:$0x2] =	wrdreg s2  }
0xa9: {  	[dreg:$0x3] =	wrdreg s4  }
0xaa: {  	[dreg:$0x4] =	wrdreg $0xC0  }
0xab: {  	_ =	task [dreg:s6], $0x5FFFF  }
0xac: {  	[dreg:$0x1] =	wrdreg $0xFFFFFFFF  }
0xad: {  	[dreg:$0x0] =	wrdreg $0x60  }
0xae: {  	[dreg:$0x2] =	wrdreg s24  }
0xaf: {  	[dreg:$0x3] =	wrdreg $0xB5800  }
0xb0: {  	[dreg:$0x4] =	wrdreg $0x9  }
0xb1: {  	_ =	task.clear_ibuf [dreg:s6], $0x5FFFF;
	_ =	strace $0x90000049  }
0xb2: {  	s29 =	simm.s32 $0x9;
	_ =	strace $0x8000004B  }
0xb3: {  	_ =	swait.ge [sflag:s29], $0x1  }
0xb4: {  	[sflag:s29] =	ssyncadd.s32 $0xFFFFFFFF  }
0xb5: {  	_ =	strace $0x9000004B  }
0xb6: {  	_ =	sfence  }
0xb7: {  	s30 =	sld [smem:$0x0];
	_ =	sdelay $0x2  }
0xb8: {  	s31 =	sshll.u32 s1, $0xD;
	s1 =	sshrl.u32 s1, $0x2  }
0xb9: {  	s3 =	sand.u32 $0x4000, s31;
	s1 =	sadd.s32 s1, s30  }
0xba: {  	s0 =	sor.u32 s3, s0;
	s1 =	sshll.u32 s1, $0x11  }
0xbb: {  	s0 =	sor.u32 s1, s0  }
0xbc: {  	s0 =	sadd.s32 $0x8F2B, s0  }
0xbd: {  	[sflag:s0] =	ssyncadd.remote.s32 $0x1  }
0xbe: {  	_ =	sfence.sel $0xFFFF  }
0xbf: {  	[dreg:$0x0] =	wrdreg $0xFFFFFFFF;
	(pc) =	sbr.abs _section_cstart, $3  }
0xc0: {  	[dreg:$0x1] =	wrdreg $0xFFFFFFFF  }
0xc1: {  	_ =	task.clear_ibuf [dreg:s6], $0x2FFFF;
	_ =	strace $0x9FFFFFFF  }
0xc2: {  	(tm) =	ssettm $0x7FFFFFFF  }
0xc3: {  	_ =	shalt  }
tec
execute0_lowered:
.L_overlay_start_1:
0x0: {  	(tag) =	ssettag $0x1  }
0x1: {  	s6 =	rddreg [dreg:$0x0]  }
0x2: {  	s3 =	sadd.s32 $0x512200, s6  }
0x3: {  	s4 =	sadd.s32 $0xA42400, s6;
	s5 =	sadd.s32 $0x8A00, s6;
	s7 =	sadd.s32 $0x12800, s6  }
0x4: {  	s8 =	sadd.s32 $0x508400, s6;
	s17 =	sadd.s32 $0x539400, s6;
	s6 =	stileid.u32  }
0x5: {  	s1 =	rddreg [dreg:$0x1];
	s2 =	simm.s32 $0x0;
	s11 =	smul.u32 $0x19000, s6  }
0x6: {  	s9 =	srdreg.scid;
	s12 =	sor.u32 $0x10, s6;
	s24 =	smul.u32 $0x6400, s6  }
0x7: {  	[smem:$0x7FF] =	sst s2;
	s15 =	sor.u32 $0x20, s6;
	s14 =	smul.u32 $0x19000, s12  }
0x8: {  	s10 =	sand.u32 $0x1, s9;
	s16 =	sor.u32 $0x30, s6;
	s0 =	smul.u32 $0x19000, s15  }
0x9: {  	_ =	strace $0x8000004A;
	s21 =	sshll.u32 s6, $0x1;
	s19 =	smul.u32 $0x19000, s16  }
0xa: {  	s9 =	ssub.s32 $0x2, s10;
	s20 =	sor.u32 s10, s21;
	s21 =	smul.u32 $0x138800, s10  }
0xb: {  	p0 =	sgt.u32 s6, $0x1;
	s13 =	sshrl.u32 s9, $0x1;
	s15 =	smul.u32 $0x6400, s15  }
0xc: {  	s16 =	smul.u32 $0x6400, s16;
	s18 =	ssub.s32 s9, s13;
	s11 =	sshrl.u32 s11, $0x2  }
0xd: {  	s9 =	sadd.s32 s11, s1;
	s22 =	sshrl.u32 s14, $0x2;
	s23 =	sshrl.u32 s0, $0x2  }
0xe: {  	s25 =	sshrl.u32 s19, $0x2;
	s13 =	sadd.s32 s24, s21;
	s29 =	sadd.s32 s21, s15  }
0xf: {  	s16 =	sadd.s32 s21, s16;
	s18 =	smax.u32 s18, $0x1;
	s24 =	simm.s32 $0x100  }
0x10: {  	s10 =	sadd.s32 s22, s1;
	s11 =	sadd.s32 s23, s1;
	s22 =	smul.u32 $0x6400, s12  }
0x11: {  	s12 =	sadd.s32 s25, s1;
	s26 =	sshrl.u32 s13, $0x3;
	s13 =	smul.u32 $0x2710, s20  }
0x12: {  	s30 =	sshrl.u32 s29, $0x3;
	s31 =	sshrl.u32 s16, $0x3;
	s20 =	simm.s32 $0x2  }
0x13: {  	s23 =	simm.s32 $0x1;
	s25 =	simm.s32 $0x2980;
	s14 =	sadd.s32 s17, s26  }
0x14: {  	s16 =	sadd.s32 s17, s30;
	s26 =	simm.s32 $0x180;
	s28 =	sadd.s32 s21, s22  }
0x15: {  	s21 =	simm.s32 $0x50;
	s22 =	simm.s32 $0x80;
	s19 =	sshrl.u32 s28, $0x3  }
0x16: {  	v0 =	vimm.f32 $0.0e+00;
	s15 =	sadd.s32 s17, s19;
	s17 =	sadd.s32 s17, s31;
	s19 =	simm.s32 $0x5180  }
.LBB2_1:
0x17: {  	s28 =	simm.s32 $0x0;
	s29 =	simm.s32 $0x200  }
.LBB2_2:
0x18: {  	p1 =	sne.s32 s29, $0x18E00;
	[tilespmem:s28+$0x51F0] =	vst v0  }
0x19: {  	[tilespmem:s28+$0x5180] =	vst v0  }
0x1a: {  	[tilespmem:s28+$0x5190] =	vst v0  }
.Ltmp0:
0x1b: {  	[tilespmem:s28+$0x51A0] =	vst v0;
	(pc) =	sbr.rel @p1 .LBB2_2-.Ltmp0, $4  }
0x1c: {  	[tilespmem:s28+$0x51B0] =	vst v0  }
0x1d: {  	[tilespmem:s28+$0x51C0] =	vst v0  }
0x1e: {  	[tilespmem:s28+$0x51D0] =	vst v0  }
0x1f: {  	[tilespmem:s28+$0x51E0] =	vst v0;
	s28 =	sshra.s32 s29, $0x2;
	s29 =	sadd.s32 $0x200, s29  }
0x20: {  	[tilespmem:s28+$0x51F0] =	vst v0  }
0x21: {  	[tilespmem:s28+$0x5180] =	vst v0  }
0x22: {  	[tilespmem:s28+$0x5190] =	vst v0  }
0x23: {  	[tilespmem:s28+$0x51A0] =	vst v0  }
0x24: {  	[tilespmem:s28+$0x51B0] =	vst v0  }
0x25: {  	[tilespmem:s28+$0x51C0] =	vst v0  }
0x26: {  	[tilespmem:s28+$0x51D0] =	vst v0  }
0x27: {  	[tilespmem:s28+$0x51E0] =	vst v0  }
0x28: {  	[spmem:s9] =	stream.linear.scatter [tilespmem:s19], [sflag:$0x2], $0x6400, $0x38;
	[tilespmem:$0x1EE00] =	vst v63  }
0x29: {  	_ =	swait.ge [sflag:s20], $0x6400  }
0x2a: {  	[sflag:s20] =	ssyncset.done $0x0  }
0x2b: {  	[sflag:s20] =	ssyncadd.s32 $0xFFFF9C00  }
0x2c: {  	[spmem:s10] =	stream.linear.scatter [tilespmem:s19], [sflag:$0x2], $0x6400, $0x38;
	[tilespmem:$0x1EE00] =	vst v63  }
0x2d: {  	_ =	swait.ge [sflag:s20], $0x6400  }
0x2e: {  	[sflag:s20] =	ssyncset.done $0x0  }
0x2f: {  	[sflag:s20] =	ssyncadd.s32 $0xFFFF9C00  }
0x30: {  	[spmem:s11] =	stream.linear.scatter [tilespmem:s19], [sflag:$0x2], $0x6400, $0x38;
	[tilespmem:$0x1EE00] =	vst v63  }
0x31: {  	_ =	swait.ge [sflag:s20], $0x6400  }
0x32: {  	[sflag:s20] =	ssyncset.done $0x0  }
0x33: {  	s28 =	simm.s32 @!p0 $0x5180;
	[sflag:s20] =	ssyncadd.s32 $0xFFFF9C00  }
0x34: {  	[spmem:s12] =	stream.linear.scatter @!p0 [tilespmem:s28], [sflag:$0x2], $0x6400, $0x38;
	[tilespmem:$0x1EE00] =	vst v63  }
0x35: {  	s28 =	simm.s32 @!p0 $0x2  }
0x36: {  	_ =	swait.ge @!p0 [sflag:s28], $0x6400  }
0x37: {  	[sflag:s28] =	ssyncset.done @!p0 $0x0  }
0x38: {  	[sflag:s28] =	ssyncadd.s32 @!p0 $0xFFFF9C00  }
0x39: {  	s29 =	simm.s32 $0x0;
	s28 =	simm.s32 $0x0;
	[bflag:$0x0] =	sbarrier.arrive $0xFFFF  }
.LBB2_4:
0x3a: {  	s30 =	smul.u32 $0x50, s29;
	_ =	sdelay $0x1  }
0x3b: {  	s30 =	sadd.s32 s13, s30  }
0x3c: {  	s30 =	sshrl.u32 s30, $0x3  }
0x3d: {  	s30 =	sadd.s32 s8, s30  }
0x3e: {  	[tilespmem:s28], [sflag:$0x2] =	stream.linear.gather [hbm4b:s30+s28], $0x50, $0x38;
	[tilespmem:$0x1EE00] =	vst v63  }
0x3f: {  	_ =	swait.ge [sflag:s20], $0x50  }
0x40: {  	[sflag:s20] =	ssyncset.done $0x0  }
0x41: {  	[sflag:s20] =	ssyncadd.s32 $0xFFFFFFB0  }
0x42: {  	[tilespmem:s22], [sflag:$0x1] =	stream.indirect.gather [hbm4b:s5+s21], $0x1, s28, s21, $0xb8;
	[tilespmem:$0x1EE00] =	vst v63  }
0x43: {  	_ =	swait.ge [sflag:s23], $0x50  }
0x44: {  	[sflag:s23] =	ssyncset.done $0x0  }
0x45: {  	[sflag:s23] =	ssyncadd.s32 $0xFFFFFFB0  }
0x46: {  	[tilespmem:s24], [sflag:$0x1] =	stream.indirect.gather [hbm4b:s7+s21], $0x1, s28, s21, $0xb8;
	[tilespmem:$0x1EE00] =	vst v63  }
0x47: {  	_ =	swait.ge [sflag:s23], $0x50  }
0x48: {  	[sflag:s23] =	ssyncset.done $0x0  }
0x49: {  	[sflag:s23] =	ssyncadd.s32 $0xFFFFFFB0  }
0x4a: {  	[tilespmem:s25], [sflag:$0x1] =	stream.indirect.gather [hbm4b:s4+s21], $0x80, s28, s21, $0xb8;
	[tilespmem:$0x1EE00] =	vst v63  }
0x4b: {  	_ =	swait.ge [sflag:s23], $0x2800  }
0x4c: {  	[sflag:s23] =	ssyncset.done $0x0  }
0x4d: {  	[sflag:s23] =	ssyncadd.s32 $0xFFFFD800  }
0x4e: {  	[tilespmem:s26], [sflag:$0x1] =	stream.indirect.gather [hbm4b:s3+s21], $0x80, s22, s21, $0xb8;
	[tilespmem:$0x1EE00] =	vst v63  }
0x4f: {  	_ =	swait.ge [sflag:s23], $0x2800  }
0x50: {  	[sflag:s23] =	ssyncset.done $0x0  }
0x51: {  	s30 =	simm.s32 $0x0;
	[sflag:s23] =	ssyncadd.s32 $0xFFFFD800  }
0x52: {  	v7 =	vld [tilespmem:s30+$0x2980]  }
0x53: {  	v12 =	vld [tilespmem:s30+$0x2990]  }
0x54: {  	v6 =	vld [tilespmem:s30+$0x29A0]  }
0x55: {  	v5 =	vld [tilespmem:s30+$0x29B0]  }
0x56: {  	v4 =	vld [tilespmem:s30+$0x29C0]  }
0x57: {  	v3 =	vld [tilespmem:s30+$0x29D0]  }
0x58: {  	v2 =	vld [tilespmem:s30+$0x29E0]  }
0x59: {  	v1 =	vld [tilespmem:s30+$0x29F0]  }
0x5a: {  	v13 =	vld [tilespmem:s30+$0x180]  }
0x5b: {  	v14 =	vld [tilespmem:s30+$0x190]  }
0x5c: {  	v11 =	vld [tilespmem:s30+$0x1A0]  }
0x5d: {  	v10 =	vld [tilespmem:s30+$0x1B0]  }
0x5e: {  	v9 =	vld [tilespmem:s30+$0x1C0]  }
0x5f: {  	v8 =	vld [tilespmem:s30+$0x1D0];
	v13 =	vadd.f32 v7, v13  }
0x60: {  	s31 =	simm.s32 $0x200;
	v12 =	vadd.f32 v12, v14;
	v7 =	vld [tilespmem:s30+$0x1E0]  }
.LBB2_5:
0x61: {  	s0 =	sshra.s32 s31, $0x2;
	p1 =	sne.s32 s31, $0x9E00;
	v13 =	vmax.f32 v13, $0.0e+00;
	v6 =	vadd.f32 v6, v11;
	v11 =	vld [tilespmem:s30+$0x1F0]  }
0x62: {  	v14 =	vld [tilespmem:s0+$0x2980];
	[tilespmem:s30+$0x180] =	vst v13;
	v12 =	vmax.f32 v12, $0.0e+00;
	v5 =	vadd.f32 v5, v10  }
0x63: {  	v15 =	vld [tilespmem:s0+$0x2990];
	[tilespmem:s30+$0x190] =	vst v12;
	v10 =	vmax.f32 v6, $0.0e+00;
	v4 =	vadd.f32 v4, v9  }
0x64: {  	v6 =	vld [tilespmem:s0+$0x29A0];
	[tilespmem:s30+$0x1A0] =	vst v10;
	v9 =	vmax.f32 v5, $0.0e+00;
	v3 =	vadd.f32 v3, v8  }
0x65: {  	v5 =	vld [tilespmem:s0+$0x29B0];
	[tilespmem:s30+$0x1B0] =	vst v9;
	v8 =	vmax.f32 v4, $0.0e+00;
	v2 =	vadd.f32 v2, v7  }
0x66: {  	v4 =	vld [tilespmem:s0+$0x29C0];
	[tilespmem:s30+$0x1C0] =	vst v8;
	v7 =	vmax.f32 v3, $0.0e+00;
	v1 =	vadd.f32 v1, v11  }
0x67: {  	v3 =	vld [tilespmem:s0+$0x29D0];
	[tilespmem:s30+$0x1D0] =	vst v7;
	v7 =	vmax.f32 v2, $0.0e+00  }
0x68: {  	v2 =	vld [tilespmem:s0+$0x29E0];
	[tilespmem:s30+$0x1E0] =	vst v7;
	v7 =	vmax.f32 v1, $0.0e+00  }
0x69: {  	v1 =	vld [tilespmem:s0+$0x29F0];
	[tilespmem:s30+$0x1F0] =	vst v7;
	s30 =	smov.u32 s0  }
0x6a: {  	v7 =	vld [tilespmem:s30+$0x180]  }
0x6b: {  	v12 =	vld [tilespmem:s30+$0x190]  }
.Ltmp1:
0x6c: {  	v11 =	vld [tilespmem:s30+$0x1A0];
	(pc) =	sbr.rel @p1 .LBB2_5-.Ltmp1, $4  }
0x6d: {  	v10 =	vld [tilespmem:s30+$0x1B0]  }
0x6e: {  	v9 =	vld [tilespmem:s30+$0x1C0]  }
0x6f: {  	v13 =	vadd.f32 v14, v7;
	v8 =	vld [tilespmem:s30+$0x1D0]  }
0x70: {  	s31 =	sadd.s32 $0x200, s31;
	v12 =	vadd.f32 v15, v12;
	v7 =	vld [tilespmem:s30+$0x1E0]  }
0x71: {  	v13 =	vmax.f32 v13, $0.0e+00;
	v6 =	vadd.f32 v6, v11;
	v63 =	vld [tilespmem:s30+$0x1F0]  }
0x72: {  	[tilespmem:s30+$0x180] =	vst v13;
	v12 =	vmax.f32 v12, $0.0e+00;
	v5 =	vadd.f32 v5, v10  }
0x73: {  	[tilespmem:s30+$0x190] =	vst v12;
	v6 =	vmax.f32 v6, $0.0e+00;
	v4 =	vadd.f32 v4, v9  }
0x74: {  	[tilespmem:s30+$0x1A0] =	vst v6;
	v5 =	vmax.f32 v5, $0.0e+00;
	v3 =	vadd.f32 v3, v8  }
0x75: {  	[tilespmem:s30+$0x1B0] =	vst v5;
	v4 =	vmax.f32 v4, $0.0e+00;
	v2 =	vadd.f32 v2, v7  }
0x76: {  	[tilespmem:s30+$0x1C0] =	vst v4;
	v3 =	vmax.f32 v3, $0.0e+00;
	v1 =	vadd.f32 v1, v63  }
0x77: {  	s29 =	sadd.s32 $0x1, s29;
	[tilespmem:s30+$0x1D0] =	vst v3;
	v2 =	vmax.f32 v2, $0.0e+00  }
0x78: {  	p1 =	sne.s32 s29, $0x7D;
	[tilespmem:s30+$0x1E0] =	vst v2;
	v1 =	vmax.f32 v1, $0.0e+00  }
.Ltmp2:
0x79: {  	[tilespmem:s30+$0x1F0] =	vst v1;
	(pc) =	sbr.rel @p1 .LBB2_4-.Ltmp2, $4  }
0x7a: {  	[spmem:s1] =	stream.indirect.scatter.add.f32 [tilespmem:s26], [sflag:$0x2], $0x80, s24, s21, $0xb8;
	[tilespmem:$0x1EE00] =	vst v63  }
0x7b: {  	_ =	swait.ge [sflag:s20], $0x2800  }
0x7c: {  	[sflag:s20] =	ssyncset.done $0x0  }
0x7d: {  	[sflag:s20] =	ssyncadd.s32 $0xFFFFD800  }
0x7e: {  	s0 =	sshll.u32 s6, $0x6  }
0x7f: {  	[bflag:$0x0] =	sbarrier.arrive $0xFFFF;
	s28 =	sshrl.u32 s9, $0x3;
	s0 =	sor.u32 $0x1C02, s0  }
0x80: {  	[hbm:s14], [sflag:s0] =	dma.local [spmem:s28], $0xC80  }
0x81: {  	_ =	swait.ge [sflag:s20], $0xC80  }
0x82: {  	[sflag:s20] =	ssyncset.done $0x0  }
0x83: {  	s30 =	sshrl.u32 s10, $0x3;
	[sflag:s20] =	ssyncadd.s32 $0xFFFFF380  }
0x84: {  	[hbm:s15], [sflag:s0] =	dma.local [spmem:s30], $0xC80  }
0x85: {  	_ =	swait.ge [sflag:s20], $0xC80  }
0x86: {  	[sflag:s20] =	ssyncset.done $0x0  }
0x87: {  	s31 =	sshrl.u32 s11, $0x3;
	[sflag:s20] =	ssyncadd.s32 $0xFFFFF380  }
0x88: {  	[hbm:s16], [sflag:s0] =	dma.local [spmem:s31], $0xC80  }
0x89: {  	_ =	swait.ge [sflag:s20], $0xC80  }
0x8a: {  	s2 =	sadd.s32 $0x1, s2;
	[sflag:s20] =	ssyncset.done $0x0  }
0x8b: {  	p1 =	sne.s32 s2, s18;
	s28 =	sshrl.u32 @!p0 s12, $0x3;
	[sflag:s20] =	ssyncadd.s32 $0xFFFFF380  }
0x8c: {  	[hbm:s17], [sflag:s0] =	dma.local @!p0 [spmem:s28], $0xC80  }
.Ltmp3:
0x8d: {  	_ = 	snop;
	(pc) =	sbr.rel @p1 .LBB2_1-.Ltmp3, $4  }
0x8e: {  	s0 =	simm.s32 @!p0 $0x2  }
0x8f: {  	_ =	swait.ge @!p0 [sflag:s0], $0xC80  }
0x90: {  	[sflag:s0] =	ssyncset.done @!p0 $0x0  }
0x91: {  	[sflag:s0] =	ssyncadd.s32 @!p0 $0xFFFFF380  }
0x92: {  	_ =	sfence.sel $0x180000  }
0x93: {  	[bflag:$0x0] =	sbarrier.arrive $0xFFFF  }
0x94: {  	_ =	strace $0x9000004A  }
0x95: {  	[bflag:$0x2] =	sbarrier.arrive $0xFFFF  }
0x96: {  	p0 =	sne.s32 s6, $0x0;
	s0 =	rddreg [dreg:$0x2]  }
0x97: {  	s0 =	sadd.s32 @!p0 $0x100000, s0  }
0x98: {  	[sflag:s0] =	ssyncadd.tile.s32 @!p0 $0x1;
	_ =	shalt  }
.Lfunc_end2:
_tile_overlayer_lowered:
.L_overlay_start_2:
0x99: {  	(tag) =	ssettag $0x2  }
0x9a: {  	s0 =	rddreg [dreg:$0x0];
	s2 =	stileid.u32  }
0x9b: {  	s1 =	rddreg [dreg:$0x1];
	p0 =	sne.s32 s2, $0x0  }
0x9c: {  	s3 =	rddreg [dreg:$0x2];
	[bflag:$0x3] =	sbarrier.arrive $0xFFFF;
	s2 =	simm.s32 @!p0 $0x1C02  }
0x9d: {  	[timem:s3], [sflag:s2] =	dma.local @!p0 [hbm:s0], s1  }
0x9e: {  	s0 =	simm.s32 @!p0 $0x2  }
0x9f: {  	_ =	swait.ge @!p0 [sflag:s0], s1  }
0xa0: {  	s1 =	ssub.s32 @!p0 $0x0, s1;
	[sflag:s0] =	ssyncset.done @!p0 $0x0  }
0xa1: {  	[sflag:s0] =	ssyncadd.s32 @!p0 s1  }
0xa2: {  	[bflag:$0x3] =	sbarrier.arrive $0xFFFF  }
0xa3: {  	_ =	shalt  }

// kernel: kernel.25.cloned.1.call-start
scs
__scs_entry_jumppad:
0x0: {  	(pc) =	sbr.rel $0x88, $3  }
0x1: {  	(tag) =	ssettag $0x0;
	lr =	simm.s32 $0x1  }
0x2: {  	[smem:$0x3F6D] =	sst lr;
	_ =	strace $0xD0000000  }
0x3: {  	_ = 	snop  }
0x4: {  	_ = 	snop  }
0x5: {  	_ = 	snop  }
0x6: {  	_ = 	snop  }
0x7: {  	_ = 	snop  }
__scs_overlays_trampoline_lowered:
0x8: {  	[smem:$0x3F7C] =	sst s0  }
0x9: {  	[smem:$0x3F7D] =	sst s1  }
0xa: {  	[smem:$0x3F7E] =	sst s2  }
0xb: {  	[smem:$0x3F7F] =	sst s3  }
0xc: {  	[smem:$0x3F80] =	sst s4  }
0xd: {  	[smem:$0x3F81] =	sst s5  }
0xe: {  	[smem:$0x3F82] =	sst s6  }
0xf: {  	[smem:$0x3F83] =	sst s7  }
0x10: {  	[smem:$0x3F84] =	sst s8  }
0x11: {  	[smem:$0x3F85] =	sst s9;
	s0 =	simm.s32 @!p0 $0x0  }
0x12: {  	s1 =	sld [smem:$0x3F6B];
	s0 =	simm.s32 @p0 $0x1  }
0x13: {  	[smem:$0x3F86] =	sst s0;
	s0 =	simm.s32 @!p1 $0x0  }
0x14: {  	s2 =	sld [smem:$0x3F6A];
	s0 =	simm.s32 @p1 $0x1  }
0x15: {  	[smem:$0x3F87] =	sst s0;
	s0 =	simm.s32 @!p2 $0x0  }
0x16: {  	s3 =	sld [smem:$0x3FDB];
	s0 =	simm.s32 @p2 $0x1  }
0x17: {  	s4 =	simm.s32 $0x1BF5;
	[smem:$0x3F89] =	sst s0  }
0x18: {  	s0 =	sld [smem:$0x3F6C];
	_ =	swait.ge [sflag:s4], $0x0  }
0x19: {  	s7 =	sld [smem:$0x3F6D]  }
0x1a: {  	s8 =	sadd.s32 $0xFFFFE003, lr  }
0x1b: {  	s9 =	sadd.s32 $0xFFFFFEF7, lr;
	s5 =	simm.s32 $0xFFFFFFFF;
	p2 =	slt.u32 s8, $0xFFFFF086  }
0x1c: {  	p1 =	slt.u32 s9, $0xF7A;
	s5 =	simm.s32 @!p2 $0x0  }
0x1d: {  	s5 =	simm.s32 @p1 $0x1;
	p0 =	seq.s32 s7, s2  }
0x1e: {  	s7 =	smul.u32 @!p0 $0xF7A, s2;
	p2 =	seq.s32 @!p0 s5, $0x0  }
0x1f: {  	s9 =	smul.u32 $0xF7A, s1;
	s8 =	simm.s32 @!p0 $0x1BF5;
	p2 =	por !p2, p0  }
0x20: {  	[sflag:s8] =	ssyncset.s32 @!p0 $0xFFFFF086;
	s6 =	sadd.s32 @!p0 s3, s7;
	s7 =	simm.s32 @!p0 $0x108  }
0x21: {  	s3 =	sadd.s32 s3, s9;
	s6 =	sadd.s32 @!p0 $0x88, s6;
	s7 =	simm.s32 @p2 $0x1082  }
0x22: {  	[simem:s7], [sflag:s8] =	dma.local @!p0 [hbm:s6], $0xF7A  }
0x23: {  	s9 =	sor.u32 $0xD0000000, s2;
	s6 =	simm.s32 $0x108;
	_ =	swait.ge @!p0 [sflag:s8], $0x0  }
0x24: {  	s3 =	sadd.s32 $0x88, s3;
	s6 =	simm.s32 @!p1 $0x1082;
	[sflag:s4] =	ssyncset.s32 $0xFFFFF086  }
0x25: {  	[simem:s6], [sflag:s4] =	dma.local [hbm:s3], $0xF7A  }
0x26: {  	[smem:$0x3F6D] =	sst s1;
	(tag) =	ssettag s2;
	_ =	strace s9  }
0x27: {  	s1 =	sld [smem:$0x3F7D]  }
0x28: {  	s2 =	sld [smem:$0x3F7E]  }
0x29: {  	s4 =	sld [smem:$0x3F80]  }
0x2a: {  	p0 =	seq.s32 s5, $0x0;
	s5 =	sld [smem:$0x3F81]  }
0x2b: {  	s6 =	sld [smem:$0x3F82]  }
0x2c: {  	s7 =	sld [smem:$0x3F83]  }
0x2d: {  	s3 =	simm.s32 $0x108;
	s8 =	sld [smem:$0x3F84]  }
0x2e: {  	s3 =	simm.s32 @!p0 $0x1082;
	s9 =	sld [smem:$0x3F85]  }
0x2f: {  	lr =	sadd.s32 s0, s3;
	s0 =	sld [smem:$0x3F7C]  }
0x30: {  	s3 =	sld [smem:$0x3F7F]  }
0x31: {  	[smem:$0x3F88] =	sst s10  }
0x32: {  	s10 =	sld [smem:$0x3F86];
	_ =	sdelay $0x3  }
0x33: {  	p0 =	seq.s32 s10, $0x1;
	s10 =	sld [smem:$0x3F88];
	_ =	sdelay $0x3  }
0x34: {  	[smem:$0x3F88] =	sst s10  }
0x35: {  	s10 =	sld [smem:$0x3F87];
	_ =	sdelay $0x3  }
0x36: {  	p1 =	seq.s32 s10, $0x1;
	s10 =	sld [smem:$0x3F88];
	_ =	sdelay $0x3  }
0x37: {  	[smem:$0x3F88] =	sst s10  }
0x38: {  	s10 =	sld [smem:$0x3F89]  }
0x39: {  	_ = 	snop;
	(pc) =	sbr.ind lr, $3  }
0x3a: {  	_ = 	snop  }
0x3b: {  	_ = 	snop  }
0x3c: {  	p2 =	seq.s32 s10, $0x1;
	s10 =	sld [smem:$0x3F88]  }
0x3d: {  	_ =	shalt  }
0x3e: {  	_ =	shalt  }
0x3f: {  	_ =	shalt  }
0x40: {  	_ =	shalt  }
0x41: {  	_ =	shalt  }
0x42: {  	_ =	shalt  }
0x43: {  	_ =	shalt  }
0x44: {  	_ =	shalt  }
0x45: {  	_ =	shalt  }
0x46: {  	_ =	shalt  }
0x47: {  	_ =	shalt  }
0x48: {  	_ =	shalt  }
0x49: {  	_ =	shalt  }
0x4a: {  	_ =	shalt  }
0x4b: {  	_ =	shalt  }
0x4c: {  	_ =	shalt  }
0x4d: {  	_ =	shalt  }
0x4e: {  	_ =	shalt  }
0x4f: {  	_ =	shalt  }
0x50: {  	_ =	shalt  }
0x51: {  	_ =	shalt  }
0x52: {  	_ =	shalt  }
0x53: {  	_ =	shalt  }
0x54: {  	_ =	shalt  }
0x55: {  	_ =	shalt  }
0x56: {  	_ =	shalt  }
0x57: {  	_ =	shalt  }
0x58: {  	_ =	shalt  }
0x59: {  	_ =	shalt  }
0x5a: {  	_ =	shalt  }
0x5b: {  	_ =	shalt  }
0x5c: {  	_ =	shalt  }
0x5d: {  	_ =	shalt  }
0x5e: {  	_ =	shalt  }
0x5f: {  	_ =	shalt  }
0x60: {  	_ =	shalt  }
0x61: {  	_ =	shalt  }
0x62: {  	_ =	shalt  }
0x63: {  	_ =	shalt  }
0x64: {  	_ =	shalt  }
0x65: {  	_ =	shalt  }
0x66: {  	_ =	shalt  }
0x67: {  	_ =	shalt  }
0x68: {  	_ =	shalt  }
0x69: {  	_ =	shalt  }
0x6a: {  	_ =	shalt  }
0x6b: {  	_ =	shalt  }
0x6c: {  	_ =	shalt  }
0x6d: {  	_ =	shalt  }
0x6e: {  	_ =	shalt  }
0x6f: {  	_ =	shalt  }
0x70: {  	_ =	shalt  }
0x71: {  	_ =	shalt  }
0x72: {  	_ =	shalt  }
0x73: {  	_ =	shalt  }
0x74: {  	_ =	shalt  }
0x75: {  	_ =	shalt  }
0x76: {  	_ =	shalt  }
0x77: {  	_ =	shalt  }
0x78: {  	_ =	shalt  }
0x79: {  	_ =	shalt  }
0x7a: {  	_ =	shalt  }
0x7b: {  	_ =	shalt  }
0x7c: {  	_ =	shalt  }
0x7d: {  	_ =	shalt  }
0x7e: {  	_ =	shalt  }
0x7f: {  	_ =	shalt  }
0x80: {  	_ =	shalt  }
0x81: {  	_ =	shalt  }
0x82: {  	_ =	shalt  }
0x83: {  	_ =	shalt  }
0x84: {  	_ =	shalt  }
0x85: {  	_ =	shalt  }
0x86: {  	_ =	shalt  }
0x87: {  	_ =	shalt  }
.Lfunc_end0:
.L_simem_size_0:
called_computation.2_lowered:
.L_overlay_start_0:
0x88: {  	s2 =	sld [smem:$0x3FD9]  }
0x89: {  	s3 =	sld [smem:$0x3FFE];
	_ =	sdelay $0x1  }
0x8a: {  	s1 =	srdreg.scid  }
0x8b: {  	s0 =	sand.u32 $0x1, s1  }
0x8c: {  	s16 =	sshll.u32 s0, $0xA;
	s2 =	sadd.s32 s3, s2  }
0x8d: {  	s2 =	sadd.s32 s2, s16  }
0x8e: {  	[smem:$0x3F94] =	sst s2  }
0x8f: {  	_ = 	snop  }
0x90: {  	(tm) =	ssettm $0x1  }
0x91: {  	s17 =	sld [smem:$0x3FFB];
	_ =	sdelay $0x3  }
0x92: {  	_ =	strace s17  }
0x93: {  	s2 =	sld [smem:$0x3FFC];
	_ =	sdelay $0x3  }
0x94: {  	_ =	strace s2  }
0x95: {  	s2 =	sld [smem:$0x3FFD];
	_ =	sdelay $0x3  }
0x96: {  	_ =	strace s2  }
0x97: {  	_ =	strace $0x8FFFFFFF  }
0x98: {  	s18 =	sld [smem:$0x3FDB];
	_ =	sdelay $0x1  }
0x99: {  	s19 =	simm.s32 $_scs_section_size  }
0x9a: {  	s4 =	simm.s32 $_size__tile_overlayer_lowered;
	s5 =	simm.s32 $_tile_overlayer_lowered  }
0x9b: {  	s22 =	simm.s32 $0x1BFF;
	s21 =	sshll.u32 s5, $0x1;
	s2 =	sadd.s32 s19, s18  }
0x9c: {  	s6 =	simm.s32 $0x0;
	s20 =	sshll.u32 s4, $0x1;
	s4 =	sadd.s32 s21, s2  }
0x9d: {  	[timem:s6], [sflag:s22] =	dma.local [hbm:s4], s20  }
0x9e: {  	_ =	swait.ge [sflag:s22], s20  }
0x9f: {  	s3 =	ssub.s32 $0x0, s20;
	[sflag:s22] =	ssyncset.done $0x0  }
0xa0: {  	[sflag:s22] =	ssyncadd.s32 s3;
	_ =	sdelay $0x1  }
0xa1: {  	s23 =	simm.s32 $0x1B8B  }
0xa2: {  	_ =	swait.ge [sflag:s23], $0x1  }
0xa3: {  	[sflag:s23] =	ssyncset.done $0x0  }
0xa4: {  	s25 =	simm.s32 $0x1B8E;
	s24 =	sld [smem:$0x3FFE];
	[sflag:s23] =	ssyncadd.s32 $0xFFFFFFFF  }
0xa5: {  	s26 =	simm.s32 $execute0_lowered;
	[smem:$0x3FD2] =	sst s25  }
0xa6: {  	s4 =	sshll.u32 s26, $0x1;
	_ =	strace $0x8000004C;
	[dreg:$0x1] =	wrdreg $0xFFFFFFFF  }
0xa7: {  	s28 =	simm.s32 $_size_execute0_lowered;
	s2 =	sadd.s32 s2, s4;
	[dreg:$0x0] =	wrdreg $0x0  }
0xa8: {  	s4 =	sshll.u32 s28, $0x1;
	[dreg:$0x2] =	wrdreg s2  }
0xa9: {  	[dreg:$0x3] =	wrdreg s4  }
0xaa: {  	[dreg:$0x4] =	wrdreg $0xC0  }
0xab: {  	_ =	task [dreg:s6], $0x5FFFF  }
0xac: {  	[dreg:$0x1] =	wrdreg $0xFFFFFFFF  }
0xad: {  	[dreg:$0x0] =	wrdreg $0x60  }
0xae: {  	[dreg:$0x2] =	wrdreg s24  }
0xaf: {  	[dreg:$0x3] =	wrdreg $0xB5800  }
0xb0: {  	[dreg:$0x4] =	wrdreg $0x9  }
0xb1: {  	_ =	task.clear_ibuf [dreg:s6], $0x5FFFF;
	_ =	strace $0x9000004C  }
0xb2: {  	s29 =	simm.s32 $0x9;
	_ =	strace $0x8000004E  }
0xb3: {  	_ =	swait.ge [sflag:s29], $0x1  }
0xb4: {  	[sflag:s29] =	ssyncadd.s32 $0xFFFFFFFF  }
0xb5: {  	_ =	strace $0x9000004E  }
0xb6: {  	_ =	sfence  }
0xb7: {  	s30 =	sld [smem:$0x0];
	_ =	sdelay $0x2  }
0xb8: {  	s31 =	sshll.u32 s1, $0xD;
	s1 =	sshrl.u32 s1, $0x2  }
0xb9: {  	s3 =	sand.u32 $0x4000, s31;
	s1 =	sadd.s32 s1, s30  }
0xba: {  	s0 =	sor.u32 s3, s0;
	s1 =	sshll.u32 s1, $0x11  }
0xbb: {  	s0 =	sor.u32 s1, s0  }
0xbc: {  	s0 =	sadd.s32 $0x8F2B, s0  }
0xbd: {  	[sflag:s0] =	ssyncadd.remote.s32 $0x1  }
0xbe: {  	_ =	sfence.sel $0xFFFF  }
0xbf: {  	[dreg:$0x0] =	wrdreg $0xFFFFFFFF;
	(pc) =	sbr.abs _section_cstart, $3  }
0xc0: {  	[dreg:$0x1] =	wrdreg $0xFFFFFFFF  }
0xc1: {  	_ =	task.clear_ibuf [dreg:s6], $0x2FFFF;
	_ =	strace $0x9FFFFFFF  }
0xc2: {  	(tm) =	ssettm $0x7FFFFFFF  }
0xc3: {  	_ =	shalt  }
tec
execute0_lowered:
.L_overlay_start_1:
0x0: {  	(tag) =	ssettag $0x1  }
0x1: {  	s6 =	rddreg [dreg:$0x0]  }
0x2: {  	s3 =	sadd.s32 $0x539400, s6  }
0x3: {  	s4 =	sadd.s32 $0xF24400, s6;
	s5 =	sadd.s32 $0x8A00, s6;
	s7 =	sadd.s32 $0x12800, s6  }
0x4: {  	s8 =	sadd.s32 $0x508400, s6;
	s17 =	sadd.s32 $0x560600, s6;
	s6 =	stileid.u32  }
0x5: {  	s1 =	rddreg [dreg:$0x1];
	s2 =	simm.s32 $0x0;
	s11 =	smul.u32 $0x19000, s6  }
0x6: {  	s9 =	srdreg.scid;
	s12 =	sor.u32 $0x10, s6;
	s24 =	smul.u32 $0x6400, s6  }
0x7: {  	[smem:$0x7FF] =	sst s2;
	s15 =	sor.u32 $0x20, s6;
	s14 =	smul.u32 $0x19000, s12  }
0x8: {  	s10 =	sand.u32 $0x1, s9;
	s16 =	sor.u32 $0x30, s6;
	s0 =	smul.u32 $0x19000, s15  }
0x9: {  	_ =	strace $0x8000004D;
	s21 =	sshll.u32 s6, $0x1;
	s19 =	smul.u32 $0x19000, s16  }
0xa: {  	s9 =	ssub.s32 $0x2, s10;
	s20 =	sor.u32 s10, s21;
	s21 =	smul.u32 $0x138800, s10  }
0xb: {  	p0 =	sgt.u32 s6, $0x1;
	s13 =	sshrl.u32 s9, $0x1;
	s15 =	smul.u32 $0x6400, s15  }
0xc: {  	s16 =	smul.u32 $0x6400, s16;
	s18 =	ssub.s32 s9, s13;
	s11 =	sshrl.u32 s11, $0x2  }
0xd: {  	s9 =	sadd.s32 s11, s1;
	s22 =	sshrl.u32 s14, $0x2;
	s23 =	sshrl.u32 s0, $0x2  }
0xe: {  	s25 =	sshrl.u32 s19, $0x2;
	s13 =	sadd.s32 s24, s21;
	s29 =	sadd.s32 s21, s15  }
0xf: {  	s16 =	sadd.s32 s21, s16;
	s18 =	smax.u32 s18, $0x1;
	s24 =	simm.s32 $0x100  }
0x10: {  	s10 =	sadd.s32 s22, s1;
	s11 =	sadd.s32 s23, s1;
	s22 =	smul.u32 $0x6400, s12  }
0x11: {  	s12 =	sadd.s32 s25, s1;
	s26 =	sshrl.u32 s13, $0x3;
	s13 =	smul.u32 $0x2710, s20  }
0x12: {  	s30 =	sshrl.u32 s29, $0x3;
	s31 =	sshrl.u32 s16, $0x3;
	s20 =	simm.s32 $0x2  }
0x13: {  	s23 =	simm.s32 $0x1;
	s25 =	simm.s32 $0x2980;
	s14 =	sadd.s32 s17, s26  }
0x14: {  	s16 =	sadd.s32 s17, s30;
	s26 =	simm.s32 $0x180;
	s28 =	sadd.s32 s21, s22  }
0x15: {  	s21 =	simm.s32 $0x50;
	s22 =	simm.s32 $0x80;
	s19 =	sshrl.u32 s28, $0x3  }
0x16: {  	v0 =	vimm.f32 $0.0e+00;
	s15 =	sadd.s32 s17, s19;
	s17 =	sadd.s32 s17, s31;
	s19 =	simm.s32 $0x5180  }
.LBB2_1:
0x17: {  	s28 =	simm.s32 $0x0;
	s29 =	simm.s32 $0x200  }
.LBB2_2:
0x18: {  	p1 =	sne.s32 s29, $0x18E00;
	[tilespmem:s28+$0x51F0] =	vst v0  }
0x19: {  	[tilespmem:s28+$0x5180] =	vst v0  }
0x1a: {  	[tilespmem:s28+$0x5190] =	vst v0  }
.Ltmp0:
0x1b: {  	[tilespmem:s28+$0x51A0] =	vst v0;
	(pc) =	sbr.rel @p1 .LBB2_2-.Ltmp0, $4  }
0x1c: {  	[tilespmem:s28+$0x51B0] =	vst v0  }
0x1d: {  	[tilespmem:s28+$0x51C0] =	vst v0  }
0x1e: {  	[tilespmem:s28+$0x51D0] =	vst v0  }
0x1f: {  	[tilespmem:s28+$0x51E0] =	vst v0;
	s28 =	sshra.s32 s29, $0x2;
	s29 =	sadd.s32 $0x200, s29  }
0x20: {  	[tilespmem:s28+$0x51F0] =	vst v0  }
0x21: {  	[tilespmem:s28+$0x5180] =	vst v0  }
0x22: {  	[tilespmem:s28+$0x5190] =	vst v0  }
0x23: {  	[tilespmem:s28+$0x51A0] =	vst v0  }
0x24: {  	[tilespmem:s28+$0x51B0] =	vst v0  }
0x25: {  	[tilespmem:s28+$0x51C0] =	vst v0  }
0x26: {  	[tilespmem:s28+$0x51D0] =	vst v0  }
0x27: {  	[tilespmem:s28+$0x51E0] =	vst v0  }
0x28: {  	[spmem:s9] =	stream.linear.scatter [tilespmem:s19], [sflag:$0x2], $0x6400, $0x38;
	[tilespmem:$0x1EE00] =	vst v63  }
0x29: {  	_ =	swait.ge [sflag:s20], $0x6400  }
0x2a: {  	[sflag:s20] =	ssyncset.done $0x0  }
0x2b: {  	[sflag:s20] =	ssyncadd.s32 $0xFFFF9C00  }
0x2c: {  	[spmem:s10] =	stream.linear.scatter [tilespmem:s19], [sflag:$0x2], $0x6400, $0x38;
	[tilespmem:$0x1EE00] =	vst v63  }
0x2d: {  	_ =	swait.ge [sflag:s20], $0x6400  }
0x2e: {  	[sflag:s20] =	ssyncset.done $0x0  }
0x2f: {  	[sflag:s20] =	ssyncadd.s32 $0xFFFF9C00  }
0x30: {  	[spmem:s11] =	stream.linear.scatter [tilespmem:s19], [sflag:$0x2], $0x6400, $0x38;
	[tilespmem:$0x1EE00] =	vst v63  }
0x31: {  	_ =	swait.ge [sflag:s20], $0x6400  }
0x32: {  	[sflag:s20] =	ssyncset.done $0x0  }
0x33: {  	s28 =	simm.s32 @!p0 $0x5180;
	[sflag:s20] =	ssyncadd.s32 $0xFFFF9C00  }
0x34: {  	[spmem:s12] =	stream.linear.scatter @!p0 [tilespmem:s28], [sflag:$0x2], $0x6400, $0x38;
	[tilespmem:$0x1EE00] =	vst v63  }
0x35: {  	s28 =	simm.s32 @!p0 $0x2  }
0x36: {  	_ =	swait.ge @!p0 [sflag:s28], $0x6400  }
0x37: {  	[sflag:s28] =	ssyncset.done @!p0 $0x0  }
0x38: {  	[sflag:s28] =	ssyncadd.s32 @!p0 $0xFFFF9C00  }
0x39: {  	s29 =	simm.s32 $0x0;
	s28 =	simm.s32 $0x0;
	[bflag:$0x0] =	sbarrier.arrive $0xFFFF  }
.LBB2_4:
0x3a: {  	s30 =	smul.u32 $0x50, s29;
	_ =	sdelay $0x1  }
0x3b: {  	s30 =	sadd.s32 s13, s30  }
0x3c: {  	s30 =	sshrl.u32 s30, $0x3  }
0x3d: {  	s30 =	sadd.s32 s8, s30  }
0x3e: {  	[tilespmem:s28], [sflag:$0x2] =	stream.linear.gather [hbm4b:s30+s28], $0x50, $0x38;
	[tilespmem:$0x1EE00] =	vst v63  }
0x3f: {  	_ =	swait.ge [sflag:s20], $0x50  }
0x40: {  	[sflag:s20] =	ssyncset.done $0x0  }
0x41: {  	[sflag:s20] =	ssyncadd.s32 $0xFFFFFFB0  }
0x42: {  	[tilespmem:s22], [sflag:$0x1] =	stream.indirect.gather [hbm4b:s5+s21], $0x1, s28, s21, $0xb8;
	[tilespmem:$0x1EE00] =	vst v63  }
0x43: {  	_ =	swait.ge [sflag:s23], $0x50  }
0x44: {  	[sflag:s23] =	ssyncset.done $0x0  }
0x45: {  	[sflag:s23] =	ssyncadd.s32 $0xFFFFFFB0  }
0x46: {  	[tilespmem:s24], [sflag:$0x1] =	stream.indirect.gather [hbm4b:s7+s21], $0x1, s28, s21, $0xb8;
	[tilespmem:$0x1EE00] =	vst v63  }
0x47: {  	_ =	swait.ge [sflag:s23], $0x50  }
0x48: {  	[sflag:s23] =	ssyncset.done $0x0  }
0x49: {  	[sflag:s23] =	ssyncadd.s32 $0xFFFFFFB0  }
0x4a: {  	[tilespmem:s25], [sflag:$0x1] =	stream.indirect.gather [hbm4b:s4+s21], $0x80, s28, s21, $0xb8;
	[tilespmem:$0x1EE00] =	vst v63  }
0x4b: {  	_ =	swait.ge [sflag:s23], $0x2800  }
0x4c: {  	[sflag:s23] =	ssyncset.done $0x0  }
0x4d: {  	[sflag:s23] =	ssyncadd.s32 $0xFFFFD800  }
0x4e: {  	[tilespmem:s26], [sflag:$0x1] =	stream.indirect.gather [hbm4b:s3+s21], $0x80, s22, s21, $0xb8;
	[tilespmem:$0x1EE00] =	vst v63  }
0x4f: {  	_ =	swait.ge [sflag:s23], $0x2800  }
0x50: {  	[sflag:s23] =	ssyncset.done $0x0  }
0x51: {  	s30 =	simm.s32 $0x0;
	[sflag:s23] =	ssyncadd.s32 $0xFFFFD800  }
0x52: {  	v7 =	vld [tilespmem:s30+$0x2980]  }
0x53: {  	v12 =	vld [tilespmem:s30+$0x2990]  }
0x54: {  	v6 =	vld [tilespmem:s30+$0x29A0]  }
0x55: {  	v5 =	vld [tilespmem:s30+$0x29B0]  }
0x56: {  	v4 =	vld [tilespmem:s30+$0x29C0]  }
0x57: {  	v3 =	vld [tilespmem:s30+$0x29D0]  }
0x58: {  	v2 =	vld [tilespmem:s30+$0x29E0]  }
0x59: {  	v1 =	vld [tilespmem:s30+$0x29F0]  }
0x5a: {  	v13 =	vld [tilespmem:s30+$0x180]  }
0x5b: {  	v14 =	vld [tilespmem:s30+$0x190]  }
0x5c: {  	v11 =	vld [tilespmem:s30+$0x1A0]  }
0x5d: {  	v10 =	vld [tilespmem:s30+$0x1B0]  }
0x5e: {  	v9 =	vld [tilespmem:s30+$0x1C0]  }
0x5f: {  	v8 =	vld [tilespmem:s30+$0x1D0];
	v13 =	vadd.f32 v7, v13  }
0x60: {  	s31 =	simm.s32 $0x200;
	v12 =	vadd.f32 v12, v14;
	v7 =	vld [tilespmem:s30+$0x1E0]  }
.LBB2_5:
0x61: {  	s0 =	sshra.s32 s31, $0x2;
	p1 =	sne.s32 s31, $0x9E00;
	v13 =	vmax.f32 v13, $0.0e+00;
	v6 =	vadd.f32 v6, v11;
	v11 =	vld [tilespmem:s30+$0x1F0]  }
0x62: {  	v14 =	vld [tilespmem:s0+$0x2980];
	[tilespmem:s30+$0x180] =	vst v13;
	v12 =	vmax.f32 v12, $0.0e+00;
	v5 =	vadd.f32 v5, v10  }
0x63: {  	v15 =	vld [tilespmem:s0+$0x2990];
	[tilespmem:s30+$0x190] =	vst v12;
	v10 =	vmax.f32 v6, $0.0e+00;
	v4 =	vadd.f32 v4, v9  }
0x64: {  	v6 =	vld [tilespmem:s0+$0x29A0];
	[tilespmem:s30+$0x1A0] =	vst v10;
	v9 =	vmax.f32 v5, $0.0e+00;
	v3 =	vadd.f32 v3, v8  }
0x65: {  	v5 =	vld [tilespmem:s0+$0x29B0];
	[tilespmem:s30+$0x1B0] =	vst v9;
	v8 =	vmax.f32 v4, $0.0e+00;
	v2 =	vadd.f32 v2, v7  }
0x66: {  	v4 =	vld [tilespmem:s0+$0x29C0];
	[tilespmem:s30+$0x1C0] =	vst v8;
	v7 =	vmax.f32 v3, $0.0e+00;
	v1 =	vadd.f32 v1, v11  }
0x67: {  	v3 =	vld [tilespmem:s0+$0x29D0];
	[tilespmem:s30+$0x1D0] =	vst v7;
	v7 =	vmax.f32 v2, $0.0e+00  }
0x68: {  	v2 =	vld [tilespmem:s0+$0x29E0];
	[tilespmem:s30+$0x1E0] =	vst v7;
	v7 =	vmax.f32 v1, $0.0e+00  }
0x69: {  	v1 =	vld [tilespmem:s0+$0x29F0];
	[tilespmem:s30+$0x1F0] =	vst v7;
	s30 =	smov.u32 s0  }
0x6a: {  	v7 =	vld [tilespmem:s30+$0x180]  }
0x6b: {  	v12 =	vld [tilespmem:s30+$0x190]  }
.Ltmp1:
0x6c: {  	v11 =	vld [tilespmem:s30+$0x1A0];
	(pc) =	sbr.rel @p1 .LBB2_5-.Ltmp1, $4  }
0x6d: {  	v10 =	vld [tilespmem:s30+$0x1B0]  }
0x6e: {  	v9 =	vld [tilespmem:s30+$0x1C0]  }
0x6f: {  	v13 =	vadd.f32 v14, v7;
	v8 =	vld [tilespmem:s30+$0x1D0]  }
0x70: {  	s31 =	sadd.s32 $0x200, s31;
	v12 =	vadd.f32 v15, v12;
	v7 =	vld [tilespmem:s30+$0x1E0]  }
0x71: {  	v13 =	vmax.f32 v13, $0.0e+00;
	v6 =	vadd.f32 v6, v11;
	v63 =	vld [tilespmem:s30+$0x1F0]  }
0x72: {  	[tilespmem:s30+$0x180] =	vst v13;
	v12 =	vmax.f32 v12, $0.0e+00;
	v5 =	vadd.f32 v5, v10  }
0x73: {  	[tilespmem:s30+$0x190] =	vst v12;
	v6 =	vmax.f32 v6, $0.0e+00;
	v4 =	vadd.f32 v4, v9  }
0x74: {  	[tilespmem:s30+$0x1A0] =	vst v6;
	v5 =	vmax.f32 v5, $0.0e+00;
	v3 =	vadd.f32 v3, v8  }
0x75: {  	[tilespmem:s30+$0x1B0] =	vst v5;
	v4 =	vmax.f32 v4, $0.0e+00;
	v2 =	vadd.f32 v2, v7  }
0x76: {  	[tilespmem:s30+$0x1C0] =	vst v4;
	v3 =	vmax.f32 v3, $0.0e+00;
	v1 =	vadd.f32 v1, v63  }
0x77: {  	s29 =	sadd.s32 $0x1, s29;
	[tilespmem:s30+$0x1D0] =	vst v3;
	v2 =	vmax.f32 v2, $0.0e+00  }
0x78: {  	p1 =	sne.s32 s29, $0x7D;
	[tilespmem:s30+$0x1E0] =	vst v2;
	v1 =	vmax.f32 v1, $0.0e+00  }
.Ltmp2:
0x79: {  	[tilespmem:s30+$0x1F0] =	vst v1;
	(pc) =	sbr.rel @p1 .LBB2_4-.Ltmp2, $4  }
0x7a: {  	[spmem:s1] =	stream.indirect.scatter.add.f32 [tilespmem:s26], [sflag:$0x2], $0x80, s24, s21, $0xb8;
	[tilespmem:$0x1EE00] =	vst v63  }
0x7b: {  	_ =	swait.ge [sflag:s20], $0x2800  }
0x7c: {  	[sflag:s20] =	ssyncset.done $0x0  }
0x7d: {  	[sflag:s20] =	ssyncadd.s32 $0xFFFFD800  }
0x7e: {  	s0 =	sshll.u32 s6, $0x6  }
0x7f: {  	[bflag:$0x0] =	sbarrier.arrive $0xFFFF;
	s28 =	sshrl.u32 s9, $0x3;
	s0 =	sor.u32 $0x1C02, s0  }
0x80: {  	[hbm:s14], [sflag:s0] =	dma.local [spmem:s28], $0xC80  }
0x81: {  	_ =	swait.ge [sflag:s20], $0xC80  }
0x82: {  	[sflag:s20] =	ssyncset.done $0x0  }
0x83: {  	s30 =	sshrl.u32 s10, $0x3;
	[sflag:s20] =	ssyncadd.s32 $0xFFFFF380  }
0x84: {  	[hbm:s15], [sflag:s0] =	dma.local [spmem:s30], $0xC80  }
0x85: {  	_ =	swait.ge [sflag:s20], $0xC80  }
0x86: {  	[sflag:s20] =	ssyncset.done $0x0  }
0x87: {  	s31 =	sshrl.u32 s11, $0x3;
	[sflag:s20] =	ssyncadd.s32 $0xFFFFF380  }
0x88: {  	[hbm:s16], [sflag:s0] =	dma.local [spmem:s31], $0xC80  }
0x89: {  	_ =	swait.ge [sflag:s20], $0xC80  }
0x8a: {  	s2 =	sadd.s32 $0x1, s2;
	[sflag:s20] =	ssyncset.done $0x0  }
0x8b: {  	p1 =	sne.s32 s2, s18;
	s28 =	sshrl.u32 @!p0 s12, $0x3;
	[sflag:s20] =	ssyncadd.s32 $0xFFFFF380  }
0x8c: {  	[hbm:s17], [sflag:s0] =	dma.local @!p0 [spmem:s28], $0xC80  }
.Ltmp3:
0x8d: {  	_ = 	snop;
	(pc) =	sbr.rel @p1 .LBB2_1-.Ltmp3, $4  }
0x8e: {  	s0 =	simm.s32 @!p0 $0x2  }
0x8f: {  	_ =	swait.ge @!p0 [sflag:s0], $0xC80  }
0x90: {  	[sflag:s0] =	ssyncset.done @!p0 $0x0  }
0x91: {  	[sflag:s0] =	ssyncadd.s32 @!p0 $0xFFFFF380  }
0x92: {  	_ =	sfence.sel $0x180000  }
0x93: {  	[bflag:$0x0] =	sbarrier.arrive $0xFFFF  }
0x94: {  	_ =	strace $0x9000004D  }
0x95: {  	[bflag:$0x2] =	sbarrier.arrive $0xFFFF  }
0x96: {  	p0 =	sne.s32 s6, $0x0;
	s0 =	rddreg [dreg:$0x2]  }
0x97: {  	s0 =	sadd.s32 @!p0 $0x100000, s0  }
0x98: {  	[sflag:s0] =	ssyncadd.tile.s32 @!p0 $0x1;
	_ =	shalt  }
.Lfunc_end2:
_tile_overlayer_lowered:
.L_overlay_start_2:
0x99: {  	(tag) =	ssettag $0x2  }
0x9a: {  	s0 =	rddreg [dreg:$0x0];
	s2 =	stileid.u32  }
0x9b: {  	s1 =	rddreg [dreg:$0x1];
	p0 =	sne.s32 s2, $0x0  }
0x9c: {  	s3 =	rddreg [dreg:$0x2];
	[bflag:$0x3] =	sbarrier.arrive $0xFFFF;
	s2 =	simm.s32 @!p0 $0x1C02  }
0x9d: {  	[timem:s3], [sflag:s2] =	dma.local @!p0 [hbm:s0], s1  }
0x9e: {  	s0 =	simm.s32 @!p0 $0x2  }
0x9f: {  	_ =	swait.ge @!p0 [sflag:s0], s1  }
0xa0: {  	s1 =	ssub.s32 @!p0 $0x0, s1;
	[sflag:s0] =	ssyncset.done @!p0 $0x0  }
0xa1: {  	[sflag:s0] =	ssyncadd.s32 @!p0 s1  }
0xa2: {  	[bflag:$0x3] =	sbarrier.arrive $0xFFFF  }
0xa3: {  	_ =	shalt  }

// kernel: kernel.28.cloned.1.call-start
scs
__scs_entry_jumppad:
0x0: {  	(pc) =	sbr.rel $0x88, $3  }
0x1: {  	(tag) =	ssettag $0x0;
	lr =	simm.s32 $0x1  }
0x2: {  	[smem:$0x3F6D] =	sst lr;
	_ =	strace $0xD0000000  }
0x3: {  	_ = 	snop  }
0x4: {  	_ = 	snop  }
0x5: {  	_ = 	snop  }
0x6: {  	_ = 	snop  }
0x7: {  	_ = 	snop  }
__scs_overlays_trampoline_lowered:
0x8: {  	[smem:$0x3F7C] =	sst s0  }
0x9: {  	[smem:$0x3F7D] =	sst s1  }
0xa: {  	[smem:$0x3F7E] =	sst s2  }
0xb: {  	[smem:$0x3F7F] =	sst s3  }
0xc: {  	[smem:$0x3F80] =	sst s4  }
0xd: {  	[smem:$0x3F81] =	sst s5  }
0xe: {  	[smem:$0x3F82] =	sst s6  }
0xf: {  	[smem:$0x3F83] =	sst s7  }
0x10: {  	[smem:$0x3F84] =	sst s8  }
0x11: {  	[smem:$0x3F85] =	sst s9;
	s0 =	simm.s32 @!p0 $0x0  }
0x12: {  	s1 =	sld [smem:$0x3F6B];
	s0 =	simm.s32 @p0 $0x1  }
0x13: {  	[smem:$0x3F86] =	sst s0;
	s0 =	simm.s32 @!p1 $0x0  }
0x14: {  	s2 =	sld [smem:$0x3F6A];
	s0 =	simm.s32 @p1 $0x1  }
0x15: {  	[smem:$0x3F87] =	sst s0;
	s0 =	simm.s32 @!p2 $0x0  }
0x16: {  	s3 =	sld [smem:$0x3FDB];
	s0 =	simm.s32 @p2 $0x1  }
0x17: {  	s4 =	simm.s32 $0x1BF5;
	[smem:$0x3F89] =	sst s0  }
0x18: {  	s0 =	sld [smem:$0x3F6C];
	_ =	swait.ge [sflag:s4], $0x0  }
0x19: {  	s7 =	sld [smem:$0x3F6D]  }
0x1a: {  	s8 =	sadd.s32 $0xFFFFE003, lr  }
0x1b: {  	s9 =	sadd.s32 $0xFFFFFEF7, lr;
	s5 =	simm.s32 $0xFFFFFFFF;
	p2 =	slt.u32 s8, $0xFFFFF086  }
0x1c: {  	p1 =	slt.u32 s9, $0xF7A;
	s5 =	simm.s32 @!p2 $0x0  }
0x1d: {  	s5 =	simm.s32 @p1 $0x1;
	p0 =	seq.s32 s7, s2  }
0x1e: {  	s7 =	smul.u32 @!p0 $0xF7A, s2;
	p2 =	seq.s32 @!p0 s5, $0x0  }
0x1f: {  	s9 =	smul.u32 $0xF7A, s1;
	s8 =	simm.s32 @!p0 $0x1BF5;
	p2 =	por !p2, p0  }
0x20: {  	[sflag:s8] =	ssyncset.s32 @!p0 $0xFFFFF086;
	s6 =	sadd.s32 @!p0 s3, s7;
	s7 =	simm.s32 @!p0 $0x108  }
0x21: {  	s3 =	sadd.s32 s3, s9;
	s6 =	sadd.s32 @!p0 $0x88, s6;
	s7 =	simm.s32 @p2 $0x1082  }
0x22: {  	[simem:s7], [sflag:s8] =	dma.local @!p0 [hbm:s6], $0xF7A  }
0x23: {  	s9 =	sor.u32 $0xD0000000, s2;
	s6 =	simm.s32 $0x108;
	_ =	swait.ge @!p0 [sflag:s8], $0x0  }
0x24: {  	s3 =	sadd.s32 $0x88, s3;
	s6 =	simm.s32 @!p1 $0x1082;
	[sflag:s4] =	ssyncset.s32 $0xFFFFF086  }
0x25: {  	[simem:s6], [sflag:s4] =	dma.local [hbm:s3], $0xF7A  }
0x26: {  	[smem:$0x3F6D] =	sst s1;
	(tag) =	ssettag s2;
	_ =	strace s9  }
0x27: {  	s1 =	sld [smem:$0x3F7D]  }
0x28: {  	s2 =	sld [smem:$0x3F7E]  }
0x29: {  	s4 =	sld [smem:$0x3F80]  }
0x2a: {  	p0 =	seq.s32 s5, $0x0;
	s5 =	sld [smem:$0x3F81]  }
0x2b: {  	s6 =	sld [smem:$0x3F82]  }
0x2c: {  	s7 =	sld [smem:$0x3F83]  }
0x2d: {  	s3 =	simm.s32 $0x108;
	s8 =	sld [smem:$0x3F84]  }
0x2e: {  	s3 =	simm.s32 @!p0 $0x1082;
	s9 =	sld [smem:$0x3F85]  }
0x2f: {  	lr =	sadd.s32 s0, s3;
	s0 =	sld [smem:$0x3F7C]  }
0x30: {  	s3 =	sld [smem:$0x3F7F]  }
0x31: {  	[smem:$0x3F88] =	sst s10  }
0x32: {  	s10 =	sld [smem:$0x3F86];
	_ =	sdelay $0x3  }
0x33: {  	p0 =	seq.s32 s10, $0x1;
	s10 =	sld [smem:$0x3F88];
	_ =	sdelay $0x3  }
0x34: {  	[smem:$0x3F88] =	sst s10  }
0x35: {  	s10 =	sld [smem:$0x3F87];
	_ =	sdelay $0x3  }
0x36: {  	p1 =	seq.s32 s10, $0x1;
	s10 =	sld [smem:$0x3F88];
	_ =	sdelay $0x3  }
0x37: {  	[smem:$0x3F88] =	sst s10  }
0x38: {  	s10 =	sld [smem:$0x3F89]  }
0x39: {  	_ = 	snop;
	(pc) =	sbr.ind lr, $3  }
0x3a: {  	_ = 	snop  }
0x3b: {  	_ = 	snop  }
0x3c: {  	p2 =	seq.s32 s10, $0x1;
	s10 =	sld [smem:$0x3F88]  }
0x3d: {  	_ =	shalt  }
0x3e: {  	_ =	shalt  }
0x3f: {  	_ =	shalt  }
0x40: {  	_ =	shalt  }
0x41: {  	_ =	shalt  }
0x42: {  	_ =	shalt  }
0x43: {  	_ =	shalt  }
0x44: {  	_ =	shalt  }
0x45: {  	_ =	shalt  }
0x46: {  	_ =	shalt  }
0x47: {  	_ =	shalt  }
0x48: {  	_ =	shalt  }
0x49: {  	_ =	shalt  }
0x4a: {  	_ =	shalt  }
0x4b: {  	_ =	shalt  }
0x4c: {  	_ =	shalt  }
0x4d: {  	_ =	shalt  }
0x4e: {  	_ =	shalt  }
0x4f: {  	_ =	shalt  }
0x50: {  	_ =	shalt  }
0x51: {  	_ =	shalt  }
0x52: {  	_ =	shalt  }
0x53: {  	_ =	shalt  }
0x54: {  	_ =	shalt  }
0x55: {  	_ =	shalt  }
0x56: {  	_ =	shalt  }
0x57: {  	_ =	shalt  }
0x58: {  	_ =	shalt  }
0x59: {  	_ =	shalt  }
0x5a: {  	_ =	shalt  }
0x5b: {  	_ =	shalt  }
0x5c: {  	_ =	shalt  }
0x5d: {  	_ =	shalt  }
0x5e: {  	_ =	shalt  }
0x5f: {  	_ =	shalt  }
0x60: {  	_ =	shalt  }
0x61: {  	_ =	shalt  }
0x62: {  	_ =	shalt  }
0x63: {  	_ =	shalt  }
0x64: {  	_ =	shalt  }
0x65: {  	_ =	shalt  }
0x66: {  	_ =	shalt  }
0x67: {  	_ =	shalt  }
0x68: {  	_ =	shalt  }
0x69: {  	_ =	shalt  }
0x6a: {  	_ =	shalt  }
0x6b: {  	_ =	shalt  }
0x6c: {  	_ =	shalt  }
0x6d: {  	_ =	shalt  }
0x6e: {  	_ =	shalt  }
0x6f: {  	_ =	shalt  }
0x70: {  	_ =	shalt  }
0x71: {  	_ =	shalt  }
0x72: {  	_ =	shalt  }
0x73: {  	_ =	shalt  }
0x74: {  	_ =	shalt  }
0x75: {  	_ =	shalt  }
0x76: {  	_ =	shalt  }
0x77: {  	_ =	shalt  }
0x78: {  	_ =	shalt  }
0x79: {  	_ =	shalt  }
0x7a: {  	_ =	shalt  }
0x7b: {  	_ =	shalt  }
0x7c: {  	_ =	shalt  }
0x7d: {  	_ =	shalt  }
0x7e: {  	_ =	shalt  }
0x7f: {  	_ =	shalt  }
0x80: {  	_ =	shalt  }
0x81: {  	_ =	shalt  }
0x82: {  	_ =	shalt  }
0x83: {  	_ =	shalt  }
0x84: {  	_ =	shalt  }
0x85: {  	_ =	shalt  }
0x86: {  	_ =	shalt  }
0x87: {  	_ =	shalt  }
.Lfunc_end0:
.L_simem_size_0:
called_computation.3_lowered:
.L_overlay_start_0:
0x88: {  	s2 =	sld [smem:$0x3FD9]  }
0x89: {  	s3 =	sld [smem:$0x3FFE];
	_ =	sdelay $0x1  }
0x8a: {  	s1 =	srdreg.scid  }
0x8b: {  	s0 =	sand.u32 $0x1, s1  }
0x8c: {  	s16 =	sshll.u32 s0, $0xA;
	s2 =	sadd.s32 s3, s2  }
0x8d: {  	s2 =	sadd.s32 s2, s16  }
0x8e: {  	[smem:$0x3F94] =	sst s2  }
0x8f: {  	_ = 	snop  }
0x90: {  	(tm) =	ssettm $0x1  }
0x91: {  	s17 =	sld [smem:$0x3FFB];
	_ =	sdelay $0x3  }
0x92: {  	_ =	strace s17  }
0x93: {  	s2 =	sld [smem:$0x3FFC];
	_ =	sdelay $0x3  }
0x94: {  	_ =	strace s2  }
0x95: {  	s2 =	sld [smem:$0x3FFD];
	_ =	sdelay $0x3  }
0x96: {  	_ =	strace s2  }
0x97: {  	_ =	strace $0x8FFFFFFF  }
0x98: {  	s18 =	sld [smem:$0x3FDB];
	_ =	sdelay $0x1  }
0x99: {  	s19 =	simm.s32 $_scs_section_size  }
0x9a: {  	s4 =	simm.s32 $_size__tile_overlayer_lowered;
	s5 =	simm.s32 $_tile_overlayer_lowered  }
0x9b: {  	s22 =	simm.s32 $0x1BFF;
	s21 =	sshll.u32 s5, $0x1;
	s2 =	sadd.s32 s19, s18  }
0x9c: {  	s6 =	simm.s32 $0x0;
	s20 =	sshll.u32 s4, $0x1;
	s4 =	sadd.s32 s21, s2  }
0x9d: {  	[timem:s6], [sflag:s22] =	dma.local [hbm:s4], s20  }
0x9e: {  	_ =	swait.ge [sflag:s22], s20  }
0x9f: {  	s3 =	ssub.s32 $0x0, s20;
	[sflag:s22] =	ssyncset.done $0x0  }
0xa0: {  	[sflag:s22] =	ssyncadd.s32 s3;
	_ =	sdelay $0x1  }
0xa1: {  	s23 =	simm.s32 $0x1B8B  }
0xa2: {  	_ =	swait.ge [sflag:s23], $0x1  }
0xa3: {  	[sflag:s23] =	ssyncset.done $0x0  }
0xa4: {  	s25 =	simm.s32 $0x1B8E;
	s24 =	sld [smem:$0x3FFE];
	[sflag:s23] =	ssyncadd.s32 $0xFFFFFFFF  }
0xa5: {  	s26 =	simm.s32 $execute0_lowered;
	[smem:$0x3FD2] =	sst s25  }
0xa6: {  	s4 =	sshll.u32 s26, $0x1;
	_ =	strace $0x8000004F;
	[dreg:$0x1] =	wrdreg $0xFFFFFFFF  }
0xa7: {  	s28 =	simm.s32 $_size_execute0_lowered;
	s2 =	sadd.s32 s2, s4;
	[dreg:$0x0] =	wrdreg $0x0  }
0xa8: {  	s4 =	sshll.u32 s28, $0x1;
	[dreg:$0x2] =	wrdreg s2  }
0xa9: {  	[dreg:$0x3] =	wrdreg s4  }
0xaa: {  	[dreg:$0x4] =	wrdreg $0xC0  }
0xab: {  	_ =	task [dreg:s6], $0x5FFFF  }
0xac: {  	[dreg:$0x1] =	wrdreg $0xFFFFFFFF  }
0xad: {  	[dreg:$0x0] =	wrdreg $0x60  }
0xae: {  	[dreg:$0x2] =	wrdreg s24  }
0xaf: {  	[dreg:$0x3] =	wrdreg $0xB5800  }
0xb0: {  	[dreg:$0x4] =	wrdreg $0x9  }
0xb1: {  	_ =	task.clear_ibuf [dreg:s6], $0x5FFFF;
	_ =	strace $0x9000004F  }
0xb2: {  	s29 =	simm.s32 $0x9;
	_ =	strace $0x80000051  }
0xb3: {  	_ =	swait.ge [sflag:s29], $0x1  }
0xb4: {  	[sflag:s29] =	ssyncadd.s32 $0xFFFFFFFF  }
0xb5: {  	_ =	strace $0x90000051  }
0xb6: {  	_ =	sfence  }
0xb7: {  	s30 =	sld [smem:$0x0];
	_ =	sdelay $0x2  }
0xb8: {  	s31 =	sshll.u32 s1, $0xD;
	s1 =	sshrl.u32 s1, $0x2  }
0xb9: {  	s3 =	sand.u32 $0x4000, s31;
	s1 =	sadd.s32 s1, s30  }
0xba: {  	s0 =	sor.u32 s3, s0;
	s1 =	sshll.u32 s1, $0x11  }
0xbb: {  	s0 =	sor.u32 s1, s0  }
0xbc: {  	s0 =	sadd.s32 $0x8F2B, s0  }
0xbd: {  	[sflag:s0] =	ssyncadd.remote.s32 $0x1  }
0xbe: {  	_ =	sfence.sel $0xFFFF  }
0xbf: {  	[dreg:$0x0] =	wrdreg $0xFFFFFFFF;
	(pc) =	sbr.abs _section_cstart, $3  }
0xc0: {  	[dreg:$0x1] =	wrdreg $0xFFFFFFFF  }
0xc1: {  	_ =	task.clear_ibuf [dreg:s6], $0x2FFFF;
	_ =	strace $0x9FFFFFFF  }
0xc2: {  	(tm) =	ssettm $0x7FFFFFFF  }
0xc3: {  	_ =	shalt  }
tec
execute0_lowered:
.L_overlay_start_1:
0x0: {  	(tag) =	ssettag $0x1  }
0x1: {  	s6 =	rddreg [dreg:$0x0]  }
0x2: {  	s3 =	sadd.s32 $0x560600, s6  }
0x3: {  	s4 =	sadd.s32 $0x5AE800, s6;
	s5 =	sadd.s32 $0x8A00, s6;
	s7 =	sadd.s32 $0x12800, s6  }
0x4: {  	s8 =	sadd.s32 $0x508400, s6;
	s17 =	sadd.s32 $0x1C600, s6;
	s6 =	stileid.u32  }
0x5: {  	s1 =	rddreg [dreg:$0x1];
	s2 =	simm.s32 $0x0;
	s11 =	smul.u32 $0x19000, s6  }
0x6: {  	s9 =	srdreg.scid;
	s12 =	sor.u32 $0x10, s6;
	s24 =	smul.u32 $0x6400, s6  }
0x7: {  	[smem:$0x7FF] =	sst s2;
	s15 =	sor.u32 $0x20, s6;
	s14 =	smul.u32 $0x19000, s12  }
0x8: {  	s10 =	sand.u32 $0x1, s9;
	s16 =	sor.u32 $0x30, s6;
	s0 =	smul.u32 $0x19000, s15  }
0x9: {  	_ =	strace $0x80000050;
	s21 =	sshll.u32 s6, $0x1;
	s19 =	smul.u32 $0x19000, s16  }
0xa: {  	s9 =	ssub.s32 $0x2, s10;
	s20 =	sor.u32 s10, s21;
	s21 =	smul.u32 $0x138800, s10  }
0xb: {  	p0 =	sgt.u32 s6, $0x1;
	s13 =	sshrl.u32 s9, $0x1;
	s15 =	smul.u32 $0x6400, s15  }
0xc: {  	s16 =	smul.u32 $0x6400, s16;
	s18 =	ssub.s32 s9, s13;
	s11 =	sshrl.u32 s11, $0x2  }
0xd: {  	s9 =	sadd.s32 s11, s1;
	s22 =	sshrl.u32 s14, $0x2;
	s23 =	sshrl.u32 s0, $0x2  }
0xe: {  	s25 =	sshrl.u32 s19, $0x2;
	s13 =	sadd.s32 s24, s21;
	s29 =	sadd.s32 s21, s15  }
0xf: {  	s16 =	sadd.s32 s21, s16;
	s18 =	smax.u32 s18, $0x1;
	s24 =	simm.s32 $0x100  }
0x10: {  	s10 =	sadd.s32 s22, s1;
	s11 =	sadd.s32 s23, s1;
	s22 =	smul.u32 $0x6400, s12  }
0x11: {  	s12 =	sadd.s32 s25, s1;
	s26 =	sshrl.u32 s13, $0x3;
	s13 =	smul.u32 $0x2710, s20  }
0x12: {  	s30 =	sshrl.u32 s29, $0x3;
	s31 =	sshrl.u32 s16, $0x3;
	s20 =	simm.s32 $0x2  }
0x13: {  	s23 =	simm.s32 $0x1;
	s25 =	simm.s32 $0x2980;
	s14 =	sadd.s32 s17, s26  }
0x14: {  	s16 =	sadd.s32 s17, s30;
	s26 =	simm.s32 $0x180;
	s28 =	sadd.s32 s21, s22  }
0x15: {  	s21 =	simm.s32 $0x50;
	s22 =	simm.s32 $0x80;
	s19 =	sshrl.u32 s28, $0x3  }
0x16: {  	v0 =	vimm.f32 $0.0e+00;
	s15 =	sadd.s32 s17, s19;
	s17 =	sadd.s32 s17, s31;
	s19 =	simm.s32 $0x5180  }
.LBB2_1:
0x17: {  	s28 =	simm.s32 $0x0;
	s29 =	simm.s32 $0x200  }
.LBB2_2:
0x18: {  	p1 =	sne.s32 s29, $0x18E00;
	[tilespmem:s28+$0x51F0] =	vst v0  }
0x19: {  	[tilespmem:s28+$0x5180] =	vst v0  }
0x1a: {  	[tilespmem:s28+$0x5190] =	vst v0  }
.Ltmp0:
0x1b: {  	[tilespmem:s28+$0x51A0] =	vst v0;
	(pc) =	sbr.rel @p1 .LBB2_2-.Ltmp0, $4  }
0x1c: {  	[tilespmem:s28+$0x51B0] =	vst v0  }
0x1d: {  	[tilespmem:s28+$0x51C0] =	vst v0  }
0x1e: {  	[tilespmem:s28+$0x51D0] =	vst v0  }
0x1f: {  	[tilespmem:s28+$0x51E0] =	vst v0;
	s28 =	sshra.s32 s29, $0x2;
	s29 =	sadd.s32 $0x200, s29  }
0x20: {  	[tilespmem:s28+$0x51F0] =	vst v0  }
0x21: {  	[tilespmem:s28+$0x5180] =	vst v0  }
0x22: {  	[tilespmem:s28+$0x5190] =	vst v0  }
0x23: {  	[tilespmem:s28+$0x51A0] =	vst v0  }
0x24: {  	[tilespmem:s28+$0x51B0] =	vst v0  }
0x25: {  	[tilespmem:s28+$0x51C0] =	vst v0  }
0x26: {  	[tilespmem:s28+$0x51D0] =	vst v0  }
0x27: {  	[tilespmem:s28+$0x51E0] =	vst v0  }
0x28: {  	[spmem:s9] =	stream.linear.scatter [tilespmem:s19], [sflag:$0x2], $0x6400, $0x38;
	[tilespmem:$0x1EE00] =	vst v63  }
0x29: {  	_ =	swait.ge [sflag:s20], $0x6400  }
0x2a: {  	[sflag:s20] =	ssyncset.done $0x0  }
0x2b: {  	[sflag:s20] =	ssyncadd.s32 $0xFFFF9C00  }
0x2c: {  	[spmem:s10] =	stream.linear.scatter [tilespmem:s19], [sflag:$0x2], $0x6400, $0x38;
	[tilespmem:$0x1EE00] =	vst v63  }
0x2d: {  	_ =	swait.ge [sflag:s20], $0x6400  }
0x2e: {  	[sflag:s20] =	ssyncset.done $0x0  }
0x2f: {  	[sflag:s20] =	ssyncadd.s32 $0xFFFF9C00  }
0x30: {  	[spmem:s11] =	stream.linear.scatter [tilespmem:s19], [sflag:$0x2], $0x6400, $0x38;
	[tilespmem:$0x1EE00] =	vst v63  }
0x31: {  	_ =	swait.ge [sflag:s20], $0x6400  }
0x32: {  	[sflag:s20] =	ssyncset.done $0x0  }
0x33: {  	s28 =	simm.s32 @!p0 $0x5180;
	[sflag:s20] =	ssyncadd.s32 $0xFFFF9C00  }
0x34: {  	[spmem:s12] =	stream.linear.scatter @!p0 [tilespmem:s28], [sflag:$0x2], $0x6400, $0x38;
	[tilespmem:$0x1EE00] =	vst v63  }
0x35: {  	s28 =	simm.s32 @!p0 $0x2  }
0x36: {  	_ =	swait.ge @!p0 [sflag:s28], $0x6400  }
0x37: {  	[sflag:s28] =	ssyncset.done @!p0 $0x0  }
0x38: {  	[sflag:s28] =	ssyncadd.s32 @!p0 $0xFFFF9C00  }
0x39: {  	s29 =	simm.s32 $0x0;
	s28 =	simm.s32 $0x0;
	[bflag:$0x0] =	sbarrier.arrive $0xFFFF  }
.LBB2_4:
0x3a: {  	s30 =	smul.u32 $0x50, s29;
	_ =	sdelay $0x1  }
0x3b: {  	s30 =	sadd.s32 s13, s30  }
0x3c: {  	s30 =	sshrl.u32 s30, $0x3  }
0x3d: {  	s30 =	sadd.s32 s8, s30  }
0x3e: {  	[tilespmem:s28], [sflag:$0x2] =	stream.linear.gather [hbm4b:s30+s28], $0x50, $0x38;
	[tilespmem:$0x1EE00] =	vst v63  }
0x3f: {  	_ =	swait.ge [sflag:s20], $0x50  }
0x40: {  	[sflag:s20] =	ssyncset.done $0x0  }
0x41: {  	[sflag:s20] =	ssyncadd.s32 $0xFFFFFFB0  }
0x42: {  	[tilespmem:s22], [sflag:$0x1] =	stream.indirect.gather [hbm4b:s5+s21], $0x1, s28, s21, $0xb8;
	[tilespmem:$0x1EE00] =	vst v63  }
0x43: {  	_ =	swait.ge [sflag:s23], $0x50  }
0x44: {  	[sflag:s23] =	ssyncset.done $0x0  }
0x45: {  	[sflag:s23] =	ssyncadd.s32 $0xFFFFFFB0  }
0x46: {  	[tilespmem:s24], [sflag:$0x1] =	stream.indirect.gather [hbm4b:s7+s21], $0x1, s28, s21, $0xb8;
	[tilespmem:$0x1EE00] =	vst v63  }
0x47: {  	_ =	swait.ge [sflag:s23], $0x50  }
0x48: {  	[sflag:s23] =	ssyncset.done $0x0  }
0x49: {  	[sflag:s23] =	ssyncadd.s32 $0xFFFFFFB0  }
0x4a: {  	[tilespmem:s25], [sflag:$0x1] =	stream.indirect.gather [hbm4b:s4+s21], $0x80, s28, s21, $0xb8;
	[tilespmem:$0x1EE00] =	vst v63  }
0x4b: {  	_ =	swait.ge [sflag:s23], $0x2800  }
0x4c: {  	[sflag:s23] =	ssyncset.done $0x0  }
0x4d: {  	[sflag:s23] =	ssyncadd.s32 $0xFFFFD800  }
0x4e: {  	[tilespmem:s26], [sflag:$0x1] =	stream.indirect.gather [hbm4b:s3+s21], $0x80, s22, s21, $0xb8;
	[tilespmem:$0x1EE00] =	vst v63  }
0x4f: {  	_ =	swait.ge [sflag:s23], $0x2800  }
0x50: {  	[sflag:s23] =	ssyncset.done $0x0  }
0x51: {  	s30 =	simm.s32 $0x0;
	[sflag:s23] =	ssyncadd.s32 $0xFFFFD800  }
0x52: {  	v7 =	vld [tilespmem:s30+$0x2980]  }
0x53: {  	v12 =	vld [tilespmem:s30+$0x2990]  }
0x54: {  	v6 =	vld [tilespmem:s30+$0x29A0]  }
0x55: {  	v5 =	vld [tilespmem:s30+$0x29B0]  }
0x56: {  	v4 =	vld [tilespmem:s30+$0x29C0]  }
0x57: {  	v3 =	vld [tilespmem:s30+$0x29D0]  }
0x58: {  	v2 =	vld [tilespmem:s30+$0x29E0]  }
0x59: {  	v1 =	vld [tilespmem:s30+$0x29F0]  }
0x5a: {  	v13 =	vld [tilespmem:s30+$0x180]  }
0x5b: {  	v14 =	vld [tilespmem:s30+$0x190]  }
0x5c: {  	v11 =	vld [tilespmem:s30+$0x1A0]  }
0x5d: {  	v10 =	vld [tilespmem:s30+$0x1B0]  }
0x5e: {  	v9 =	vld [tilespmem:s30+$0x1C0]  }
0x5f: {  	v8 =	vld [tilespmem:s30+$0x1D0];
	v13 =	vadd.f32 v7, v13  }
0x60: {  	s31 =	simm.s32 $0x200;
	v12 =	vadd.f32 v12, v14;
	v7 =	vld [tilespmem:s30+$0x1E0]  }
.LBB2_5:
0x61: {  	s0 =	sshra.s32 s31, $0x2;
	p1 =	sne.s32 s31, $0x9E00;
	v13 =	vmax.f32 v13, $0.0e+00;
	v6 =	vadd.f32 v6, v11;
	v11 =	vld [tilespmem:s30+$0x1F0]  }
0x62: {  	v14 =	vld [tilespmem:s0+$0x2980];
	[tilespmem:s30+$0x180] =	vst v13;
	v12 =	vmax.f32 v12, $0.0e+00;
	v5 =	vadd.f32 v5, v10  }
0x63: {  	v15 =	vld [tilespmem:s0+$0x2990];
	[tilespmem:s30+$0x190] =	vst v12;
	v10 =	vmax.f32 v6, $0.0e+00;
	v4 =	vadd.f32 v4, v9  }
0x64: {  	v6 =	vld [tilespmem:s0+$0x29A0];
	[tilespmem:s30+$0x1A0] =	vst v10;
	v9 =	vmax.f32 v5, $0.0e+00;
	v3 =	vadd.f32 v3, v8  }
0x65: {  	v5 =	vld [tilespmem:s0+$0x29B0];
	[tilespmem:s30+$0x1B0] =	vst v9;
	v8 =	vmax.f32 v4, $0.0e+00;
	v2 =	vadd.f32 v2, v7  }
0x66: {  	v4 =	vld [tilespmem:s0+$0x29C0];
	[tilespmem:s30+$0x1C0] =	vst v8;
	v7 =	vmax.f32 v3, $0.0e+00;
	v1 =	vadd.f32 v1, v11  }
0x67: {  	v3 =	vld [tilespmem:s0+$0x29D0];
	[tilespmem:s30+$0x1D0] =	vst v7;
	v7 =	vmax.f32 v2, $0.0e+00  }
0x68: {  	v2 =	vld [tilespmem:s0+$0x29E0];
	[tilespmem:s30+$0x1E0] =	vst v7;
	v7 =	vmax.f32 v1, $0.0e+00  }
0x69: {  	v1 =	vld [tilespmem:s0+$0x29F0];
	[tilespmem:s30+$0x1F0] =	vst v7;
	s30 =	smov.u32 s0  }
0x6a: {  	v7 =	vld [tilespmem:s30+$0x180]  }
0x6b: {  	v12 =	vld [tilespmem:s30+$0x190]  }
.Ltmp1:
0x6c: {  	v11 =	vld [tilespmem:s30+$0x1A0];
	(pc) =	sbr.rel @p1 .LBB2_5-.Ltmp1, $4  }
0x6d: {  	v10 =	vld [tilespmem:s30+$0x1B0]  }
0x6e: {  	v9 =	vld [tilespmem:s30+$0x1C0]  }
0x6f: {  	v13 =	vadd.f32 v14, v7;
	v8 =	vld [tilespmem:s30+$0x1D0]  }
0x70: {  	s31 =	sadd.s32 $0x200, s31;
	v12 =	vadd.f32 v15, v12;
	v7 =	vld [tilespmem:s30+$0x1E0]  }
0x71: {  	v13 =	vmax.f32 v13, $0.0e+00;
	v6 =	vadd.f32 v6, v11;
	v63 =	vld [tilespmem:s30+$0x1F0]  }
0x72: {  	[tilespmem:s30+$0x180] =	vst v13;
	v12 =	vmax.f32 v12, $0.0e+00;
	v5 =	vadd.f32 v5, v10  }
0x73: {  	[tilespmem:s30+$0x190] =	vst v12;
	v6 =	vmax.f32 v6, $0.0e+00;
	v4 =	vadd.f32 v4, v9  }
0x74: {  	[tilespmem:s30+$0x1A0] =	vst v6;
	v5 =	vmax.f32 v5, $0.0e+00;
	v3 =	vadd.f32 v3, v8  }
0x75: {  	[tilespmem:s30+$0x1B0] =	vst v5;
	v4 =	vmax.f32 v4, $0.0e+00;
	v2 =	vadd.f32 v2, v7  }
0x76: {  	[tilespmem:s30+$0x1C0] =	vst v4;
	v3 =	vmax.f32 v3, $0.0e+00;
	v1 =	vadd.f32 v1, v63  }
0x77: {  	s29 =	sadd.s32 $0x1, s29;
	[tilespmem:s30+$0x1D0] =	vst v3;
	v2 =	vmax.f32 v2, $0.0e+00  }
0x78: {  	p1 =	sne.s32 s29, $0x7D;
	[tilespmem:s30+$0x1E0] =	vst v2;
	v1 =	vmax.f32 v1, $0.0e+00  }
.Ltmp2:
0x79: {  	[tilespmem:s30+$0x1F0] =	vst v1;
	(pc) =	sbr.rel @p1 .LBB2_4-.Ltmp2, $4  }
0x7a: {  	[spmem:s1] =	stream.indirect.scatter.add.f32 [tilespmem:s26], [sflag:$0x2], $0x80, s24, s21, $0xb8;
	[tilespmem:$0x1EE00] =	vst v63  }
0x7b: {  	_ =	swait.ge [sflag:s20], $0x2800  }
0x7c: {  	[sflag:s20] =	ssyncset.done $0x0  }
0x7d: {  	[sflag:s20] =	ssyncadd.s32 $0xFFFFD800  }
0x7e: {  	s0 =	sshll.u32 s6, $0x6  }
0x7f: {  	[bflag:$0x0] =	sbarrier.arrive $0xFFFF;
	s28 =	sshrl.u32 s9, $0x3;
	s0 =	sor.u32 $0x1C02, s0  }
0x80: {  	[hbm:s14], [sflag:s0] =	dma.local [spmem:s28], $0xC80  }
0x81: {  	_ =	swait.ge [sflag:s20], $0xC80  }
0x82: {  	[sflag:s20] =	ssyncset.done $0x0  }
0x83: {  	s30 =	sshrl.u32 s10, $0x3;
	[sflag:s20] =	ssyncadd.s32 $0xFFFFF380  }
0x84: {  	[hbm:s15], [sflag:s0] =	dma.local [spmem:s30], $0xC80  }
0x85: {  	_ =	swait.ge [sflag:s20], $0xC80  }
0x86: {  	[sflag:s20] =	ssyncset.done $0x0  }
0x87: {  	s31 =	sshrl.u32 s11, $0x3;
	[sflag:s20] =	ssyncadd.s32 $0xFFFFF380  }
0x88: {  	[hbm:s16], [sflag:s0] =	dma.local [spmem:s31], $0xC80  }
0x89: {  	_ =	swait.ge [sflag:s20], $0xC80  }
0x8a: {  	s2 =	sadd.s32 $0x1, s2;
	[sflag:s20] =	ssyncset.done $0x0  }
0x8b: {  	p1 =	sne.s32 s2, s18;
	s28 =	sshrl.u32 @!p0 s12, $0x3;
	[sflag:s20] =	ssyncadd.s32 $0xFFFFF380  }
0x8c: {  	[hbm:s17], [sflag:s0] =	dma.local @!p0 [spmem:s28], $0xC80  }
.Ltmp3:
0x8d: {  	_ = 	snop;
	(pc) =	sbr.rel @p1 .LBB2_1-.Ltmp3, $4  }
0x8e: {  	s0 =	simm.s32 @!p0 $0x2  }
0x8f: {  	_ =	swait.ge @!p0 [sflag:s0], $0xC80  }
0x90: {  	[sflag:s0] =	ssyncset.done @!p0 $0x0  }
0x91: {  	[sflag:s0] =	ssyncadd.s32 @!p0 $0xFFFFF380  }
0x92: {  	_ =	sfence.sel $0x180000  }
0x93: {  	[bflag:$0x0] =	sbarrier.arrive $0xFFFF  }
0x94: {  	_ =	strace $0x90000050  }
0x95: {  	[bflag:$0x2] =	sbarrier.arrive $0xFFFF  }
0x96: {  	p0 =	sne.s32 s6, $0x0;
	s0 =	rddreg [dreg:$0x2]  }
0x97: {  	s0 =	sadd.s32 @!p0 $0x100000, s0  }
0x98: {  	[sflag:s0] =	ssyncadd.tile.s32 @!p0 $0x1;
	_ =	shalt  }
.Lfunc_end2:
_tile_overlayer_lowered:
.L_overlay_start_2:
0x99: {  	(tag) =	ssettag $0x2  }
0x9a: {  	s0 =	rddreg [dreg:$0x0];
	s2 =	stileid.u32  }
0x9b: {  	s1 =	rddreg [dreg:$0x1];
	p0 =	sne.s32 s2, $0x0  }
0x9c: {  	s3 =	rddreg [dreg:$0x2];
	[bflag:$0x3] =	sbarrier.arrive $0xFFFF;
	s2 =	simm.s32 @!p0 $0x1C02  }
0x9d: {  	[timem:s3], [sflag:s2] =	dma.local @!p0 [hbm:s0], s1  }
0x9e: {  	s0 =	simm.s32 @!p0 $0x2  }
0x9f: {  	_ =	swait.ge @!p0 [sflag:s0], s1  }
0xa0: {  	s1 =	ssub.s32 @!p0 $0x0, s1;
	[sflag:s0] =	ssyncset.done @!p0 $0x0  }
0xa1: {  	[sflag:s0] =	ssyncadd.s32 @!p0 s1  }
0xa2: {  	[bflag:$0x3] =	sbarrier.arrive $0xFFFF  }
0xa3: {  	_ =	shalt  }

</sc_bundles>
